<compile_context>
chip_gen: v7x
topology: tpu7x:2x2x1
jax: 0.10.2.dev20260603
libtpu: 0.0.44.dev20260713+nightly
codegen_flags: <defaults>
</compile_context>

<pallas_src>
import functools

import jax
import jax.numpy as jnp
from jax import lax
from jax.experimental import pallas as pl
from jax.experimental.pallas import tpu as pltpu
from jax.experimental.pallas import tpu_sc as plsc

B = 2
N = 16384
NPOINT = 2048
NSAMPLE = 16
IN_CH = 16
OUT_CH = 16
D_FEAT = 3 * IN_CH - 3
EPS = 1e-6
NEG_SLOPE = 0.2
NROW = 128
NCOL = 128
NCHUNK = 128
CHUNK = N // NCHUNK
NSUB = 1024
SUB = N // NSUB
SROW = NPOINT // NCOL



def _fps_body(xyz_ref, out_ref):
    x = xyz_ref[:, 0]
    y = xyz_ref[:, 1]
    z = xyz_ref[:, 2]
    flat3 = (jax.lax.broadcasted_iota(jnp.int32, (1, NROW, NCOL), 1) * NCOL
             + jax.lax.broadcasted_iota(jnp.int32, (1, NROW, NCOL), 2))
    out_io3 = (jax.lax.broadcasted_iota(jnp.int32, (1, SROW, NCOL), 1) * NCOL
               + jax.lax.broadcasted_iota(jnp.int32, (1, SROW, NCOL), 2))
    dists0 = jnp.full((B, NROW, NCOL), 1e10, jnp.float32)
    outs0 = jnp.zeros((B, SROW, NCOL), jnp.int32)
    far0 = jnp.zeros((B, 1, 1), jnp.int32)

    def tourney(db):
        va, ia, xa, ya, za = db, jnp.broadcast_to(flat3, db.shape), x, y, z
        for axis in (1, 2):
            while va.shape[axis] > 1:
                h = va.shape[axis] // 2
                sl1 = (slice(None), slice(0, h)) if axis == 1 else \
                      (slice(None), slice(None), slice(0, h))
                sl2 = (slice(None), slice(h, 2 * h)) if axis == 1 else \
                      (slice(None), slice(None), slice(h, 2 * h))
                v1, v2 = va[sl1], va[sl2]
                i1, i2 = ia[sl1], ia[sl2]
                take = (v2 > v1) | ((v2 == v1) & (i2 < i1))
                va = jnp.where(take, v2, v1)
                ia = jnp.where(take, i2, i1)
                xa = jnp.where(take, xa[sl2], xa[sl1])
                ya = jnp.where(take, ya[sl2], ya[sl1])
                za = jnp.where(take, za[sl2], za[sl1])
        return ia, xa, ya, za

    def step(i, carry):
        far, cx, cy, cz, dists, outs = carry
        d = (x - cx) ** 2 + (y - cy) ** 2 + (z - cz) ** 2
        db = jnp.minimum(dists, d)
        outs = jnp.where(out_io3 == i, far, outs)
        nxt, nx, ny, nz = tourney(db)
        return nxt, nx, ny, nz, db, outs

    cx0 = x[:, 0:1, 0:1]
    cy0 = y[:, 0:1, 0:1]
    cz0 = z[:, 0:1, 0:1]
    _, _, _, _, _, outs = jax.lax.fori_loop(
        0, NPOINT, step, (far0, cx0, cy0, cz0, dists0, outs0))
    out_ref[...] = outs


def _fps_pallas(xyz):
    xyz4 = xyz.reshape(B, 3, NROW, NCOL)
    out = pl.pallas_call(
        _fps_body,
        out_shape=jax.ShapeDtypeStruct((B, SROW, NCOL), jnp.int32),
        in_specs=[pl.BlockSpec(memory_space=pltpu.VMEM)],
        out_specs=pl.BlockSpec(memory_space=pltpu.VMEM),
    )(xyz4)
    return out.reshape(B, NPOINT)



TS_D = 128
TS_R = 512


def _dist_body(q_ref, x_ref, dist_ref, cidx_ref):
    q = q_ref[0]
    x = x_ref[0]
    qq = jnp.sum(q * q, axis=1, keepdims=True)
    xx = jnp.sum(x * x, axis=0, keepdims=True)
    d = -2.0 * jax.lax.dot(q, x, preferred_element_type=jnp.float32) + qq + xx
    dist_ref[0] = d
    cm = jnp.min(d.reshape(TS_D, NCHUNK, CHUNK), axis=2)
    chunk_io = jax.lax.broadcasted_iota(jnp.int32, (TS_D, NCHUNK), 1)
    col16 = jax.lax.broadcasted_iota(jnp.int32, (TS_D, NSAMPLE), 1)
    acc = jnp.zeros((TS_D, NSAMPLE), jnp.int32)
    for k in range(NSAMPLE):
        m = jnp.min(cm, axis=1, keepdims=True)
        ck = jnp.min(jnp.where(cm == m, chunk_io, NCHUNK), axis=1,
                     keepdims=True)
        acc = jnp.where(col16 == k, ck, acc)
        cm = jnp.where(chunk_io == ck, jnp.inf, cm)
    cidx_ref[0] = acc


def _refine_body(cand_ref, gmap_ref, idx_ref):
    c = cand_ref[0]
    g = gmap_ref[0]
    col16 = jax.lax.broadcasted_iota(jnp.int32, (TS_R, NSAMPLE), 1)
    acc = jnp.zeros((TS_R, NSAMPLE), jnp.int32)
    for k in range(NSAMPLE):
        m = jnp.min(c, axis=1, keepdims=True)
        sel = c == m
        gk = jnp.min(jnp.where(sel, g, N), axis=1, keepdims=True)
        acc = jnp.where(col16 == k, gk, acc)
        c = jnp.where(g == gk, jnp.inf, c)
    idx_ref[0] = acc


def _knn_pallas(new_xyz, xyz):
    S = NPOINT
    dist, cidx = pl.pallas_call(
        _dist_body,
        grid=(B, S // TS_D),
        in_specs=[
            pl.BlockSpec((1, TS_D, 3), lambda b, s: (b, s, 0)),
            pl.BlockSpec((1, 3, N), lambda b, s: (b, 0, 0)),
        ],
        out_specs=[
            pl.BlockSpec((1, TS_D, N), lambda b, s: (b, s, 0)),
            pl.BlockSpec((1, TS_D, NSAMPLE), lambda b, s: (b, s, 0)),
        ],
        out_shape=[
            jax.ShapeDtypeStruct((B, S, N), jnp.float32),
            jax.ShapeDtypeStruct((B, S, NSAMPLE), jnp.int32),
        ],
    )(new_xyz, xyz)
    dist4 = dist.reshape(B, S, NCHUNK, CHUNK)
    cand = jnp.take_along_axis(dist4, cidx[:, :, :, None], axis=2)
    gmap = cidx[:, :, :, None] * CHUNK + jnp.arange(CHUNK, dtype=jnp.int32)
    cand2 = cand.reshape(B, S, NSAMPLE * CHUNK)
    gmap2 = gmap.reshape(B, S, NSAMPLE * CHUNK)
    idx = pl.pallas_call(
        _refine_body,
        grid=(B, S // TS_R),
        in_specs=[
            pl.BlockSpec((1, TS_R, NSAMPLE * CHUNK), lambda b, s: (b, s, 0)),
            pl.BlockSpec((1, TS_R, NSAMPLE * CHUNK), lambda b, s: (b, s, 0)),
        ],
        out_specs=pl.BlockSpec((1, TS_R, NSAMPLE), lambda b, s: (b, s, 0)),
        out_shape=jax.ShapeDtypeStruct((B, S, NSAMPLE), jnp.int32),
    )(cand2, gmap2)
    return idx



NFEAT = 3 + D_FEAT
NFP = 128
M_G = B * NPOINT * NSAMPLE
NW_G = 32
PER_W = M_G // NW_G
CH_G = 128
NCHG = PER_W // CH_G
NB_G = 4


def _sc_gather(table, idx2):
    mesh = plsc.VectorSubcoreMesh(core_axis_name="c", subcore_axis_name="s")

    @functools.partial(
        pl.kernel, mesh=mesh,
        out_type=jax.ShapeDtypeStruct((M_G, NFP), jnp.float32),
        scratch_types=[
            pltpu.VMEM((NCHG, CH_G), jnp.int32),
            pltpu.VMEM((NB_G, CH_G, NFP), jnp.float32),
            pltpu.SemaphoreType.DMA,
        ],
    )
    def k(table_hbm, idx_hbm, out_hbm, idx_v, rows_v, sem):
        wid = lax.axis_index("s") * 2 + lax.axis_index("c")
        base = wid * PER_W
        pltpu.sync_copy(idx_hbm.at[pl.ds(wid * NCHG, NCHG)], idx_v)
        handles = [None] * NB_G
        for j in range(NCHG):
            bslot = j % NB_G
            if handles[bslot] is not None:
                handles[bslot].wait()
                pltpu.sync_copy(
                    rows_v.at[bslot],
                    out_hbm.at[pl.ds(base + (j - NB_G) * CH_G, CH_G)])
            handles[bslot] = pltpu.async_copy(
                table_hbm.at[idx_v.at[j]], rows_v.at[bslot], sem)
        for j in range(NCHG - NB_G, NCHG):
            bslot = j % NB_G
            handles[bslot].wait()
            pltpu.sync_copy(rows_v.at[bslot],
                            out_hbm.at[pl.ds(base + j * CH_G, CH_G)])

    return k(table, idx2)



TS_V = 512


def _vn_body(g_ref, q_ref, wfd_ref, wdd_ref, wp_ref, out_ref):
    wp = wp_ref[...]
    g0 = g_ref[0]
    q = q_ref[0]
    qe = jnp.broadcast_to(q[:, None, :], (TS_V, NSAMPLE, 3)
                          ).reshape(TS_V * NSAMPLE, 3)
    qe48 = jnp.concatenate(
        [qe, jnp.zeros((TS_V * NSAMPLE, NFP - 3), jnp.float32)], axis=1)
    g48 = g0 - qe48
    dn = (((1,), (1,)), ((), ()))
    ps = [jax.lax.dot_general(wfd_ref[dd], g48, dn,
                              preferred_element_type=jnp.float32)
          for dd in range(3)]
    ds = [jax.lax.dot_general(wdd_ref[dd], g48, dn,
                              preferred_element_type=jnp.float32)
          for dd in range(3)]
    dotpd = ps[0] * ds[0] + ps[1] * ds[1] + ps[2] * ds[2]
    dnorm = ds[0] * ds[0] + ds[1] * ds[1] + ds[2] * ds[2]
    mask = dotpd >= 0
    coef = dotpd / (dnorm + EPS)
    xo = [NEG_SLOPE * ps[dd]
          + (1 - NEG_SLOPE) * jnp.where(mask, ps[dd], ps[dd] - coef * ds[dd])
          for dd in range(3)]
    pool = [jax.lax.dot(wp, xo[dd], preferred_element_type=jnp.float32)
            for dd in range(3)]
    dp = (xo[0] * pool[0] + xo[1] * pool[1] + xo[2] * pool[2]
          ).reshape(OUT_CH, TS_V, NSAMPLE)
    m = jnp.max(dp, axis=2, keepdims=True)
    kio = jax.lax.broadcasted_iota(jnp.int32, (OUT_CH, TS_V, NSAMPLE), 2)
    ksel = jnp.min(jnp.where(dp == m, kio, NSAMPLE), axis=2, keepdims=True)
    onehot = kio == ksel
    outs = [jnp.sum(jnp.where(onehot, xo[dd].reshape(OUT_CH, TS_V, NSAMPLE),
                              0.0), axis=2)
            for dd in range(3)]
    y = jnp.concatenate([o[:, None, :] for o in outs], axis=1)
    out_ref[0] = y.reshape(3 * OUT_CH, TS_V)


def _vn_pallas(g48, new_xyz, W_feat, W_dir, W_pool):
    S = NPOINT
    f = jnp.arange(3 * IN_CH)
    wfd = jnp.stack([W_feat[:, f // 3] * (f % 3 == dd) for dd in range(3)])
    wdd = jnp.stack([W_dir[:, f // 3] * (f % 3 == dd) for dd in range(3)])
    wfd = jnp.pad(wfd, ((0, 0), (0, 0), (0, NFP - 3 * IN_CH)))
    wdd = jnp.pad(wdd, ((0, 0), (0, 0), (0, NFP - 3 * IN_CH)))
    return pl.pallas_call(
        _vn_body,
        grid=(B, S // TS_V),
        in_specs=[
            pl.BlockSpec((1, TS_V * NSAMPLE, NFP), lambda b, s: (b, s, 0)),
            pl.BlockSpec((1, TS_V, 3), lambda b, s: (b, s, 0)),
            pl.BlockSpec((3, OUT_CH, NFP), lambda b, s: (0, 0, 0)),
            pl.BlockSpec((3, OUT_CH, NFP), lambda b, s: (0, 0, 0)),
            pl.BlockSpec((OUT_CH, OUT_CH), lambda b, s: (0, 0)),
        ],
        out_specs=pl.BlockSpec((1, 3 * OUT_CH, TS_V), lambda b, s: (b, 0, s)),
        out_shape=jax.ShapeDtypeStruct((B, 3 * OUT_CH, S), jnp.float32),
    )(g48, new_xyz, wfd, wdd, W_pool)


def kernel(xyz, points, W_feat, W_dir, W_pool):
    xyz_t = xyz.transpose(0, 2, 1)
    pts_t = points.transpose(0, 2, 1)
    fps_idx = _fps_pallas(xyz)
    new_xyz = jax.vmap(lambda a, i: a[i])(xyz_t, fps_idx)
    idx = _knn_pallas(new_xyz, xyz)
    tbl = jnp.pad(jnp.concatenate([xyz_t, pts_t], axis=2),
                  ((0, 0), (0, 0), (0, NFP - NFEAT))).reshape(B * N, NFP)
    idx_g = (idx.reshape(B, NPOINT * NSAMPLE)
             + jnp.arange(B, dtype=jnp.int32)[:, None] * N)
    g48 = _sc_gather(tbl, idx_g.reshape(M_G // CH_G, CH_G))
    new_points = _vn_pallas(g48.reshape(B, NPOINT * NSAMPLE, NFP),
                            new_xyz, W_feat, W_dir, W_pool)
    return new_xyz.transpose(0, 2, 1), new_points, fps_idx

# --- scband reference (transcript-rebuilt; emitter-appended) ---
"""Pipeline reference for scband-vnnconv-d-51170240364923 (READ-ONLY COPY).

The authoritative reference and input builder live on the scoring server;
editing this copy changes nothing except your own understanding.
"""

import jax, jax.numpy as jnp
import numpy as np

B = 2
N = 16384
NPOINT = 2048
NSAMPLE = 16
IN_CH = 16
OUT_CH = 16
D_FEAT = 3 * IN_CH - 3  # 45
EPS = 1e-6
NEG_SLOPE = 0.2


def setup_inputs(seed: int = 0):
    key = jax.random.key(seed)
    k1, k2, k3, k4, k5 = jax.random.split(key, 5)
    xyz = jax.random.normal(k1, (B, 3, N), dtype=jnp.float32)
    points = jax.random.normal(k2, (B, D_FEAT, N), dtype=jnp.float32)
    s = 1.0 / np.sqrt(IN_CH)
    W_feat = jax.random.uniform(k3, (OUT_CH, IN_CH), jnp.float32, -s, s)
    W_dir = jax.random.uniform(k4, (OUT_CH, IN_CH), jnp.float32, -s, s)
    sp = 1.0 / np.sqrt(OUT_CH)
    W_pool = jax.random.uniform(k5, (OUT_CH, OUT_CH), jnp.float32, -sp, sp)
    return {"xyz": xyz, "points": points, "W_feat": W_feat, "W_dir": W_dir, "W_pool": W_pool}


def furthest_point_sample(xyz):
    # xyz: [B, N, 3] -> idx [B, NPOINT] int32 (iterative FPS, faithful to pointnet2_utils)
    Bn, Nn, _ = xyz.shape
    dists0 = jnp.full((Bn, Nn), 1e10, dtype=xyz.dtype)
    far0 = jnp.zeros((Bn,), dtype=jnp.int32)

    def step(carry, _):
        dists, far = carry
        centroid = jnp.take_along_axis(xyz, far[:, None, None].astype(jnp.int32), axis=1)  # [B,1,3]
        d = jnp.sum((xyz - centroid) ** 2, axis=-1)  # [B,N]
        dists = jnp.minimum(dists, d)
        nxt = jnp.argmax(dists, axis=-1).astype(jnp.int32)
        return (dists, nxt), far

    (_, _), idxs = jax.lax.scan(step, (dists0, far0), None, length=NPOINT)
    return idxs.T  # [B, NPOINT]


def square_distance(src, dst):
    dist = -2.0 * jnp.matmul(src, dst.transpose(0, 2, 1))
    dist = dist + jnp.sum(src ** 2, -1)[:, :, None]
    dist = dist + jnp.sum(dst ** 2, -1)[:, None, :]
    return dist


def knn_point(nsample, xyz, new_xyz):
    sqrdists = square_distance(new_xyz, xyz)  # [B,S,N]
    _, idx = jax.lax.top_k(-sqrdists, nsample)
    return idx  # [B,S,nsample]


def index_points_group(points, idx):
    # points [B,N,C], idx [B,S,K] -> [B,S,K,C]
    return jax.vmap(lambda pts, ix: pts[ix])(points, idx)


def vn_linear_leaky(x, W_feat, W_dir):
    # x: [B,C_in,3,S,K]
    p = jnp.einsum('oc,bcdsk->bodsk', W_feat, x)
    d = jnp.einsum('oc,bcdsk->bodsk', W_dir, x)
    dotprod = jnp.sum(p * d, axis=2, keepdims=True)
    mask = (dotprod >= 0).astype(x.dtype)
    d_norm_sq = jnp.sum(d * d, axis=2, keepdims=True)
    x_out = NEG_SLOPE * p + (1 - NEG_SLOPE) * (
        mask * p + (1 - mask) * (p - (dotprod / (d_norm_sq + EPS)) * d))
    return x_out


def vn_max_pool(x, W_pool):
    # x: [B,C,3,S,K] -> [B,C,3,S]
    d = jnp.einsum('oc,bcdsk->bodsk', W_pool, x)
    dotprod = jnp.sum(x * d, axis=2)  # [B,C,S,K]
    idx = jnp.argmax(dotprod, axis=-1)  # [B,C,S]
    x_max = jnp.take_along_axis(x, idx[:, :, None, :, None], axis=4)
    return x_max[..., 0]


def _forward(xyz, points, W_feat, W_dir, W_pool):
    xyz_t = xyz.transpose(0, 2, 1)      # [B,N,3]
    pts_t = points.transpose(0, 2, 1)   # [B,N,D]
    fps_idx = furthest_point_sample(jax.lax.stop_gradient(xyz_t))  # [B,S] int32
    new_xyz = jax.vmap(lambda a, i: a[i])(xyz_t, fps_idx)  # [B,S,3]
    idx = knn_point(NSAMPLE, jax.lax.stop_gradient(xyz_t), jax.lax.stop_gradient(new_xyz))
    grouped_xyz = index_points_group(xyz_t, idx)           # [B,S,K,3]
    grouped_xyz_norm = grouped_xyz - new_xyz[:, :, None, :]
    grouped_points = index_points_group(pts_t, idx)        # [B,S,K,D]
    new_points = jnp.concatenate([grouped_xyz_norm, grouped_points], axis=-1)
    new_points = new_points.reshape(B, NPOINT, NSAMPLE, -1, 3).transpose(0, 3, 4, 1, 2)  # [B,C,3,S,K]
    new_points = vn_linear_leaky(new_points, W_feat, W_dir)
    new_points = vn_max_pool(new_points, W_pool).reshape(B, -1, NPOINT)  # [B, 3*OUT_CH, S]
    return new_xyz.transpose(0, 2, 1), new_points, fps_idx


def reference(xyz, points, W_feat, W_dir, W_pool):
    return _forward(xyz, points, W_feat, W_dir, W_pool)

if __name__ == "__main__":
    import jax
    _d = setup_inputs()
    print(jax.jit(kernel)(*tuple(_d.values())))

</pallas_src>

<mosaic_0001>
#map = affine_map<(d0, d1) -> (0, 0)>
module attributes {stable_mosaic.version = 14 : i64} {
  func.func @k(%arg0: i32, %arg1: i32, %arg2: memref<32768x128xf32, #tpu.memory_space<hbm>>, %arg3: memref<512x128xi32, #tpu.memory_space<hbm>>, %arg4: memref<65536x128xf32, #tpu.memory_space<hbm>>, %arg5: memref<16x128xi32, #tpu.memory_space<vmem>>, %arg6: memref<4x128x128xf32, #tpu.memory_space<vmem>>, %arg7: memref<!tpu.dma_semaphore, #tpu.memory_space<semaphore_mem>>) attributes {dimension_semantics = [#tpu.dimension_semantics<core_parallel>, #tpu.dimension_semantics<subcore_parallel>], iteration_bounds = array<i64: 2, 16>, scalar_prefetch = 0 : i64, scratch_operands = 3 : i64, tpu.core_type = #tpu.core_type<sc_vector_subcore>, window_params = [{transform_indices = #map}, {transform_indices = #map}, {transform_indices = #map}]} {
    %mul3A = arith.constant 2 : i32
    %mul3A_0 = arith.muli %arg1, %mul3A : i32
    %add3A = arith.addi %mul3A_0, %arg0 : i32
    %mul3A_1 = arith.constant 2048 : i32
    %mul3A_2 = arith.muli %add3A, %mul3A_1 : i32
    %mul3A_3 = arith.constant 16 : i32
    %mul3A_4 = arith.muli %add3A, %mul3A_3 : i32
    "tpu.region"() ({
      %run_scoped3A_434 = tpu.sem_alloc : memref<!tpu.dma_semaphore, #tpu.memory_space<semaphore_mem>>
      %dma_start3A_435 = arith.constant 0 : i32
      %dma_start3A_436 = tpu.memref_slice %arg3[%mul3A_4, %dma_start3A_435] : memref<512x128xi32, #tpu.memory_space<hbm>> -> memref<16x128xi32, #tpu.memory_space<hbm>>
      %dma_start3A_437 = arith.constant 0 : i32
      %dma_start3A_438 = tpu.memref_slice %arg3[%mul3A_4, %dma_start3A_437] : memref<512x128xi32, #tpu.memory_space<hbm>> -> memref<16x128xi32, #tpu.memory_space<hbm>>
      tpu.enqueue_dma source(%dma_start3A_438 : memref<16x128xi32, #tpu.memory_space<hbm>>) target(%arg5 : memref<16x128xi32, #tpu.memory_space<vmem>>) target_semaphore(%run_scoped3A_434 : memref<!tpu.dma_semaphore, #tpu.memory_space<semaphore_mem>>)
      %dma_wait3A_439 = arith.constant 0 : i32
      %dma_wait3A_440 = tpu.memref_slice %arg3[%mul3A_4, %dma_wait3A_439] : memref<512x128xi32, #tpu.memory_space<hbm>> -> memref<16x128xi32, #tpu.memory_space<hbm>>
      %dma_wait3A_441 = arith.constant 0 : i32
      %dma_wait3A_442 = tpu.memref_slice %arg3[%mul3A_4, %dma_wait3A_441] : memref<512x128xi32, #tpu.memory_space<hbm>> -> memref<16x128xi32, #tpu.memory_space<hbm>>
      tpu.wait_dma2 semaphore(%run_scoped3A_434 : memref<!tpu.dma_semaphore, #tpu.memory_space<semaphore_mem>>) src(%dma_wait3A_442 : memref<16x128xi32, #tpu.memory_space<hbm>>) dst(%arg5 : memref<16x128xi32, #tpu.memory_space<vmem>>)
      tpu.yield
    }) : () -> ()
    %dma_start3A = arith.constant 0 : i32
    %dma_start3A_5 = arith.constant 0 : i32
    %dma_start3A_6 = arith.constant 0 : i32
    %dma_start3A_7 = arith.constant 0 : i32
    %dma_start3A_8 = tpu.memref_slice %arg6[%dma_start3A_5, %dma_start3A_6, %dma_start3A_7] : memref<4x128x128xf32, #tpu.memory_space<vmem>> -> memref<1x128x128xf32, #tpu.memory_space<vmem>>
    %dma_start3A_9 = tpu.memref_squeeze %dma_start3A_8 : memref<1x128x128xf32, #tpu.memory_space<vmem>> -> memref<128x128xf32, #tpu.memory_space<vmem>>
    %dma_start3A_10 = arith.constant 0 : i32
    %dma_start3A_11 = tpu.memref_slice %arg5[%dma_start3A, %dma_start3A_10] : memref<16x128xi32, #tpu.memory_space<vmem>> -> memref<1x128xi32, #tpu.memory_space<vmem>>
    %dma_start3A_12 = tpu.memref_squeeze %dma_start3A_11 : memref<1x128xi32, #tpu.memory_space<vmem>> -> memref<128xi32, #tpu.memory_space<vmem>>
    %dma_start3A_13 = arith.constant 0 : i32
    %dma_start3A_14 = arith.constant 0 : i32
    %dma_start3A_15 = tpu.memref_slice %arg2[%dma_start3A_13, %dma_start3A_14] : memref<32768x128xf32, #tpu.memory_space<hbm>> -> memref<32768x128xf32, #tpu.memory_space<hbm>>
    tpu.enqueue_indirect_dma source(%dma_start3A_15 : memref<32768x128xf32, #tpu.memory_space<hbm>>) target(%dma_start3A_9 : memref<128x128xf32, #tpu.memory_space<vmem>>) offsets(%dma_start3A_12 : memref<128xi32, #tpu.memory_space<vmem>>) semaphore(%arg7 : memref<!tpu.dma_semaphore, #tpu.memory_space<semaphore_mem>>)
    %dma_start3A_16 = arith.constant 1 : i32
    %dma_start3A_17 = arith.constant 1 : i32
    %dma_start3A_18 = arith.constant 0 : i32
    %dma_start3A_19 = arith.constant 0 : i32
    %dma_start3A_20 = tpu.memref_slice %arg6[%dma_start3A_17, %dma_start3A_18, %dma_start3A_19] : memref<4x128x128xf32, #tpu.memory_space<vmem>> -> memref<1x128x128xf32, #tpu.memory_space<vmem>>
    %dma_start3A_21 = tpu.memref_squeeze %dma_start3A_20 : memref<1x128x128xf32, #tpu.memory_space<vmem>> -> memref<128x128xf32, #tpu.memory_space<vmem>>
    %dma_start3A_22 = arith.constant 0 : i32
    %dma_start3A_23 = tpu.memref_slice %arg5[%dma_start3A_16, %dma_start3A_22] : memref<16x128xi32, #tpu.memory_space<vmem>> -> memref<1x128xi32, #tpu.memory_space<vmem>>
    %dma_start3A_24 = tpu.memref_squeeze %dma_start3A_23 : memref<1x128xi32, #tpu.memory_space<vmem>> -> memref<128xi32, #tpu.memory_space<vmem>>
    %dma_start3A_25 = arith.constant 0 : i32
    %dma_start3A_26 = arith.constant 0 : i32
    %dma_start3A_27 = tpu.memref_slice %arg2[%dma_start3A_25, %dma_start3A_26] : memref<32768x128xf32, #tpu.memory_space<hbm>> -> memref<32768x128xf32, #tpu.memory_space<hbm>>
    tpu.enqueue_indirect_dma source(%dma_start3A_27 : memref<32768x128xf32, #tpu.memory_space<hbm>>) target(%dma_start3A_21 : memref<128x128xf32, #tpu.memory_space<vmem>>) offsets(%dma_start3A_24 : memref<128xi32, #tpu.memory_space<vmem>>) semaphore(%arg7 : memref<!tpu.dma_semaphore, #tpu.memory_space<semaphore_mem>>)
    %dma_start3A_28 = arith.constant 2 : i32
    %dma_start3A_29 = arith.constant 2 : i32
    %dma_start3A_30 = arith.constant 0 : i32
    %dma_start3A_31 = arith.constant 0 : i32
    %dma_start3A_32 = tpu.memref_slice %arg6[%dma_start3A_29, %dma_start3A_30, %dma_start3A_31] : memref<4x128x128xf32, #tpu.memory_space<vmem>> -> memref<1x128x128xf32, #tpu.memory_space<vmem>>
    %dma_start3A_33 = tpu.memref_squeeze %dma_start3A_32 : memref<1x128x128xf32, #tpu.memory_space<vmem>> -> memref<128x128xf32, #tpu.memory_space<vmem>>
    %dma_start3A_34 = arith.constant 0 : i32
    %dma_start3A_35 = tpu.memref_slice %arg5[%dma_start3A_28, %dma_start3A_34] : memref<16x128xi32, #tpu.memory_space<vmem>> -> memref<1x128xi32, #tpu.memory_space<vmem>>
    %dma_start3A_36 = tpu.memref_squeeze %dma_start3A_35 : memref<1x128xi32, #tpu.memory_space<vmem>> -> memref<128xi32, #tpu.memory_space<vmem>>
    %dma_start3A_37 = arith.constant 0 : i32
    %dma_start3A_38 = arith.constant 0 : i32
    %dma_start3A_39 = tpu.memref_slice %arg2[%dma_start3A_37, %dma_start3A_38] : memref<32768x128xf32, #tpu.memory_space<hbm>> -> memref<32768x128xf32, #tpu.memory_space<hbm>>
    tpu.enqueue_indirect_dma source(%dma_start3A_39 : memref<32768x128xf32, #tpu.memory_space<hbm>>) target(%dma_start3A_33 : memref<128x128xf32, #tpu.memory_space<vmem>>) offsets(%dma_start3A_36 : memref<128xi32, #tpu.memory_space<vmem>>) semaphore(%arg7 : memref<!tpu.dma_semaphore, #tpu.memory_space<semaphore_mem>>)
    %dma_start3A_40 = arith.constant 3 : i32
    %dma_start3A_41 = arith.constant 3 : i32
    %dma_start3A_42 = arith.constant 0 : i32
    %dma_start3A_43 = arith.constant 0 : i32
    %dma_start3A_44 = tpu.memref_slice %arg6[%dma_start3A_41, %dma_start3A_42, %dma_start3A_43] : memref<4x128x128xf32, #tpu.memory_space<vmem>> -> memref<1x128x128xf32, #tpu.memory_space<vmem>>
    %dma_start3A_45 = tpu.memref_squeeze %dma_start3A_44 : memref<1x128x128xf32, #tpu.memory_space<vmem>> -> memref<128x128xf32, #tpu.memory_space<vmem>>
    %dma_start3A_46 = arith.constant 0 : i32
    %dma_start3A_47 = tpu.memref_slice %arg5[%dma_start3A_40, %dma_start3A_46] : memref<16x128xi32, #tpu.memory_space<vmem>> -> memref<1x128xi32, #tpu.memory_space<vmem>>
    %dma_start3A_48 = tpu.memref_squeeze %dma_start3A_47 : memref<1x128xi32, #tpu.memory_space<vmem>> -> memref<128xi32, #tpu.memory_space<vmem>>
    %dma_start3A_49 = arith.constant 0 : i32
    %dma_start3A_50 = arith.constant 0 : i32
    %dma_start3A_51 = tpu.memref_slice %arg2[%dma_start3A_49, %dma_start3A_50] : memref<32768x128xf32, #tpu.memory_space<hbm>> -> memref<32768x128xf32, #tpu.memory_space<hbm>>
    tpu.enqueue_indirect_dma source(%dma_start3A_51 : memref<32768x128xf32, #tpu.memory_space<hbm>>) target(%dma_start3A_45 : memref<128x128xf32, #tpu.memory_space<vmem>>) offsets(%dma_start3A_48 : memref<128xi32, #tpu.memory_space<vmem>>) semaphore(%arg7 : memref<!tpu.dma_semaphore, #tpu.memory_space<semaphore_mem>>)
    %dma_wait3A = arith.constant 0 : i32
    %dma_wait3A_52 = arith.constant 0 : i32
    %dma_wait3A_53 = arith.constant 0 : i32
    %dma_wait3A_54 = arith.constant 0 : i32
    %dma_wait3A_55 = tpu.memref_slice %arg6[%dma_wait3A_52, %dma_wait3A_53, %dma_wait3A_54] : memref<4x128x128xf32, #tpu.memory_space<vmem>> -> memref<1x128x128xf32, #tpu.memory_space<vmem>>
    %dma_wait3A_56 = tpu.memref_squeeze %dma_wait3A_55 : memref<1x128x128xf32, #tpu.memory_space<vmem>> -> memref<128x128xf32, #tpu.memory_space<vmem>>
    %dma_wait3A_57 = arith.constant 0 : i32
    %dma_wait3A_58 = tpu.memref_slice %arg5[%dma_wait3A, %dma_wait3A_57] : memref<16x128xi32, #tpu.memory_space<vmem>> -> memref<1x128xi32, #tpu.memory_space<vmem>>
    %dma_wait3A_59 = tpu.memref_squeeze %dma_wait3A_58 : memref<1x128xi32, #tpu.memory_space<vmem>> -> memref<128xi32, #tpu.memory_space<vmem>>
    %dma_wait3A_60 = arith.constant 0 : i32
    %dma_wait3A_61 = arith.constant 0 : i32
    %dma_wait3A_62 = tpu.memref_slice %arg2[%dma_wait3A_60, %dma_wait3A_61] : memref<32768x128xf32, #tpu.memory_space<hbm>> -> memref<32768x128xf32, #tpu.memory_space<hbm>>
    tpu.wait_indirect_dma semaphore(%arg7 : memref<!tpu.dma_semaphore, #tpu.memory_space<semaphore_mem>>) src(%dma_wait3A_62 : memref<32768x128xf32, #tpu.memory_space<hbm>>) dst(%dma_wait3A_56 : memref<128x128xf32, #tpu.memory_space<vmem>>)
    %add3A_63 = arith.constant 0 : i32
    %add3A_64 = arith.addi %mul3A_2, %add3A_63 : i32
    %run_scoped3A = arith.constant 0 : i32
    "tpu.region"() ({
      %run_scoped3A_434 = tpu.sem_alloc : memref<!tpu.dma_semaphore, #tpu.memory_space<semaphore_mem>>
      %dma_start3A_435 = arith.constant 0 : i32
      %dma_start3A_436 = arith.constant 0 : i32
      %dma_start3A_437 = tpu.memref_slice %arg6[%run_scoped3A, %dma_start3A_435, %dma_start3A_436] : memref<4x128x128xf32, #tpu.memory_space<vmem>> -> memref<1x128x128xf32, #tpu.memory_space<vmem>>
      %dma_start3A_438 = tpu.memref_squeeze %dma_start3A_437 : memref<1x128x128xf32, #tpu.memory_space<vmem>> -> memref<128x128xf32, #tpu.memory_space<vmem>>
      %dma_start3A_439 = arith.constant 0 : i32
      %dma_start3A_440 = tpu.memref_slice %arg4[%add3A_64, %dma_start3A_439] : memref<65536x128xf32, #tpu.memory_space<hbm>> -> memref<128x128xf32, #tpu.memory_space<hbm>>
      %dma_start3A_441 = arith.constant 0 : i32
      %dma_start3A_442 = tpu.memref_slice %arg4[%add3A_64, %dma_start3A_441] : memref<65536x128xf32, #tpu.memory_space<hbm>> -> memref<128x128xf32, #tpu.memory_space<hbm>>
      %dma_start3A_443 = arith.constant 0 : i32
      %dma_start3A_444 = arith.constant 0 : i32
      %dma_start3A_445 = tpu.memref_slice %arg6[%run_scoped3A, %dma_start3A_443, %dma_start3A_444] : memref<4x128x128xf32, #tpu.memory_space<vmem>> -> memref<1x128x128xf32, #tpu.memory_space<vmem>>
      %dma_start3A_446 = tpu.memref_squeeze %dma_start3A_445 : memref<1x128x128xf32, #tpu.memory_space<vmem>> -> memref<128x128xf32, #tpu.memory_space<vmem>>
      tpu.enqueue_dma source(%dma_start3A_446 : memref<128x128xf32, #tpu.memory_space<vmem>>) target(%dma_start3A_442 : memref<128x128xf32, #tpu.memory_space<hbm>>) target_semaphore(%run_scoped3A_434 : memref<!tpu.dma_semaphore, #tpu.memory_space<semaphore_mem>>)
      %dma_wait3A_447 = arith.constant 0 : i32
      %dma_wait3A_448 = arith.constant 0 : i32
      %dma_wait3A_449 = tpu.memref_slice %arg6[%run_scoped3A, %dma_wait3A_447, %dma_wait3A_448] : memref<4x128x128xf32, #tpu.memory_space<vmem>> -> memref<1x128x128xf32, #tpu.memory_space<vmem>>
      %dma_wait3A_450 = tpu.memref_squeeze %dma_wait3A_449 : memref<1x128x128xf32, #tpu.memory_space<vmem>> -> memref<128x128xf32, #tpu.memory_space<vmem>>
      %dma_wait3A_451 = arith.constant 0 : i32
      %dma_wait3A_452 = tpu.memref_slice %arg4[%add3A_64, %dma_wait3A_451] : memref<65536x128xf32, #tpu.memory_space<hbm>> -> memref<128x128xf32, #tpu.memory_space<hbm>>
      %dma_wait3A_453 = arith.constant 0 : i32
      %dma_wait3A_454 = tpu.memref_slice %arg4[%add3A_64, %dma_wait3A_453] : memref<65536x128xf32, #tpu.memory_space<hbm>> -> memref<128x128xf32, #tpu.memory_space<hbm>>
      %dma_wait3A_455 = arith.constant 0 : i32
      %dma_wait3A_456 = arith.constant 0 : i32
      %dma_wait3A_457 = tpu.memref_slice %arg6[%run_scoped3A, %dma_wait3A_455, %dma_wait3A_456] : memref<4x128x128xf32, #tpu.memory_space<vmem>> -> memref<1x128x128xf32, #tpu.memory_space<vmem>>
      %dma_wait3A_458 = tpu.memref_squeeze %dma_wait3A_457 : memref<1x128x128xf32, #tpu.memory_space<vmem>> -> memref<128x128xf32, #tpu.memory_space<vmem>>
      tpu.wait_dma2 semaphore(%run_scoped3A_434 : memref<!tpu.dma_semaphore, #tpu.memory_space<semaphore_mem>>) src(%dma_wait3A_458 : memref<128x128xf32, #tpu.memory_space<vmem>>) dst(%dma_wait3A_454 : memref<128x128xf32, #tpu.memory_space<hbm>>)
      tpu.yield
    }) : () -> ()
    %dma_start3A_65 = arith.constant 4 : i32
    %dma_start3A_66 = arith.constant 0 : i32
    %dma_start3A_67 = arith.constant 0 : i32
    %dma_start3A_68 = arith.constant 0 : i32
    %dma_start3A_69 = tpu.memref_slice %arg6[%dma_start3A_66, %dma_start3A_67, %dma_start3A_68] : memref<4x128x128xf32, #tpu.memory_space<vmem>> -> memref<1x128x128xf32, #tpu.memory_space<vmem>>
    %dma_start3A_70 = tpu.memref_squeeze %dma_start3A_69 : memref<1x128x128xf32, #tpu.memory_space<vmem>> -> memref<128x128xf32, #tpu.memory_space<vmem>>
    %dma_start3A_71 = arith.constant 0 : i32
    %dma_start3A_72 = tpu.memref_slice %arg5[%dma_start3A_65, %dma_start3A_71] : memref<16x128xi32, #tpu.memory_space<vmem>> -> memref<1x128xi32, #tpu.memory_space<vmem>>
    %dma_start3A_73 = tpu.memref_squeeze %dma_start3A_72 : memref<1x128xi32, #tpu.memory_space<vmem>> -> memref<128xi32, #tpu.memory_space<vmem>>
    %dma_start3A_74 = arith.constant 0 : i32
    %dma_start3A_75 = arith.constant 0 : i32
    %dma_start3A_76 = tpu.memref_slice %arg2[%dma_start3A_74, %dma_start3A_75] : memref<32768x128xf32, #tpu.memory_space<hbm>> -> memref<32768x128xf32, #tpu.memory_space<hbm>>
    tpu.enqueue_indirect_dma source(%dma_start3A_76 : memref<32768x128xf32, #tpu.memory_space<hbm>>) target(%dma_start3A_70 : memref<128x128xf32, #tpu.memory_space<vmem>>) offsets(%dma_start3A_73 : memref<128xi32, #tpu.memory_space<vmem>>) semaphore(%arg7 : memref<!tpu.dma_semaphore, #tpu.memory_space<semaphore_mem>>)
    %dma_wait3A_77 = arith.constant 1 : i32
    %dma_wait3A_78 = arith.constant 1 : i32
    %dma_wait3A_79 = arith.constant 0 : i32
    %dma_wait3A_80 = arith.constant 0 : i32
    %dma_wait3A_81 = tpu.memref_slice %arg6[%dma_wait3A_78, %dma_wait3A_79, %dma_wait3A_80] : memref<4x128x128xf32, #tpu.memory_space<vmem>> -> memref<1x128x128xf32, #tpu.memory_space<vmem>>
    %dma_wait3A_82 = tpu.memref_squeeze %dma_wait3A_81 : memref<1x128x128xf32, #tpu.memory_space<vmem>> -> memref<128x128xf32, #tpu.memory_space<vmem>>
    %dma_wait3A_83 = arith.constant 0 : i32
    %dma_wait3A_84 = tpu.memref_slice %arg5[%dma_wait3A_77, %dma_wait3A_83] : memref<16x128xi32, #tpu.memory_space<vmem>> -> memref<1x128xi32, #tpu.memory_space<vmem>>
    %dma_wait3A_85 = tpu.memref_squeeze %dma_wait3A_84 : memref<1x128xi32, #tpu.memory_space<vmem>> -> memref<128xi32, #tpu.memory_space<vmem>>
    %dma_wait3A_86 = arith.constant 0 : i32
    %dma_wait3A_87 = arith.constant 0 : i32
    %dma_wait3A_88 = tpu.memref_slice %arg2[%dma_wait3A_86, %dma_wait3A_87] : memref<32768x128xf32, #tpu.memory_space<hbm>> -> memref<32768x128xf32, #tpu.memory_space<hbm>>
    tpu.wait_indirect_dma semaphore(%arg7 : memref<!tpu.dma_semaphore, #tpu.memory_space<semaphore_mem>>) src(%dma_wait3A_88 : memref<32768x128xf32, #tpu.memory_space<hbm>>) dst(%dma_wait3A_82 : memref<128x128xf32, #tpu.memory_space<vmem>>)
    %add3A_89 = arith.constant 128 : i32
    %add3A_90 = arith.addi %mul3A_2, %add3A_89 : i32
    %run_scoped3A_91 = arith.constant 1 : i32
    "tpu.region"() ({
      %run_scoped3A_434 = tpu.sem_alloc : memref<!tpu.dma_semaphore, #tpu.memory_space<semaphore_mem>>
      %dma_start3A_435 = arith.constant 0 : i32
      %dma_start3A_436 = arith.constant 0 : i32
      %dma_start3A_437 = tpu.memref_slice %arg6[%run_scoped3A_91, %dma_start3A_435, %dma_start3A_436] : memref<4x128x128xf32, #tpu.memory_space<vmem>> -> memref<1x128x128xf32, #tpu.memory_space<vmem>>
      %dma_start3A_438 = tpu.memref_squeeze %dma_start3A_437 : memref<1x128x128xf32, #tpu.memory_space<vmem>> -> memref<128x128xf32, #tpu.memory_space<vmem>>
      %dma_start3A_439 = arith.constant 0 : i32
      %dma_start3A_440 = tpu.memref_slice %arg4[%add3A_90, %dma_start3A_439] : memref<65536x128xf32, #tpu.memory_space<hbm>> -> memref<128x128xf32, #tpu.memory_space<hbm>>
      %dma_start3A_441 = arith.constant 0 : i32
      %dma_start3A_442 = tpu.memref_slice %arg4[%add3A_90, %dma_start3A_441] : memref<65536x128xf32, #tpu.memory_space<hbm>> -> memref<128x128xf32, #tpu.memory_space<hbm>>
      %dma_start3A_443 = arith.constant 0 : i32
      %dma_start3A_444 = arith.constant 0 : i32
      %dma_start3A_445 = tpu.memref_slice %arg6[%run_scoped3A_91, %dma_start3A_443, %dma_start3A_444] : memref<4x128x128xf32, #tpu.memory_space<vmem>> -> memref<1x128x128xf32, #tpu.memory_space<vmem>>
      %dma_start3A_446 = tpu.memref_squeeze %dma_start3A_445 : memref<1x128x128xf32, #tpu.memory_space<vmem>> -> memref<128x128xf32, #tpu.memory_space<vmem>>
      tpu.enqueue_dma source(%dma_start3A_446 : memref<128x128xf32, #tpu.memory_space<vmem>>) target(%dma_start3A_442 : memref<128x128xf32, #tpu.memory_space<hbm>>) target_semaphore(%run_scoped3A_434 : memref<!tpu.dma_semaphore, #tpu.memory_space<semaphore_mem>>)
      %dma_wait3A_447 = arith.constant 0 : i32
      %dma_wait3A_448 = arith.constant 0 : i32
      %dma_wait3A_449 = tpu.memref_slice %arg6[%run_scoped3A_91, %dma_wait3A_447, %dma_wait3A_448] : memref<4x128x128xf32, #tpu.memory_space<vmem>> -> memref<1x128x128xf32, #tpu.memory_space<vmem>>
      %dma_wait3A_450 = tpu.memref_squeeze %dma_wait3A_449 : memref<1x128x128xf32, #tpu.memory_space<vmem>> -> memref<128x128xf32, #tpu.memory_space<vmem>>
      %dma_wait3A_451 = arith.constant 0 : i32
      %dma_wait3A_452 = tpu.memref_slice %arg4[%add3A_90, %dma_wait3A_451] : memref<65536x128xf32, #tpu.memory_space<hbm>> -> memref<128x128xf32, #tpu.memory_space<hbm>>
      %dma_wait3A_453 = arith.constant 0 : i32
      %dma_wait3A_454 = tpu.memref_slice %arg4[%add3A_90, %dma_wait3A_453] : memref<65536x128xf32, #tpu.memory_space<hbm>> -> memref<128x128xf32, #tpu.memory_space<hbm>>
      %dma_wait3A_455 = arith.constant 0 : i32
      %dma_wait3A_456 = arith.constant 0 : i32
      %dma_wait3A_457 = tpu.memref_slice %arg6[%run_scoped3A_91, %dma_wait3A_455, %dma_wait3A_456] : memref<4x128x128xf32, #tpu.memory_space<vmem>> -> memref<1x128x128xf32, #tpu.memory_space<vmem>>
      %dma_wait3A_458 = tpu.memref_squeeze %dma_wait3A_457 : memref<1x128x128xf32, #tpu.memory_space<vmem>> -> memref<128x128xf32, #tpu.memory_space<vmem>>
      tpu.wait_dma2 semaphore(%run_scoped3A_434 : memref<!tpu.dma_semaphore, #tpu.memory_space<semaphore_mem>>) src(%dma_wait3A_458 : memref<128x128xf32, #tpu.memory_space<vmem>>) dst(%dma_wait3A_454 : memref<128x128xf32, #tpu.memory_space<hbm>>)
      tpu.yield
    }) : () -> ()
    %dma_start3A_92 = arith.constant 5 : i32
    %dma_start3A_93 = arith.constant 1 : i32
    %dma_start3A_94 = arith.constant 0 : i32
    %dma_start3A_95 = arith.constant 0 : i32
    %dma_start3A_96 = tpu.memref_slice %arg6[%dma_start3A_93, %dma_start3A_94, %dma_start3A_95] : memref<4x128x128xf32, #tpu.memory_space<vmem>> -> memref<1x128x128xf32, #tpu.memory_space<vmem>>
    %dma_start3A_97 = tpu.memref_squeeze %dma_start3A_96 : memref<1x128x128xf32, #tpu.memory_space<vmem>> -> memref<128x128xf32, #tpu.memory_space<vmem>>
    %dma_start3A_98 = arith.constant 0 : i32
    %dma_start3A_99 = tpu.memref_slice %arg5[%dma_start3A_92, %dma_start3A_98] : memref<16x128xi32, #tpu.memory_space<vmem>> -> memref<1x128xi32, #tpu.memory_space<vmem>>
    %dma_start3A_100 = tpu.memref_squeeze %dma_start3A_99 : memref<1x128xi32, #tpu.memory_space<vmem>> -> memref<128xi32, #tpu.memory_space<vmem>>
    %dma_start3A_101 = arith.constant 0 : i32
    %dma_start3A_102 = arith.constant 0 : i32
    %dma_start3A_103 = tpu.memref_slice %arg2[%dma_start3A_101, %dma_start3A_102] : memref<32768x128xf32, #tpu.memory_space<hbm>> -> memref<32768x128xf32, #tpu.memory_space<hbm>>
    tpu.enqueue_indirect_dma source(%dma_start3A_103 : memref<32768x128xf32, #tpu.memory_space<hbm>>) target(%dma_start3A_97 : memref<128x128xf32, #tpu.memory_space<vmem>>) offsets(%dma_start3A_100 : memref<128xi32, #tpu.memory_space<vmem>>) semaphore(%arg7 : memref<!tpu.dma_semaphore, #tpu.memory_space<semaphore_mem>>)
    %dma_wait3A_104 = arith.constant 2 : i32
    %dma_wait3A_105 = arith.constant 2 : i32
    %dma_wait3A_106 = arith.constant 0 : i32
    %dma_wait3A_107 = arith.constant 0 : i32
    %dma_wait3A_108 = tpu.memref_slice %arg6[%dma_wait3A_105, %dma_wait3A_106, %dma_wait3A_107] : memref<4x128x128xf32, #tpu.memory_space<vmem>> -> memref<1x128x128xf32, #tpu.memory_space<vmem>>
    %dma_wait3A_109 = tpu.memref_squeeze %dma_wait3A_108 : memref<1x128x128xf32, #tpu.memory_space<vmem>> -> memref<128x128xf32, #tpu.memory_space<vmem>>
    %dma_wait3A_110 = arith.constant 0 : i32
    %dma_wait3A_111 = tpu.memref_slice %arg5[%dma_wait3A_104, %dma_wait3A_110] : memref<16x128xi32, #tpu.memory_space<vmem>> -> memref<1x128xi32, #tpu.memory_space<vmem>>
    %dma_wait3A_112 = tpu.memref_squeeze %dma_wait3A_111 : memref<1x128xi32, #tpu.memory_space<vmem>> -> memref<128xi32, #tpu.memory_space<vmem>>
    %dma_wait3A_113 = arith.constant 0 : i32
    %dma_wait3A_114 = arith.constant 0 : i32
    %dma_wait3A_115 = tpu.memref_slice %arg2[%dma_wait3A_113, %dma_wait3A_114] : memref<32768x128xf32, #tpu.memory_space<hbm>> -> memref<32768x128xf32, #tpu.memory_space<hbm>>
    tpu.wait_indirect_dma semaphore(%arg7 : memref<!tpu.dma_semaphore, #tpu.memory_space<semaphore_mem>>) src(%dma_wait3A_115 : memref<32768x128xf32, #tpu.memory_space<hbm>>) dst(%dma_wait3A_109 : memref<128x128xf32, #tpu.memory_space<vmem>>)
    %add3A_116 = arith.constant 256 : i32
    %add3A_117 = arith.addi %mul3A_2, %add3A_116 : i32
    %run_scoped3A_118 = arith.constant 2 : i32
    "tpu.region"() ({
      %run_scoped3A_434 = tpu.sem_alloc : memref<!tpu.dma_semaphore, #tpu.memory_space<semaphore_mem>>
      %dma_start3A_435 = arith.constant 0 : i32
      %dma_start3A_436 = arith.constant 0 : i32
      %dma_start3A_437 = tpu.memref_slice %arg6[%run_scoped3A_118, %dma_start3A_435, %dma_start3A_436] : memref<4x128x128xf32, #tpu.memory_space<vmem>> -> memref<1x128x128xf32, #tpu.memory_space<vmem>>
      %dma_start3A_438 = tpu.memref_squeeze %dma_start3A_437 : memref<1x128x128xf32, #tpu.memory_space<vmem>> -> memref<128x128xf32, #tpu.memory_space<vmem>>
      %dma_start3A_439 = arith.constant 0 : i32
      %dma_start3A_440 = tpu.memref_slice %arg4[%add3A_117, %dma_start3A_439] : memref<65536x128xf32, #tpu.memory_space<hbm>> -> memref<128x128xf32, #tpu.memory_space<hbm>>
      %dma_start3A_441 = arith.constant 0 : i32
      %dma_start3A_442 = tpu.memref_slice %arg4[%add3A_117, %dma_start3A_441] : memref<65536x128xf32, #tpu.memory_space<hbm>> -> memref<128x128xf32, #tpu.memory_space<hbm>>
      %dma_start3A_443 = arith.constant 0 : i32
      %dma_start3A_444 = arith.constant 0 : i32
      %dma_start3A_445 = tpu.memref_slice %arg6[%run_scoped3A_118, %dma_start3A_443, %dma_start3A_444] : memref<4x128x128xf32, #tpu.memory_space<vmem>> -> memref<1x128x128xf32, #tpu.memory_space<vmem>>
      %dma_start3A_446 = tpu.memref_squeeze %dma_start3A_445 : memref<1x128x128xf32, #tpu.memory_space<vmem>> -> memref<128x128xf32, #tpu.memory_space<vmem>>
      tpu.enqueue_dma source(%dma_start3A_446 : memref<128x128xf32, #tpu.memory_space<vmem>>) target(%dma_start3A_442 : memref<128x128xf32, #tpu.memory_space<hbm>>) target_semaphore(%run_scoped3A_434 : memref<!tpu.dma_semaphore, #tpu.memory_space<semaphore_mem>>)
      %dma_wait3A_447 = arith.constant 0 : i32
      %dma_wait3A_448 = arith.constant 0 : i32
      %dma_wait3A_449 = tpu.memref_slice %arg6[%run_scoped3A_118, %dma_wait3A_447, %dma_wait3A_448] : memref<4x128x128xf32, #tpu.memory_space<vmem>> -> memref<1x128x128xf32, #tpu.memory_space<vmem>>
      %dma_wait3A_450 = tpu.memref_squeeze %dma_wait3A_449 : memref<1x128x128xf32, #tpu.memory_space<vmem>> -> memref<128x128xf32, #tpu.memory_space<vmem>>
      %dma_wait3A_451 = arith.constant 0 : i32
      %dma_wait3A_452 = tpu.memref_slice %arg4[%add3A_117, %dma_wait3A_451] : memref<65536x128xf32, #tpu.memory_space<hbm>> -> memref<128x128xf32, #tpu.memory_space<hbm>>
      %dma_wait3A_453 = arith.constant 0 : i32
      %dma_wait3A_454 = tpu.memref_slice %arg4[%add3A_117, %dma_wait3A_453] : memref<65536x128xf32, #tpu.memory_space<hbm>> -> memref<128x128xf32, #tpu.memory_space<hbm>>
      %dma_wait3A_455 = arith.constant 0 : i32
      %dma_wait3A_456 = arith.constant 0 : i32
      %dma_wait3A_457 = tpu.memref_slice %arg6[%run_scoped3A_118, %dma_wait3A_455, %dma_wait3A_456] : memref<4x128x128xf32, #tpu.memory_space<vmem>> -> memref<1x128x128xf32, #tpu.memory_space<vmem>>
      %dma_wait3A_458 = tpu.memref_squeeze %dma_wait3A_457 : memref<1x128x128xf32, #tpu.memory_space<vmem>> -> memref<128x128xf32, #tpu.memory_space<vmem>>
      tpu.wait_dma2 semaphore(%run_scoped3A_434 : memref<!tpu.dma_semaphore, #tpu.memory_space<semaphore_mem>>) src(%dma_wait3A_458 : memref<128x128xf32, #tpu.memory_space<vmem>>) dst(%dma_wait3A_454 : memref<128x128xf32, #tpu.memory_space<hbm>>)
      tpu.yield
    }) : () -> ()
    %dma_start3A_119 = arith.constant 6 : i32
    %dma_start3A_120 = arith.constant 2 : i32
    %dma_start3A_121 = arith.constant 0 : i32
    %dma_start3A_122 = arith.constant 0 : i32
    %dma_start3A_123 = tpu.memref_slice %arg6[%dma_start3A_120, %dma_start3A_121, %dma_start3A_122] : memref<4x128x128xf32, #tpu.memory_space<vmem>> -> memref<1x128x128xf32, #tpu.memory_space<vmem>>
    %dma_start3A_124 = tpu.memref_squeeze %dma_start3A_123 : memref<1x128x128xf32, #tpu.memory_space<vmem>> -> memref<128x128xf32, #tpu.memory_space<vmem>>
    %dma_start3A_125 = arith.constant 0 : i32
    %dma_start3A_126 = tpu.memref_slice %arg5[%dma_start3A_119, %dma_start3A_125] : memref<16x128xi32, #tpu.memory_space<vmem>> -> memref<1x128xi32, #tpu.memory_space<vmem>>
    %dma_start3A_127 = tpu.memref_squeeze %dma_start3A_126 : memref<1x128xi32, #tpu.memory_space<vmem>> -> memref<128xi32, #tpu.memory_space<vmem>>
    %dma_start3A_128 = arith.constant 0 : i32
    %dma_start3A_129 = arith.constant 0 : i32
    %dma_start3A_130 = tpu.memref_slice %arg2[%dma_start3A_128, %dma_start3A_129] : memref<32768x128xf32, #tpu.memory_space<hbm>> -> memref<32768x128xf32, #tpu.memory_space<hbm>>
    tpu.enqueue_indirect_dma source(%dma_start3A_130 : memref<32768x128xf32, #tpu.memory_space<hbm>>) target(%dma_start3A_124 : memref<128x128xf32, #tpu.memory_space<vmem>>) offsets(%dma_start3A_127 : memref<128xi32, #tpu.memory_space<vmem>>) semaphore(%arg7 : memref<!tpu.dma_semaphore, #tpu.memory_space<semaphore_mem>>)
    %dma_wait3A_131 = arith.constant 3 : i32
    %dma_wait3A_132 = arith.constant 3 : i32
    %dma_wait3A_133 = arith.constant 0 : i32
    %dma_wait3A_134 = arith.constant 0 : i32
    %dma_wait3A_135 = tpu.memref_slice %arg6[%dma_wait3A_132, %dma_wait3A_133, %dma_wait3A_134] : memref<4x128x128xf32, #tpu.memory_space<vmem>> -> memref<1x128x128xf32, #tpu.memory_space<vmem>>
    %dma_wait3A_136 = tpu.memref_squeeze %dma_wait3A_135 : memref<1x128x128xf32, #tpu.memory_space<vmem>> -> memref<128x128xf32, #tpu.memory_space<vmem>>
    %dma_wait3A_137 = arith.constant 0 : i32
    %dma_wait3A_138 = tpu.memref_slice %arg5[%dma_wait3A_131, %dma_wait3A_137] : memref<16x128xi32, #tpu.memory_space<vmem>> -> memref<1x128xi32, #tpu.memory_space<vmem>>
    %dma_wait3A_139 = tpu.memref_squeeze %dma_wait3A_138 : memref<1x128xi32, #tpu.memory_space<vmem>> -> memref<128xi32, #tpu.memory_space<vmem>>
    %dma_wait3A_140 = arith.constant 0 : i32
    %dma_wait3A_141 = arith.constant 0 : i32
    %dma_wait3A_142 = tpu.memref_slice %arg2[%dma_wait3A_140, %dma_wait3A_141] : memref<32768x128xf32, #tpu.memory_space<hbm>> -> memref<32768x128xf32, #tpu.memory_space<hbm>>
    tpu.wait_indirect_dma semaphore(%arg7 : memref<!tpu.dma_semaphore, #tpu.memory_space<semaphore_mem>>) src(%dma_wait3A_142 : memref<32768x128xf32, #tpu.memory_space<hbm>>) dst(%dma_wait3A_136 : memref<128x128xf32, #tpu.memory_space<vmem>>)
    %add3A_143 = arith.constant 384 : i32
    %add3A_144 = arith.addi %mul3A_2, %add3A_143 : i32
    %run_scoped3A_145 = arith.constant 3 : i32
    "tpu.region"() ({
      %run_scoped3A_434 = tpu.sem_alloc : memref<!tpu.dma_semaphore, #tpu.memory_space<semaphore_mem>>
      %dma_start3A_435 = arith.constant 0 : i32
      %dma_start3A_436 = arith.constant 0 : i32
      %dma_start3A_437 = tpu.memref_slice %arg6[%run_scoped3A_145, %dma_start3A_435, %dma_start3A_436] : memref<4x128x128xf32, #tpu.memory_space<vmem>> -> memref<1x128x128xf32, #tpu.memory_space<vmem>>
      %dma_start3A_438 = tpu.memref_squeeze %dma_start3A_437 : memref<1x128x128xf32, #tpu.memory_space<vmem>> -> memref<128x128xf32, #tpu.memory_space<vmem>>
      %dma_start3A_439 = arith.constant 0 : i32
      %dma_start3A_440 = tpu.memref_slice %arg4[%add3A_144, %dma_start3A_439] : memref<65536x128xf32, #tpu.memory_space<hbm>> -> memref<128x128xf32, #tpu.memory_space<hbm>>
      %dma_start3A_441 = arith.constant 0 : i32
      %dma_start3A_442 = tpu.memref_slice %arg4[%add3A_144, %dma_start3A_441] : memref<65536x128xf32, #tpu.memory_space<hbm>> -> memref<128x128xf32, #tpu.memory_space<hbm>>
      %dma_start3A_443 = arith.constant 0 : i32
      %dma_start3A_444 = arith.constant 0 : i32
      %dma_start3A_445 = tpu.memref_slice %arg6[%run_scoped3A_145, %dma_start3A_443, %dma_start3A_444] : memref<4x128x128xf32, #tpu.memory_space<vmem>> -> memref<1x128x128xf32, #tpu.memory_space<vmem>>
      %dma_start3A_446 = tpu.memref_squeeze %dma_start3A_445 : memref<1x128x128xf32, #tpu.memory_space<vmem>> -> memref<128x128xf32, #tpu.memory_space<vmem>>
      tpu.enqueue_dma source(%dma_start3A_446 : memref<128x128xf32, #tpu.memory_space<vmem>>) target(%dma_start3A_442 : memref<128x128xf32, #tpu.memory_space<hbm>>) target_semaphore(%run_scoped3A_434 : memref<!tpu.dma_semaphore, #tpu.memory_space<semaphore_mem>>)
      %dma_wait3A_447 = arith.constant 0 : i32
      %dma_wait3A_448 = arith.constant 0 : i32
      %dma_wait3A_449 = tpu.memref_slice %arg6[%run_scoped3A_145, %dma_wait3A_447, %dma_wait3A_448] : memref<4x128x128xf32, #tpu.memory_space<vmem>> -> memref<1x128x128xf32, #tpu.memory_space<vmem>>
      %dma_wait3A_450 = tpu.memref_squeeze %dma_wait3A_449 : memref<1x128x128xf32, #tpu.memory_space<vmem>> -> memref<128x128xf32, #tpu.memory_space<vmem>>
      %dma_wait3A_451 = arith.constant 0 : i32
      %dma_wait3A_452 = tpu.memref_slice %arg4[%add3A_144, %dma_wait3A_451] : memref<65536x128xf32, #tpu.memory_space<hbm>> -> memref<128x128xf32, #tpu.memory_space<hbm>>
      %dma_wait3A_453 = arith.constant 0 : i32
      %dma_wait3A_454 = tpu.memref_slice %arg4[%add3A_144, %dma_wait3A_453] : memref<65536x128xf32, #tpu.memory_space<hbm>> -> memref<128x128xf32, #tpu.memory_space<hbm>>
      %dma_wait3A_455 = arith.constant 0 : i32
      %dma_wait3A_456 = arith.constant 0 : i32
      %dma_wait3A_457 = tpu.memref_slice %arg6[%run_scoped3A_145, %dma_wait3A_455, %dma_wait3A_456] : memref<4x128x128xf32, #tpu.memory_space<vmem>> -> memref<1x128x128xf32, #tpu.memory_space<vmem>>
      %dma_wait3A_458 = tpu.memref_squeeze %dma_wait3A_457 : memref<1x128x128xf32, #tpu.memory_space<vmem>> -> memref<128x128xf32, #tpu.memory_space<vmem>>
      tpu.wait_dma2 semaphore(%run_scoped3A_434 : memref<!tpu.dma_semaphore, #tpu.memory_space<semaphore_mem>>) src(%dma_wait3A_458 : memref<128x128xf32, #tpu.memory_space<vmem>>) dst(%dma_wait3A_454 : memref<128x128xf32, #tpu.memory_space<hbm>>)
      tpu.yield
    }) : () -> ()
    %dma_start3A_146 = arith.constant 7 : i32
    %dma_start3A_147 = arith.constant 3 : i32
    %dma_start3A_148 = arith.constant 0 : i32
    %dma_start3A_149 = arith.constant 0 : i32
    %dma_start3A_150 = tpu.memref_slice %arg6[%dma_start3A_147, %dma_start3A_148, %dma_start3A_149] : memref<4x128x128xf32, #tpu.memory_space<vmem>> -> memref<1x128x128xf32, #tpu.memory_space<vmem>>
    %dma_start3A_151 = tpu.memref_squeeze %dma_start3A_150 : memref<1x128x128xf32, #tpu.memory_space<vmem>> -> memref<128x128xf32, #tpu.memory_space<vmem>>
    %dma_start3A_152 = arith.constant 0 : i32
    %dma_start3A_153 = tpu.memref_slice %arg5[%dma_start3A_146, %dma_start3A_152] : memref<16x128xi32, #tpu.memory_space<vmem>> -> memref<1x128xi32, #tpu.memory_space<vmem>>
    %dma_start3A_154 = tpu.memref_squeeze %dma_start3A_153 : memref<1x128xi32, #tpu.memory_space<vmem>> -> memref<128xi32, #tpu.memory_space<vmem>>
    %dma_start3A_155 = arith.constant 0 : i32
    %dma_start3A_156 = arith.constant 0 : i32
    %dma_start3A_157 = tpu.memref_slice %arg2[%dma_start3A_155, %dma_start3A_156] : memref<32768x128xf32, #tpu.memory_space<hbm>> -> memref<32768x128xf32, #tpu.memory_space<hbm>>
    tpu.enqueue_indirect_dma source(%dma_start3A_157 : memref<32768x128xf32, #tpu.memory_space<hbm>>) target(%dma_start3A_151 : memref<128x128xf32, #tpu.memory_space<vmem>>) offsets(%dma_start3A_154 : memref<128xi32, #tpu.memory_space<vmem>>) semaphore(%arg7 : memref<!tpu.dma_semaphore, #tpu.memory_space<semaphore_mem>>)
    %dma_wait3A_158 = arith.constant 4 : i32
    %dma_wait3A_159 = arith.constant 0 : i32
    %dma_wait3A_160 = arith.constant 0 : i32
    %dma_wait3A_161 = arith.constant 0 : i32
    %dma_wait3A_162 = tpu.memref_slice %arg6[%dma_wait3A_159, %dma_wait3A_160, %dma_wait3A_161] : memref<4x128x128xf32, #tpu.memory_space<vmem>> -> memref<1x128x128xf32, #tpu.memory_space<vmem>>
    %dma_wait3A_163 = tpu.memref_squeeze %dma_wait3A_162 : memref<1x128x128xf32, #tpu.memory_space<vmem>> -> memref<128x128xf32, #tpu.memory_space<vmem>>
    %dma_wait3A_164 = arith.constant 0 : i32
    %dma_wait3A_165 = tpu.memref_slice %arg5[%dma_wait3A_158, %dma_wait3A_164] : memref<16x128xi32, #tpu.memory_space<vmem>> -> memref<1x128xi32, #tpu.memory_space<vmem>>
    %dma_wait3A_166 = tpu.memref_squeeze %dma_wait3A_165 : memref<1x128xi32, #tpu.memory_space<vmem>> -> memref<128xi32, #tpu.memory_space<vmem>>
    %dma_wait3A_167 = arith.constant 0 : i32
    %dma_wait3A_168 = arith.constant 0 : i32
    %dma_wait3A_169 = tpu.memref_slice %arg2[%dma_wait3A_167, %dma_wait3A_168] : memref<32768x128xf32, #tpu.memory_space<hbm>> -> memref<32768x128xf32, #tpu.memory_space<hbm>>
    tpu.wait_indirect_dma semaphore(%arg7 : memref<!tpu.dma_semaphore, #tpu.memory_space<semaphore_mem>>) src(%dma_wait3A_169 : memref<32768x128xf32, #tpu.memory_space<hbm>>) dst(%dma_wait3A_163 : memref<128x128xf32, #tpu.memory_space<vmem>>)
    %add3A_170 = arith.constant 512 : i32
    %add3A_171 = arith.addi %mul3A_2, %add3A_170 : i32
    %run_scoped3A_172 = arith.constant 0 : i32
    "tpu.region"() ({
      %run_scoped3A_434 = tpu.sem_alloc : memref<!tpu.dma_semaphore, #tpu.memory_space<semaphore_mem>>
      %dma_start3A_435 = arith.constant 0 : i32
      %dma_start3A_436 = arith.constant 0 : i32
      %dma_start3A_437 = tpu.memref_slice %arg6[%run_scoped3A_172, %dma_start3A_435, %dma_start3A_436] : memref<4x128x128xf32, #tpu.memory_space<vmem>> -> memref<1x128x128xf32, #tpu.memory_space<vmem>>
      %dma_start3A_438 = tpu.memref_squeeze %dma_start3A_437 : memref<1x128x128xf32, #tpu.memory_space<vmem>> -> memref<128x128xf32, #tpu.memory_space<vmem>>
      %dma_start3A_439 = arith.constant 0 : i32
      %dma_start3A_440 = tpu.memref_slice %arg4[%add3A_171, %dma_start3A_439] : memref<65536x128xf32, #tpu.memory_space<hbm>> -> memref<128x128xf32, #tpu.memory_space<hbm>>
      %dma_start3A_441 = arith.constant 0 : i32
      %dma_start3A_442 = tpu.memref_slice %arg4[%add3A_171, %dma_start3A_441] : memref<65536x128xf32, #tpu.memory_space<hbm>> -> memref<128x128xf32, #tpu.memory_space<hbm>>
      %dma_start3A_443 = arith.constant 0 : i32
      %dma_start3A_444 = arith.constant 0 : i32
      %dma_start3A_445 = tpu.memref_slice %arg6[%run_scoped3A_172, %dma_start3A_443, %dma_start3A_444] : memref<4x128x128xf32, #tpu.memory_space<vmem>> -> memref<1x128x128xf32, #tpu.memory_space<vmem>>
      %dma_start3A_446 = tpu.memref_squeeze %dma_start3A_445 : memref<1x128x128xf32, #tpu.memory_space<vmem>> -> memref<128x128xf32, #tpu.memory_space<vmem>>
      tpu.enqueue_dma source(%dma_start3A_446 : memref<128x128xf32, #tpu.memory_space<vmem>>) target(%dma_start3A_442 : memref<128x128xf32, #tpu.memory_space<hbm>>) target_semaphore(%run_scoped3A_434 : memref<!tpu.dma_semaphore, #tpu.memory_space<semaphore_mem>>)
      %dma_wait3A_447 = arith.constant 0 : i32
      %dma_wait3A_448 = arith.constant 0 : i32
      %dma_wait3A_449 = tpu.memref_slice %arg6[%run_scoped3A_172, %dma_wait3A_447, %dma_wait3A_448] : memref<4x128x128xf32, #tpu.memory_space<vmem>> -> memref<1x128x128xf32, #tpu.memory_space<vmem>>
      %dma_wait3A_450 = tpu.memref_squeeze %dma_wait3A_449 : memref<1x128x128xf32, #tpu.memory_space<vmem>> -> memref<128x128xf32, #tpu.memory_space<vmem>>
      %dma_wait3A_451 = arith.constant 0 : i32
      %dma_wait3A_452 = tpu.memref_slice %arg4[%add3A_171, %dma_wait3A_451] : memref<65536x128xf32, #tpu.memory_space<hbm>> -> memref<128x128xf32, #tpu.memory_space<hbm>>
      %dma_wait3A_453 = arith.constant 0 : i32
      %dma_wait3A_454 = tpu.memref_slice %arg4[%add3A_171, %dma_wait3A_453] : memref<65536x128xf32, #tpu.memory_space<hbm>> -> memref<128x128xf32, #tpu.memory_space<hbm>>
      %dma_wait3A_455 = arith.constant 0 : i32
      %dma_wait3A_456 = arith.constant 0 : i32
      %dma_wait3A_457 = tpu.memref_slice %arg6[%run_scoped3A_172, %dma_wait3A_455, %dma_wait3A_456] : memref<4x128x128xf32, #tpu.memory_space<vmem>> -> memref<1x128x128xf32, #tpu.memory_space<vmem>>
      %dma_wait3A_458 = tpu.memref_squeeze %dma_wait3A_457 : memref<1x128x128xf32, #tpu.memory_space<vmem>> -> memref<128x128xf32, #tpu.memory_space<vmem>>
      tpu.wait_dma2 semaphore(%run_scoped3A_434 : memref<!tpu.dma_semaphore, #tpu.memory_space<semaphore_mem>>) src(%dma_wait3A_458 : memref<128x128xf32, #tpu.memory_space<vmem>>) dst(%dma_wait3A_454 : memref<128x128xf32, #tpu.memory_space<hbm>>)
      tpu.yield
    }) : () -> ()
    %dma_start3A_173 = arith.constant 8 : i32
    %dma_start3A_174 = arith.constant 0 : i32
    %dma_start3A_175 = arith.constant 0 : i32
    %dma_start3A_176 = arith.constant 0 : i32
    %dma_start3A_177 = tpu.memref_slice %arg6[%dma_start3A_174, %dma_start3A_175, %dma_start3A_176] : memref<4x128x128xf32, #tpu.memory_space<vmem>> -> memref<1x128x128xf32, #tpu.memory_space<vmem>>
    %dma_start3A_178 = tpu.memref_squeeze %dma_start3A_177 : memref<1x128x128xf32, #tpu.memory_space<vmem>> -> memref<128x128xf32, #tpu.memory_space<vmem>>
    %dma_start3A_179 = arith.constant 0 : i32
    %dma_start3A_180 = tpu.memref_slice %arg5[%dma_start3A_173, %dma_start3A_179] : memref<16x128xi32, #tpu.memory_space<vmem>> -> memref<1x128xi32, #tpu.memory_space<vmem>>
    %dma_start3A_181 = tpu.memref_squeeze %dma_start3A_180 : memref<1x128xi32, #tpu.memory_space<vmem>> -> memref<128xi32, #tpu.memory_space<vmem>>
    %dma_start3A_182 = arith.constant 0 : i32
    %dma_start3A_183 = arith.constant 0 : i32
    %dma_start3A_184 = tpu.memref_slice %arg2[%dma_start3A_182, %dma_start3A_183] : memref<32768x128xf32, #tpu.memory_space<hbm>> -> memref<32768x128xf32, #tpu.memory_space<hbm>>
    tpu.enqueue_indirect_dma source(%dma_start3A_184 : memref<32768x128xf32, #tpu.memory_space<hbm>>) target(%dma_start3A_178 : memref<128x128xf32, #tpu.memory_space<vmem>>) offsets(%dma_start3A_181 : memref<128xi32, #tpu.memory_space<vmem>>) semaphore(%arg7 : memref<!tpu.dma_semaphore, #tpu.memory_space<semaphore_mem>>)
    %dma_wait3A_185 = arith.constant 5 : i32
    %dma_wait3A_186 = arith.constant 1 : i32
    %dma_wait3A_187 = arith.constant 0 : i32
    %dma_wait3A_188 = arith.constant 0 : i32
    %dma_wait3A_189 = tpu.memref_slice %arg6[%dma_wait3A_186, %dma_wait3A_187, %dma_wait3A_188] : memref<4x128x128xf32, #tpu.memory_space<vmem>> -> memref<1x128x128xf32, #tpu.memory_space<vmem>>
    %dma_wait3A_190 = tpu.memref_squeeze %dma_wait3A_189 : memref<1x128x128xf32, #tpu.memory_space<vmem>> -> memref<128x128xf32, #tpu.memory_space<vmem>>
    %dma_wait3A_191 = arith.constant 0 : i32
    %dma_wait3A_192 = tpu.memref_slice %arg5[%dma_wait3A_185, %dma_wait3A_191] : memref<16x128xi32, #tpu.memory_space<vmem>> -> memref<1x128xi32, #tpu.memory_space<vmem>>
    %dma_wait3A_193 = tpu.memref_squeeze %dma_wait3A_192 : memref<1x128xi32, #tpu.memory_space<vmem>> -> memref<128xi32, #tpu.memory_space<vmem>>
    %dma_wait3A_194 = arith.constant 0 : i32
    %dma_wait3A_195 = arith.constant 0 : i32
    %dma_wait3A_196 = tpu.memref_slice %arg2[%dma_wait3A_194, %dma_wait3A_195] : memref<32768x128xf32, #tpu.memory_space<hbm>> -> memref<32768x128xf32, #tpu.memory_space<hbm>>
    tpu.wait_indirect_dma semaphore(%arg7 : memref<!tpu.dma_semaphore, #tpu.memory_space<semaphore_mem>>) src(%dma_wait3A_196 : memref<32768x128xf32, #tpu.memory_space<hbm>>) dst(%dma_wait3A_190 : memref<128x128xf32, #tpu.memory_space<vmem>>)
    %add3A_197 = arith.constant 640 : i32
    %add3A_198 = arith.addi %mul3A_2, %add3A_197 : i32
    %run_scoped3A_199 = arith.constant 1 : i32
    "tpu.region"() ({
      %run_scoped3A_434 = tpu.sem_alloc : memref<!tpu.dma_semaphore, #tpu.memory_space<semaphore_mem>>
      %dma_start3A_435 = arith.constant 0 : i32
      %dma_start3A_436 = arith.constant 0 : i32
      %dma_start3A_437 = tpu.memref_slice %arg6[%run_scoped3A_199, %dma_start3A_435, %dma_start3A_436] : memref<4x128x128xf32, #tpu.memory_space<vmem>> -> memref<1x128x128xf32, #tpu.memory_space<vmem>>
      %dma_start3A_438 = tpu.memref_squeeze %dma_start3A_437 : memref<1x128x128xf32, #tpu.memory_space<vmem>> -> memref<128x128xf32, #tpu.memory_space<vmem>>
      %dma_start3A_439 = arith.constant 0 : i32
      %dma_start3A_440 = tpu.memref_slice %arg4[%add3A_198, %dma_start3A_439] : memref<65536x128xf32, #tpu.memory_space<hbm>> -> memref<128x128xf32, #tpu.memory_space<hbm>>
      %dma_start3A_441 = arith.constant 0 : i32
      %dma_start3A_442 = tpu.memref_slice %arg4[%add3A_198, %dma_start3A_441] : memref<65536x128xf32, #tpu.memory_space<hbm>> -> memref<128x128xf32, #tpu.memory_space<hbm>>
      %dma_start3A_443 = arith.constant 0 : i32
      %dma_start3A_444 = arith.constant 0 : i32
      %dma_start3A_445 = tpu.memref_slice %arg6[%run_scoped3A_199, %dma_start3A_443, %dma_start3A_444] : memref<4x128x128xf32, #tpu.memory_space<vmem>> -> memref<1x128x128xf32, #tpu.memory_space<vmem>>
      %dma_start3A_446 = tpu.memref_squeeze %dma_start3A_445 : memref<1x128x128xf32, #tpu.memory_space<vmem>> -> memref<128x128xf32, #tpu.memory_space<vmem>>
      tpu.enqueue_dma source(%dma_start3A_446 : memref<128x128xf32, #tpu.memory_space<vmem>>) target(%dma_start3A_442 : memref<128x128xf32, #tpu.memory_space<hbm>>) target_semaphore(%run_scoped3A_434 : memref<!tpu.dma_semaphore, #tpu.memory_space<semaphore_mem>>)
      %dma_wait3A_447 = arith.constant 0 : i32
      %dma_wait3A_448 = arith.constant 0 : i32
      %dma_wait3A_449 = tpu.memref_slice %arg6[%run_scoped3A_199, %dma_wait3A_447, %dma_wait3A_448] : memref<4x128x128xf32, #tpu.memory_space<vmem>> -> memref<1x128x128xf32, #tpu.memory_space<vmem>>
      %dma_wait3A_450 = tpu.memref_squeeze %dma_wait3A_449 : memref<1x128x128xf32, #tpu.memory_space<vmem>> -> memref<128x128xf32, #tpu.memory_space<vmem>>
      %dma_wait3A_451 = arith.constant 0 : i32
      %dma_wait3A_452 = tpu.memref_slice %arg4[%add3A_198, %dma_wait3A_451] : memref<65536x128xf32, #tpu.memory_space<hbm>> -> memref<128x128xf32, #tpu.memory_space<hbm>>
      %dma_wait3A_453 = arith.constant 0 : i32
      %dma_wait3A_454 = tpu.memref_slice %arg4[%add3A_198, %dma_wait3A_453] : memref<65536x128xf32, #tpu.memory_space<hbm>> -> memref<128x128xf32, #tpu.memory_space<hbm>>
      %dma_wait3A_455 = arith.constant 0 : i32
      %dma_wait3A_456 = arith.constant 0 : i32
      %dma_wait3A_457 = tpu.memref_slice %arg6[%run_scoped3A_199, %dma_wait3A_455, %dma_wait3A_456] : memref<4x128x128xf32, #tpu.memory_space<vmem>> -> memref<1x128x128xf32, #tpu.memory_space<vmem>>
      %dma_wait3A_458 = tpu.memref_squeeze %dma_wait3A_457 : memref<1x128x128xf32, #tpu.memory_space<vmem>> -> memref<128x128xf32, #tpu.memory_space<vmem>>
      tpu.wait_dma2 semaphore(%run_scoped3A_434 : memref<!tpu.dma_semaphore, #tpu.memory_space<semaphore_mem>>) src(%dma_wait3A_458 : memref<128x128xf32, #tpu.memory_space<vmem>>) dst(%dma_wait3A_454 : memref<128x128xf32, #tpu.memory_space<hbm>>)
      tpu.yield
    }) : () -> ()
    %dma_start3A_200 = arith.constant 9 : i32
    %dma_start3A_201 = arith.constant 1 : i32
    %dma_start3A_202 = arith.constant 0 : i32
    %dma_start3A_203 = arith.constant 0 : i32
    %dma_start3A_204 = tpu.memref_slice %arg6[%dma_start3A_201, %dma_start3A_202, %dma_start3A_203] : memref<4x128x128xf32, #tpu.memory_space<vmem>> -> memref<1x128x128xf32, #tpu.memory_space<vmem>>
    %dma_start3A_205 = tpu.memref_squeeze %dma_start3A_204 : memref<1x128x128xf32, #tpu.memory_space<vmem>> -> memref<128x128xf32, #tpu.memory_space<vmem>>
    %dma_start3A_206 = arith.constant 0 : i32
    %dma_start3A_207 = tpu.memref_slice %arg5[%dma_start3A_200, %dma_start3A_206] : memref<16x128xi32, #tpu.memory_space<vmem>> -> memref<1x128xi32, #tpu.memory_space<vmem>>
    %dma_start3A_208 = tpu.memref_squeeze %dma_start3A_207 : memref<1x128xi32, #tpu.memory_space<vmem>> -> memref<128xi32, #tpu.memory_space<vmem>>
    %dma_start3A_209 = arith.constant 0 : i32
    %dma_start3A_210 = arith.constant 0 : i32
    %dma_start3A_211 = tpu.memref_slice %arg2[%dma_start3A_209, %dma_start3A_210] : memref<32768x128xf32, #tpu.memory_space<hbm>> -> memref<32768x128xf32, #tpu.memory_space<hbm>>
    tpu.enqueue_indirect_dma source(%dma_start3A_211 : memref<32768x128xf32, #tpu.memory_space<hbm>>) target(%dma_start3A_205 : memref<128x128xf32, #tpu.memory_space<vmem>>) offsets(%dma_start3A_208 : memref<128xi32, #tpu.memory_space<vmem>>) semaphore(%arg7 : memref<!tpu.dma_semaphore, #tpu.memory_space<semaphore_mem>>)
    %dma_wait3A_212 = arith.constant 6 : i32
    %dma_wait3A_213 = arith.constant 2 : i32
    %dma_wait3A_214 = arith.constant 0 : i32
    %dma_wait3A_215 = arith.constant 0 : i32
    %dma_wait3A_216 = tpu.memref_slice %arg6[%dma_wait3A_213, %dma_wait3A_214, %dma_wait3A_215] : memref<4x128x128xf32, #tpu.memory_space<vmem>> -> memref<1x128x128xf32, #tpu.memory_space<vmem>>
    %dma_wait3A_217 = tpu.memref_squeeze %dma_wait3A_216 : memref<1x128x128xf32, #tpu.memory_space<vmem>> -> memref<128x128xf32, #tpu.memory_space<vmem>>
    %dma_wait3A_218 = arith.constant 0 : i32
    %dma_wait3A_219 = tpu.memref_slice %arg5[%dma_wait3A_212, %dma_wait3A_218] : memref<16x128xi32, #tpu.memory_space<vmem>> -> memref<1x128xi32, #tpu.memory_space<vmem>>
    %dma_wait3A_220 = tpu.memref_squeeze %dma_wait3A_219 : memref<1x128xi32, #tpu.memory_space<vmem>> -> memref<128xi32, #tpu.memory_space<vmem>>
    %dma_wait3A_221 = arith.constant 0 : i32
    %dma_wait3A_222 = arith.constant 0 : i32
    %dma_wait3A_223 = tpu.memref_slice %arg2[%dma_wait3A_221, %dma_wait3A_222] : memref<32768x128xf32, #tpu.memory_space<hbm>> -> memref<32768x128xf32, #tpu.memory_space<hbm>>
    tpu.wait_indirect_dma semaphore(%arg7 : memref<!tpu.dma_semaphore, #tpu.memory_space<semaphore_mem>>) src(%dma_wait3A_223 : memref<32768x128xf32, #tpu.memory_space<hbm>>) dst(%dma_wait3A_217 : memref<128x128xf32, #tpu.memory_space<vmem>>)
    %add3A_224 = arith.constant 768 : i32
    %add3A_225 = arith.addi %mul3A_2, %add3A_224 : i32
    %run_scoped3A_226 = arith.constant 2 : i32
    "tpu.region"() ({
      %run_scoped3A_434 = tpu.sem_alloc : memref<!tpu.dma_semaphore, #tpu.memory_space<semaphore_mem>>
      %dma_start3A_435 = arith.constant 0 : i32
      %dma_start3A_436 = arith.constant 0 : i32
      %dma_start3A_437 = tpu.memref_slice %arg6[%run_scoped3A_226, %dma_start3A_435, %dma_start3A_436] : memref<4x128x128xf32, #tpu.memory_space<vmem>> -> memref<1x128x128xf32, #tpu.memory_space<vmem>>
      %dma_start3A_438 = tpu.memref_squeeze %dma_start3A_437 : memref<1x128x128xf32, #tpu.memory_space<vmem>> -> memref<128x128xf32, #tpu.memory_space<vmem>>
      %dma_start3A_439 = arith.constant 0 : i32
      %dma_start3A_440 = tpu.memref_slice %arg4[%add3A_225, %dma_start3A_439] : memref<65536x128xf32, #tpu.memory_space<hbm>> -> memref<128x128xf32, #tpu.memory_space<hbm>>
      %dma_start3A_441 = arith.constant 0 : i32
      %dma_start3A_442 = tpu.memref_slice %arg4[%add3A_225, %dma_start3A_441] : memref<65536x128xf32, #tpu.memory_space<hbm>> -> memref<128x128xf32, #tpu.memory_space<hbm>>
      %dma_start3A_443 = arith.constant 0 : i32
      %dma_start3A_444 = arith.constant 0 : i32
      %dma_start3A_445 = tpu.memref_slice %arg6[%run_scoped3A_226, %dma_start3A_443, %dma_start3A_444] : memref<4x128x128xf32, #tpu.memory_space<vmem>> -> memref<1x128x128xf32, #tpu.memory_space<vmem>>
      %dma_start3A_446 = tpu.memref_squeeze %dma_start3A_445 : memref<1x128x128xf32, #tpu.memory_space<vmem>> -> memref<128x128xf32, #tpu.memory_space<vmem>>
      tpu.enqueue_dma source(%dma_start3A_446 : memref<128x128xf32, #tpu.memory_space<vmem>>) target(%dma_start3A_442 : memref<128x128xf32, #tpu.memory_space<hbm>>) target_semaphore(%run_scoped3A_434 : memref<!tpu.dma_semaphore, #tpu.memory_space<semaphore_mem>>)
      %dma_wait3A_447 = arith.constant 0 : i32
      %dma_wait3A_448 = arith.constant 0 : i32
      %dma_wait3A_449 = tpu.memref_slice %arg6[%run_scoped3A_226, %dma_wait3A_447, %dma_wait3A_448] : memref<4x128x128xf32, #tpu.memory_space<vmem>> -> memref<1x128x128xf32, #tpu.memory_space<vmem>>
      %dma_wait3A_450 = tpu.memref_squeeze %dma_wait3A_449 : memref<1x128x128xf32, #tpu.memory_space<vmem>> -> memref<128x128xf32, #tpu.memory_space<vmem>>
      %dma_wait3A_451 = arith.constant 0 : i32
      %dma_wait3A_452 = tpu.memref_slice %arg4[%add3A_225, %dma_wait3A_451] : memref<65536x128xf32, #tpu.memory_space<hbm>> -> memref<128x128xf32, #tpu.memory_space<hbm>>
      %dma_wait3A_453 = arith.constant 0 : i32
      %dma_wait3A_454 = tpu.memref_slice %arg4[%add3A_225, %dma_wait3A_453] : memref<65536x128xf32, #tpu.memory_space<hbm>> -> memref<128x128xf32, #tpu.memory_space<hbm>>
      %dma_wait3A_455 = arith.constant 0 : i32
      %dma_wait3A_456 = arith.constant 0 : i32
      %dma_wait3A_457 = tpu.memref_slice %arg6[%run_scoped3A_226, %dma_wait3A_455, %dma_wait3A_456] : memref<4x128x128xf32, #tpu.memory_space<vmem>> -> memref<1x128x128xf32, #tpu.memory_space<vmem>>
      %dma_wait3A_458 = tpu.memref_squeeze %dma_wait3A_457 : memref<1x128x128xf32, #tpu.memory_space<vmem>> -> memref<128x128xf32, #tpu.memory_space<vmem>>
      tpu.wait_dma2 semaphore(%run_scoped3A_434 : memref<!tpu.dma_semaphore, #tpu.memory_space<semaphore_mem>>) src(%dma_wait3A_458 : memref<128x128xf32, #tpu.memory_space<vmem>>) dst(%dma_wait3A_454 : memref<128x128xf32, #tpu.memory_space<hbm>>)
      tpu.yield
    }) : () -> ()
    %dma_start3A_227 = arith.constant 10 : i32
    %dma_start3A_228 = arith.constant 2 : i32
    %dma_start3A_229 = arith.constant 0 : i32
    %dma_start3A_230 = arith.constant 0 : i32
    %dma_start3A_231 = tpu.memref_slice %arg6[%dma_start3A_228, %dma_start3A_229, %dma_start3A_230] : memref<4x128x128xf32, #tpu.memory_space<vmem>> -> memref<1x128x128xf32, #tpu.memory_space<vmem>>
    %dma_start3A_232 = tpu.memref_squeeze %dma_start3A_231 : memref<1x128x128xf32, #tpu.memory_space<vmem>> -> memref<128x128xf32, #tpu.memory_space<vmem>>
    %dma_start3A_233 = arith.constant 0 : i32
    %dma_start3A_234 = tpu.memref_slice %arg5[%dma_start3A_227, %dma_start3A_233] : memref<16x128xi32, #tpu.memory_space<vmem>> -> memref<1x128xi32, #tpu.memory_space<vmem>>
    %dma_start3A_235 = tpu.memref_squeeze %dma_start3A_234 : memref<1x128xi32, #tpu.memory_space<vmem>> -> memref<128xi32, #tpu.memory_space<vmem>>
    %dma_start3A_236 = arith.constant 0 : i32
    %dma_start3A_237 = arith.constant 0 : i32
    %dma_start3A_238 = tpu.memref_slice %arg2[%dma_start3A_236, %dma_start3A_237] : memref<32768x128xf32, #tpu.memory_space<hbm>> -> memref<32768x128xf32, #tpu.memory_space<hbm>>
    tpu.enqueue_indirect_dma source(%dma_start3A_238 : memref<32768x128xf32, #tpu.memory_space<hbm>>) target(%dma_start3A_232 : memref<128x128xf32, #tpu.memory_space<vmem>>) offsets(%dma_start3A_235 : memref<128xi32, #tpu.memory_space<vmem>>) semaphore(%arg7 : memref<!tpu.dma_semaphore, #tpu.memory_space<semaphore_mem>>)
    %dma_wait3A_239 = arith.constant 7 : i32
    %dma_wait3A_240 = arith.constant 3 : i32
    %dma_wait3A_241 = arith.constant 0 : i32
    %dma_wait3A_242 = arith.constant 0 : i32
    %dma_wait3A_243 = tpu.memref_slice %arg6[%dma_wait3A_240, %dma_wait3A_241, %dma_wait3A_242] : memref<4x128x128xf32, #tpu.memory_space<vmem>> -> memref<1x128x128xf32, #tpu.memory_space<vmem>>
    %dma_wait3A_244 = tpu.memref_squeeze %dma_wait3A_243 : memref<1x128x128xf32, #tpu.memory_space<vmem>> -> memref<128x128xf32, #tpu.memory_space<vmem>>
    %dma_wait3A_245 = arith.constant 0 : i32
    %dma_wait3A_246 = tpu.memref_slice %arg5[%dma_wait3A_239, %dma_wait3A_245] : memref<16x128xi32, #tpu.memory_space<vmem>> -> memref<1x128xi32, #tpu.memory_space<vmem>>
    %dma_wait3A_247 = tpu.memref_squeeze %dma_wait3A_246 : memref<1x128xi32, #tpu.memory_space<vmem>> -> memref<128xi32, #tpu.memory_space<vmem>>
    %dma_wait3A_248 = arith.constant 0 : i32
    %dma_wait3A_249 = arith.constant 0 : i32
    %dma_wait3A_250 = tpu.memref_slice %arg2[%dma_wait3A_248, %dma_wait3A_249] : memref<32768x128xf32, #tpu.memory_space<hbm>> -> memref<32768x128xf32, #tpu.memory_space<hbm>>
    tpu.wait_indirect_dma semaphore(%arg7 : memref<!tpu.dma_semaphore, #tpu.memory_space<semaphore_mem>>) src(%dma_wait3A_250 : memref<32768x128xf32, #tpu.memory_space<hbm>>) dst(%dma_wait3A_244 : memref<128x128xf32, #tpu.memory_space<vmem>>)
    %add3A_251 = arith.constant 896 : i32
    %add3A_252 = arith.addi %mul3A_2, %add3A_251 : i32
    %run_scoped3A_253 = arith.constant 3 : i32
    "tpu.region"() ({
      %run_scoped3A_434 = tpu.sem_alloc : memref<!tpu.dma_semaphore, #tpu.memory_space<semaphore_mem>>
      %dma_start3A_435 = arith.constant 0 : i32
      %dma_start3A_436 = arith.constant 0 : i32
      %dma_start3A_437 = tpu.memref_slice %arg6[%run_scoped3A_253, %dma_start3A_435, %dma_start3A_436] : memref<4x128x128xf32, #tpu.memory_space<vmem>> -> memref<1x128x128xf32, #tpu.memory_space<vmem>>
      %dma_start3A_438 = tpu.memref_squeeze %dma_start3A_437 : memref<1x128x128xf32, #tpu.memory_space<vmem>> -> memref<128x128xf32, #tpu.memory_space<vmem>>
      %dma_start3A_439 = arith.constant 0 : i32
      %dma_start3A_440 = tpu.memref_slice %arg4[%add3A_252, %dma_start3A_439] : memref<65536x128xf32, #tpu.memory_space<hbm>> -> memref<128x128xf32, #tpu.memory_space<hbm>>
      %dma_start3A_441 = arith.constant 0 : i32
      %dma_start3A_442 = tpu.memref_slice %arg4[%add3A_252, %dma_start3A_441] : memref<65536x128xf32, #tpu.memory_space<hbm>> -> memref<128x128xf32, #tpu.memory_space<hbm>>
      %dma_start3A_443 = arith.constant 0 : i32
      %dma_start3A_444 = arith.constant 0 : i32
      %dma_start3A_445 = tpu.memref_slice %arg6[%run_scoped3A_253, %dma_start3A_443, %dma_start3A_444] : memref<4x128x128xf32, #tpu.memory_space<vmem>> -> memref<1x128x128xf32, #tpu.memory_space<vmem>>
      %dma_start3A_446 = tpu.memref_squeeze %dma_start3A_445 : memref<1x128x128xf32, #tpu.memory_space<vmem>> -> memref<128x128xf32, #tpu.memory_space<vmem>>
      tpu.enqueue_dma source(%dma_start3A_446 : memref<128x128xf32, #tpu.memory_space<vmem>>) target(%dma_start3A_442 : memref<128x128xf32, #tpu.memory_space<hbm>>) target_semaphore(%run_scoped3A_434 : memref<!tpu.dma_semaphore, #tpu.memory_space<semaphore_mem>>)
      %dma_wait3A_447 = arith.constant 0 : i32
      %dma_wait3A_448 = arith.constant 0 : i32
      %dma_wait3A_449 = tpu.memref_slice %arg6[%run_scoped3A_253, %dma_wait3A_447, %dma_wait3A_448] : memref<4x128x128xf32, #tpu.memory_space<vmem>> -> memref<1x128x128xf32, #tpu.memory_space<vmem>>
      %dma_wait3A_450 = tpu.memref_squeeze %dma_wait3A_449 : memref<1x128x128xf32, #tpu.memory_space<vmem>> -> memref<128x128xf32, #tpu.memory_space<vmem>>
      %dma_wait3A_451 = arith.constant 0 : i32
      %dma_wait3A_452 = tpu.memref_slice %arg4[%add3A_252, %dma_wait3A_451] : memref<65536x128xf32, #tpu.memory_space<hbm>> -> memref<128x128xf32, #tpu.memory_space<hbm>>
      %dma_wait3A_453 = arith.constant 0 : i32
      %dma_wait3A_454 = tpu.memref_slice %arg4[%add3A_252, %dma_wait3A_453] : memref<65536x128xf32, #tpu.memory_space<hbm>> -> memref<128x128xf32, #tpu.memory_space<hbm>>
      %dma_wait3A_455 = arith.constant 0 : i32
      %dma_wait3A_456 = arith.constant 0 : i32
      %dma_wait3A_457 = tpu.memref_slice %arg6[%run_scoped3A_253, %dma_wait3A_455, %dma_wait3A_456] : memref<4x128x128xf32, #tpu.memory_space<vmem>> -> memref<1x128x128xf32, #tpu.memory_space<vmem>>
      %dma_wait3A_458 = tpu.memref_squeeze %dma_wait3A_457 : memref<1x128x128xf32, #tpu.memory_space<vmem>> -> memref<128x128xf32, #tpu.memory_space<vmem>>
      tpu.wait_dma2 semaphore(%run_scoped3A_434 : memref<!tpu.dma_semaphore, #tpu.memory_space<semaphore_mem>>) src(%dma_wait3A_458 : memref<128x128xf32, #tpu.memory_space<vmem>>) dst(%dma_wait3A_454 : memref<128x128xf32, #tpu.memory_space<hbm>>)
      tpu.yield
    }) : () -> ()
    %dma_start3A_254 = arith.constant 11 : i32
    %dma_start3A_255 = arith.constant 3 : i32
    %dma_start3A_256 = arith.constant 0 : i32
    %dma_start3A_257 = arith.constant 0 : i32
    %dma_start3A_258 = tpu.memref_slice %arg6[%dma_start3A_255, %dma_start3A_256, %dma_start3A_257] : memref<4x128x128xf32, #tpu.memory_space<vmem>> -> memref<1x128x128xf32, #tpu.memory_space<vmem>>
    %dma_start3A_259 = tpu.memref_squeeze %dma_start3A_258 : memref<1x128x128xf32, #tpu.memory_space<vmem>> -> memref<128x128xf32, #tpu.memory_space<vmem>>
    %dma_start3A_260 = arith.constant 0 : i32
    %dma_start3A_261 = tpu.memref_slice %arg5[%dma_start3A_254, %dma_start3A_260] : memref<16x128xi32, #tpu.memory_space<vmem>> -> memref<1x128xi32, #tpu.memory_space<vmem>>
    %dma_start3A_262 = tpu.memref_squeeze %dma_start3A_261 : memref<1x128xi32, #tpu.memory_space<vmem>> -> memref<128xi32, #tpu.memory_space<vmem>>
    %dma_start3A_263 = arith.constant 0 : i32
    %dma_start3A_264 = arith.constant 0 : i32
    %dma_start3A_265 = tpu.memref_slice %arg2[%dma_start3A_263, %dma_start3A_264] : memref<32768x128xf32, #tpu.memory_space<hbm>> -> memref<32768x128xf32, #tpu.memory_space<hbm>>
    tpu.enqueue_indirect_dma source(%dma_start3A_265 : memref<32768x128xf32, #tpu.memory_space<hbm>>) target(%dma_start3A_259 : memref<128x128xf32, #tpu.memory_space<vmem>>) offsets(%dma_start3A_262 : memref<128xi32, #tpu.memory_space<vmem>>) semaphore(%arg7 : memref<!tpu.dma_semaphore, #tpu.memory_space<semaphore_mem>>)
    %dma_wait3A_266 = arith.constant 8 : i32
    %dma_wait3A_267 = arith.constant 0 : i32
    %dma_wait3A_268 = arith.constant 0 : i32
    %dma_wait3A_269 = arith.constant 0 : i32
    %dma_wait3A_270 = tpu.memref_slice %arg6[%dma_wait3A_267, %dma_wait3A_268, %dma_wait3A_269] : memref<4x128x128xf32, #tpu.memory_space<vmem>> -> memref<1x128x128xf32, #tpu.memory_space<vmem>>
    %dma_wait3A_271 = tpu.memref_squeeze %dma_wait3A_270 : memref<1x128x128xf32, #tpu.memory_space<vmem>> -> memref<128x128xf32, #tpu.memory_space<vmem>>
    %dma_wait3A_272 = arith.constant 0 : i32
    %dma_wait3A_273 = tpu.memref_slice %arg5[%dma_wait3A_266, %dma_wait3A_272] : memref<16x128xi32, #tpu.memory_space<vmem>> -> memref<1x128xi32, #tpu.memory_space<vmem>>
    %dma_wait3A_274 = tpu.memref_squeeze %dma_wait3A_273 : memref<1x128xi32, #tpu.memory_space<vmem>> -> memref<128xi32, #tpu.memory_space<vmem>>
    %dma_wait3A_275 = arith.constant 0 : i32
    %dma_wait3A_276 = arith.constant 0 : i32
    %dma_wait3A_277 = tpu.memref_slice %arg2[%dma_wait3A_275, %dma_wait3A_276] : memref<32768x128xf32, #tpu.memory_space<hbm>> -> memref<32768x128xf32, #tpu.memory_space<hbm>>
    tpu.wait_indirect_dma semaphore(%arg7 : memref<!tpu.dma_semaphore, #tpu.memory_space<semaphore_mem>>) src(%dma_wait3A_277 : memref<32768x128xf32, #tpu.memory_space<hbm>>) dst(%dma_wait3A_271 : memref<128x128xf32, #tpu.memory_space<vmem>>)
    %add3A_278 = arith.constant 1024 : i32
    %add3A_279 = arith.addi %mul3A_2, %add3A_278 : i32
    %run_scoped3A_280 = arith.constant 0 : i32
    "tpu.region"() ({
      %run_scoped3A_434 = tpu.sem_alloc : memref<!tpu.dma_semaphore, #tpu.memory_space<semaphore_mem>>
      %dma_start3A_435 = arith.constant 0 : i32
      %dma_start3A_436 = arith.constant 0 : i32
      %dma_start3A_437 = tpu.memref_slice %arg6[%run_scoped3A_280, %dma_start3A_435, %dma_start3A_436] : memref<4x128x128xf32, #tpu.memory_space<vmem>> -> memref<1x128x128xf32, #tpu.memory_space<vmem>>
      %dma_start3A_438 = tpu.memref_squeeze %dma_start3A_437 : memref<1x128x128xf32, #tpu.memory_space<vmem>> -> memref<128x128xf32, #tpu.memory_space<vmem>>
      %dma_start3A_439 = arith.constant 0 : i32
      %dma_start3A_440 = tpu.memref_slice %arg4[%add3A_279, %dma_start3A_439] : memref<65536x128xf32, #tpu.memory_space<hbm>> -> memref<128x128xf32, #tpu.memory_space<hbm>>
      %dma_start3A_441 = arith.constant 0 : i32
      %dma_start3A_442 = tpu.memref_slice %arg4[%add3A_279, %dma_start3A_441] : memref<65536x128xf32, #tpu.memory_space<hbm>> -> memref<128x128xf32, #tpu.memory_space<hbm>>
      %dma_start3A_443 = arith.constant 0 : i32
      %dma_start3A_444 = arith.constant 0 : i32
      %dma_start3A_445 = tpu.memref_slice %arg6[%run_scoped3A_280, %dma_start3A_443, %dma_start3A_444] : memref<4x128x128xf32, #tpu.memory_space<vmem>> -> memref<1x128x128xf32, #tpu.memory_space<vmem>>
      %dma_start3A_446 = tpu.memref_squeeze %dma_start3A_445 : memref<1x128x128xf32, #tpu.memory_space<vmem>> -> memref<128x128xf32, #tpu.memory_space<vmem>>
      tpu.enqueue_dma source(%dma_start3A_446 : memref<128x128xf32, #tpu.memory_space<vmem>>) target(%dma_start3A_442 : memref<128x128xf32, #tpu.memory_space<hbm>>) target_semaphore(%run_scoped3A_434 : memref<!tpu.dma_semaphore, #tpu.memory_space<semaphore_mem>>)
      %dma_wait3A_447 = arith.constant 0 : i32
      %dma_wait3A_448 = arith.constant 0 : i32
      %dma_wait3A_449 = tpu.memref_slice %arg6[%run_scoped3A_280, %dma_wait3A_447, %dma_wait3A_448] : memref<4x128x128xf32, #tpu.memory_space<vmem>> -> memref<1x128x128xf32, #tpu.memory_space<vmem>>
      %dma_wait3A_450 = tpu.memref_squeeze %dma_wait3A_449 : memref<1x128x128xf32, #tpu.memory_space<vmem>> -> memref<128x128xf32, #tpu.memory_space<vmem>>
      %dma_wait3A_451 = arith.constant 0 : i32
      %dma_wait3A_452 = tpu.memref_slice %arg4[%add3A_279, %dma_wait3A_451] : memref<65536x128xf32, #tpu.memory_space<hbm>> -> memref<128x128xf32, #tpu.memory_space<hbm>>
      %dma_wait3A_453 = arith.constant 0 : i32
      %dma_wait3A_454 = tpu.memref_slice %arg4[%add3A_279, %dma_wait3A_453] : memref<65536x128xf32, #tpu.memory_space<hbm>> -> memref<128x128xf32, #tpu.memory_space<hbm>>
      %dma_wait3A_455 = arith.constant 0 : i32
      %dma_wait3A_456 = arith.constant 0 : i32
      %dma_wait3A_457 = tpu.memref_slice %arg6[%run_scoped3A_280, %dma_wait3A_455, %dma_wait3A_456] : memref<4x128x128xf32, #tpu.memory_space<vmem>> -> memref<1x128x128xf32, #tpu.memory_space<vmem>>
      %dma_wait3A_458 = tpu.memref_squeeze %dma_wait3A_457 : memref<1x128x128xf32, #tpu.memory_space<vmem>> -> memref<128x128xf32, #tpu.memory_space<vmem>>
      tpu.wait_dma2 semaphore(%run_scoped3A_434 : memref<!tpu.dma_semaphore, #tpu.memory_space<semaphore_mem>>) src(%dma_wait3A_458 : memref<128x128xf32, #tpu.memory_space<vmem>>) dst(%dma_wait3A_454 : memref<128x128xf32, #tpu.memory_space<hbm>>)
      tpu.yield
    }) : () -> ()
    %dma_start3A_281 = arith.constant 12 : i32
    %dma_start3A_282 = arith.constant 0 : i32
    %dma_start3A_283 = arith.constant 0 : i32
    %dma_start3A_284 = arith.constant 0 : i32
    %dma_start3A_285 = tpu.memref_slice %arg6[%dma_start3A_282, %dma_start3A_283, %dma_start3A_284] : memref<4x128x128xf32, #tpu.memory_space<vmem>> -> memref<1x128x128xf32, #tpu.memory_space<vmem>>
    %dma_start3A_286 = tpu.memref_squeeze %dma_start3A_285 : memref<1x128x128xf32, #tpu.memory_space<vmem>> -> memref<128x128xf32, #tpu.memory_space<vmem>>
    %dma_start3A_287 = arith.constant 0 : i32
    %dma_start3A_288 = tpu.memref_slice %arg5[%dma_start3A_281, %dma_start3A_287] : memref<16x128xi32, #tpu.memory_space<vmem>> -> memref<1x128xi32, #tpu.memory_space<vmem>>
    %dma_start3A_289 = tpu.memref_squeeze %dma_start3A_288 : memref<1x128xi32, #tpu.memory_space<vmem>> -> memref<128xi32, #tpu.memory_space<vmem>>
    %dma_start3A_290 = arith.constant 0 : i32
    %dma_start3A_291 = arith.constant 0 : i32
    %dma_start3A_292 = tpu.memref_slice %arg2[%dma_start3A_290, %dma_start3A_291] : memref<32768x128xf32, #tpu.memory_space<hbm>> -> memref<32768x128xf32, #tpu.memory_space<hbm>>
    tpu.enqueue_indirect_dma source(%dma_start3A_292 : memref<32768x128xf32, #tpu.memory_space<hbm>>) target(%dma_start3A_286 : memref<128x128xf32, #tpu.memory_space<vmem>>) offsets(%dma_start3A_289 : memref<128xi32, #tpu.memory_space<vmem>>) semaphore(%arg7 : memref<!tpu.dma_semaphore, #tpu.memory_space<semaphore_mem>>)
    %dma_wait3A_293 = arith.constant 9 : i32
    %dma_wait3A_294 = arith.constant 1 : i32
    %dma_wait3A_295 = arith.constant 0 : i32
    %dma_wait3A_296 = arith.constant 0 : i32
    %dma_wait3A_297 = tpu.memref_slice %arg6[%dma_wait3A_294, %dma_wait3A_295, %dma_wait3A_296] : memref<4x128x128xf32, #tpu.memory_space<vmem>> -> memref<1x128x128xf32, #tpu.memory_space<vmem>>
    %dma_wait3A_298 = tpu.memref_squeeze %dma_wait3A_297 : memref<1x128x128xf32, #tpu.memory_space<vmem>> -> memref<128x128xf32, #tpu.memory_space<vmem>>
    %dma_wait3A_299 = arith.constant 0 : i32
    %dma_wait3A_300 = tpu.memref_slice %arg5[%dma_wait3A_293, %dma_wait3A_299] : memref<16x128xi32, #tpu.memory_space<vmem>> -> memref<1x128xi32, #tpu.memory_space<vmem>>
    %dma_wait3A_301 = tpu.memref_squeeze %dma_wait3A_300 : memref<1x128xi32, #tpu.memory_space<vmem>> -> memref<128xi32, #tpu.memory_space<vmem>>
    %dma_wait3A_302 = arith.constant 0 : i32
    %dma_wait3A_303 = arith.constant 0 : i32
    %dma_wait3A_304 = tpu.memref_slice %arg2[%dma_wait3A_302, %dma_wait3A_303] : memref<32768x128xf32, #tpu.memory_space<hbm>> -> memref<32768x128xf32, #tpu.memory_space<hbm>>
    tpu.wait_indirect_dma semaphore(%arg7 : memref<!tpu.dma_semaphore, #tpu.memory_space<semaphore_mem>>) src(%dma_wait3A_304 : memref<32768x128xf32, #tpu.memory_space<hbm>>) dst(%dma_wait3A_298 : memref<128x128xf32, #tpu.memory_space<vmem>>)
    %add3A_305 = arith.constant 1152 : i32
    %add3A_306 = arith.addi %mul3A_2, %add3A_305 : i32
    %run_scoped3A_307 = arith.constant 1 : i32
    "tpu.region"() ({
      %run_scoped3A_434 = tpu.sem_alloc : memref<!tpu.dma_semaphore, #tpu.memory_space<semaphore_mem>>
      %dma_start3A_435 = arith.constant 0 : i32
      %dma_start3A_436 = arith.constant 0 : i32
      %dma_start3A_437 = tpu.memref_slice %arg6[%run_scoped3A_307, %dma_start3A_435, %dma_start3A_436] : memref<4x128x128xf32, #tpu.memory_space<vmem>> -> memref<1x128x128xf32, #tpu.memory_space<vmem>>
      %dma_start3A_438 = tpu.memref_squeeze %dma_start3A_437 : memref<1x128x128xf32, #tpu.memory_space<vmem>> -> memref<128x128xf32, #tpu.memory_space<vmem>>
      %dma_start3A_439 = arith.constant 0 : i32
      %dma_start3A_440 = tpu.memref_slice %arg4[%add3A_306, %dma_start3A_439] : memref<65536x128xf32, #tpu.memory_space<hbm>> -> memref<128x128xf32, #tpu.memory_space<hbm>>
      %dma_start3A_441 = arith.constant 0 : i32
      %dma_start3A_442 = tpu.memref_slice %arg4[%add3A_306, %dma_start3A_441] : memref<65536x128xf32, #tpu.memory_space<hbm>> -> memref<128x128xf32, #tpu.memory_space<hbm>>
      %dma_start3A_443 = arith.constant 0 : i32
      %dma_start3A_444 = arith.constant 0 : i32
      %dma_start3A_445 = tpu.memref_slice %arg6[%run_scoped3A_307, %dma_start3A_443, %dma_start3A_444] : memref<4x128x128xf32, #tpu.memory_space<vmem>> -> memref<1x128x128xf32, #tpu.memory_space<vmem>>
      %dma_start3A_446 = tpu.memref_squeeze %dma_start3A_445 : memref<1x128x128xf32, #tpu.memory_space<vmem>> -> memref<128x128xf32, #tpu.memory_space<vmem>>
      tpu.enqueue_dma source(%dma_start3A_446 : memref<128x128xf32, #tpu.memory_space<vmem>>) target(%dma_start3A_442 : memref<128x128xf32, #tpu.memory_space<hbm>>) target_semaphore(%run_scoped3A_434 : memref<!tpu.dma_semaphore, #tpu.memory_space<semaphore_mem>>)
      %dma_wait3A_447 = arith.constant 0 : i32
      %dma_wait3A_448 = arith.constant 0 : i32
      %dma_wait3A_449 = tpu.memref_slice %arg6[%run_scoped3A_307, %dma_wait3A_447, %dma_wait3A_448] : memref<4x128x128xf32, #tpu.memory_space<vmem>> -> memref<1x128x128xf32, #tpu.memory_space<vmem>>
      %dma_wait3A_450 = tpu.memref_squeeze %dma_wait3A_449 : memref<1x128x128xf32, #tpu.memory_space<vmem>> -> memref<128x128xf32, #tpu.memory_space<vmem>>
      %dma_wait3A_451 = arith.constant 0 : i32
      %dma_wait3A_452 = tpu.memref_slice %arg4[%add3A_306, %dma_wait3A_451] : memref<65536x128xf32, #tpu.memory_space<hbm>> -> memref<128x128xf32, #tpu.memory_space<hbm>>
      %dma_wait3A_453 = arith.constant 0 : i32
      %dma_wait3A_454 = tpu.memref_slice %arg4[%add3A_306, %dma_wait3A_453] : memref<65536x128xf32, #tpu.memory_space<hbm>> -> memref<128x128xf32, #tpu.memory_space<hbm>>
      %dma_wait3A_455 = arith.constant 0 : i32
      %dma_wait3A_456 = arith.constant 0 : i32
      %dma_wait3A_457 = tpu.memref_slice %arg6[%run_scoped3A_307, %dma_wait3A_455, %dma_wait3A_456] : memref<4x128x128xf32, #tpu.memory_space<vmem>> -> memref<1x128x128xf32, #tpu.memory_space<vmem>>
      %dma_wait3A_458 = tpu.memref_squeeze %dma_wait3A_457 : memref<1x128x128xf32, #tpu.memory_space<vmem>> -> memref<128x128xf32, #tpu.memory_space<vmem>>
      tpu.wait_dma2 semaphore(%run_scoped3A_434 : memref<!tpu.dma_semaphore, #tpu.memory_space<semaphore_mem>>) src(%dma_wait3A_458 : memref<128x128xf32, #tpu.memory_space<vmem>>) dst(%dma_wait3A_454 : memref<128x128xf32, #tpu.memory_space<hbm>>)
      tpu.yield
    }) : () -> ()
    %dma_start3A_308 = arith.constant 13 : i32
    %dma_start3A_309 = arith.constant 1 : i32
    %dma_start3A_310 = arith.constant 0 : i32
    %dma_start3A_311 = arith.constant 0 : i32
    %dma_start3A_312 = tpu.memref_slice %arg6[%dma_start3A_309, %dma_start3A_310, %dma_start3A_311] : memref<4x128x128xf32, #tpu.memory_space<vmem>> -> memref<1x128x128xf32, #tpu.memory_space<vmem>>
    %dma_start3A_313 = tpu.memref_squeeze %dma_start3A_312 : memref<1x128x128xf32, #tpu.memory_space<vmem>> -> memref<128x128xf32, #tpu.memory_space<vmem>>
    %dma_start3A_314 = arith.constant 0 : i32
    %dma_start3A_315 = tpu.memref_slice %arg5[%dma_start3A_308, %dma_start3A_314] : memref<16x128xi32, #tpu.memory_space<vmem>> -> memref<1x128xi32, #tpu.memory_space<vmem>>
    %dma_start3A_316 = tpu.memref_squeeze %dma_start3A_315 : memref<1x128xi32, #tpu.memory_space<vmem>> -> memref<128xi32, #tpu.memory_space<vmem>>
    %dma_start3A_317 = arith.constant 0 : i32
    %dma_start3A_318 = arith.constant 0 : i32
    %dma_start3A_319 = tpu.memref_slice %arg2[%dma_start3A_317, %dma_start3A_318] : memref<32768x128xf32, #tpu.memory_space<hbm>> -> memref<32768x128xf32, #tpu.memory_space<hbm>>
    tpu.enqueue_indirect_dma source(%dma_start3A_319 : memref<32768x128xf32, #tpu.memory_space<hbm>>) target(%dma_start3A_313 : memref<128x128xf32, #tpu.memory_space<vmem>>) offsets(%dma_start3A_316 : memref<128xi32, #tpu.memory_space<vmem>>) semaphore(%arg7 : memref<!tpu.dma_semaphore, #tpu.memory_space<semaphore_mem>>)
    %dma_wait3A_320 = arith.constant 10 : i32
    %dma_wait3A_321 = arith.constant 2 : i32
    %dma_wait3A_322 = arith.constant 0 : i32
    %dma_wait3A_323 = arith.constant 0 : i32
    %dma_wait3A_324 = tpu.memref_slice %arg6[%dma_wait3A_321, %dma_wait3A_322, %dma_wait3A_323] : memref<4x128x128xf32, #tpu.memory_space<vmem>> -> memref<1x128x128xf32, #tpu.memory_space<vmem>>
    %dma_wait3A_325 = tpu.memref_squeeze %dma_wait3A_324 : memref<1x128x128xf32, #tpu.memory_space<vmem>> -> memref<128x128xf32, #tpu.memory_space<vmem>>
    %dma_wait3A_326 = arith.constant 0 : i32
    %dma_wait3A_327 = tpu.memref_slice %arg5[%dma_wait3A_320, %dma_wait3A_326] : memref<16x128xi32, #tpu.memory_space<vmem>> -> memref<1x128xi32, #tpu.memory_space<vmem>>
    %dma_wait3A_328 = tpu.memref_squeeze %dma_wait3A_327 : memref<1x128xi32, #tpu.memory_space<vmem>> -> memref<128xi32, #tpu.memory_space<vmem>>
    %dma_wait3A_329 = arith.constant 0 : i32
    %dma_wait3A_330 = arith.constant 0 : i32
    %dma_wait3A_331 = tpu.memref_slice %arg2[%dma_wait3A_329, %dma_wait3A_330] : memref<32768x128xf32, #tpu.memory_space<hbm>> -> memref<32768x128xf32, #tpu.memory_space<hbm>>
    tpu.wait_indirect_dma semaphore(%arg7 : memref<!tpu.dma_semaphore, #tpu.memory_space<semaphore_mem>>) src(%dma_wait3A_331 : memref<32768x128xf32, #tpu.memory_space<hbm>>) dst(%dma_wait3A_325 : memref<128x128xf32, #tpu.memory_space<vmem>>)
    %add3A_332 = arith.constant 1280 : i32
    %add3A_333 = arith.addi %mul3A_2, %add3A_332 : i32
    %run_scoped3A_334 = arith.constant 2 : i32
    "tpu.region"() ({
      %run_scoped3A_434 = tpu.sem_alloc : memref<!tpu.dma_semaphore, #tpu.memory_space<semaphore_mem>>
      %dma_start3A_435 = arith.constant 0 : i32
      %dma_start3A_436 = arith.constant 0 : i32
      %dma_start3A_437 = tpu.memref_slice %arg6[%run_scoped3A_334, %dma_start3A_435, %dma_start3A_436] : memref<4x128x128xf32, #tpu.memory_space<vmem>> -> memref<1x128x128xf32, #tpu.memory_space<vmem>>
      %dma_start3A_438 = tpu.memref_squeeze %dma_start3A_437 : memref<1x128x128xf32, #tpu.memory_space<vmem>> -> memref<128x128xf32, #tpu.memory_space<vmem>>
      %dma_start3A_439 = arith.constant 0 : i32
      %dma_start3A_440 = tpu.memref_slice %arg4[%add3A_333, %dma_start3A_439] : memref<65536x128xf32, #tpu.memory_space<hbm>> -> memref<128x128xf32, #tpu.memory_space<hbm>>
      %dma_start3A_441 = arith.constant 0 : i32
      %dma_start3A_442 = tpu.memref_slice %arg4[%add3A_333, %dma_start3A_441] : memref<65536x128xf32, #tpu.memory_space<hbm>> -> memref<128x128xf32, #tpu.memory_space<hbm>>
      %dma_start3A_443 = arith.constant 0 : i32
      %dma_start3A_444 = arith.constant 0 : i32
      %dma_start3A_445 = tpu.memref_slice %arg6[%run_scoped3A_334, %dma_start3A_443, %dma_start3A_444] : memref<4x128x128xf32, #tpu.memory_space<vmem>> -> memref<1x128x128xf32, #tpu.memory_space<vmem>>
      %dma_start3A_446 = tpu.memref_squeeze %dma_start3A_445 : memref<1x128x128xf32, #tpu.memory_space<vmem>> -> memref<128x128xf32, #tpu.memory_space<vmem>>
      tpu.enqueue_dma source(%dma_start3A_446 : memref<128x128xf32, #tpu.memory_space<vmem>>) target(%dma_start3A_442 : memref<128x128xf32, #tpu.memory_space<hbm>>) target_semaphore(%run_scoped3A_434 : memref<!tpu.dma_semaphore, #tpu.memory_space<semaphore_mem>>)
      %dma_wait3A_447 = arith.constant 0 : i32
      %dma_wait3A_448 = arith.constant 0 : i32
      %dma_wait3A_449 = tpu.memref_slice %arg6[%run_scoped3A_334, %dma_wait3A_447, %dma_wait3A_448] : memref<4x128x128xf32, #tpu.memory_space<vmem>> -> memref<1x128x128xf32, #tpu.memory_space<vmem>>
      %dma_wait3A_450 = tpu.memref_squeeze %dma_wait3A_449 : memref<1x128x128xf32, #tpu.memory_space<vmem>> -> memref<128x128xf32, #tpu.memory_space<vmem>>
      %dma_wait3A_451 = arith.constant 0 : i32
      %dma_wait3A_452 = tpu.memref_slice %arg4[%add3A_333, %dma_wait3A_451] : memref<65536x128xf32, #tpu.memory_space<hbm>> -> memref<128x128xf32, #tpu.memory_space<hbm>>
      %dma_wait3A_453 = arith.constant 0 : i32
      %dma_wait3A_454 = tpu.memref_slice %arg4[%add3A_333, %dma_wait3A_453] : memref<65536x128xf32, #tpu.memory_space<hbm>> -> memref<128x128xf32, #tpu.memory_space<hbm>>
      %dma_wait3A_455 = arith.constant 0 : i32
      %dma_wait3A_456 = arith.constant 0 : i32
      %dma_wait3A_457 = tpu.memref_slice %arg6[%run_scoped3A_334, %dma_wait3A_455, %dma_wait3A_456] : memref<4x128x128xf32, #tpu.memory_space<vmem>> -> memref<1x128x128xf32, #tpu.memory_space<vmem>>
      %dma_wait3A_458 = tpu.memref_squeeze %dma_wait3A_457 : memref<1x128x128xf32, #tpu.memory_space<vmem>> -> memref<128x128xf32, #tpu.memory_space<vmem>>
      tpu.wait_dma2 semaphore(%run_scoped3A_434 : memref<!tpu.dma_semaphore, #tpu.memory_space<semaphore_mem>>) src(%dma_wait3A_458 : memref<128x128xf32, #tpu.memory_space<vmem>>) dst(%dma_wait3A_454 : memref<128x128xf32, #tpu.memory_space<hbm>>)
      tpu.yield
    }) : () -> ()
    %dma_start3A_335 = arith.constant 14 : i32
    %dma_start3A_336 = arith.constant 2 : i32
    %dma_start3A_337 = arith.constant 0 : i32
    %dma_start3A_338 = arith.constant 0 : i32
    %dma_start3A_339 = tpu.memref_slice %arg6[%dma_start3A_336, %dma_start3A_337, %dma_start3A_338] : memref<4x128x128xf32, #tpu.memory_space<vmem>> -> memref<1x128x128xf32, #tpu.memory_space<vmem>>
    %dma_start3A_340 = tpu.memref_squeeze %dma_start3A_339 : memref<1x128x128xf32, #tpu.memory_space<vmem>> -> memref<128x128xf32, #tpu.memory_space<vmem>>
    %dma_start3A_341 = arith.constant 0 : i32
    %dma_start3A_342 = tpu.memref_slice %arg5[%dma_start3A_335, %dma_start3A_341] : memref<16x128xi32, #tpu.memory_space<vmem>> -> memref<1x128xi32, #tpu.memory_space<vmem>>
    %dma_start3A_343 = tpu.memref_squeeze %dma_start3A_342 : memref<1x128xi32, #tpu.memory_space<vmem>> -> memref<128xi32, #tpu.memory_space<vmem>>
    %dma_start3A_344 = arith.constant 0 : i32
    %dma_start3A_345 = arith.constant 0 : i32
    %dma_start3A_346 = tpu.memref_slice %arg2[%dma_start3A_344, %dma_start3A_345] : memref<32768x128xf32, #tpu.memory_space<hbm>> -> memref<32768x128xf32, #tpu.memory_space<hbm>>
    tpu.enqueue_indirect_dma source(%dma_start3A_346 : memref<32768x128xf32, #tpu.memory_space<hbm>>) target(%dma_start3A_340 : memref<128x128xf32, #tpu.memory_space<vmem>>) offsets(%dma_start3A_343 : memref<128xi32, #tpu.memory_space<vmem>>) semaphore(%arg7 : memref<!tpu.dma_semaphore, #tpu.memory_space<semaphore_mem>>)
    %dma_wait3A_347 = arith.constant 11 : i32
    %dma_wait3A_348 = arith.constant 3 : i32
    %dma_wait3A_349 = arith.constant 0 : i32
    %dma_wait3A_350 = arith.constant 0 : i32
    %dma_wait3A_351 = tpu.memref_slice %arg6[%dma_wait3A_348, %dma_wait3A_349, %dma_wait3A_350] : memref<4x128x128xf32, #tpu.memory_space<vmem>> -> memref<1x128x128xf32, #tpu.memory_space<vmem>>
    %dma_wait3A_352 = tpu.memref_squeeze %dma_wait3A_351 : memref<1x128x128xf32, #tpu.memory_space<vmem>> -> memref<128x128xf32, #tpu.memory_space<vmem>>
    %dma_wait3A_353 = arith.constant 0 : i32
    %dma_wait3A_354 = tpu.memref_slice %arg5[%dma_wait3A_347, %dma_wait3A_353] : memref<16x128xi32, #tpu.memory_space<vmem>> -> memref<1x128xi32, #tpu.memory_space<vmem>>
    %dma_wait3A_355 = tpu.memref_squeeze %dma_wait3A_354 : memref<1x128xi32, #tpu.memory_space<vmem>> -> memref<128xi32, #tpu.memory_space<vmem>>
    %dma_wait3A_356 = arith.constant 0 : i32
    %dma_wait3A_357 = arith.constant 0 : i32
    %dma_wait3A_358 = tpu.memref_slice %arg2[%dma_wait3A_356, %dma_wait3A_357] : memref<32768x128xf32, #tpu.memory_space<hbm>> -> memref<32768x128xf32, #tpu.memory_space<hbm>>
    tpu.wait_indirect_dma semaphore(%arg7 : memref<!tpu.dma_semaphore, #tpu.memory_space<semaphore_mem>>) src(%dma_wait3A_358 : memref<32768x128xf32, #tpu.memory_space<hbm>>) dst(%dma_wait3A_352 : memref<128x128xf32, #tpu.memory_space<vmem>>)
    %add3A_359 = arith.constant 1408 : i32
    %add3A_360 = arith.addi %mul3A_2, %add3A_359 : i32
    %run_scoped3A_361 = arith.constant 3 : i32
    "tpu.region"() ({
      %run_scoped3A_434 = tpu.sem_alloc : memref<!tpu.dma_semaphore, #tpu.memory_space<semaphore_mem>>
      %dma_start3A_435 = arith.constant 0 : i32
      %dma_start3A_436 = arith.constant 0 : i32
      %dma_start3A_437 = tpu.memref_slice %arg6[%run_scoped3A_361, %dma_start3A_435, %dma_start3A_436] : memref<4x128x128xf32, #tpu.memory_space<vmem>> -> memref<1x128x128xf32, #tpu.memory_space<vmem>>
      %dma_start3A_438 = tpu.memref_squeeze %dma_start3A_437 : memref<1x128x128xf32, #tpu.memory_space<vmem>> -> memref<128x128xf32, #tpu.memory_space<vmem>>
      %dma_start3A_439 = arith.constant 0 : i32
      %dma_start3A_440 = tpu.memref_slice %arg4[%add3A_360, %dma_start3A_439] : memref<65536x128xf32, #tpu.memory_space<hbm>> -> memref<128x128xf32, #tpu.memory_space<hbm>>
      %dma_start3A_441 = arith.constant 0 : i32
      %dma_start3A_442 = tpu.memref_slice %arg4[%add3A_360, %dma_start3A_441] : memref<65536x128xf32, #tpu.memory_space<hbm>> -> memref<128x128xf32, #tpu.memory_space<hbm>>
      %dma_start3A_443 = arith.constant 0 : i32
      %dma_start3A_444 = arith.constant 0 : i32
      %dma_start3A_445 = tpu.memref_slice %arg6[%run_scoped3A_361, %dma_start3A_443, %dma_start3A_444] : memref<4x128x128xf32, #tpu.memory_space<vmem>> -> memref<1x128x128xf32, #tpu.memory_space<vmem>>
      %dma_start3A_446 = tpu.memref_squeeze %dma_start3A_445 : memref<1x128x128xf32, #tpu.memory_space<vmem>> -> memref<128x128xf32, #tpu.memory_space<vmem>>
      tpu.enqueue_dma source(%dma_start3A_446 : memref<128x128xf32, #tpu.memory_space<vmem>>) target(%dma_start3A_442 : memref<128x128xf32, #tpu.memory_space<hbm>>) target_semaphore(%run_scoped3A_434 : memref<!tpu.dma_semaphore, #tpu.memory_space<semaphore_mem>>)
      %dma_wait3A_447 = arith.constant 0 : i32
      %dma_wait3A_448 = arith.constant 0 : i32
      %dma_wait3A_449 = tpu.memref_slice %arg6[%run_scoped3A_361, %dma_wait3A_447, %dma_wait3A_448] : memref<4x128x128xf32, #tpu.memory_space<vmem>> -> memref<1x128x128xf32, #tpu.memory_space<vmem>>
      %dma_wait3A_450 = tpu.memref_squeeze %dma_wait3A_449 : memref<1x128x128xf32, #tpu.memory_space<vmem>> -> memref<128x128xf32, #tpu.memory_space<vmem>>
      %dma_wait3A_451 = arith.constant 0 : i32
      %dma_wait3A_452 = tpu.memref_slice %arg4[%add3A_360, %dma_wait3A_451] : memref<65536x128xf32, #tpu.memory_space<hbm>> -> memref<128x128xf32, #tpu.memory_space<hbm>>
      %dma_wait3A_453 = arith.constant 0 : i32
      %dma_wait3A_454 = tpu.memref_slice %arg4[%add3A_360, %dma_wait3A_453] : memref<65536x128xf32, #tpu.memory_space<hbm>> -> memref<128x128xf32, #tpu.memory_space<hbm>>
      %dma_wait3A_455 = arith.constant 0 : i32
      %dma_wait3A_456 = arith.constant 0 : i32
      %dma_wait3A_457 = tpu.memref_slice %arg6[%run_scoped3A_361, %dma_wait3A_455, %dma_wait3A_456] : memref<4x128x128xf32, #tpu.memory_space<vmem>> -> memref<1x128x128xf32, #tpu.memory_space<vmem>>
      %dma_wait3A_458 = tpu.memref_squeeze %dma_wait3A_457 : memref<1x128x128xf32, #tpu.memory_space<vmem>> -> memref<128x128xf32, #tpu.memory_space<vmem>>
      tpu.wait_dma2 semaphore(%run_scoped3A_434 : memref<!tpu.dma_semaphore, #tpu.memory_space<semaphore_mem>>) src(%dma_wait3A_458 : memref<128x128xf32, #tpu.memory_space<vmem>>) dst(%dma_wait3A_454 : memref<128x128xf32, #tpu.memory_space<hbm>>)
      tpu.yield
    }) : () -> ()
    %dma_start3A_362 = arith.constant 15 : i32
    %dma_start3A_363 = arith.constant 3 : i32
    %dma_start3A_364 = arith.constant 0 : i32
    %dma_start3A_365 = arith.constant 0 : i32
    %dma_start3A_366 = tpu.memref_slice %arg6[%dma_start3A_363, %dma_start3A_364, %dma_start3A_365] : memref<4x128x128xf32, #tpu.memory_space<vmem>> -> memref<1x128x128xf32, #tpu.memory_space<vmem>>
    %dma_start3A_367 = tpu.memref_squeeze %dma_start3A_366 : memref<1x128x128xf32, #tpu.memory_space<vmem>> -> memref<128x128xf32, #tpu.memory_space<vmem>>
    %dma_start3A_368 = arith.constant 0 : i32
    %dma_start3A_369 = tpu.memref_slice %arg5[%dma_start3A_362, %dma_start3A_368] : memref<16x128xi32, #tpu.memory_space<vmem>> -> memref<1x128xi32, #tpu.memory_space<vmem>>
    %dma_start3A_370 = tpu.memref_squeeze %dma_start3A_369 : memref<1x128xi32, #tpu.memory_space<vmem>> -> memref<128xi32, #tpu.memory_space<vmem>>
    %dma_start3A_371 = arith.constant 0 : i32
    %dma_start3A_372 = arith.constant 0 : i32
    %dma_start3A_373 = tpu.memref_slice %arg2[%dma_start3A_371, %dma_start3A_372] : memref<32768x128xf32, #tpu.memory_space<hbm>> -> memref<32768x128xf32, #tpu.memory_space<hbm>>
    tpu.enqueue_indirect_dma source(%dma_start3A_373 : memref<32768x128xf32, #tpu.memory_space<hbm>>) target(%dma_start3A_367 : memref<128x128xf32, #tpu.memory_space<vmem>>) offsets(%dma_start3A_370 : memref<128xi32, #tpu.memory_space<vmem>>) semaphore(%arg7 : memref<!tpu.dma_semaphore, #tpu.memory_space<semaphore_mem>>)
    %dma_wait3A_374 = arith.constant 12 : i32
    %dma_wait3A_375 = arith.constant 0 : i32
    %dma_wait3A_376 = arith.constant 0 : i32
    %dma_wait3A_377 = arith.constant 0 : i32
    %dma_wait3A_378 = tpu.memref_slice %arg6[%dma_wait3A_375, %dma_wait3A_376, %dma_wait3A_377] : memref<4x128x128xf32, #tpu.memory_space<vmem>> -> memref<1x128x128xf32, #tpu.memory_space<vmem>>
    %dma_wait3A_379 = tpu.memref_squeeze %dma_wait3A_378 : memref<1x128x128xf32, #tpu.memory_space<vmem>> -> memref<128x128xf32, #tpu.memory_space<vmem>>
    %dma_wait3A_380 = arith.constant 0 : i32
    %dma_wait3A_381 = tpu.memref_slice %arg5[%dma_wait3A_374, %dma_wait3A_380] : memref<16x128xi32, #tpu.memory_space<vmem>> -> memref<1x128xi32, #tpu.memory_space<vmem>>
    %dma_wait3A_382 = tpu.memref_squeeze %dma_wait3A_381 : memref<1x128xi32, #tpu.memory_space<vmem>> -> memref<128xi32, #tpu.memory_space<vmem>>
    %dma_wait3A_383 = arith.constant 0 : i32
    %dma_wait3A_384 = arith.constant 0 : i32
    %dma_wait3A_385 = tpu.memref_slice %arg2[%dma_wait3A_383, %dma_wait3A_384] : memref<32768x128xf32, #tpu.memory_space<hbm>> -> memref<32768x128xf32, #tpu.memory_space<hbm>>
    tpu.wait_indirect_dma semaphore(%arg7 : memref<!tpu.dma_semaphore, #tpu.memory_space<semaphore_mem>>) src(%dma_wait3A_385 : memref<32768x128xf32, #tpu.memory_space<hbm>>) dst(%dma_wait3A_379 : memref<128x128xf32, #tpu.memory_space<vmem>>)
    %add3A_386 = arith.constant 1536 : i32
    %add3A_387 = arith.addi %mul3A_2, %add3A_386 : i32
    %run_scoped3A_388 = arith.constant 0 : i32
    "tpu.region"() ({
      %run_scoped3A_434 = tpu.sem_alloc : memref<!tpu.dma_semaphore, #tpu.memory_space<semaphore_mem>>
      %dma_start3A_435 = arith.constant 0 : i32
      %dma_start3A_436 = arith.constant 0 : i32
      %dma_start3A_437 = tpu.memref_slice %arg6[%run_scoped3A_388, %dma_start3A_435, %dma_start3A_436] : memref<4x128x128xf32, #tpu.memory_space<vmem>> -> memref<1x128x128xf32, #tpu.memory_space<vmem>>
      %dma_start3A_438 = tpu.memref_squeeze %dma_start3A_437 : memref<1x128x128xf32, #tpu.memory_space<vmem>> -> memref<128x128xf32, #tpu.memory_space<vmem>>
      %dma_start3A_439 = arith.constant 0 : i32
      %dma_start3A_440 = tpu.memref_slice %arg4[%add3A_387, %dma_start3A_439] : memref<65536x128xf32, #tpu.memory_space<hbm>> -> memref<128x128xf32, #tpu.memory_space<hbm>>
      %dma_start3A_441 = arith.constant 0 : i32
      %dma_start3A_442 = tpu.memref_slice %arg4[%add3A_387, %dma_start3A_441] : memref<65536x128xf32, #tpu.memory_space<hbm>> -> memref<128x128xf32, #tpu.memory_space<hbm>>
      %dma_start3A_443 = arith.constant 0 : i32
      %dma_start3A_444 = arith.constant 0 : i32
      %dma_start3A_445 = tpu.memref_slice %arg6[%run_scoped3A_388, %dma_start3A_443, %dma_start3A_444] : memref<4x128x128xf32, #tpu.memory_space<vmem>> -> memref<1x128x128xf32, #tpu.memory_space<vmem>>
      %dma_start3A_446 = tpu.memref_squeeze %dma_start3A_445 : memref<1x128x128xf32, #tpu.memory_space<vmem>> -> memref<128x128xf32, #tpu.memory_space<vmem>>
      tpu.enqueue_dma source(%dma_start3A_446 : memref<128x128xf32, #tpu.memory_space<vmem>>) target(%dma_start3A_442 : memref<128x128xf32, #tpu.memory_space<hbm>>) target_semaphore(%run_scoped3A_434 : memref<!tpu.dma_semaphore, #tpu.memory_space<semaphore_mem>>)
      %dma_wait3A_447 = arith.constant 0 : i32
      %dma_wait3A_448 = arith.constant 0 : i32
      %dma_wait3A_449 = tpu.memref_slice %arg6[%run_scoped3A_388, %dma_wait3A_447, %dma_wait3A_448] : memref<4x128x128xf32, #tpu.memory_space<vmem>> -> memref<1x128x128xf32, #tpu.memory_space<vmem>>
      %dma_wait3A_450 = tpu.memref_squeeze %dma_wait3A_449 : memref<1x128x128xf32, #tpu.memory_space<vmem>> -> memref<128x128xf32, #tpu.memory_space<vmem>>
      %dma_wait3A_451 = arith.constant 0 : i32
      %dma_wait3A_452 = tpu.memref_slice %arg4[%add3A_387, %dma_wait3A_451] : memref<65536x128xf32, #tpu.memory_space<hbm>> -> memref<128x128xf32, #tpu.memory_space<hbm>>
      %dma_wait3A_453 = arith.constant 0 : i32
      %dma_wait3A_454 = tpu.memref_slice %arg4[%add3A_387, %dma_wait3A_453] : memref<65536x128xf32, #tpu.memory_space<hbm>> -> memref<128x128xf32, #tpu.memory_space<hbm>>
      %dma_wait3A_455 = arith.constant 0 : i32
      %dma_wait3A_456 = arith.constant 0 : i32
      %dma_wait3A_457 = tpu.memref_slice %arg6[%run_scoped3A_388, %dma_wait3A_455, %dma_wait3A_456] : memref<4x128x128xf32, #tpu.memory_space<vmem>> -> memref<1x128x128xf32, #tpu.memory_space<vmem>>
      %dma_wait3A_458 = tpu.memref_squeeze %dma_wait3A_457 : memref<1x128x128xf32, #tpu.memory_space<vmem>> -> memref<128x128xf32, #tpu.memory_space<vmem>>
      tpu.wait_dma2 semaphore(%run_scoped3A_434 : memref<!tpu.dma_semaphore, #tpu.memory_space<semaphore_mem>>) src(%dma_wait3A_458 : memref<128x128xf32, #tpu.memory_space<vmem>>) dst(%dma_wait3A_454 : memref<128x128xf32, #tpu.memory_space<hbm>>)
      tpu.yield
    }) : () -> ()
    %dma_wait3A_389 = arith.constant 13 : i32
    %dma_wait3A_390 = arith.constant 1 : i32
    %dma_wait3A_391 = arith.constant 0 : i32
    %dma_wait3A_392 = arith.constant 0 : i32
    %dma_wait3A_393 = tpu.memref_slice %arg6[%dma_wait3A_390, %dma_wait3A_391, %dma_wait3A_392] : memref<4x128x128xf32, #tpu.memory_space<vmem>> -> memref<1x128x128xf32, #tpu.memory_space<vmem>>
    %dma_wait3A_394 = tpu.memref_squeeze %dma_wait3A_393 : memref<1x128x128xf32, #tpu.memory_space<vmem>> -> memref<128x128xf32, #tpu.memory_space<vmem>>
    %dma_wait3A_395 = arith.constant 0 : i32
    %dma_wait3A_396 = tpu.memref_slice %arg5[%dma_wait3A_389, %dma_wait3A_395] : memref<16x128xi32, #tpu.memory_space<vmem>> -> memref<1x128xi32, #tpu.memory_space<vmem>>
    %dma_wait3A_397 = tpu.memref_squeeze %dma_wait3A_396 : memref<1x128xi32, #tpu.memory_space<vmem>> -> memref<128xi32, #tpu.memory_space<vmem>>
    %dma_wait3A_398 = arith.constant 0 : i32
    %dma_wait3A_399 = arith.constant 0 : i32
    %dma_wait3A_400 = tpu.memref_slice %arg2[%dma_wait3A_398, %dma_wait3A_399] : memref<32768x128xf32, #tpu.memory_space<hbm>> -> memref<32768x128xf32, #tpu.memory_space<hbm>>
    tpu.wait_indirect_dma semaphore(%arg7 : memref<!tpu.dma_semaphore, #tpu.memory_space<semaphore_mem>>) src(%dma_wait3A_400 : memref<32768x128xf32, #tpu.memory_space<hbm>>) dst(%dma_wait3A_394 : memref<128x128xf32, #tpu.memory_space<vmem>>)
    %add3A_401 = arith.constant 1664 : i32
    %add3A_402 = arith.addi %mul3A_2, %add3A_401 : i32
    %run_scoped3A_403 = arith.constant 1 : i32
    "tpu.region"() ({
      %run_scoped3A_434 = tpu.sem_alloc : memref<!tpu.dma_semaphore, #tpu.memory_space<semaphore_mem>>
      %dma_start3A_435 = arith.constant 0 : i32
      %dma_start3A_436 = arith.constant 0 : i32
      %dma_start3A_437 = tpu.memref_slice %arg6[%run_scoped3A_403, %dma_start3A_435, %dma_start3A_436] : memref<4x128x128xf32, #tpu.memory_space<vmem>> -> memref<1x128x128xf32, #tpu.memory_space<vmem>>
      %dma_start3A_438 = tpu.memref_squeeze %dma_start3A_437 : memref<1x128x128xf32, #tpu.memory_space<vmem>> -> memref<128x128xf32, #tpu.memory_space<vmem>>
      %dma_start3A_439 = arith.constant 0 : i32
      %dma_start3A_440 = tpu.memref_slice %arg4[%add3A_402, %dma_start3A_439] : memref<65536x128xf32, #tpu.memory_space<hbm>> -> memref<128x128xf32, #tpu.memory_space<hbm>>
      %dma_start3A_441 = arith.constant 0 : i32
      %dma_start3A_442 = tpu.memref_slice %arg4[%add3A_402, %dma_start3A_441] : memref<65536x128xf32, #tpu.memory_space<hbm>> -> memref<128x128xf32, #tpu.memory_space<hbm>>
      %dma_start3A_443 = arith.constant 0 : i32
      %dma_start3A_444 = arith.constant 0 : i32
      %dma_start3A_445 = tpu.memref_slice %arg6[%run_scoped3A_403, %dma_start3A_443, %dma_start3A_444] : memref<4x128x128xf32, #tpu.memory_space<vmem>> -> memref<1x128x128xf32, #tpu.memory_space<vmem>>
      %dma_start3A_446 = tpu.memref_squeeze %dma_start3A_445 : memref<1x128x128xf32, #tpu.memory_space<vmem>> -> memref<128x128xf32, #tpu.memory_space<vmem>>
      tpu.enqueue_dma source(%dma_start3A_446 : memref<128x128xf32, #tpu.memory_space<vmem>>) target(%dma_start3A_442 : memref<128x128xf32, #tpu.memory_space<hbm>>) target_semaphore(%run_scoped3A_434 : memref<!tpu.dma_semaphore, #tpu.memory_space<semaphore_mem>>)
      %dma_wait3A_447 = arith.constant 0 : i32
      %dma_wait3A_448 = arith.constant 0 : i32
      %dma_wait3A_449 = tpu.memref_slice %arg6[%run_scoped3A_403, %dma_wait3A_447, %dma_wait3A_448] : memref<4x128x128xf32, #tpu.memory_space<vmem>> -> memref<1x128x128xf32, #tpu.memory_space<vmem>>
      %dma_wait3A_450 = tpu.memref_squeeze %dma_wait3A_449 : memref<1x128x128xf32, #tpu.memory_space<vmem>> -> memref<128x128xf32, #tpu.memory_space<vmem>>
      %dma_wait3A_451 = arith.constant 0 : i32
      %dma_wait3A_452 = tpu.memref_slice %arg4[%add3A_402, %dma_wait3A_451] : memref<65536x128xf32, #tpu.memory_space<hbm>> -> memref<128x128xf32, #tpu.memory_space<hbm>>
      %dma_wait3A_453 = arith.constant 0 : i32
      %dma_wait3A_454 = tpu.memref_slice %arg4[%add3A_402, %dma_wait3A_453] : memref<65536x128xf32, #tpu.memory_space<hbm>> -> memref<128x128xf32, #tpu.memory_space<hbm>>
      %dma_wait3A_455 = arith.constant 0 : i32
      %dma_wait3A_456 = arith.constant 0 : i32
      %dma_wait3A_457 = tpu.memref_slice %arg6[%run_scoped3A_403, %dma_wait3A_455, %dma_wait3A_456] : memref<4x128x128xf32, #tpu.memory_space<vmem>> -> memref<1x128x128xf32, #tpu.memory_space<vmem>>
      %dma_wait3A_458 = tpu.memref_squeeze %dma_wait3A_457 : memref<1x128x128xf32, #tpu.memory_space<vmem>> -> memref<128x128xf32, #tpu.memory_space<vmem>>
      tpu.wait_dma2 semaphore(%run_scoped3A_434 : memref<!tpu.dma_semaphore, #tpu.memory_space<semaphore_mem>>) src(%dma_wait3A_458 : memref<128x128xf32, #tpu.memory_space<vmem>>) dst(%dma_wait3A_454 : memref<128x128xf32, #tpu.memory_space<hbm>>)
      tpu.yield
    }) : () -> ()
    %dma_wait3A_404 = arith.constant 14 : i32
    %dma_wait3A_405 = arith.constant 2 : i32
    %dma_wait3A_406 = arith.constant 0 : i32
    %dma_wait3A_407 = arith.constant 0 : i32
    %dma_wait3A_408 = tpu.memref_slice %arg6[%dma_wait3A_405, %dma_wait3A_406, %dma_wait3A_407] : memref<4x128x128xf32, #tpu.memory_space<vmem>> -> memref<1x128x128xf32, #tpu.memory_space<vmem>>
    %dma_wait3A_409 = tpu.memref_squeeze %dma_wait3A_408 : memref<1x128x128xf32, #tpu.memory_space<vmem>> -> memref<128x128xf32, #tpu.memory_space<vmem>>
    %dma_wait3A_410 = arith.constant 0 : i32
    %dma_wait3A_411 = tpu.memref_slice %arg5[%dma_wait3A_404, %dma_wait3A_410] : memref<16x128xi32, #tpu.memory_space<vmem>> -> memref<1x128xi32, #tpu.memory_space<vmem>>
    %dma_wait3A_412 = tpu.memref_squeeze %dma_wait3A_411 : memref<1x128xi32, #tpu.memory_space<vmem>> -> memref<128xi32, #tpu.memory_space<vmem>>
    %dma_wait3A_413 = arith.constant 0 : i32
    %dma_wait3A_414 = arith.constant 0 : i32
    %dma_wait3A_415 = tpu.memref_slice %arg2[%dma_wait3A_413, %dma_wait3A_414] : memref<32768x128xf32, #tpu.memory_space<hbm>> -> memref<32768x128xf32, #tpu.memory_space<hbm>>
    tpu.wait_indirect_dma semaphore(%arg7 : memref<!tpu.dma_semaphore, #tpu.memory_space<semaphore_mem>>) src(%dma_wait3A_415 : memref<32768x128xf32, #tpu.memory_space<hbm>>) dst(%dma_wait3A_409 : memref<128x128xf32, #tpu.memory_space<vmem>>)
    %add3A_416 = arith.constant 1792 : i32
    %add3A_417 = arith.addi %mul3A_2, %add3A_416 : i32
    %run_scoped3A_418 = arith.constant 2 : i32
    "tpu.region"() ({
      %run_scoped3A_434 = tpu.sem_alloc : memref<!tpu.dma_semaphore, #tpu.memory_space<semaphore_mem>>
      %dma_start3A_435 = arith.constant 0 : i32
      %dma_start3A_436 = arith.constant 0 : i32
      %dma_start3A_437 = tpu.memref_slice %arg6[%run_scoped3A_418, %dma_start3A_435, %dma_start3A_436] : memref<4x128x128xf32, #tpu.memory_space<vmem>> -> memref<1x128x128xf32, #tpu.memory_space<vmem>>
      %dma_start3A_438 = tpu.memref_squeeze %dma_start3A_437 : memref<1x128x128xf32, #tpu.memory_space<vmem>> -> memref<128x128xf32, #tpu.memory_space<vmem>>
      %dma_start3A_439 = arith.constant 0 : i32
      %dma_start3A_440 = tpu.memref_slice %arg4[%add3A_417, %dma_start3A_439] : memref<65536x128xf32, #tpu.memory_space<hbm>> -> memref<128x128xf32, #tpu.memory_space<hbm>>
      %dma_start3A_441 = arith.constant 0 : i32
      %dma_start3A_442 = tpu.memref_slice %arg4[%add3A_417, %dma_start3A_441] : memref<65536x128xf32, #tpu.memory_space<hbm>> -> memref<128x128xf32, #tpu.memory_space<hbm>>
      %dma_start3A_443 = arith.constant 0 : i32
      %dma_start3A_444 = arith.constant 0 : i32
      %dma_start3A_445 = tpu.memref_slice %arg6[%run_scoped3A_418, %dma_start3A_443, %dma_start3A_444] : memref<4x128x128xf32, #tpu.memory_space<vmem>> -> memref<1x128x128xf32, #tpu.memory_space<vmem>>
      %dma_start3A_446 = tpu.memref_squeeze %dma_start3A_445 : memref<1x128x128xf32, #tpu.memory_space<vmem>> -> memref<128x128xf32, #tpu.memory_space<vmem>>
      tpu.enqueue_dma source(%dma_start3A_446 : memref<128x128xf32, #tpu.memory_space<vmem>>) target(%dma_start3A_442 : memref<128x128xf32, #tpu.memory_space<hbm>>) target_semaphore(%run_scoped3A_434 : memref<!tpu.dma_semaphore, #tpu.memory_space<semaphore_mem>>)
      %dma_wait3A_447 = arith.constant 0 : i32
      %dma_wait3A_448 = arith.constant 0 : i32
      %dma_wait3A_449 = tpu.memref_slice %arg6[%run_scoped3A_418, %dma_wait3A_447, %dma_wait3A_448] : memref<4x128x128xf32, #tpu.memory_space<vmem>> -> memref<1x128x128xf32, #tpu.memory_space<vmem>>
      %dma_wait3A_450 = tpu.memref_squeeze %dma_wait3A_449 : memref<1x128x128xf32, #tpu.memory_space<vmem>> -> memref<128x128xf32, #tpu.memory_space<vmem>>
      %dma_wait3A_451 = arith.constant 0 : i32
      %dma_wait3A_452 = tpu.memref_slice %arg4[%add3A_417, %dma_wait3A_451] : memref<65536x128xf32, #tpu.memory_space<hbm>> -> memref<128x128xf32, #tpu.memory_space<hbm>>
      %dma_wait3A_453 = arith.constant 0 : i32
      %dma_wait3A_454 = tpu.memref_slice %arg4[%add3A_417, %dma_wait3A_453] : memref<65536x128xf32, #tpu.memory_space<hbm>> -> memref<128x128xf32, #tpu.memory_space<hbm>>
      %dma_wait3A_455 = arith.constant 0 : i32
      %dma_wait3A_456 = arith.constant 0 : i32
      %dma_wait3A_457 = tpu.memref_slice %arg6[%run_scoped3A_418, %dma_wait3A_455, %dma_wait3A_456] : memref<4x128x128xf32, #tpu.memory_space<vmem>> -> memref<1x128x128xf32, #tpu.memory_space<vmem>>
      %dma_wait3A_458 = tpu.memref_squeeze %dma_wait3A_457 : memref<1x128x128xf32, #tpu.memory_space<vmem>> -> memref<128x128xf32, #tpu.memory_space<vmem>>
      tpu.wait_dma2 semaphore(%run_scoped3A_434 : memref<!tpu.dma_semaphore, #tpu.memory_space<semaphore_mem>>) src(%dma_wait3A_458 : memref<128x128xf32, #tpu.memory_space<vmem>>) dst(%dma_wait3A_454 : memref<128x128xf32, #tpu.memory_space<hbm>>)
      tpu.yield
    }) : () -> ()
    %dma_wait3A_419 = arith.constant 15 : i32
    %dma_wait3A_420 = arith.constant 3 : i32
    %dma_wait3A_421 = arith.constant 0 : i32
    %dma_wait3A_422 = arith.constant 0 : i32
    %dma_wait3A_423 = tpu.memref_slice %arg6[%dma_wait3A_420, %dma_wait3A_421, %dma_wait3A_422] : memref<4x128x128xf32, #tpu.memory_space<vmem>> -> memref<1x128x128xf32, #tpu.memory_space<vmem>>
    %dma_wait3A_424 = tpu.memref_squeeze %dma_wait3A_423 : memref<1x128x128xf32, #tpu.memory_space<vmem>> -> memref<128x128xf32, #tpu.memory_space<vmem>>
    %dma_wait3A_425 = arith.constant 0 : i32
    %dma_wait3A_426 = tpu.memref_slice %arg5[%dma_wait3A_419, %dma_wait3A_425] : memref<16x128xi32, #tpu.memory_space<vmem>> -> memref<1x128xi32, #tpu.memory_space<vmem>>
    %dma_wait3A_427 = tpu.memref_squeeze %dma_wait3A_426 : memref<1x128xi32, #tpu.memory_space<vmem>> -> memref<128xi32, #tpu.memory_space<vmem>>
    %dma_wait3A_428 = arith.constant 0 : i32
    %dma_wait3A_429 = arith.constant 0 : i32
    %dma_wait3A_430 = tpu.memref_slice %arg2[%dma_wait3A_428, %dma_wait3A_429] : memref<32768x128xf32, #tpu.memory_space<hbm>> -> memref<32768x128xf32, #tpu.memory_space<hbm>>
    tpu.wait_indirect_dma semaphore(%arg7 : memref<!tpu.dma_semaphore, #tpu.memory_space<semaphore_mem>>) src(%dma_wait3A_430 : memref<32768x128xf32, #tpu.memory_space<hbm>>) dst(%dma_wait3A_424 : memref<128x128xf32, #tpu.memory_space<vmem>>)
    %add3A_431 = arith.constant 1920 : i32
    %add3A_432 = arith.addi %mul3A_2, %add3A_431 : i32
    %run_scoped3A_433 = arith.constant 3 : i32
    "tpu.region"() ({
      %run_scoped3A_434 = tpu.sem_alloc : memref<!tpu.dma_semaphore, #tpu.memory_space<semaphore_mem>>
      %dma_start3A_435 = arith.constant 0 : i32
      %dma_start3A_436 = arith.constant 0 : i32
      %dma_start3A_437 = tpu.memref_slice %arg6[%run_scoped3A_433, %dma_start3A_435, %dma_start3A_436] : memref<4x128x128xf32, #tpu.memory_space<vmem>> -> memref<1x128x128xf32, #tpu.memory_space<vmem>>
      %dma_start3A_438 = tpu.memref_squeeze %dma_start3A_437 : memref<1x128x128xf32, #tpu.memory_space<vmem>> -> memref<128x128xf32, #tpu.memory_space<vmem>>
      %dma_start3A_439 = arith.constant 0 : i32
      %dma_start3A_440 = tpu.memref_slice %arg4[%add3A_432, %dma_start3A_439] : memref<65536x128xf32, #tpu.memory_space<hbm>> -> memref<128x128xf32, #tpu.memory_space<hbm>>
      %dma_start3A_441 = arith.constant 0 : i32
      %dma_start3A_442 = tpu.memref_slice %arg4[%add3A_432, %dma_start3A_441] : memref<65536x128xf32, #tpu.memory_space<hbm>> -> memref<128x128xf32, #tpu.memory_space<hbm>>
      %dma_start3A_443 = arith.constant 0 : i32
      %dma_start3A_444 = arith.constant 0 : i32
      %dma_start3A_445 = tpu.memref_slice %arg6[%run_scoped3A_433, %dma_start3A_443, %dma_start3A_444] : memref<4x128x128xf32, #tpu.memory_space<vmem>> -> memref<1x128x128xf32, #tpu.memory_space<vmem>>
      %dma_start3A_446 = tpu.memref_squeeze %dma_start3A_445 : memref<1x128x128xf32, #tpu.memory_space<vmem>> -> memref<128x128xf32, #tpu.memory_space<vmem>>
      tpu.enqueue_dma source(%dma_start3A_446 : memref<128x128xf32, #tpu.memory_space<vmem>>) target(%dma_start3A_442 : memref<128x128xf32, #tpu.memory_space<hbm>>) target_semaphore(%run_scoped3A_434 : memref<!tpu.dma_semaphore, #tpu.memory_space<semaphore_mem>>)
      %dma_wait3A_447 = arith.constant 0 : i32
      %dma_wait3A_448 = arith.constant 0 : i32
      %dma_wait3A_449 = tpu.memref_slice %arg6[%run_scoped3A_433, %dma_wait3A_447, %dma_wait3A_448] : memref<4x128x128xf32, #tpu.memory_space<vmem>> -> memref<1x128x128xf32, #tpu.memory_space<vmem>>
      %dma_wait3A_450 = tpu.memref_squeeze %dma_wait3A_449 : memref<1x128x128xf32, #tpu.memory_space<vmem>> -> memref<128x128xf32, #tpu.memory_space<vmem>>
      %dma_wait3A_451 = arith.constant 0 : i32
      %dma_wait3A_452 = tpu.memref_slice %arg4[%add3A_432, %dma_wait3A_451] : memref<65536x128xf32, #tpu.memory_space<hbm>> -> memref<128x128xf32, #tpu.memory_space<hbm>>
      %dma_wait3A_453 = arith.constant 0 : i32
      %dma_wait3A_454 = tpu.memref_slice %arg4[%add3A_432, %dma_wait3A_453] : memref<65536x128xf32, #tpu.memory_space<hbm>> -> memref<128x128xf32, #tpu.memory_space<hbm>>
      %dma_wait3A_455 = arith.constant 0 : i32
      %dma_wait3A_456 = arith.constant 0 : i32
      %dma_wait3A_457 = tpu.memref_slice %arg6[%run_scoped3A_433, %dma_wait3A_455, %dma_wait3A_456] : memref<4x128x128xf32, #tpu.memory_space<vmem>> -> memref<1x128x128xf32, #tpu.memory_space<vmem>>
      %dma_wait3A_458 = tpu.memref_squeeze %dma_wait3A_457 : memref<1x128x128xf32, #tpu.memory_space<vmem>> -> memref<128x128xf32, #tpu.memory_space<vmem>>
      tpu.wait_dma2 semaphore(%run_scoped3A_434 : memref<!tpu.dma_semaphore, #tpu.memory_space<semaphore_mem>>) src(%dma_wait3A_458 : memref<128x128xf32, #tpu.memory_space<vmem>>) dst(%dma_wait3A_454 : memref<128x128xf32, #tpu.memory_space<hbm>>)
      tpu.yield
    }) : () -> ()
    return
  }
}

module attributes {stable_mosaic.version = 14 : i64} {
  func.func @_fps_body(%arg0: memref<2x3x128x128xf32, #tpu.memory_space<vmem>>, %arg1: memref<2x16x128xi32, #tpu.memory_space<vmem>>) attributes {dimension_semantics = [], scalar_prefetch = 0 : i64, scratch_operands = 0 : i64, tpu.core_type = #tpu.core_type<tc>} {
    %get3A = arith.constant 0 : index
    %get3A_0 = arith.constant 0 : index
    %get3A_1 = arith.constant 0 : index
    %get3A_2 = arith.constant 0 : index
    %get3A_3 = vector.load %arg0[%get3A, %get3A_0, %get3A_1, %get3A_2] : memref<2x3x128x128xf32, #tpu.memory_space<vmem>>, vector<2x1x128x128xf32>
    %get3A_4 = vector.shape_cast %get3A_3 : vector<2x1x128x128xf32> to vector<2x128x128xf32>
    %get3A_5 = arith.constant 0 : index
    %get3A_6 = arith.constant 1 : index
    %get3A_7 = arith.constant 0 : index
    %get3A_8 = arith.constant 0 : index
    %get3A_9 = vector.load %arg0[%get3A_5, %get3A_6, %get3A_7, %get3A_8] : memref<2x3x128x128xf32, #tpu.memory_space<vmem>>, vector<2x1x128x128xf32>
    %get3A_10 = vector.shape_cast %get3A_9 : vector<2x1x128x128xf32> to vector<2x128x128xf32>
    %get3A_11 = arith.constant 0 : index
    %get3A_12 = arith.constant 2 : index
    %get3A_13 = arith.constant 0 : index
    %get3A_14 = arith.constant 0 : index
    %get3A_15 = vector.load %arg0[%get3A_11, %get3A_12, %get3A_13, %get3A_14] : memref<2x3x128x128xf32, #tpu.memory_space<vmem>>, vector<2x1x128x128xf32>
    %get3A_16 = vector.shape_cast %get3A_15 : vector<2x1x128x128xf32> to vector<2x128x128xf32>
    %iota3A = tpu.iota {dimensions = array<i32: 1>} : vector<1x128x128xi32>
    %mul3A = arith.constant 128 : i32
    %mul3A_17 = vector.broadcast %mul3A : i32 to vector<1x128x128xi32>
    %mul3A_18 = arith.muli %iota3A, %mul3A_17 : vector<1x128x128xi32>
    %iota3A_19 = tpu.iota {dimensions = array<i32: 2>} : vector<1x128x128xi32>
    %add3A = arith.addi %mul3A_18, %iota3A_19 : vector<1x128x128xi32>
    %iota3A_20 = tpu.iota {dimensions = array<i32: 1>} : vector<1x16x128xi32>
    %mul3A_21 = arith.constant 128 : i32
    %mul3A_22 = vector.broadcast %mul3A_21 : i32 to vector<1x16x128xi32>
    %mul3A_23 = arith.muli %iota3A_20, %mul3A_22 : vector<1x16x128xi32>
    %iota3A_24 = tpu.iota {dimensions = array<i32: 2>} : vector<1x16x128xi32>
    %add3A_25 = arith.addi %mul3A_23, %iota3A_24 : vector<1x16x128xi32>
    %broadcast_in_dim3A = arith.constant 1.000000e+10 : f32
    %broadcast_in_dim3A_26 = vector.broadcast %broadcast_in_dim3A : f32 to vector<2x128x128xf32>
    %broadcast_in_dim3A_27 = arith.constant 0 : i32
    %broadcast_in_dim3A_28 = vector.broadcast %broadcast_in_dim3A_27 : i32 to vector<2x16x128xi32>
    %broadcast_in_dim3A_29 = arith.constant 0 : i32
    %broadcast_in_dim3A_30 = vector.broadcast %broadcast_in_dim3A_29 : i32 to vector<2x1x1xi32>
    %slice3A = vector.extract_strided_slice %get3A_4 {offsets = [0, 0, 0], sizes = [2, 1, 1], strides = [1, 1, 1]} : vector<2x128x128xf32> to vector<2x1x1xf32>
    %slice3A_31 = vector.extract_strided_slice %get3A_10 {offsets = [0, 0, 0], sizes = [2, 1, 1], strides = [1, 1, 1]} : vector<2x128x128xf32> to vector<2x1x1xf32>
    %slice3A_32 = vector.extract_strided_slice %get3A_16 {offsets = [0, 0, 0], sizes = [2, 1, 1], strides = [1, 1, 1]} : vector<2x128x128xf32> to vector<2x1x1xf32>
    %scan3A = arith.constant 0 : i32
    %scan3A_33 = arith.constant 2048 : i32
    %scan3A_34 = arith.addi %scan3A, %scan3A_33 : i32
    %scan3A_35 = arith.constant 1 : i32
    %scan3A_36:6 = scf.for %scan3A_41 = %scan3A to %scan3A_34 step %scan3A_35 iter_args(%scan3A_42 = %broadcast_in_dim3A_30, %scan3A_43 = %slice3A, %scan3A_44 = %slice3A_31, %scan3A_45 = %slice3A_32, %scan3A_46 = %broadcast_in_dim3A_26, %scan3A_47 = %broadcast_in_dim3A_28) -> (vector<2x1x1xi32>, vector<2x1x1xf32>, vector<2x1x1xf32>, vector<2x1x1xf32>, vector<2x128x128xf32>, vector<2x16x128xi32>)  : i32 {
      %sub3A = vector.broadcast %scan3A_43 : vector<2x1x1xf32> to vector<2x128x128xf32>
      %sub3A_48 = arith.subf %get3A_4, %sub3A : vector<2x128x128xf32>
      %integer_pow3A = arith.mulf %sub3A_48, %sub3A_48 : vector<2x128x128xf32>
      %sub3A_49 = vector.broadcast %scan3A_44 : vector<2x1x1xf32> to vector<2x128x128xf32>
      %sub3A_50 = arith.subf %get3A_10, %sub3A_49 : vector<2x128x128xf32>
      %integer_pow3A_51 = arith.mulf %sub3A_50, %sub3A_50 : vector<2x128x128xf32>
      %add3A_52 = arith.addf %integer_pow3A, %integer_pow3A_51 : vector<2x128x128xf32>
      %sub3A_53 = vector.broadcast %scan3A_45 : vector<2x1x1xf32> to vector<2x128x128xf32>
      %sub3A_54 = arith.subf %get3A_16, %sub3A_53 : vector<2x128x128xf32>
      %integer_pow3A_55 = arith.mulf %sub3A_54, %sub3A_54 : vector<2x128x128xf32>
      %add3A_56 = arith.addf %add3A_52, %integer_pow3A_55 : vector<2x128x128xf32>
      %min3A = arith.minimumf %scan3A_46, %add3A_56 : vector<2x128x128xf32>
      %eq3A = vector.broadcast %scan3A_41 : i32 to vector<1x16x128xi32>
      %eq3A_57 = arith.cmpi eq, %add3A_25, %eq3A : vector<1x16x128xi32>
      %broadcast_in_dim3A_58 = vector.shape_cast %eq3A_57 : vector<1x16x128xi1> to vector<1x16x128xi1>
      %broadcast_in_dim3A_59 = vector.broadcast %broadcast_in_dim3A_58 : vector<1x16x128xi1> to vector<2x16x128xi1>
      %broadcast_in_dim3A_60 = vector.shape_cast %scan3A_42 : vector<2x1x1xi32> to vector<2x1x1xi32>
      %broadcast_in_dim3A_61 = vector.broadcast %broadcast_in_dim3A_60 : vector<2x1x1xi32> to vector<2x16x128xi32>
      %select_n3A = arith.select %broadcast_in_dim3A_59, %broadcast_in_dim3A_61, %scan3A_47 : vector<2x16x128xi1>, vector<2x16x128xi32>
      %broadcast_in_dim3A_62 = vector.shape_cast %add3A : vector<1x128x128xi32> to vector<1x128x128xi32>
      %broadcast_in_dim3A_63 = vector.broadcast %broadcast_in_dim3A_62 : vector<1x128x128xi32> to vector<2x128x128xi32>
      %slice3A_64 = vector.extract_strided_slice %min3A {offsets = [0, 0, 0], sizes = [2, 64, 128], strides = [1, 1, 1]} : vector<2x128x128xf32> to vector<2x64x128xf32>
      %slice3A_65 = vector.extract_strided_slice %min3A {offsets = [0, 64, 0], sizes = [2, 64, 128], strides = [1, 1, 1]} : vector<2x128x128xf32> to vector<2x64x128xf32>
      %slice3A_66 = vector.extract_strided_slice %broadcast_in_dim3A_63 {offsets = [0, 0, 0], sizes = [2, 64, 128], strides = [1, 1, 1]} : vector<2x128x128xi32> to vector<2x64x128xi32>
      %slice3A_67 = vector.extract_strided_slice %broadcast_in_dim3A_63 {offsets = [0, 64, 0], sizes = [2, 64, 128], strides = [1, 1, 1]} : vector<2x128x128xi32> to vector<2x64x128xi32>
      %gt3A = arith.cmpf ogt, %slice3A_65, %slice3A_64 : vector<2x64x128xf32>
      %eq3A_68 = arith.cmpf oeq, %slice3A_65, %slice3A_64 : vector<2x64x128xf32>
      %lt3A = arith.cmpi slt, %slice3A_67, %slice3A_66 : vector<2x64x128xi32>
      %and3A = arith.andi %eq3A_68, %lt3A : vector<2x64x128xi1>
      %or3A = arith.ori %gt3A, %and3A : vector<2x64x128xi1>
      %select_n3A_69 = arith.select %or3A, %slice3A_65, %slice3A_64 : vector<2x64x128xi1>, vector<2x64x128xf32>
      %select_n3A_70 = arith.select %or3A, %slice3A_67, %slice3A_66 : vector<2x64x128xi1>, vector<2x64x128xi32>
      %slice3A_71 = vector.extract_strided_slice %get3A_4 {offsets = [0, 64, 0], sizes = [2, 64, 128], strides = [1, 1, 1]} : vector<2x128x128xf32> to vector<2x64x128xf32>
      %slice3A_72 = vector.extract_strided_slice %get3A_4 {offsets = [0, 0, 0], sizes = [2, 64, 128], strides = [1, 1, 1]} : vector<2x128x128xf32> to vector<2x64x128xf32>
      %select_n3A_73 = arith.select %or3A, %slice3A_71, %slice3A_72 : vector<2x64x128xi1>, vector<2x64x128xf32>
      %slice3A_74 = vector.extract_strided_slice %get3A_10 {offsets = [0, 64, 0], sizes = [2, 64, 128], strides = [1, 1, 1]} : vector<2x128x128xf32> to vector<2x64x128xf32>
      %slice3A_75 = vector.extract_strided_slice %get3A_10 {offsets = [0, 0, 0], sizes = [2, 64, 128], strides = [1, 1, 1]} : vector<2x128x128xf32> to vector<2x64x128xf32>
      %select_n3A_76 = arith.select %or3A, %slice3A_74, %slice3A_75 : vector<2x64x128xi1>, vector<2x64x128xf32>
      %slice3A_77 = vector.extract_strided_slice %get3A_16 {offsets = [0, 64, 0], sizes = [2, 64, 128], strides = [1, 1, 1]} : vector<2x128x128xf32> to vector<2x64x128xf32>
      %slice3A_78 = vector.extract_strided_slice %get3A_16 {offsets = [0, 0, 0], sizes = [2, 64, 128], strides = [1, 1, 1]} : vector<2x128x128xf32> to vector<2x64x128xf32>
      %select_n3A_79 = arith.select %or3A, %slice3A_77, %slice3A_78 : vector<2x64x128xi1>, vector<2x64x128xf32>
      %slice3A_80 = vector.extract_strided_slice %select_n3A_69 {offsets = [0, 0, 0], sizes = [2, 32, 128], strides = [1, 1, 1]} : vector<2x64x128xf32> to vector<2x32x128xf32>
      %slice3A_81 = vector.extract_strided_slice %select_n3A_69 {offsets = [0, 32, 0], sizes = [2, 32, 128], strides = [1, 1, 1]} : vector<2x64x128xf32> to vector<2x32x128xf32>
      %slice3A_82 = vector.extract_strided_slice %select_n3A_70 {offsets = [0, 0, 0], sizes = [2, 32, 128], strides = [1, 1, 1]} : vector<2x64x128xi32> to vector<2x32x128xi32>
      %slice3A_83 = vector.extract_strided_slice %select_n3A_70 {offsets = [0, 32, 0], sizes = [2, 32, 128], strides = [1, 1, 1]} : vector<2x64x128xi32> to vector<2x32x128xi32>
      %gt3A_84 = arith.cmpf ogt, %slice3A_81, %slice3A_80 : vector<2x32x128xf32>
      %eq3A_85 = arith.cmpf oeq, %slice3A_81, %slice3A_80 : vector<2x32x128xf32>
      %lt3A_86 = arith.cmpi slt, %slice3A_83, %slice3A_82 : vector<2x32x128xi32>
      %and3A_87 = arith.andi %eq3A_85, %lt3A_86 : vector<2x32x128xi1>
      %or3A_88 = arith.ori %gt3A_84, %and3A_87 : vector<2x32x128xi1>
      %select_n3A_89 = arith.select %or3A_88, %slice3A_81, %slice3A_80 : vector<2x32x128xi1>, vector<2x32x128xf32>
      %select_n3A_90 = arith.select %or3A_88, %slice3A_83, %slice3A_82 : vector<2x32x128xi1>, vector<2x32x128xi32>
      %slice3A_91 = vector.extract_strided_slice %select_n3A_73 {offsets = [0, 32, 0], sizes = [2, 32, 128], strides = [1, 1, 1]} : vector<2x64x128xf32> to vector<2x32x128xf32>
      %slice3A_92 = vector.extract_strided_slice %select_n3A_73 {offsets = [0, 0, 0], sizes = [2, 32, 128], strides = [1, 1, 1]} : vector<2x64x128xf32> to vector<2x32x128xf32>
      %select_n3A_93 = arith.select %or3A_88, %slice3A_91, %slice3A_92 : vector<2x32x128xi1>, vector<2x32x128xf32>
      %slice3A_94 = vector.extract_strided_slice %select_n3A_76 {offsets = [0, 32, 0], sizes = [2, 32, 128], strides = [1, 1, 1]} : vector<2x64x128xf32> to vector<2x32x128xf32>
      %slice3A_95 = vector.extract_strided_slice %select_n3A_76 {offsets = [0, 0, 0], sizes = [2, 32, 128], strides = [1, 1, 1]} : vector<2x64x128xf32> to vector<2x32x128xf32>
      %select_n3A_96 = arith.select %or3A_88, %slice3A_94, %slice3A_95 : vector<2x32x128xi1>, vector<2x32x128xf32>
      %slice3A_97 = vector.extract_strided_slice %select_n3A_79 {offsets = [0, 32, 0], sizes = [2, 32, 128], strides = [1, 1, 1]} : vector<2x64x128xf32> to vector<2x32x128xf32>
      %slice3A_98 = vector.extract_strided_slice %select_n3A_79 {offsets = [0, 0, 0], sizes = [2, 32, 128], strides = [1, 1, 1]} : vector<2x64x128xf32> to vector<2x32x128xf32>
      %select_n3A_99 = arith.select %or3A_88, %slice3A_97, %slice3A_98 : vector<2x32x128xi1>, vector<2x32x128xf32>
      %slice3A_100 = vector.extract_strided_slice %select_n3A_89 {offsets = [0, 0, 0], sizes = [2, 16, 128], strides = [1, 1, 1]} : vector<2x32x128xf32> to vector<2x16x128xf32>
      %slice3A_101 = vector.extract_strided_slice %select_n3A_89 {offsets = [0, 16, 0], sizes = [2, 16, 128], strides = [1, 1, 1]} : vector<2x32x128xf32> to vector<2x16x128xf32>
      %slice3A_102 = vector.extract_strided_slice %select_n3A_90 {offsets = [0, 0, 0], sizes = [2, 16, 128], strides = [1, 1, 1]} : vector<2x32x128xi32> to vector<2x16x128xi32>
      %slice3A_103 = vector.extract_strided_slice %select_n3A_90 {offsets = [0, 16, 0], sizes = [2, 16, 128], strides = [1, 1, 1]} : vector<2x32x128xi32> to vector<2x16x128xi32>
      %gt3A_104 = arith.cmpf ogt, %slice3A_101, %slice3A_100 : vector<2x16x128xf32>
      %eq3A_105 = arith.cmpf oeq, %slice3A_101, %slice3A_100 : vector<2x16x128xf32>
      %lt3A_106 = arith.cmpi slt, %slice3A_103, %slice3A_102 : vector<2x16x128xi32>
      %and3A_107 = arith.andi %eq3A_105, %lt3A_106 : vector<2x16x128xi1>
      %or3A_108 = arith.ori %gt3A_104, %and3A_107 : vector<2x16x128xi1>
      %select_n3A_109 = arith.select %or3A_108, %slice3A_101, %slice3A_100 : vector<2x16x128xi1>, vector<2x16x128xf32>
      %select_n3A_110 = arith.select %or3A_108, %slice3A_103, %slice3A_102 : vector<2x16x128xi1>, vector<2x16x128xi32>
      %slice3A_111 = vector.extract_strided_slice %select_n3A_93 {offsets = [0, 16, 0], sizes = [2, 16, 128], strides = [1, 1, 1]} : vector<2x32x128xf32> to vector<2x16x128xf32>
      %slice3A_112 = vector.extract_strided_slice %select_n3A_93 {offsets = [0, 0, 0], sizes = [2, 16, 128], strides = [1, 1, 1]} : vector<2x32x128xf32> to vector<2x16x128xf32>
      %select_n3A_113 = arith.select %or3A_108, %slice3A_111, %slice3A_112 : vector<2x16x128xi1>, vector<2x16x128xf32>
      %slice3A_114 = vector.extract_strided_slice %select_n3A_96 {offsets = [0, 16, 0], sizes = [2, 16, 128], strides = [1, 1, 1]} : vector<2x32x128xf32> to vector<2x16x128xf32>
      %slice3A_115 = vector.extract_strided_slice %select_n3A_96 {offsets = [0, 0, 0], sizes = [2, 16, 128], strides = [1, 1, 1]} : vector<2x32x128xf32> to vector<2x16x128xf32>
      %select_n3A_116 = arith.select %or3A_108, %slice3A_114, %slice3A_115 : vector<2x16x128xi1>, vector<2x16x128xf32>
      %slice3A_117 = vector.extract_strided_slice %select_n3A_99 {offsets = [0, 16, 0], sizes = [2, 16, 128], strides = [1, 1, 1]} : vector<2x32x128xf32> to vector<2x16x128xf32>
      %slice3A_118 = vector.extract_strided_slice %select_n3A_99 {offsets = [0, 0, 0], sizes = [2, 16, 128], strides = [1, 1, 1]} : vector<2x32x128xf32> to vector<2x16x128xf32>
      %select_n3A_119 = arith.select %or3A_108, %slice3A_117, %slice3A_118 : vector<2x16x128xi1>, vector<2x16x128xf32>
      %slice3A_120 = vector.extract_strided_slice %select_n3A_109 {offsets = [0, 0, 0], sizes = [2, 8, 128], strides = [1, 1, 1]} : vector<2x16x128xf32> to vector<2x8x128xf32>
      %slice3A_121 = vector.extract_strided_slice %select_n3A_109 {offsets = [0, 8, 0], sizes = [2, 8, 128], strides = [1, 1, 1]} : vector<2x16x128xf32> to vector<2x8x128xf32>
      %slice3A_122 = vector.extract_strided_slice %select_n3A_110 {offsets = [0, 0, 0], sizes = [2, 8, 128], strides = [1, 1, 1]} : vector<2x16x128xi32> to vector<2x8x128xi32>
      %slice3A_123 = vector.extract_strided_slice %select_n3A_110 {offsets = [0, 8, 0], sizes = [2, 8, 128], strides = [1, 1, 1]} : vector<2x16x128xi32> to vector<2x8x128xi32>
      %gt3A_124 = arith.cmpf ogt, %slice3A_121, %slice3A_120 : vector<2x8x128xf32>
      %eq3A_125 = arith.cmpf oeq, %slice3A_121, %slice3A_120 : vector<2x8x128xf32>
      %lt3A_126 = arith.cmpi slt, %slice3A_123, %slice3A_122 : vector<2x8x128xi32>
      %and3A_127 = arith.andi %eq3A_125, %lt3A_126 : vector<2x8x128xi1>
      %or3A_128 = arith.ori %gt3A_124, %and3A_127 : vector<2x8x128xi1>
      %select_n3A_129 = arith.select %or3A_128, %slice3A_121, %slice3A_120 : vector<2x8x128xi1>, vector<2x8x128xf32>
      %select_n3A_130 = arith.select %or3A_128, %slice3A_123, %slice3A_122 : vector<2x8x128xi1>, vector<2x8x128xi32>
      %slice3A_131 = vector.extract_strided_slice %select_n3A_113 {offsets = [0, 8, 0], sizes = [2, 8, 128], strides = [1, 1, 1]} : vector<2x16x128xf32> to vector<2x8x128xf32>
      %slice3A_132 = vector.extract_strided_slice %select_n3A_113 {offsets = [0, 0, 0], sizes = [2, 8, 128], strides = [1, 1, 1]} : vector<2x16x128xf32> to vector<2x8x128xf32>
      %select_n3A_133 = arith.select %or3A_128, %slice3A_131, %slice3A_132 : vector<2x8x128xi1>, vector<2x8x128xf32>
      %slice3A_134 = vector.extract_strided_slice %select_n3A_116 {offsets = [0, 8, 0], sizes = [2, 8, 128], strides = [1, 1, 1]} : vector<2x16x128xf32> to vector<2x8x128xf32>
      %slice3A_135 = vector.extract_strided_slice %select_n3A_116 {offsets = [0, 0, 0], sizes = [2, 8, 128], strides = [1, 1, 1]} : vector<2x16x128xf32> to vector<2x8x128xf32>
      %select_n3A_136 = arith.select %or3A_128, %slice3A_134, %slice3A_135 : vector<2x8x128xi1>, vector<2x8x128xf32>
      %slice3A_137 = vector.extract_strided_slice %select_n3A_119 {offsets = [0, 8, 0], sizes = [2, 8, 128], strides = [1, 1, 1]} : vector<2x16x128xf32> to vector<2x8x128xf32>
      %slice3A_138 = vector.extract_strided_slice %select_n3A_119 {offsets = [0, 0, 0], sizes = [2, 8, 128], strides = [1, 1, 1]} : vector<2x16x128xf32> to vector<2x8x128xf32>
      %select_n3A_139 = arith.select %or3A_128, %slice3A_137, %slice3A_138 : vector<2x8x128xi1>, vector<2x8x128xf32>
      %slice3A_140 = vector.extract_strided_slice %select_n3A_129 {offsets = [0, 0, 0], sizes = [2, 4, 128], strides = [1, 1, 1]} : vector<2x8x128xf32> to vector<2x4x128xf32>
      %slice3A_141 = vector.extract_strided_slice %select_n3A_129 {offsets = [0, 4, 0], sizes = [2, 4, 128], strides = [1, 1, 1]} : vector<2x8x128xf32> to vector<2x4x128xf32>
      %slice3A_142 = vector.extract_strided_slice %select_n3A_130 {offsets = [0, 0, 0], sizes = [2, 4, 128], strides = [1, 1, 1]} : vector<2x8x128xi32> to vector<2x4x128xi32>
      %slice3A_143 = vector.extract_strided_slice %select_n3A_130 {offsets = [0, 4, 0], sizes = [2, 4, 128], strides = [1, 1, 1]} : vector<2x8x128xi32> to vector<2x4x128xi32>
      %gt3A_144 = arith.cmpf ogt, %slice3A_141, %slice3A_140 : vector<2x4x128xf32>
      %eq3A_145 = arith.cmpf oeq, %slice3A_141, %slice3A_140 : vector<2x4x128xf32>
      %lt3A_146 = arith.cmpi slt, %slice3A_143, %slice3A_142 : vector<2x4x128xi32>
      %and3A_147 = arith.andi %eq3A_145, %lt3A_146 : vector<2x4x128xi1>
      %or3A_148 = arith.ori %gt3A_144, %and3A_147 : vector<2x4x128xi1>
      %select_n3A_149 = arith.select %or3A_148, %slice3A_141, %slice3A_140 : vector<2x4x128xi1>, vector<2x4x128xf32>
      %select_n3A_150 = arith.select %or3A_148, %slice3A_143, %slice3A_142 : vector<2x4x128xi1>, vector<2x4x128xi32>
      %slice3A_151 = vector.extract_strided_slice %select_n3A_133 {offsets = [0, 4, 0], sizes = [2, 4, 128], strides = [1, 1, 1]} : vector<2x8x128xf32> to vector<2x4x128xf32>
      %slice3A_152 = vector.extract_strided_slice %select_n3A_133 {offsets = [0, 0, 0], sizes = [2, 4, 128], strides = [1, 1, 1]} : vector<2x8x128xf32> to vector<2x4x128xf32>
      %select_n3A_153 = arith.select %or3A_148, %slice3A_151, %slice3A_152 : vector<2x4x128xi1>, vector<2x4x128xf32>
      %slice3A_154 = vector.extract_strided_slice %select_n3A_136 {offsets = [0, 4, 0], sizes = [2, 4, 128], strides = [1, 1, 1]} : vector<2x8x128xf32> to vector<2x4x128xf32>
      %slice3A_155 = vector.extract_strided_slice %select_n3A_136 {offsets = [0, 0, 0], sizes = [2, 4, 128], strides = [1, 1, 1]} : vector<2x8x128xf32> to vector<2x4x128xf32>
      %select_n3A_156 = arith.select %or3A_148, %slice3A_154, %slice3A_155 : vector<2x4x128xi1>, vector<2x4x128xf32>
      %slice3A_157 = vector.extract_strided_slice %select_n3A_139 {offsets = [0, 4, 0], sizes = [2, 4, 128], strides = [1, 1, 1]} : vector<2x8x128xf32> to vector<2x4x128xf32>
      %slice3A_158 = vector.extract_strided_slice %select_n3A_139 {offsets = [0, 0, 0], sizes = [2, 4, 128], strides = [1, 1, 1]} : vector<2x8x128xf32> to vector<2x4x128xf32>
      %select_n3A_159 = arith.select %or3A_148, %slice3A_157, %slice3A_158 : vector<2x4x128xi1>, vector<2x4x128xf32>
      %slice3A_160 = vector.extract_strided_slice %select_n3A_149 {offsets = [0, 0, 0], sizes = [2, 2, 128], strides = [1, 1, 1]} : vector<2x4x128xf32> to vector<2x2x128xf32>
      %slice3A_161 = vector.extract_strided_slice %select_n3A_149 {offsets = [0, 2, 0], sizes = [2, 2, 128], strides = [1, 1, 1]} : vector<2x4x128xf32> to vector<2x2x128xf32>
      %slice3A_162 = vector.extract_strided_slice %select_n3A_150 {offsets = [0, 0, 0], sizes = [2, 2, 128], strides = [1, 1, 1]} : vector<2x4x128xi32> to vector<2x2x128xi32>
      %slice3A_163 = vector.extract_strided_slice %select_n3A_150 {offsets = [0, 2, 0], sizes = [2, 2, 128], strides = [1, 1, 1]} : vector<2x4x128xi32> to vector<2x2x128xi32>
      %gt3A_164 = arith.cmpf ogt, %slice3A_161, %slice3A_160 : vector<2x2x128xf32>
      %eq3A_165 = arith.cmpf oeq, %slice3A_161, %slice3A_160 : vector<2x2x128xf32>
      %lt3A_166 = arith.cmpi slt, %slice3A_163, %slice3A_162 : vector<2x2x128xi32>
      %and3A_167 = arith.andi %eq3A_165, %lt3A_166 : vector<2x2x128xi1>
      %or3A_168 = arith.ori %gt3A_164, %and3A_167 : vector<2x2x128xi1>
      %select_n3A_169 = arith.select %or3A_168, %slice3A_161, %slice3A_160 : vector<2x2x128xi1>, vector<2x2x128xf32>
      %select_n3A_170 = arith.select %or3A_168, %slice3A_163, %slice3A_162 : vector<2x2x128xi1>, vector<2x2x128xi32>
      %slice3A_171 = vector.extract_strided_slice %select_n3A_153 {offsets = [0, 2, 0], sizes = [2, 2, 128], strides = [1, 1, 1]} : vector<2x4x128xf32> to vector<2x2x128xf32>
      %slice3A_172 = vector.extract_strided_slice %select_n3A_153 {offsets = [0, 0, 0], sizes = [2, 2, 128], strides = [1, 1, 1]} : vector<2x4x128xf32> to vector<2x2x128xf32>
      %select_n3A_173 = arith.select %or3A_168, %slice3A_171, %slice3A_172 : vector<2x2x128xi1>, vector<2x2x128xf32>
      %slice3A_174 = vector.extract_strided_slice %select_n3A_156 {offsets = [0, 2, 0], sizes = [2, 2, 128], strides = [1, 1, 1]} : vector<2x4x128xf32> to vector<2x2x128xf32>
      %slice3A_175 = vector.extract_strided_slice %select_n3A_156 {offsets = [0, 0, 0], sizes = [2, 2, 128], strides = [1, 1, 1]} : vector<2x4x128xf32> to vector<2x2x128xf32>
      %select_n3A_176 = arith.select %or3A_168, %slice3A_174, %slice3A_175 : vector<2x2x128xi1>, vector<2x2x128xf32>
      %slice3A_177 = vector.extract_strided_slice %select_n3A_159 {offsets = [0, 2, 0], sizes = [2, 2, 128], strides = [1, 1, 1]} : vector<2x4x128xf32> to vector<2x2x128xf32>
      %slice3A_178 = vector.extract_strided_slice %select_n3A_159 {offsets = [0, 0, 0], sizes = [2, 2, 128], strides = [1, 1, 1]} : vector<2x4x128xf32> to vector<2x2x128xf32>
      %select_n3A_179 = arith.select %or3A_168, %slice3A_177, %slice3A_178 : vector<2x2x128xi1>, vector<2x2x128xf32>
      %slice3A_180 = vector.extract_strided_slice %select_n3A_169 {offsets = [0, 0, 0], sizes = [2, 1, 128], strides = [1, 1, 1]} : vector<2x2x128xf32> to vector<2x1x128xf32>
      %slice3A_181 = vector.extract_strided_slice %select_n3A_169 {offsets = [0, 1, 0], sizes = [2, 1, 128], strides = [1, 1, 1]} : vector<2x2x128xf32> to vector<2x1x128xf32>
      %slice3A_182 = vector.extract_strided_slice %select_n3A_170 {offsets = [0, 0, 0], sizes = [2, 1, 128], strides = [1, 1, 1]} : vector<2x2x128xi32> to vector<2x1x128xi32>
      %slice3A_183 = vector.extract_strided_slice %select_n3A_170 {offsets = [0, 1, 0], sizes = [2, 1, 128], strides = [1, 1, 1]} : vector<2x2x128xi32> to vector<2x1x128xi32>
      %gt3A_184 = arith.cmpf ogt, %slice3A_181, %slice3A_180 : vector<2x1x128xf32>
      %eq3A_185 = arith.cmpf oeq, %slice3A_181, %slice3A_180 : vector<2x1x128xf32>
      %lt3A_186 = arith.cmpi slt, %slice3A_183, %slice3A_182 : vector<2x1x128xi32>
      %and3A_187 = arith.andi %eq3A_185, %lt3A_186 : vector<2x1x128xi1>
      %or3A_188 = arith.ori %gt3A_184, %and3A_187 : vector<2x1x128xi1>
      %select_n3A_189 = arith.select %or3A_188, %slice3A_181, %slice3A_180 : vector<2x1x128xi1>, vector<2x1x128xf32>
      %select_n3A_190 = arith.select %or3A_188, %slice3A_183, %slice3A_182 : vector<2x1x128xi1>, vector<2x1x128xi32>
      %slice3A_191 = vector.extract_strided_slice %select_n3A_173 {offsets = [0, 1, 0], sizes = [2, 1, 128], strides = [1, 1, 1]} : vector<2x2x128xf32> to vector<2x1x128xf32>
      %slice3A_192 = vector.extract_strided_slice %select_n3A_173 {offsets = [0, 0, 0], sizes = [2, 1, 128], strides = [1, 1, 1]} : vector<2x2x128xf32> to vector<2x1x128xf32>
      %select_n3A_193 = arith.select %or3A_188, %slice3A_191, %slice3A_192 : vector<2x1x128xi1>, vector<2x1x128xf32>
      %slice3A_194 = vector.extract_strided_slice %select_n3A_176 {offsets = [0, 1, 0], sizes = [2, 1, 128], strides = [1, 1, 1]} : vector<2x2x128xf32> to vector<2x1x128xf32>
      %slice3A_195 = vector.extract_strided_slice %select_n3A_176 {offsets = [0, 0, 0], sizes = [2, 1, 128], strides = [1, 1, 1]} : vector<2x2x128xf32> to vector<2x1x128xf32>
      %select_n3A_196 = arith.select %or3A_188, %slice3A_194, %slice3A_195 : vector<2x1x128xi1>, vector<2x1x128xf32>
      %slice3A_197 = vector.extract_strided_slice %select_n3A_179 {offsets = [0, 1, 0], sizes = [2, 1, 128], strides = [1, 1, 1]} : vector<2x2x128xf32> to vector<2x1x128xf32>
      %slice3A_198 = vector.extract_strided_slice %select_n3A_179 {offsets = [0, 0, 0], sizes = [2, 1, 128], strides = [1, 1, 1]} : vector<2x2x128xf32> to vector<2x1x128xf32>
      %select_n3A_199 = arith.select %or3A_188, %slice3A_197, %slice3A_198 : vector<2x1x128xi1>, vector<2x1x128xf32>
      %slice3A_200 = vector.extract_strided_slice %select_n3A_189 {offsets = [0, 0, 0], sizes = [2, 1, 64], strides = [1, 1, 1]} : vector<2x1x128xf32> to vector<2x1x64xf32>
      %slice3A_201 = vector.extract_strided_slice %select_n3A_189 {offsets = [0, 0, 64], sizes = [2, 1, 64], strides = [1, 1, 1]} : vector<2x1x128xf32> to vector<2x1x64xf32>
      %slice3A_202 = vector.extract_strided_slice %select_n3A_190 {offsets = [0, 0, 0], sizes = [2, 1, 64], strides = [1, 1, 1]} : vector<2x1x128xi32> to vector<2x1x64xi32>
      %slice3A_203 = vector.extract_strided_slice %select_n3A_190 {offsets = [0, 0, 64], sizes = [2, 1, 64], strides = [1, 1, 1]} : vector<2x1x128xi32> to vector<2x1x64xi32>
      %gt3A_204 = arith.cmpf ogt, %slice3A_201, %slice3A_200 : vector<2x1x64xf32>
      %eq3A_205 = arith.cmpf oeq, %slice3A_201, %slice3A_200 : vector<2x1x64xf32>
      %lt3A_206 = arith.cmpi slt, %slice3A_203, %slice3A_202 : vector<2x1x64xi32>
      %and3A_207 = arith.andi %eq3A_205, %lt3A_206 : vector<2x1x64xi1>
      %or3A_208 = arith.ori %gt3A_204, %and3A_207 : vector<2x1x64xi1>
      %select_n3A_209 = arith.select %or3A_208, %slice3A_201, %slice3A_200 : vector<2x1x64xi1>, vector<2x1x64xf32>
      %select_n3A_210 = arith.select %or3A_208, %slice3A_203, %slice3A_202 : vector<2x1x64xi1>, vector<2x1x64xi32>
      %slice3A_211 = vector.extract_strided_slice %select_n3A_193 {offsets = [0, 0, 64], sizes = [2, 1, 64], strides = [1, 1, 1]} : vector<2x1x128xf32> to vector<2x1x64xf32>
      %slice3A_212 = vector.extract_strided_slice %select_n3A_193 {offsets = [0, 0, 0], sizes = [2, 1, 64], strides = [1, 1, 1]} : vector<2x1x128xf32> to vector<2x1x64xf32>
      %select_n3A_213 = arith.select %or3A_208, %slice3A_211, %slice3A_212 : vector<2x1x64xi1>, vector<2x1x64xf32>
      %slice3A_214 = vector.extract_strided_slice %select_n3A_196 {offsets = [0, 0, 64], sizes = [2, 1, 64], strides = [1, 1, 1]} : vector<2x1x128xf32> to vector<2x1x64xf32>
      %slice3A_215 = vector.extract_strided_slice %select_n3A_196 {offsets = [0, 0, 0], sizes = [2, 1, 64], strides = [1, 1, 1]} : vector<2x1x128xf32> to vector<2x1x64xf32>
      %select_n3A_216 = arith.select %or3A_208, %slice3A_214, %slice3A_215 : vector<2x1x64xi1>, vector<2x1x64xf32>
      %slice3A_217 = vector.extract_strided_slice %select_n3A_199 {offsets = [0, 0, 64], sizes = [2, 1, 64], strides = [1, 1, 1]} : vector<2x1x128xf32> to vector<2x1x64xf32>
      %slice3A_218 = vector.extract_strided_slice %select_n3A_199 {offsets = [0, 0, 0], sizes = [2, 1, 64], strides = [1, 1, 1]} : vector<2x1x128xf32> to vector<2x1x64xf32>
      %select_n3A_219 = arith.select %or3A_208, %slice3A_217, %slice3A_218 : vector<2x1x64xi1>, vector<2x1x64xf32>
      %slice3A_220 = vector.extract_strided_slice %select_n3A_209 {offsets = [0, 0, 0], sizes = [2, 1, 32], strides = [1, 1, 1]} : vector<2x1x64xf32> to vector<2x1x32xf32>
      %slice3A_221 = vector.extract_strided_slice %select_n3A_209 {offsets = [0, 0, 32], sizes = [2, 1, 32], strides = [1, 1, 1]} : vector<2x1x64xf32> to vector<2x1x32xf32>
      %slice3A_222 = vector.extract_strided_slice %select_n3A_210 {offsets = [0, 0, 0], sizes = [2, 1, 32], strides = [1, 1, 1]} : vector<2x1x64xi32> to vector<2x1x32xi32>
      %slice3A_223 = vector.extract_strided_slice %select_n3A_210 {offsets = [0, 0, 32], sizes = [2, 1, 32], strides = [1, 1, 1]} : vector<2x1x64xi32> to vector<2x1x32xi32>
      %gt3A_224 = arith.cmpf ogt, %slice3A_221, %slice3A_220 : vector<2x1x32xf32>
      %eq3A_225 = arith.cmpf oeq, %slice3A_221, %slice3A_220 : vector<2x1x32xf32>
      %lt3A_226 = arith.cmpi slt, %slice3A_223, %slice3A_222 : vector<2x1x32xi32>
      %and3A_227 = arith.andi %eq3A_225, %lt3A_226 : vector<2x1x32xi1>
      %or3A_228 = arith.ori %gt3A_224, %and3A_227 : vector<2x1x32xi1>
      %select_n3A_229 = arith.select %or3A_228, %slice3A_221, %slice3A_220 : vector<2x1x32xi1>, vector<2x1x32xf32>
      %select_n3A_230 = arith.select %or3A_228, %slice3A_223, %slice3A_222 : vector<2x1x32xi1>, vector<2x1x32xi32>
      %slice3A_231 = vector.extract_strided_slice %select_n3A_213 {offsets = [0, 0, 32], sizes = [2, 1, 32], strides = [1, 1, 1]} : vector<2x1x64xf32> to vector<2x1x32xf32>
      %slice3A_232 = vector.extract_strided_slice %select_n3A_213 {offsets = [0, 0, 0], sizes = [2, 1, 32], strides = [1, 1, 1]} : vector<2x1x64xf32> to vector<2x1x32xf32>
      %select_n3A_233 = arith.select %or3A_228, %slice3A_231, %slice3A_232 : vector<2x1x32xi1>, vector<2x1x32xf32>
      %slice3A_234 = vector.extract_strided_slice %select_n3A_216 {offsets = [0, 0, 32], sizes = [2, 1, 32], strides = [1, 1, 1]} : vector<2x1x64xf32> to vector<2x1x32xf32>
      %slice3A_235 = vector.extract_strided_slice %select_n3A_216 {offsets = [0, 0, 0], sizes = [2, 1, 32], strides = [1, 1, 1]} : vector<2x1x64xf32> to vector<2x1x32xf32>
      %select_n3A_236 = arith.select %or3A_228, %slice3A_234, %slice3A_235 : vector<2x1x32xi1>, vector<2x1x32xf32>
      %slice3A_237 = vector.extract_strided_slice %select_n3A_219 {offsets = [0, 0, 32], sizes = [2, 1, 32], strides = [1, 1, 1]} : vector<2x1x64xf32> to vector<2x1x32xf32>
      %slice3A_238 = vector.extract_strided_slice %select_n3A_219 {offsets = [0, 0, 0], sizes = [2, 1, 32], strides = [1, 1, 1]} : vector<2x1x64xf32> to vector<2x1x32xf32>
      %select_n3A_239 = arith.select %or3A_228, %slice3A_237, %slice3A_238 : vector<2x1x32xi1>, vector<2x1x32xf32>
      %slice3A_240 = vector.extract_strided_slice %select_n3A_229 {offsets = [0, 0, 0], sizes = [2, 1, 16], strides = [1, 1, 1]} : vector<2x1x32xf32> to vector<2x1x16xf32>
      %slice3A_241 = vector.extract_strided_slice %select_n3A_229 {offsets = [0, 0, 16], sizes = [2, 1, 16], strides = [1, 1, 1]} : vector<2x1x32xf32> to vector<2x1x16xf32>
      %slice3A_242 = vector.extract_strided_slice %select_n3A_230 {offsets = [0, 0, 0], sizes = [2, 1, 16], strides = [1, 1, 1]} : vector<2x1x32xi32> to vector<2x1x16xi32>
      %slice3A_243 = vector.extract_strided_slice %select_n3A_230 {offsets = [0, 0, 16], sizes = [2, 1, 16], strides = [1, 1, 1]} : vector<2x1x32xi32> to vector<2x1x16xi32>
      %gt3A_244 = arith.cmpf ogt, %slice3A_241, %slice3A_240 : vector<2x1x16xf32>
      %eq3A_245 = arith.cmpf oeq, %slice3A_241, %slice3A_240 : vector<2x1x16xf32>
      %lt3A_246 = arith.cmpi slt, %slice3A_243, %slice3A_242 : vector<2x1x16xi32>
      %and3A_247 = arith.andi %eq3A_245, %lt3A_246 : vector<2x1x16xi1>
      %or3A_248 = arith.ori %gt3A_244, %and3A_247 : vector<2x1x16xi1>
      %select_n3A_249 = arith.select %or3A_248, %slice3A_241, %slice3A_240 : vector<2x1x16xi1>, vector<2x1x16xf32>
      %select_n3A_250 = arith.select %or3A_248, %slice3A_243, %slice3A_242 : vector<2x1x16xi1>, vector<2x1x16xi32>
      %slice3A_251 = vector.extract_strided_slice %select_n3A_233 {offsets = [0, 0, 16], sizes = [2, 1, 16], strides = [1, 1, 1]} : vector<2x1x32xf32> to vector<2x1x16xf32>
      %slice3A_252 = vector.extract_strided_slice %select_n3A_233 {offsets = [0, 0, 0], sizes = [2, 1, 16], strides = [1, 1, 1]} : vector<2x1x32xf32> to vector<2x1x16xf32>
      %select_n3A_253 = arith.select %or3A_248, %slice3A_251, %slice3A_252 : vector<2x1x16xi1>, vector<2x1x16xf32>
      %slice3A_254 = vector.extract_strided_slice %select_n3A_236 {offsets = [0, 0, 16], sizes = [2, 1, 16], strides = [1, 1, 1]} : vector<2x1x32xf32> to vector<2x1x16xf32>
      %slice3A_255 = vector.extract_strided_slice %select_n3A_236 {offsets = [0, 0, 0], sizes = [2, 1, 16], strides = [1, 1, 1]} : vector<2x1x32xf32> to vector<2x1x16xf32>
      %select_n3A_256 = arith.select %or3A_248, %slice3A_254, %slice3A_255 : vector<2x1x16xi1>, vector<2x1x16xf32>
      %slice3A_257 = vector.extract_strided_slice %select_n3A_239 {offsets = [0, 0, 16], sizes = [2, 1, 16], strides = [1, 1, 1]} : vector<2x1x32xf32> to vector<2x1x16xf32>
      %slice3A_258 = vector.extract_strided_slice %select_n3A_239 {offsets = [0, 0, 0], sizes = [2, 1, 16], strides = [1, 1, 1]} : vector<2x1x32xf32> to vector<2x1x16xf32>
      %select_n3A_259 = arith.select %or3A_248, %slice3A_257, %slice3A_258 : vector<2x1x16xi1>, vector<2x1x16xf32>
      %slice3A_260 = vector.extract_strided_slice %select_n3A_249 {offsets = [0, 0, 0], sizes = [2, 1, 8], strides = [1, 1, 1]} : vector<2x1x16xf32> to vector<2x1x8xf32>
      %slice3A_261 = vector.extract_strided_slice %select_n3A_249 {offsets = [0, 0, 8], sizes = [2, 1, 8], strides = [1, 1, 1]} : vector<2x1x16xf32> to vector<2x1x8xf32>
      %slice3A_262 = vector.extract_strided_slice %select_n3A_250 {offsets = [0, 0, 0], sizes = [2, 1, 8], strides = [1, 1, 1]} : vector<2x1x16xi32> to vector<2x1x8xi32>
      %slice3A_263 = vector.extract_strided_slice %select_n3A_250 {offsets = [0, 0, 8], sizes = [2, 1, 8], strides = [1, 1, 1]} : vector<2x1x16xi32> to vector<2x1x8xi32>
      %gt3A_264 = arith.cmpf ogt, %slice3A_261, %slice3A_260 : vector<2x1x8xf32>
      %eq3A_265 = arith.cmpf oeq, %slice3A_261, %slice3A_260 : vector<2x1x8xf32>
      %lt3A_266 = arith.cmpi slt, %slice3A_263, %slice3A_262 : vector<2x1x8xi32>
      %and3A_267 = arith.andi %eq3A_265, %lt3A_266 : vector<2x1x8xi1>
      %or3A_268 = arith.ori %gt3A_264, %and3A_267 : vector<2x1x8xi1>
      %select_n3A_269 = arith.select %or3A_268, %slice3A_261, %slice3A_260 : vector<2x1x8xi1>, vector<2x1x8xf32>
      %select_n3A_270 = arith.select %or3A_268, %slice3A_263, %slice3A_262 : vector<2x1x8xi1>, vector<2x1x8xi32>
      %slice3A_271 = vector.extract_strided_slice %select_n3A_253 {offsets = [0, 0, 8], sizes = [2, 1, 8], strides = [1, 1, 1]} : vector<2x1x16xf32> to vector<2x1x8xf32>
      %slice3A_272 = vector.extract_strided_slice %select_n3A_253 {offsets = [0, 0, 0], sizes = [2, 1, 8], strides = [1, 1, 1]} : vector<2x1x16xf32> to vector<2x1x8xf32>
      %select_n3A_273 = arith.select %or3A_268, %slice3A_271, %slice3A_272 : vector<2x1x8xi1>, vector<2x1x8xf32>
      %slice3A_274 = vector.extract_strided_slice %select_n3A_256 {offsets = [0, 0, 8], sizes = [2, 1, 8], strides = [1, 1, 1]} : vector<2x1x16xf32> to vector<2x1x8xf32>
      %slice3A_275 = vector.extract_strided_slice %select_n3A_256 {offsets = [0, 0, 0], sizes = [2, 1, 8], strides = [1, 1, 1]} : vector<2x1x16xf32> to vector<2x1x8xf32>
      %select_n3A_276 = arith.select %or3A_268, %slice3A_274, %slice3A_275 : vector<2x1x8xi1>, vector<2x1x8xf32>
      %slice3A_277 = vector.extract_strided_slice %select_n3A_259 {offsets = [0, 0, 8], sizes = [2, 1, 8], strides = [1, 1, 1]} : vector<2x1x16xf32> to vector<2x1x8xf32>
      %slice3A_278 = vector.extract_strided_slice %select_n3A_259 {offsets = [0, 0, 0], sizes = [2, 1, 8], strides = [1, 1, 1]} : vector<2x1x16xf32> to vector<2x1x8xf32>
      %select_n3A_279 = arith.select %or3A_268, %slice3A_277, %slice3A_278 : vector<2x1x8xi1>, vector<2x1x8xf32>
      %slice3A_280 = vector.extract_strided_slice %select_n3A_269 {offsets = [0, 0, 0], sizes = [2, 1, 4], strides = [1, 1, 1]} : vector<2x1x8xf32> to vector<2x1x4xf32>
      %slice3A_281 = vector.extract_strided_slice %select_n3A_269 {offsets = [0, 0, 4], sizes = [2, 1, 4], strides = [1, 1, 1]} : vector<2x1x8xf32> to vector<2x1x4xf32>
      %slice3A_282 = vector.extract_strided_slice %select_n3A_270 {offsets = [0, 0, 0], sizes = [2, 1, 4], strides = [1, 1, 1]} : vector<2x1x8xi32> to vector<2x1x4xi32>
      %slice3A_283 = vector.extract_strided_slice %select_n3A_270 {offsets = [0, 0, 4], sizes = [2, 1, 4], strides = [1, 1, 1]} : vector<2x1x8xi32> to vector<2x1x4xi32>
      %gt3A_284 = arith.cmpf ogt, %slice3A_281, %slice3A_280 : vector<2x1x4xf32>
      %eq3A_285 = arith.cmpf oeq, %slice3A_281, %slice3A_280 : vector<2x1x4xf32>
      %lt3A_286 = arith.cmpi slt, %slice3A_283, %slice3A_282 : vector<2x1x4xi32>
      %and3A_287 = arith.andi %eq3A_285, %lt3A_286 : vector<2x1x4xi1>
      %or3A_288 = arith.ori %gt3A_284, %and3A_287 : vector<2x1x4xi1>
      %select_n3A_289 = arith.select %or3A_288, %slice3A_281, %slice3A_280 : vector<2x1x4xi1>, vector<2x1x4xf32>
      %select_n3A_290 = arith.select %or3A_288, %slice3A_283, %slice3A_282 : vector<2x1x4xi1>, vector<2x1x4xi32>
      %slice3A_291 = vector.extract_strided_slice %select_n3A_273 {offsets = [0, 0, 4], sizes = [2, 1, 4], strides = [1, 1, 1]} : vector<2x1x8xf32> to vector<2x1x4xf32>
      %slice3A_292 = vector.extract_strided_slice %select_n3A_273 {offsets = [0, 0, 0], sizes = [2, 1, 4], strides = [1, 1, 1]} : vector<2x1x8xf32> to vector<2x1x4xf32>
      %select_n3A_293 = arith.select %or3A_288, %slice3A_291, %slice3A_292 : vector<2x1x4xi1>, vector<2x1x4xf32>
      %slice3A_294 = vector.extract_strided_slice %select_n3A_276 {offsets = [0, 0, 4], sizes = [2, 1, 4], strides = [1, 1, 1]} : vector<2x1x8xf32> to vector<2x1x4xf32>
      %slice3A_295 = vector.extract_strided_slice %select_n3A_276 {offsets = [0, 0, 0], sizes = [2, 1, 4], strides = [1, 1, 1]} : vector<2x1x8xf32> to vector<2x1x4xf32>
      %select_n3A_296 = arith.select %or3A_288, %slice3A_294, %slice3A_295 : vector<2x1x4xi1>, vector<2x1x4xf32>
      %slice3A_297 = vector.extract_strided_slice %select_n3A_279 {offsets = [0, 0, 4], sizes = [2, 1, 4], strides = [1, 1, 1]} : vector<2x1x8xf32> to vector<2x1x4xf32>
      %slice3A_298 = vector.extract_strided_slice %select_n3A_279 {offsets = [0, 0, 0], sizes = [2, 1, 4], strides = [1, 1, 1]} : vector<2x1x8xf32> to vector<2x1x4xf32>
      %select_n3A_299 = arith.select %or3A_288, %slice3A_297, %slice3A_298 : vector<2x1x4xi1>, vector<2x1x4xf32>
      %slice3A_300 = vector.extract_strided_slice %select_n3A_289 {offsets = [0, 0, 0], sizes = [2, 1, 2], strides = [1, 1, 1]} : vector<2x1x4xf32> to vector<2x1x2xf32>
      %slice3A_301 = vector.extract_strided_slice %select_n3A_289 {offsets = [0, 0, 2], sizes = [2, 1, 2], strides = [1, 1, 1]} : vector<2x1x4xf32> to vector<2x1x2xf32>
      %slice3A_302 = vector.extract_strided_slice %select_n3A_290 {offsets = [0, 0, 0], sizes = [2, 1, 2], strides = [1, 1, 1]} : vector<2x1x4xi32> to vector<2x1x2xi32>
      %slice3A_303 = vector.extract_strided_slice %select_n3A_290 {offsets = [0, 0, 2], sizes = [2, 1, 2], strides = [1, 1, 1]} : vector<2x1x4xi32> to vector<2x1x2xi32>
      %gt3A_304 = arith.cmpf ogt, %slice3A_301, %slice3A_300 : vector<2x1x2xf32>
      %eq3A_305 = arith.cmpf oeq, %slice3A_301, %slice3A_300 : vector<2x1x2xf32>
      %lt3A_306 = arith.cmpi slt, %slice3A_303, %slice3A_302 : vector<2x1x2xi32>
      %and3A_307 = arith.andi %eq3A_305, %lt3A_306 : vector<2x1x2xi1>
      %or3A_308 = arith.ori %gt3A_304, %and3A_307 : vector<2x1x2xi1>
      %select_n3A_309 = arith.select %or3A_308, %slice3A_301, %slice3A_300 : vector<2x1x2xi1>, vector<2x1x2xf32>
      %select_n3A_310 = arith.select %or3A_308, %slice3A_303, %slice3A_302 : vector<2x1x2xi1>, vector<2x1x2xi32>
      %slice3A_311 = vector.extract_strided_slice %select_n3A_293 {offsets = [0, 0, 2], sizes = [2, 1, 2], strides = [1, 1, 1]} : vector<2x1x4xf32> to vector<2x1x2xf32>
      %slice3A_312 = vector.extract_strided_slice %select_n3A_293 {offsets = [0, 0, 0], sizes = [2, 1, 2], strides = [1, 1, 1]} : vector<2x1x4xf32> to vector<2x1x2xf32>
      %select_n3A_313 = arith.select %or3A_308, %slice3A_311, %slice3A_312 : vector<2x1x2xi1>, vector<2x1x2xf32>
      %slice3A_314 = vector.extract_strided_slice %select_n3A_296 {offsets = [0, 0, 2], sizes = [2, 1, 2], strides = [1, 1, 1]} : vector<2x1x4xf32> to vector<2x1x2xf32>
      %slice3A_315 = vector.extract_strided_slice %select_n3A_296 {offsets = [0, 0, 0], sizes = [2, 1, 2], strides = [1, 1, 1]} : vector<2x1x4xf32> to vector<2x1x2xf32>
      %select_n3A_316 = arith.select %or3A_308, %slice3A_314, %slice3A_315 : vector<2x1x2xi1>, vector<2x1x2xf32>
      %slice3A_317 = vector.extract_strided_slice %select_n3A_299 {offsets = [0, 0, 2], sizes = [2, 1, 2], strides = [1, 1, 1]} : vector<2x1x4xf32> to vector<2x1x2xf32>
      %slice3A_318 = vector.extract_strided_slice %select_n3A_299 {offsets = [0, 0, 0], sizes = [2, 1, 2], strides = [1, 1, 1]} : vector<2x1x4xf32> to vector<2x1x2xf32>
      %select_n3A_319 = arith.select %or3A_308, %slice3A_317, %slice3A_318 : vector<2x1x2xi1>, vector<2x1x2xf32>
      %slice3A_320 = vector.extract_strided_slice %select_n3A_309 {offsets = [0, 0, 0], sizes = [2, 1, 1], strides = [1, 1, 1]} : vector<2x1x2xf32> to vector<2x1x1xf32>
      %slice3A_321 = vector.extract_strided_slice %select_n3A_309 {offsets = [0, 0, 1], sizes = [2, 1, 1], strides = [1, 1, 1]} : vector<2x1x2xf32> to vector<2x1x1xf32>
      %slice3A_322 = vector.extract_strided_slice %select_n3A_310 {offsets = [0, 0, 0], sizes = [2, 1, 1], strides = [1, 1, 1]} : vector<2x1x2xi32> to vector<2x1x1xi32>
      %slice3A_323 = vector.extract_strided_slice %select_n3A_310 {offsets = [0, 0, 1], sizes = [2, 1, 1], strides = [1, 1, 1]} : vector<2x1x2xi32> to vector<2x1x1xi32>
      %gt3A_324 = arith.cmpf ogt, %slice3A_321, %slice3A_320 : vector<2x1x1xf32>
      %eq3A_325 = arith.cmpf oeq, %slice3A_321, %slice3A_320 : vector<2x1x1xf32>
      %lt3A_326 = arith.cmpi slt, %slice3A_323, %slice3A_322 : vector<2x1x1xi32>
      %and3A_327 = arith.andi %eq3A_325, %lt3A_326 : vector<2x1x1xi1>
      %or3A_328 = arith.ori %gt3A_324, %and3A_327 : vector<2x1x1xi1>
      %select_n3A_329 = arith.select %or3A_328, %slice3A_323, %slice3A_322 : vector<2x1x1xi1>, vector<2x1x1xi32>
      %slice3A_330 = vector.extract_strided_slice %select_n3A_313 {offsets = [0, 0, 1], sizes = [2, 1, 1], strides = [1, 1, 1]} : vector<2x1x2xf32> to vector<2x1x1xf32>
      %slice3A_331 = vector.extract_strided_slice %select_n3A_313 {offsets = [0, 0, 0], sizes = [2, 1, 1], strides = [1, 1, 1]} : vector<2x1x2xf32> to vector<2x1x1xf32>
      %select_n3A_332 = arith.select %or3A_328, %slice3A_330, %slice3A_331 : vector<2x1x1xi1>, vector<2x1x1xf32>
      %slice3A_333 = vector.extract_strided_slice %select_n3A_316 {offsets = [0, 0, 1], sizes = [2, 1, 1], strides = [1, 1, 1]} : vector<2x1x2xf32> to vector<2x1x1xf32>
      %slice3A_334 = vector.extract_strided_slice %select_n3A_316 {offsets = [0, 0, 0], sizes = [2, 1, 1], strides = [1, 1, 1]} : vector<2x1x2xf32> to vector<2x1x1xf32>
      %select_n3A_335 = arith.select %or3A_328, %slice3A_333, %slice3A_334 : vector<2x1x1xi1>, vector<2x1x1xf32>
      %slice3A_336 = vector.extract_strided_slice %select_n3A_319 {offsets = [0, 0, 1], sizes = [2, 1, 1], strides = [1, 1, 1]} : vector<2x1x2xf32> to vector<2x1x1xf32>
      %slice3A_337 = vector.extract_strided_slice %select_n3A_319 {offsets = [0, 0, 0], sizes = [2, 1, 1], strides = [1, 1, 1]} : vector<2x1x2xf32> to vector<2x1x1xf32>
      %select_n3A_338 = arith.select %or3A_328, %slice3A_336, %slice3A_337 : vector<2x1x1xi1>, vector<2x1x1xf32>
      scf.yield %select_n3A_329, %select_n3A_332, %select_n3A_335, %select_n3A_338, %min3A, %select_n3A : vector<2x1x1xi32>, vector<2x1x1xf32>, vector<2x1x1xf32>, vector<2x1x1xf32>, vector<2x128x128xf32>, vector<2x16x128xi32>
    }
    %scan3A_37 = arith.constant 2048 : i32
    %swap3A = arith.constant 0 : index
    %swap3A_38 = arith.constant 0 : index
    %swap3A_39 = arith.constant 0 : index
    %swap3A_40 = vector.load %arg1[%swap3A, %swap3A_38, %swap3A_39] : memref<2x16x128xi32, #tpu.memory_space<vmem>>, vector<2x16x128xi32>
    tpu.vector_store %arg1[%swap3A, %swap3A_38, %swap3A_39], %scan3A_36#5 {strides = array<i32>} : memref<2x16x128xi32, #tpu.memory_space<vmem>>, vector<2x16x128xi32>,
    return
  }
}

module attributes {stable_mosaic.version = 14 : i64} {
  func.func @_dist_body(%arg0: i32, %arg1: i32, %arg2: memref<1x128x3xf32, #tpu.memory_space<vmem>>, %arg3: memref<1x3x16384xf32, #tpu.memory_space<vmem>>, %arg4: memref<1x128x16384xf32, #tpu.memory_space<vmem>>, %arg5: memref<1x128x16xi32, #tpu.memory_space<vmem>>) attributes {dimension_semantics = [#tpu.dimension_semantics<arbitrary>, #tpu.dimension_semantics<arbitrary>], iteration_bounds = array<i64: 2, 16>, scalar_prefetch = 0 : i64, scratch_operands = 0 : i64, tpu.core_type = #tpu.core_type<tc>, window_params = [{transform_indices = @transform_0, window_bounds = array<i64: 1, 128, 3>}, {transform_indices = @transform_1, window_bounds = array<i64: 1, 3, 16384>}, {transform_indices = @transform_2, window_bounds = array<i64: 1, 128, 16384>}, {transform_indices = @transform_3, window_bounds = array<i64: 1, 128, 16>}]} {
    %get3A = arith.constant 0 : index
    %get3A_0 = arith.constant 0 : index
    %get3A_1 = arith.constant 0 : index
    %get3A_2 = vector.load %arg2[%get3A, %get3A_0, %get3A_1] : memref<1x128x3xf32, #tpu.memory_space<vmem>>, vector<1x128x3xf32>
    %get3A_3 = vector.shape_cast %get3A_2 : vector<1x128x3xf32> to vector<128x3xf32>
    %get3A_4 = arith.constant 0 : index
    %get3A_5 = arith.constant 0 : index
    %get3A_6 = arith.constant 0 : index
    %get3A_7 = vector.load %arg3[%get3A_4, %get3A_5, %get3A_6] : memref<1x3x16384xf32, #tpu.memory_space<vmem>>, vector<1x3x16384xf32>
    %get3A_8 = vector.shape_cast %get3A_7 : vector<1x3x16384xf32> to vector<3x16384xf32>
    %mul3A = arith.mulf %get3A_3, %get3A_3 : vector<128x3xf32>
    %reduce_sum3A = arith.constant dense<0.000000e+00> : vector<128xf32>
    %reduce_sum3A_9 = vector.multi_reduction <add>, %mul3A, %reduce_sum3A [1] : vector<128x3xf32> to vector<128xf32>
    %broadcast_in_dim3A = vector.shape_cast %reduce_sum3A_9 : vector<128xf32> to vector<128x1xf32>
    %mul3A_10 = arith.mulf %get3A_8, %get3A_8 : vector<3x16384xf32>
    %reduce_sum3A_11 = arith.constant dense<0.000000e+00> : vector<16384xf32>
    %reduce_sum3A_12 = vector.multi_reduction <add>, %mul3A_10, %reduce_sum3A_11 [0] : vector<3x16384xf32> to vector<16384xf32>
    %broadcast_in_dim3A_13 = vector.shape_cast %reduce_sum3A_12 : vector<16384xf32> to vector<1x16384xf32>
    %dot_general3A = arith.constant dense<0.000000e+00> : vector<128x16384xf32>
    %dot_general3A_14 = tpu.matmul %get3A_3, %get3A_8, %dot_general3A {dimension_numbers = #tpu.dot_dimension_numbers<[1], [0], [0], [1], [0, 0, 1, 1], [], []>, transpose_lhs_hint = false} : vector<128x3xf32>, vector<3x16384xf32>, vector<128x16384xf32> -> vector<128x16384xf32>
    %mul3A_15 = arith.constant -2.000000e+00 : f32
    %mul3A_16 = vector.broadcast %mul3A_15 : f32 to vector<128x16384xf32>
    %mul3A_17 = arith.mulf %mul3A_16, %dot_general3A_14 : vector<128x16384xf32>
    %add3A = vector.broadcast %broadcast_in_dim3A : vector<128x1xf32> to vector<128x16384xf32>
    %add3A_18 = arith.addf %mul3A_17, %add3A : vector<128x16384xf32>
    %add3A_19 = vector.broadcast %broadcast_in_dim3A_13 : vector<1x16384xf32> to vector<128x16384xf32>
    %add3A_20 = arith.addf %add3A_18, %add3A_19 : vector<128x16384xf32>
    %swap3A = arith.constant 0 : index
    %swap3A_21 = arith.constant 0 : index
    %swap3A_22 = arith.constant 0 : index
    %swap3A_23 = vector.load %arg4[%swap3A, %swap3A_21, %swap3A_22] : memref<1x128x16384xf32, #tpu.memory_space<vmem>>, vector<1x128x16384xf32>
    %swap3A_24 = vector.shape_cast %swap3A_23 : vector<1x128x16384xf32> to vector<128x16384xf32>
    %swap3A_25 = vector.shape_cast %add3A_20 : vector<128x16384xf32> to vector<1x128x16384xf32>
    tpu.vector_store %arg4[%swap3A, %swap3A_21, %swap3A_22], %swap3A_25 {strides = array<i32>} : memref<1x128x16384xf32, #tpu.memory_space<vmem>>, vector<1x128x16384xf32>,
    %reshape3A = vector.shape_cast %add3A_20 : vector<128x16384xf32> to vector<128x128x128xf32>
    %reduce_min3A = arith.constant dense<0x7F800000> : vector<128x128xf32>
    %reduce_min3A_26 = vector.multi_reduction <minimumf>, %reshape3A, %reduce_min3A [2] : vector<128x128x128xf32> to vector<128x128xf32>
    %iota3A = tpu.iota {dimensions = array<i32: 1>} : vector<128x128xi32>
    %iota3A_27 = tpu.iota {dimensions = array<i32: 1>} : vector<128x16xi32>
    %broadcast_in_dim3A_28 = arith.constant 0 : i32
    %broadcast_in_dim3A_29 = vector.broadcast %broadcast_in_dim3A_28 : i32 to vector<128x16xi32>
    %reduce_min3A_30 = arith.constant dense<0x7F800000> : vector<128xf32>
    %reduce_min3A_31 = vector.multi_reduction <minimumf>, %reduce_min3A_26, %reduce_min3A_30 [1] : vector<128x128xf32> to vector<128xf32>
    %broadcast_in_dim3A_32 = vector.shape_cast %reduce_min3A_31 : vector<128xf32> to vector<128x1xf32>
    %eq3A = vector.broadcast %broadcast_in_dim3A_32 : vector<128x1xf32> to vector<128x128xf32>
    %eq3A_33 = arith.cmpf oeq, %reduce_min3A_26, %eq3A : vector<128x128xf32>
    %jit3A = arith.constant 128 : i32
    %broadcast_in_dim3A_34 = vector.broadcast %jit3A : i32 to vector<128x128xi32>
    %select_n3A = arith.select %eq3A_33, %iota3A, %broadcast_in_dim3A_34 : vector<128x128xi1>, vector<128x128xi32>
    %reduce_min3A_35 = arith.constant dense<2147483647> : vector<128xi32>
    %reduce_min3A_36 = vector.multi_reduction <minsi>, %select_n3A, %reduce_min3A_35 [1] : vector<128x128xi32> to vector<128xi32>
    %broadcast_in_dim3A_37 = vector.shape_cast %reduce_min3A_36 : vector<128xi32> to vector<128x1xi32>
    %eq3A_38 = arith.constant 0 : i32
    %eq3A_39 = vector.broadcast %eq3A_38 : i32 to vector<128x16xi32>
    %eq3A_40 = arith.cmpi eq, %iota3A_27, %eq3A_39 : vector<128x16xi32>
    %broadcast_in_dim3A_41 = vector.shape_cast %broadcast_in_dim3A_37 : vector<128x1xi32> to vector<128x1xi32>
    %broadcast_in_dim3A_42 = vector.broadcast %broadcast_in_dim3A_41 : vector<128x1xi32> to vector<128x16xi32>
    %select_n3A_43 = arith.select %eq3A_40, %broadcast_in_dim3A_42, %broadcast_in_dim3A_29 : vector<128x16xi1>, vector<128x16xi32>
    %eq3A_44 = vector.broadcast %broadcast_in_dim3A_37 : vector<128x1xi32> to vector<128x128xi32>
    %eq3A_45 = arith.cmpi eq, %iota3A, %eq3A_44 : vector<128x128xi32>
    %jit3A_46 = arith.constant 0x7F800000 : f32
    %broadcast_in_dim3A_47 = vector.broadcast %jit3A_46 : f32 to vector<128x128xf32>
    %select_n3A_48 = arith.select %eq3A_45, %broadcast_in_dim3A_47, %reduce_min3A_26 : vector<128x128xi1>, vector<128x128xf32>
    %reduce_min3A_49 = arith.constant dense<0x7F800000> : vector<128xf32>
    %reduce_min3A_50 = vector.multi_reduction <minimumf>, %select_n3A_48, %reduce_min3A_49 [1] : vector<128x128xf32> to vector<128xf32>
    %broadcast_in_dim3A_51 = vector.shape_cast %reduce_min3A_50 : vector<128xf32> to vector<128x1xf32>
    %eq3A_52 = vector.broadcast %broadcast_in_dim3A_51 : vector<128x1xf32> to vector<128x128xf32>
    %eq3A_53 = arith.cmpf oeq, %select_n3A_48, %eq3A_52 : vector<128x128xf32>
    %jit3A_54 = arith.constant 128 : i32
    %broadcast_in_dim3A_55 = vector.broadcast %jit3A_54 : i32 to vector<128x128xi32>
    %select_n3A_56 = arith.select %eq3A_53, %iota3A, %broadcast_in_dim3A_55 : vector<128x128xi1>, vector<128x128xi32>
    %reduce_min3A_57 = arith.constant dense<2147483647> : vector<128xi32>
    %reduce_min3A_58 = vector.multi_reduction <minsi>, %select_n3A_56, %reduce_min3A_57 [1] : vector<128x128xi32> to vector<128xi32>
    %broadcast_in_dim3A_59 = vector.shape_cast %reduce_min3A_58 : vector<128xi32> to vector<128x1xi32>
    %eq3A_60 = arith.constant 1 : i32
    %eq3A_61 = vector.broadcast %eq3A_60 : i32 to vector<128x16xi32>
    %eq3A_62 = arith.cmpi eq, %iota3A_27, %eq3A_61 : vector<128x16xi32>
    %broadcast_in_dim3A_63 = vector.shape_cast %broadcast_in_dim3A_59 : vector<128x1xi32> to vector<128x1xi32>
    %broadcast_in_dim3A_64 = vector.broadcast %broadcast_in_dim3A_63 : vector<128x1xi32> to vector<128x16xi32>
    %select_n3A_65 = arith.select %eq3A_62, %broadcast_in_dim3A_64, %select_n3A_43 : vector<128x16xi1>, vector<128x16xi32>
    %eq3A_66 = vector.broadcast %broadcast_in_dim3A_59 : vector<128x1xi32> to vector<128x128xi32>
    %eq3A_67 = arith.cmpi eq, %iota3A, %eq3A_66 : vector<128x128xi32>
    %jit3A_68 = arith.constant 0x7F800000 : f32
    %broadcast_in_dim3A_69 = vector.broadcast %jit3A_68 : f32 to vector<128x128xf32>
    %select_n3A_70 = arith.select %eq3A_67, %broadcast_in_dim3A_69, %select_n3A_48 : vector<128x128xi1>, vector<128x128xf32>
    %reduce_min3A_71 = arith.constant dense<0x7F800000> : vector<128xf32>
    %reduce_min3A_72 = vector.multi_reduction <minimumf>, %select_n3A_70, %reduce_min3A_71 [1] : vector<128x128xf32> to vector<128xf32>
    %broadcast_in_dim3A_73 = vector.shape_cast %reduce_min3A_72 : vector<128xf32> to vector<128x1xf32>
    %eq3A_74 = vector.broadcast %broadcast_in_dim3A_73 : vector<128x1xf32> to vector<128x128xf32>
    %eq3A_75 = arith.cmpf oeq, %select_n3A_70, %eq3A_74 : vector<128x128xf32>
    %jit3A_76 = arith.constant 128 : i32
    %broadcast_in_dim3A_77 = vector.broadcast %jit3A_76 : i32 to vector<128x128xi32>
    %select_n3A_78 = arith.select %eq3A_75, %iota3A, %broadcast_in_dim3A_77 : vector<128x128xi1>, vector<128x128xi32>
    %reduce_min3A_79 = arith.constant dense<2147483647> : vector<128xi32>
    %reduce_min3A_80 = vector.multi_reduction <minsi>, %select_n3A_78, %reduce_min3A_79 [1] : vector<128x128xi32> to vector<128xi32>
    %broadcast_in_dim3A_81 = vector.shape_cast %reduce_min3A_80 : vector<128xi32> to vector<128x1xi32>
    %eq3A_82 = arith.constant 2 : i32
    %eq3A_83 = vector.broadcast %eq3A_82 : i32 to vector<128x16xi32>
    %eq3A_84 = arith.cmpi eq, %iota3A_27, %eq3A_83 : vector<128x16xi32>
    %broadcast_in_dim3A_85 = vector.shape_cast %broadcast_in_dim3A_81 : vector<128x1xi32> to vector<128x1xi32>
    %broadcast_in_dim3A_86 = vector.broadcast %broadcast_in_dim3A_85 : vector<128x1xi32> to vector<128x16xi32>
    %select_n3A_87 = arith.select %eq3A_84, %broadcast_in_dim3A_86, %select_n3A_65 : vector<128x16xi1>, vector<128x16xi32>
    %eq3A_88 = vector.broadcast %broadcast_in_dim3A_81 : vector<128x1xi32> to vector<128x128xi32>
    %eq3A_89 = arith.cmpi eq, %iota3A, %eq3A_88 : vector<128x128xi32>
    %jit3A_90 = arith.constant 0x7F800000 : f32
    %broadcast_in_dim3A_91 = vector.broadcast %jit3A_90 : f32 to vector<128x128xf32>
    %select_n3A_92 = arith.select %eq3A_89, %broadcast_in_dim3A_91, %select_n3A_70 : vector<128x128xi1>, vector<128x128xf32>
    %reduce_min3A_93 = arith.constant dense<0x7F800000> : vector<128xf32>
    %reduce_min3A_94 = vector.multi_reduction <minimumf>, %select_n3A_92, %reduce_min3A_93 [1] : vector<128x128xf32> to vector<128xf32>
    %broadcast_in_dim3A_95 = vector.shape_cast %reduce_min3A_94 : vector<128xf32> to vector<128x1xf32>
    %eq3A_96 = vector.broadcast %broadcast_in_dim3A_95 : vector<128x1xf32> to vector<128x128xf32>
    %eq3A_97 = arith.cmpf oeq, %select_n3A_92, %eq3A_96 : vector<128x128xf32>
    %jit3A_98 = arith.constant 128 : i32
    %broadcast_in_dim3A_99 = vector.broadcast %jit3A_98 : i32 to vector<128x128xi32>
    %select_n3A_100 = arith.select %eq3A_97, %iota3A, %broadcast_in_dim3A_99 : vector<128x128xi1>, vector<128x128xi32>
    %reduce_min3A_101 = arith.constant dense<2147483647> : vector<128xi32>
    %reduce_min3A_102 = vector.multi_reduction <minsi>, %select_n3A_100, %reduce_min3A_101 [1] : vector<128x128xi32> to vector<128xi32>
    %broadcast_in_dim3A_103 = vector.shape_cast %reduce_min3A_102 : vector<128xi32> to vector<128x1xi32>
    %eq3A_104 = arith.constant 3 : i32
    %eq3A_105 = vector.broadcast %eq3A_104 : i32 to vector<128x16xi32>
    %eq3A_106 = arith.cmpi eq, %iota3A_27, %eq3A_105 : vector<128x16xi32>
    %broadcast_in_dim3A_107 = vector.shape_cast %broadcast_in_dim3A_103 : vector<128x1xi32> to vector<128x1xi32>
    %broadcast_in_dim3A_108 = vector.broadcast %broadcast_in_dim3A_107 : vector<128x1xi32> to vector<128x16xi32>
    %select_n3A_109 = arith.select %eq3A_106, %broadcast_in_dim3A_108, %select_n3A_87 : vector<128x16xi1>, vector<128x16xi32>
    %eq3A_110 = vector.broadcast %broadcast_in_dim3A_103 : vector<128x1xi32> to vector<128x128xi32>
    %eq3A_111 = arith.cmpi eq, %iota3A, %eq3A_110 : vector<128x128xi32>
    %jit3A_112 = arith.constant 0x7F800000 : f32
    %broadcast_in_dim3A_113 = vector.broadcast %jit3A_112 : f32 to vector<128x128xf32>
    %select_n3A_114 = arith.select %eq3A_111, %broadcast_in_dim3A_113, %select_n3A_92 : vector<128x128xi1>, vector<128x128xf32>
    %reduce_min3A_115 = arith.constant dense<0x7F800000> : vector<128xf32>
    %reduce_min3A_116 = vector.multi_reduction <minimumf>, %select_n3A_114, %reduce_min3A_115 [1] : vector<128x128xf32> to vector<128xf32>
    %broadcast_in_dim3A_117 = vector.shape_cast %reduce_min3A_116 : vector<128xf32> to vector<128x1xf32>
    %eq3A_118 = vector.broadcast %broadcast_in_dim3A_117 : vector<128x1xf32> to vector<128x128xf32>
    %eq3A_119 = arith.cmpf oeq, %select_n3A_114, %eq3A_118 : vector<128x128xf32>
    %jit3A_120 = arith.constant 128 : i32
    %broadcast_in_dim3A_121 = vector.broadcast %jit3A_120 : i32 to vector<128x128xi32>
    %select_n3A_122 = arith.select %eq3A_119, %iota3A, %broadcast_in_dim3A_121 : vector<128x128xi1>, vector<128x128xi32>
    %reduce_min3A_123 = arith.constant dense<2147483647> : vector<128xi32>
    %reduce_min3A_124 = vector.multi_reduction <minsi>, %select_n3A_122, %reduce_min3A_123 [1] : vector<128x128xi32> to vector<128xi32>
    %broadcast_in_dim3A_125 = vector.shape_cast %reduce_min3A_124 : vector<128xi32> to vector<128x1xi32>
    %eq3A_126 = arith.constant 4 : i32
    %eq3A_127 = vector.broadcast %eq3A_126 : i32 to vector<128x16xi32>
    %eq3A_128 = arith.cmpi eq, %iota3A_27, %eq3A_127 : vector<128x16xi32>
    %broadcast_in_dim3A_129 = vector.shape_cast %broadcast_in_dim3A_125 : vector<128x1xi32> to vector<128x1xi32>
    %broadcast_in_dim3A_130 = vector.broadcast %broadcast_in_dim3A_129 : vector<128x1xi32> to vector<128x16xi32>
    %select_n3A_131 = arith.select %eq3A_128, %broadcast_in_dim3A_130, %select_n3A_109 : vector<128x16xi1>, vector<128x16xi32>
    %eq3A_132 = vector.broadcast %broadcast_in_dim3A_125 : vector<128x1xi32> to vector<128x128xi32>
    %eq3A_133 = arith.cmpi eq, %iota3A, %eq3A_132 : vector<128x128xi32>
    %jit3A_134 = arith.constant 0x7F800000 : f32
    %broadcast_in_dim3A_135 = vector.broadcast %jit3A_134 : f32 to vector<128x128xf32>
    %select_n3A_136 = arith.select %eq3A_133, %broadcast_in_dim3A_135, %select_n3A_114 : vector<128x128xi1>, vector<128x128xf32>
    %reduce_min3A_137 = arith.constant dense<0x7F800000> : vector<128xf32>
    %reduce_min3A_138 = vector.multi_reduction <minimumf>, %select_n3A_136, %reduce_min3A_137 [1] : vector<128x128xf32> to vector<128xf32>
    %broadcast_in_dim3A_139 = vector.shape_cast %reduce_min3A_138 : vector<128xf32> to vector<128x1xf32>
    %eq3A_140 = vector.broadcast %broadcast_in_dim3A_139 : vector<128x1xf32> to vector<128x128xf32>
    %eq3A_141 = arith.cmpf oeq, %select_n3A_136, %eq3A_140 : vector<128x128xf32>
    %jit3A_142 = arith.constant 128 : i32
    %broadcast_in_dim3A_143 = vector.broadcast %jit3A_142 : i32 to vector<128x128xi32>
    %select_n3A_144 = arith.select %eq3A_141, %iota3A, %broadcast_in_dim3A_143 : vector<128x128xi1>, vector<128x128xi32>
    %reduce_min3A_145 = arith.constant dense<2147483647> : vector<128xi32>
    %reduce_min3A_146 = vector.multi_reduction <minsi>, %select_n3A_144, %reduce_min3A_145 [1] : vector<128x128xi32> to vector<128xi32>
    %broadcast_in_dim3A_147 = vector.shape_cast %reduce_min3A_146 : vector<128xi32> to vector<128x1xi32>
    %eq3A_148 = arith.constant 5 : i32
    %eq3A_149 = vector.broadcast %eq3A_148 : i32 to vector<128x16xi32>
    %eq3A_150 = arith.cmpi eq, %iota3A_27, %eq3A_149 : vector<128x16xi32>
    %broadcast_in_dim3A_151 = vector.shape_cast %broadcast_in_dim3A_147 : vector<128x1xi32> to vector<128x1xi32>
    %broadcast_in_dim3A_152 = vector.broadcast %broadcast_in_dim3A_151 : vector<128x1xi32> to vector<128x16xi32>
    %select_n3A_153 = arith.select %eq3A_150, %broadcast_in_dim3A_152, %select_n3A_131 : vector<128x16xi1>, vector<128x16xi32>
    %eq3A_154 = vector.broadcast %broadcast_in_dim3A_147 : vector<128x1xi32> to vector<128x128xi32>
    %eq3A_155 = arith.cmpi eq, %iota3A, %eq3A_154 : vector<128x128xi32>
    %jit3A_156 = arith.constant 0x7F800000 : f32
    %broadcast_in_dim3A_157 = vector.broadcast %jit3A_156 : f32 to vector<128x128xf32>
    %select_n3A_158 = arith.select %eq3A_155, %broadcast_in_dim3A_157, %select_n3A_136 : vector<128x128xi1>, vector<128x128xf32>
    %reduce_min3A_159 = arith.constant dense<0x7F800000> : vector<128xf32>
    %reduce_min3A_160 = vector.multi_reduction <minimumf>, %select_n3A_158, %reduce_min3A_159 [1] : vector<128x128xf32> to vector<128xf32>
    %broadcast_in_dim3A_161 = vector.shape_cast %reduce_min3A_160 : vector<128xf32> to vector<128x1xf32>
    %eq3A_162 = vector.broadcast %broadcast_in_dim3A_161 : vector<128x1xf32> to vector<128x128xf32>
    %eq3A_163 = arith.cmpf oeq, %select_n3A_158, %eq3A_162 : vector<128x128xf32>
    %jit3A_164 = arith.constant 128 : i32
    %broadcast_in_dim3A_165 = vector.broadcast %jit3A_164 : i32 to vector<128x128xi32>
    %select_n3A_166 = arith.select %eq3A_163, %iota3A, %broadcast_in_dim3A_165 : vector<128x128xi1>, vector<128x128xi32>
    %reduce_min3A_167 = arith.constant dense<2147483647> : vector<128xi32>
    %reduce_min3A_168 = vector.multi_reduction <minsi>, %select_n3A_166, %reduce_min3A_167 [1] : vector<128x128xi32> to vector<128xi32>
    %broadcast_in_dim3A_169 = vector.shape_cast %reduce_min3A_168 : vector<128xi32> to vector<128x1xi32>
    %eq3A_170 = arith.constant 6 : i32
    %eq3A_171 = vector.broadcast %eq3A_170 : i32 to vector<128x16xi32>
    %eq3A_172 = arith.cmpi eq, %iota3A_27, %eq3A_171 : vector<128x16xi32>
    %broadcast_in_dim3A_173 = vector.shape_cast %broadcast_in_dim3A_169 : vector<128x1xi32> to vector<128x1xi32>
    %broadcast_in_dim3A_174 = vector.broadcast %broadcast_in_dim3A_173 : vector<128x1xi32> to vector<128x16xi32>
    %select_n3A_175 = arith.select %eq3A_172, %broadcast_in_dim3A_174, %select_n3A_153 : vector<128x16xi1>, vector<128x16xi32>
    %eq3A_176 = vector.broadcast %broadcast_in_dim3A_169 : vector<128x1xi32> to vector<128x128xi32>
    %eq3A_177 = arith.cmpi eq, %iota3A, %eq3A_176 : vector<128x128xi32>
    %jit3A_178 = arith.constant 0x7F800000 : f32
    %broadcast_in_dim3A_179 = vector.broadcast %jit3A_178 : f32 to vector<128x128xf32>
    %select_n3A_180 = arith.select %eq3A_177, %broadcast_in_dim3A_179, %select_n3A_158 : vector<128x128xi1>, vector<128x128xf32>
    %reduce_min3A_181 = arith.constant dense<0x7F800000> : vector<128xf32>
    %reduce_min3A_182 = vector.multi_reduction <minimumf>, %select_n3A_180, %reduce_min3A_181 [1] : vector<128x128xf32> to vector<128xf32>
    %broadcast_in_dim3A_183 = vector.shape_cast %reduce_min3A_182 : vector<128xf32> to vector<128x1xf32>
    %eq3A_184 = vector.broadcast %broadcast_in_dim3A_183 : vector<128x1xf32> to vector<128x128xf32>
    %eq3A_185 = arith.cmpf oeq, %select_n3A_180, %eq3A_184 : vector<128x128xf32>
    %jit3A_186 = arith.constant 128 : i32
    %broadcast_in_dim3A_187 = vector.broadcast %jit3A_186 : i32 to vector<128x128xi32>
    %select_n3A_188 = arith.select %eq3A_185, %iota3A, %broadcast_in_dim3A_187 : vector<128x128xi1>, vector<128x128xi32>
    %reduce_min3A_189 = arith.constant dense<2147483647> : vector<128xi32>
    %reduce_min3A_190 = vector.multi_reduction <minsi>, %select_n3A_188, %reduce_min3A_189 [1] : vector<128x128xi32> to vector<128xi32>
    %broadcast_in_dim3A_191 = vector.shape_cast %reduce_min3A_190 : vector<128xi32> to vector<128x1xi32>
    %eq3A_192 = arith.constant 7 : i32
    %eq3A_193 = vector.broadcast %eq3A_192 : i32 to vector<128x16xi32>
    %eq3A_194 = arith.cmpi eq, %iota3A_27, %eq3A_193 : vector<128x16xi32>
    %broadcast_in_dim3A_195 = vector.shape_cast %broadcast_in_dim3A_191 : vector<128x1xi32> to vector<128x1xi32>
    %broadcast_in_dim3A_196 = vector.broadcast %broadcast_in_dim3A_195 : vector<128x1xi32> to vector<128x16xi32>
    %select_n3A_197 = arith.select %eq3A_194, %broadcast_in_dim3A_196, %select_n3A_175 : vector<128x16xi1>, vector<128x16xi32>
    %eq3A_198 = vector.broadcast %broadcast_in_dim3A_191 : vector<128x1xi32> to vector<128x128xi32>
    %eq3A_199 = arith.cmpi eq, %iota3A, %eq3A_198 : vector<128x128xi32>
    %jit3A_200 = arith.constant 0x7F800000 : f32
    %broadcast_in_dim3A_201 = vector.broadcast %jit3A_200 : f32 to vector<128x128xf32>
    %select_n3A_202 = arith.select %eq3A_199, %broadcast_in_dim3A_201, %select_n3A_180 : vector<128x128xi1>, vector<128x128xf32>
    %reduce_min3A_203 = arith.constant dense<0x7F800000> : vector<128xf32>
    %reduce_min3A_204 = vector.multi_reduction <minimumf>, %select_n3A_202, %reduce_min3A_203 [1] : vector<128x128xf32> to vector<128xf32>
    %broadcast_in_dim3A_205 = vector.shape_cast %reduce_min3A_204 : vector<128xf32> to vector<128x1xf32>
    %eq3A_206 = vector.broadcast %broadcast_in_dim3A_205 : vector<128x1xf32> to vector<128x128xf32>
    %eq3A_207 = arith.cmpf oeq, %select_n3A_202, %eq3A_206 : vector<128x128xf32>
    %jit3A_208 = arith.constant 128 : i32
    %broadcast_in_dim3A_209 = vector.broadcast %jit3A_208 : i32 to vector<128x128xi32>
    %select_n3A_210 = arith.select %eq3A_207, %iota3A, %broadcast_in_dim3A_209 : vector<128x128xi1>, vector<128x128xi32>
    %reduce_min3A_211 = arith.constant dense<2147483647> : vector<128xi32>
    %reduce_min3A_212 = vector.multi_reduction <minsi>, %select_n3A_210, %reduce_min3A_211 [1] : vector<128x128xi32> to vector<128xi32>
    %broadcast_in_dim3A_213 = vector.shape_cast %reduce_min3A_212 : vector<128xi32> to vector<128x1xi32>
    %eq3A_214 = arith.constant 8 : i32
    %eq3A_215 = vector.broadcast %eq3A_214 : i32 to vector<128x16xi32>
    %eq3A_216 = arith.cmpi eq, %iota3A_27, %eq3A_215 : vector<128x16xi32>
    %broadcast_in_dim3A_217 = vector.shape_cast %broadcast_in_dim3A_213 : vector<128x1xi32> to vector<128x1xi32>
    %broadcast_in_dim3A_218 = vector.broadcast %broadcast_in_dim3A_217 : vector<128x1xi32> to vector<128x16xi32>
    %select_n3A_219 = arith.select %eq3A_216, %broadcast_in_dim3A_218, %select_n3A_197 : vector<128x16xi1>, vector<128x16xi32>
    %eq3A_220 = vector.broadcast %broadcast_in_dim3A_213 : vector<128x1xi32> to vector<128x128xi32>
    %eq3A_221 = arith.cmpi eq, %iota3A, %eq3A_220 : vector<128x128xi32>
    %jit3A_222 = arith.constant 0x7F800000 : f32
    %broadcast_in_dim3A_223 = vector.broadcast %jit3A_222 : f32 to vector<128x128xf32>
    %select_n3A_224 = arith.select %eq3A_221, %broadcast_in_dim3A_223, %select_n3A_202 : vector<128x128xi1>, vector<128x128xf32>
    %reduce_min3A_225 = arith.constant dense<0x7F800000> : vector<128xf32>
    %reduce_min3A_226 = vector.multi_reduction <minimumf>, %select_n3A_224, %reduce_min3A_225 [1] : vector<128x128xf32> to vector<128xf32>
    %broadcast_in_dim3A_227 = vector.shape_cast %reduce_min3A_226 : vector<128xf32> to vector<128x1xf32>
    %eq3A_228 = vector.broadcast %broadcast_in_dim3A_227 : vector<128x1xf32> to vector<128x128xf32>
    %eq3A_229 = arith.cmpf oeq, %select_n3A_224, %eq3A_228 : vector<128x128xf32>
    %jit3A_230 = arith.constant 128 : i32
    %broadcast_in_dim3A_231 = vector.broadcast %jit3A_230 : i32 to vector<128x128xi32>
    %select_n3A_232 = arith.select %eq3A_229, %iota3A, %broadcast_in_dim3A_231 : vector<128x128xi1>, vector<128x128xi32>
    %reduce_min3A_233 = arith.constant dense<2147483647> : vector<128xi32>
    %reduce_min3A_234 = vector.multi_reduction <minsi>, %select_n3A_232, %reduce_min3A_233 [1] : vector<128x128xi32> to vector<128xi32>
    %broadcast_in_dim3A_235 = vector.shape_cast %reduce_min3A_234 : vector<128xi32> to vector<128x1xi32>
    %eq3A_236 = arith.constant 9 : i32
    %eq3A_237 = vector.broadcast %eq3A_236 : i32 to vector<128x16xi32>
    %eq3A_238 = arith.cmpi eq, %iota3A_27, %eq3A_237 : vector<128x16xi32>
    %broadcast_in_dim3A_239 = vector.shape_cast %broadcast_in_dim3A_235 : vector<128x1xi32> to vector<128x1xi32>
    %broadcast_in_dim3A_240 = vector.broadcast %broadcast_in_dim3A_239 : vector<128x1xi32> to vector<128x16xi32>
    %select_n3A_241 = arith.select %eq3A_238, %broadcast_in_dim3A_240, %select_n3A_219 : vector<128x16xi1>, vector<128x16xi32>
    %eq3A_242 = vector.broadcast %broadcast_in_dim3A_235 : vector<128x1xi32> to vector<128x128xi32>
    %eq3A_243 = arith.cmpi eq, %iota3A, %eq3A_242 : vector<128x128xi32>
    %jit3A_244 = arith.constant 0x7F800000 : f32
    %broadcast_in_dim3A_245 = vector.broadcast %jit3A_244 : f32 to vector<128x128xf32>
    %select_n3A_246 = arith.select %eq3A_243, %broadcast_in_dim3A_245, %select_n3A_224 : vector<128x128xi1>, vector<128x128xf32>
    %reduce_min3A_247 = arith.constant dense<0x7F800000> : vector<128xf32>
    %reduce_min3A_248 = vector.multi_reduction <minimumf>, %select_n3A_246, %reduce_min3A_247 [1] : vector<128x128xf32> to vector<128xf32>
    %broadcast_in_dim3A_249 = vector.shape_cast %reduce_min3A_248 : vector<128xf32> to vector<128x1xf32>
    %eq3A_250 = vector.broadcast %broadcast_in_dim3A_249 : vector<128x1xf32> to vector<128x128xf32>
    %eq3A_251 = arith.cmpf oeq, %select_n3A_246, %eq3A_250 : vector<128x128xf32>
    %jit3A_252 = arith.constant 128 : i32
    %broadcast_in_dim3A_253 = vector.broadcast %jit3A_252 : i32 to vector<128x128xi32>
    %select_n3A_254 = arith.select %eq3A_251, %iota3A, %broadcast_in_dim3A_253 : vector<128x128xi1>, vector<128x128xi32>
    %reduce_min3A_255 = arith.constant dense<2147483647> : vector<128xi32>
    %reduce_min3A_256 = vector.multi_reduction <minsi>, %select_n3A_254, %reduce_min3A_255 [1] : vector<128x128xi32> to vector<128xi32>
    %broadcast_in_dim3A_257 = vector.shape_cast %reduce_min3A_256 : vector<128xi32> to vector<128x1xi32>
    %eq3A_258 = arith.constant 10 : i32
    %eq3A_259 = vector.broadcast %eq3A_258 : i32 to vector<128x16xi32>
    %eq3A_260 = arith.cmpi eq, %iota3A_27, %eq3A_259 : vector<128x16xi32>
    %broadcast_in_dim3A_261 = vector.shape_cast %broadcast_in_dim3A_257 : vector<128x1xi32> to vector<128x1xi32>
    %broadcast_in_dim3A_262 = vector.broadcast %broadcast_in_dim3A_261 : vector<128x1xi32> to vector<128x16xi32>
    %select_n3A_263 = arith.select %eq3A_260, %broadcast_in_dim3A_262, %select_n3A_241 : vector<128x16xi1>, vector<128x16xi32>
    %eq3A_264 = vector.broadcast %broadcast_in_dim3A_257 : vector<128x1xi32> to vector<128x128xi32>
    %eq3A_265 = arith.cmpi eq, %iota3A, %eq3A_264 : vector<128x128xi32>
    %jit3A_266 = arith.constant 0x7F800000 : f32
    %broadcast_in_dim3A_267 = vector.broadcast %jit3A_266 : f32 to vector<128x128xf32>
    %select_n3A_268 = arith.select %eq3A_265, %broadcast_in_dim3A_267, %select_n3A_246 : vector<128x128xi1>, vector<128x128xf32>
    %reduce_min3A_269 = arith.constant dense<0x7F800000> : vector<128xf32>
    %reduce_min3A_270 = vector.multi_reduction <minimumf>, %select_n3A_268, %reduce_min3A_269 [1] : vector<128x128xf32> to vector<128xf32>
    %broadcast_in_dim3A_271 = vector.shape_cast %reduce_min3A_270 : vector<128xf32> to vector<128x1xf32>
    %eq3A_272 = vector.broadcast %broadcast_in_dim3A_271 : vector<128x1xf32> to vector<128x128xf32>
    %eq3A_273 = arith.cmpf oeq, %select_n3A_268, %eq3A_272 : vector<128x128xf32>
    %jit3A_274 = arith.constant 128 : i32
    %broadcast_in_dim3A_275 = vector.broadcast %jit3A_274 : i32 to vector<128x128xi32>
    %select_n3A_276 = arith.select %eq3A_273, %iota3A, %broadcast_in_dim3A_275 : vector<128x128xi1>, vector<128x128xi32>
    %reduce_min3A_277 = arith.constant dense<2147483647> : vector<128xi32>
    %reduce_min3A_278 = vector.multi_reduction <minsi>, %select_n3A_276, %reduce_min3A_277 [1] : vector<128x128xi32> to vector<128xi32>
    %broadcast_in_dim3A_279 = vector.shape_cast %reduce_min3A_278 : vector<128xi32> to vector<128x1xi32>
    %eq3A_280 = arith.constant 11 : i32
    %eq3A_281 = vector.broadcast %eq3A_280 : i32 to vector<128x16xi32>
    %eq3A_282 = arith.cmpi eq, %iota3A_27, %eq3A_281 : vector<128x16xi32>
    %broadcast_in_dim3A_283 = vector.shape_cast %broadcast_in_dim3A_279 : vector<128x1xi32> to vector<128x1xi32>
    %broadcast_in_dim3A_284 = vector.broadcast %broadcast_in_dim3A_283 : vector<128x1xi32> to vector<128x16xi32>
    %select_n3A_285 = arith.select %eq3A_282, %broadcast_in_dim3A_284, %select_n3A_263 : vector<128x16xi1>, vector<128x16xi32>
    %eq3A_286 = vector.broadcast %broadcast_in_dim3A_279 : vector<128x1xi32> to vector<128x128xi32>
    %eq3A_287 = arith.cmpi eq, %iota3A, %eq3A_286 : vector<128x128xi32>
    %jit3A_288 = arith.constant 0x7F800000 : f32
    %broadcast_in_dim3A_289 = vector.broadcast %jit3A_288 : f32 to vector<128x128xf32>
    %select_n3A_290 = arith.select %eq3A_287, %broadcast_in_dim3A_289, %select_n3A_268 : vector<128x128xi1>, vector<128x128xf32>
    %reduce_min3A_291 = arith.constant dense<0x7F800000> : vector<128xf32>
    %reduce_min3A_292 = vector.multi_reduction <minimumf>, %select_n3A_290, %reduce_min3A_291 [1] : vector<128x128xf32> to vector<128xf32>
    %broadcast_in_dim3A_293 = vector.shape_cast %reduce_min3A_292 : vector<128xf32> to vector<128x1xf32>
    %eq3A_294 = vector.broadcast %broadcast_in_dim3A_293 : vector<128x1xf32> to vector<128x128xf32>
    %eq3A_295 = arith.cmpf oeq, %select_n3A_290, %eq3A_294 : vector<128x128xf32>
    %jit3A_296 = arith.constant 128 : i32
    %broadcast_in_dim3A_297 = vector.broadcast %jit3A_296 : i32 to vector<128x128xi32>
    %select_n3A_298 = arith.select %eq3A_295, %iota3A, %broadcast_in_dim3A_297 : vector<128x128xi1>, vector<128x128xi32>
    %reduce_min3A_299 = arith.constant dense<2147483647> : vector<128xi32>
    %reduce_min3A_300 = vector.multi_reduction <minsi>, %select_n3A_298, %reduce_min3A_299 [1] : vector<128x128xi32> to vector<128xi32>
    %broadcast_in_dim3A_301 = vector.shape_cast %reduce_min3A_300 : vector<128xi32> to vector<128x1xi32>
    %eq3A_302 = arith.constant 12 : i32
    %eq3A_303 = vector.broadcast %eq3A_302 : i32 to vector<128x16xi32>
    %eq3A_304 = arith.cmpi eq, %iota3A_27, %eq3A_303 : vector<128x16xi32>
    %broadcast_in_dim3A_305 = vector.shape_cast %broadcast_in_dim3A_301 : vector<128x1xi32> to vector<128x1xi32>
    %broadcast_in_dim3A_306 = vector.broadcast %broadcast_in_dim3A_305 : vector<128x1xi32> to vector<128x16xi32>
    %select_n3A_307 = arith.select %eq3A_304, %broadcast_in_dim3A_306, %select_n3A_285 : vector<128x16xi1>, vector<128x16xi32>
    %eq3A_308 = vector.broadcast %broadcast_in_dim3A_301 : vector<128x1xi32> to vector<128x128xi32>
    %eq3A_309 = arith.cmpi eq, %iota3A, %eq3A_308 : vector<128x128xi32>
    %jit3A_310 = arith.constant 0x7F800000 : f32
    %broadcast_in_dim3A_311 = vector.broadcast %jit3A_310 : f32 to vector<128x128xf32>
    %select_n3A_312 = arith.select %eq3A_309, %broadcast_in_dim3A_311, %select_n3A_290 : vector<128x128xi1>, vector<128x128xf32>
    %reduce_min3A_313 = arith.constant dense<0x7F800000> : vector<128xf32>
    %reduce_min3A_314 = vector.multi_reduction <minimumf>, %select_n3A_312, %reduce_min3A_313 [1] : vector<128x128xf32> to vector<128xf32>
    %broadcast_in_dim3A_315 = vector.shape_cast %reduce_min3A_314 : vector<128xf32> to vector<128x1xf32>
    %eq3A_316 = vector.broadcast %broadcast_in_dim3A_315 : vector<128x1xf32> to vector<128x128xf32>
    %eq3A_317 = arith.cmpf oeq, %select_n3A_312, %eq3A_316 : vector<128x128xf32>
    %jit3A_318 = arith.constant 128 : i32
    %broadcast_in_dim3A_319 = vector.broadcast %jit3A_318 : i32 to vector<128x128xi32>
    %select_n3A_320 = arith.select %eq3A_317, %iota3A, %broadcast_in_dim3A_319 : vector<128x128xi1>, vector<128x128xi32>
    %reduce_min3A_321 = arith.constant dense<2147483647> : vector<128xi32>
    %reduce_min3A_322 = vector.multi_reduction <minsi>, %select_n3A_320, %reduce_min3A_321 [1] : vector<128x128xi32> to vector<128xi32>
    %broadcast_in_dim3A_323 = vector.shape_cast %reduce_min3A_322 : vector<128xi32> to vector<128x1xi32>
    %eq3A_324 = arith.constant 13 : i32
    %eq3A_325 = vector.broadcast %eq3A_324 : i32 to vector<128x16xi32>
    %eq3A_326 = arith.cmpi eq, %iota3A_27, %eq3A_325 : vector<128x16xi32>
    %broadcast_in_dim3A_327 = vector.shape_cast %broadcast_in_dim3A_323 : vector<128x1xi32> to vector<128x1xi32>
    %broadcast_in_dim3A_328 = vector.broadcast %broadcast_in_dim3A_327 : vector<128x1xi32> to vector<128x16xi32>
    %select_n3A_329 = arith.select %eq3A_326, %broadcast_in_dim3A_328, %select_n3A_307 : vector<128x16xi1>, vector<128x16xi32>
    %eq3A_330 = vector.broadcast %broadcast_in_dim3A_323 : vector<128x1xi32> to vector<128x128xi32>
    %eq3A_331 = arith.cmpi eq, %iota3A, %eq3A_330 : vector<128x128xi32>
    %jit3A_332 = arith.constant 0x7F800000 : f32
    %broadcast_in_dim3A_333 = vector.broadcast %jit3A_332 : f32 to vector<128x128xf32>
    %select_n3A_334 = arith.select %eq3A_331, %broadcast_in_dim3A_333, %select_n3A_312 : vector<128x128xi1>, vector<128x128xf32>
    %reduce_min3A_335 = arith.constant dense<0x7F800000> : vector<128xf32>
    %reduce_min3A_336 = vector.multi_reduction <minimumf>, %select_n3A_334, %reduce_min3A_335 [1] : vector<128x128xf32> to vector<128xf32>
    %broadcast_in_dim3A_337 = vector.shape_cast %reduce_min3A_336 : vector<128xf32> to vector<128x1xf32>
    %eq3A_338 = vector.broadcast %broadcast_in_dim3A_337 : vector<128x1xf32> to vector<128x128xf32>
    %eq3A_339 = arith.cmpf oeq, %select_n3A_334, %eq3A_338 : vector<128x128xf32>
    %jit3A_340 = arith.constant 128 : i32
    %broadcast_in_dim3A_341 = vector.broadcast %jit3A_340 : i32 to vector<128x128xi32>
    %select_n3A_342 = arith.select %eq3A_339, %iota3A, %broadcast_in_dim3A_341 : vector<128x128xi1>, vector<128x128xi32>
    %reduce_min3A_343 = arith.constant dense<2147483647> : vector<128xi32>
    %reduce_min3A_344 = vector.multi_reduction <minsi>, %select_n3A_342, %reduce_min3A_343 [1] : vector<128x128xi32> to vector<128xi32>
    %broadcast_in_dim3A_345 = vector.shape_cast %reduce_min3A_344 : vector<128xi32> to vector<128x1xi32>
    %eq3A_346 = arith.constant 14 : i32
    %eq3A_347 = vector.broadcast %eq3A_346 : i32 to vector<128x16xi32>
    %eq3A_348 = arith.cmpi eq, %iota3A_27, %eq3A_347 : vector<128x16xi32>
    %broadcast_in_dim3A_349 = vector.shape_cast %broadcast_in_dim3A_345 : vector<128x1xi32> to vector<128x1xi32>
    %broadcast_in_dim3A_350 = vector.broadcast %broadcast_in_dim3A_349 : vector<128x1xi32> to vector<128x16xi32>
    %select_n3A_351 = arith.select %eq3A_348, %broadcast_in_dim3A_350, %select_n3A_329 : vector<128x16xi1>, vector<128x16xi32>
    %eq3A_352 = vector.broadcast %broadcast_in_dim3A_345 : vector<128x1xi32> to vector<128x128xi32>
    %eq3A_353 = arith.cmpi eq, %iota3A, %eq3A_352 : vector<128x128xi32>
    %jit3A_354 = arith.constant 0x7F800000 : f32
    %broadcast_in_dim3A_355 = vector.broadcast %jit3A_354 : f32 to vector<128x128xf32>
    %select_n3A_356 = arith.select %eq3A_353, %broadcast_in_dim3A_355, %select_n3A_334 : vector<128x128xi1>, vector<128x128xf32>
    %reduce_min3A_357 = arith.constant dense<0x7F800000> : vector<128xf32>
    %reduce_min3A_358 = vector.multi_reduction <minimumf>, %select_n3A_356, %reduce_min3A_357 [1] : vector<128x128xf32> to vector<128xf32>
    %broadcast_in_dim3A_359 = vector.shape_cast %reduce_min3A_358 : vector<128xf32> to vector<128x1xf32>
    %eq3A_360 = vector.broadcast %broadcast_in_dim3A_359 : vector<128x1xf32> to vector<128x128xf32>
    %eq3A_361 = arith.cmpf oeq, %select_n3A_356, %eq3A_360 : vector<128x128xf32>
    %jit3A_362 = arith.constant 128 : i32
    %broadcast_in_dim3A_363 = vector.broadcast %jit3A_362 : i32 to vector<128x128xi32>
    %select_n3A_364 = arith.select %eq3A_361, %iota3A, %broadcast_in_dim3A_363 : vector<128x128xi1>, vector<128x128xi32>
    %reduce_min3A_365 = arith.constant dense<2147483647> : vector<128xi32>
    %reduce_min3A_366 = vector.multi_reduction <minsi>, %select_n3A_364, %reduce_min3A_365 [1] : vector<128x128xi32> to vector<128xi32>
    %broadcast_in_dim3A_367 = vector.shape_cast %reduce_min3A_366 : vector<128xi32> to vector<128x1xi32>
    %eq3A_368 = arith.constant 15 : i32
    %eq3A_369 = vector.broadcast %eq3A_368 : i32 to vector<128x16xi32>
    %eq3A_370 = arith.cmpi eq, %iota3A_27, %eq3A_369 : vector<128x16xi32>
    %broadcast_in_dim3A_371 = vector.shape_cast %broadcast_in_dim3A_367 : vector<128x1xi32> to vector<128x1xi32>
    %broadcast_in_dim3A_372 = vector.broadcast %broadcast_in_dim3A_371 : vector<128x1xi32> to vector<128x16xi32>
    %select_n3A_373 = arith.select %eq3A_370, %broadcast_in_dim3A_372, %select_n3A_351 : vector<128x16xi1>, vector<128x16xi32>
    %swap3A_374 = arith.constant 0 : index
    %swap3A_375 = arith.constant 0 : index
    %swap3A_376 = arith.constant 0 : index
    %swap3A_377 = vector.load %arg5[%swap3A_374, %swap3A_375, %swap3A_376] : memref<1x128x16xi32, #tpu.memory_space<vmem>>, vector<1x128x16xi32>
    %swap3A_378 = vector.shape_cast %swap3A_377 : vector<1x128x16xi32> to vector<128x16xi32>
    %swap3A_379 = vector.shape_cast %select_n3A_373 : vector<128x16xi32> to vector<1x128x16xi32>
    tpu.vector_store %arg5[%swap3A_374, %swap3A_375, %swap3A_376], %swap3A_379 {strides = array<i32>} : memref<1x128x16xi32, #tpu.memory_space<vmem>>, vector<1x128x16xi32>,
    return
  }
  func.func @transform_0(%arg0: i32, %arg1: i32) -> (i32, i32, i32) {
    %c0_i32 = arith.constant 0 : i32
    %c0_i32_0 = arith.constant 0 : i32
    return %arg0, %arg1, %c0_i32 : i32, i32, i32
  }
  func.func @transform_1(%arg0: i32, %arg1: i32) -> (i32, i32, i32) {
    %c0_i32 = arith.constant 0 : i32
    %c0_i32_0 = arith.constant 0 : i32
    %c0_i32_1 = arith.constant 0 : i32
    return %arg0, %c0_i32, %c0_i32_0 : i32, i32, i32
  }
  func.func @transform_2(%arg0: i32, %arg1: i32) -> (i32, i32, i32) {
    %c0_i32 = arith.constant 0 : i32
    %c0_i32_0 = arith.constant 0 : i32
    return %arg0, %arg1, %c0_i32 : i32, i32, i32
  }
  func.func @transform_3(%arg0: i32, %arg1: i32) -> (i32, i32, i32) {
    %c0_i32 = arith.constant 0 : i32
    %c0_i32_0 = arith.constant 0 : i32
    return %arg0, %arg1, %c0_i32 : i32, i32, i32
  }
}

module attributes {stable_mosaic.version = 14 : i64} {
  func.func @_refine_body(%arg0: i32, %arg1: i32, %arg2: memref<1x512x2048xf32, #tpu.memory_space<vmem>>, %arg3: memref<1x512x2048xi32, #tpu.memory_space<vmem>>, %arg4: memref<1x512x16xi32, #tpu.memory_space<vmem>>) attributes {dimension_semantics = [#tpu.dimension_semantics<arbitrary>, #tpu.dimension_semantics<arbitrary>], iteration_bounds = array<i64: 2, 4>, scalar_prefetch = 0 : i64, scratch_operands = 0 : i64, tpu.core_type = #tpu.core_type<tc>, window_params = [{transform_indices = @transform_0, window_bounds = array<i64: 1, 512, 2048>}, {transform_indices = @transform_1, window_bounds = array<i64: 1, 512, 2048>}, {transform_indices = @transform_2, window_bounds = array<i64: 1, 512, 16>}]} {
    %get3A = arith.constant 0 : index
    %get3A_0 = arith.constant 0 : index
    %get3A_1 = arith.constant 0 : index
    %get3A_2 = vector.load %arg2[%get3A, %get3A_0, %get3A_1] : memref<1x512x2048xf32, #tpu.memory_space<vmem>>, vector<1x512x2048xf32>
    %get3A_3 = vector.shape_cast %get3A_2 : vector<1x512x2048xf32> to vector<512x2048xf32>
    %get3A_4 = arith.constant 0 : index
    %get3A_5 = arith.constant 0 : index
    %get3A_6 = arith.constant 0 : index
    %get3A_7 = vector.load %arg3[%get3A_4, %get3A_5, %get3A_6] : memref<1x512x2048xi32, #tpu.memory_space<vmem>>, vector<1x512x2048xi32>
    %get3A_8 = vector.shape_cast %get3A_7 : vector<1x512x2048xi32> to vector<512x2048xi32>
    %iota3A = tpu.iota {dimensions = array<i32: 1>} : vector<512x16xi32>
    %broadcast_in_dim3A = arith.constant 0 : i32
    %broadcast_in_dim3A_9 = vector.broadcast %broadcast_in_dim3A : i32 to vector<512x16xi32>
    %reduce_min3A = arith.constant dense<0x7F800000> : vector<512xf32>
    %reduce_min3A_10 = vector.multi_reduction <minimumf>, %get3A_3, %reduce_min3A [1] : vector<512x2048xf32> to vector<512xf32>
    %broadcast_in_dim3A_11 = vector.shape_cast %reduce_min3A_10 : vector<512xf32> to vector<512x1xf32>
    %eq3A = vector.broadcast %broadcast_in_dim3A_11 : vector<512x1xf32> to vector<512x2048xf32>
    %eq3A_12 = arith.cmpf oeq, %get3A_3, %eq3A : vector<512x2048xf32>
    %jit3A = arith.constant 16384 : i32
    %broadcast_in_dim3A_13 = vector.broadcast %jit3A : i32 to vector<512x2048xi32>
    %select_n3A = arith.select %eq3A_12, %get3A_8, %broadcast_in_dim3A_13 : vector<512x2048xi1>, vector<512x2048xi32>
    %reduce_min3A_14 = arith.constant dense<2147483647> : vector<512xi32>
    %reduce_min3A_15 = vector.multi_reduction <minsi>, %select_n3A, %reduce_min3A_14 [1] : vector<512x2048xi32> to vector<512xi32>
    %broadcast_in_dim3A_16 = vector.shape_cast %reduce_min3A_15 : vector<512xi32> to vector<512x1xi32>
    %eq3A_17 = arith.constant 0 : i32
    %eq3A_18 = vector.broadcast %eq3A_17 : i32 to vector<512x16xi32>
    %eq3A_19 = arith.cmpi eq, %iota3A, %eq3A_18 : vector<512x16xi32>
    %broadcast_in_dim3A_20 = vector.shape_cast %broadcast_in_dim3A_16 : vector<512x1xi32> to vector<512x1xi32>
    %broadcast_in_dim3A_21 = vector.broadcast %broadcast_in_dim3A_20 : vector<512x1xi32> to vector<512x16xi32>
    %select_n3A_22 = arith.select %eq3A_19, %broadcast_in_dim3A_21, %broadcast_in_dim3A_9 : vector<512x16xi1>, vector<512x16xi32>
    %eq3A_23 = vector.broadcast %broadcast_in_dim3A_16 : vector<512x1xi32> to vector<512x2048xi32>
    %eq3A_24 = arith.cmpi eq, %get3A_8, %eq3A_23 : vector<512x2048xi32>
    %jit3A_25 = arith.constant 0x7F800000 : f32
    %broadcast_in_dim3A_26 = vector.broadcast %jit3A_25 : f32 to vector<512x2048xf32>
    %select_n3A_27 = arith.select %eq3A_24, %broadcast_in_dim3A_26, %get3A_3 : vector<512x2048xi1>, vector<512x2048xf32>
    %reduce_min3A_28 = arith.constant dense<0x7F800000> : vector<512xf32>
    %reduce_min3A_29 = vector.multi_reduction <minimumf>, %select_n3A_27, %reduce_min3A_28 [1] : vector<512x2048xf32> to vector<512xf32>
    %broadcast_in_dim3A_30 = vector.shape_cast %reduce_min3A_29 : vector<512xf32> to vector<512x1xf32>
    %eq3A_31 = vector.broadcast %broadcast_in_dim3A_30 : vector<512x1xf32> to vector<512x2048xf32>
    %eq3A_32 = arith.cmpf oeq, %select_n3A_27, %eq3A_31 : vector<512x2048xf32>
    %jit3A_33 = arith.constant 16384 : i32
    %broadcast_in_dim3A_34 = vector.broadcast %jit3A_33 : i32 to vector<512x2048xi32>
    %select_n3A_35 = arith.select %eq3A_32, %get3A_8, %broadcast_in_dim3A_34 : vector<512x2048xi1>, vector<512x2048xi32>
    %reduce_min3A_36 = arith.constant dense<2147483647> : vector<512xi32>
    %reduce_min3A_37 = vector.multi_reduction <minsi>, %select_n3A_35, %reduce_min3A_36 [1] : vector<512x2048xi32> to vector<512xi32>
    %broadcast_in_dim3A_38 = vector.shape_cast %reduce_min3A_37 : vector<512xi32> to vector<512x1xi32>
    %eq3A_39 = arith.constant 1 : i32
    %eq3A_40 = vector.broadcast %eq3A_39 : i32 to vector<512x16xi32>
    %eq3A_41 = arith.cmpi eq, %iota3A, %eq3A_40 : vector<512x16xi32>
    %broadcast_in_dim3A_42 = vector.shape_cast %broadcast_in_dim3A_38 : vector<512x1xi32> to vector<512x1xi32>
    %broadcast_in_dim3A_43 = vector.broadcast %broadcast_in_dim3A_42 : vector<512x1xi32> to vector<512x16xi32>
    %select_n3A_44 = arith.select %eq3A_41, %broadcast_in_dim3A_43, %select_n3A_22 : vector<512x16xi1>, vector<512x16xi32>
    %eq3A_45 = vector.broadcast %broadcast_in_dim3A_38 : vector<512x1xi32> to vector<512x2048xi32>
    %eq3A_46 = arith.cmpi eq, %get3A_8, %eq3A_45 : vector<512x2048xi32>
    %jit3A_47 = arith.constant 0x7F800000 : f32
    %broadcast_in_dim3A_48 = vector.broadcast %jit3A_47 : f32 to vector<512x2048xf32>
    %select_n3A_49 = arith.select %eq3A_46, %broadcast_in_dim3A_48, %select_n3A_27 : vector<512x2048xi1>, vector<512x2048xf32>
    %reduce_min3A_50 = arith.constant dense<0x7F800000> : vector<512xf32>
    %reduce_min3A_51 = vector.multi_reduction <minimumf>, %select_n3A_49, %reduce_min3A_50 [1] : vector<512x2048xf32> to vector<512xf32>
    %broadcast_in_dim3A_52 = vector.shape_cast %reduce_min3A_51 : vector<512xf32> to vector<512x1xf32>
    %eq3A_53 = vector.broadcast %broadcast_in_dim3A_52 : vector<512x1xf32> to vector<512x2048xf32>
    %eq3A_54 = arith.cmpf oeq, %select_n3A_49, %eq3A_53 : vector<512x2048xf32>
    %jit3A_55 = arith.constant 16384 : i32
    %broadcast_in_dim3A_56 = vector.broadcast %jit3A_55 : i32 to vector<512x2048xi32>
    %select_n3A_57 = arith.select %eq3A_54, %get3A_8, %broadcast_in_dim3A_56 : vector<512x2048xi1>, vector<512x2048xi32>
    %reduce_min3A_58 = arith.constant dense<2147483647> : vector<512xi32>
    %reduce_min3A_59 = vector.multi_reduction <minsi>, %select_n3A_57, %reduce_min3A_58 [1] : vector<512x2048xi32> to vector<512xi32>
    %broadcast_in_dim3A_60 = vector.shape_cast %reduce_min3A_59 : vector<512xi32> to vector<512x1xi32>
    %eq3A_61 = arith.constant 2 : i32
    %eq3A_62 = vector.broadcast %eq3A_61 : i32 to vector<512x16xi32>
    %eq3A_63 = arith.cmpi eq, %iota3A, %eq3A_62 : vector<512x16xi32>
    %broadcast_in_dim3A_64 = vector.shape_cast %broadcast_in_dim3A_60 : vector<512x1xi32> to vector<512x1xi32>
    %broadcast_in_dim3A_65 = vector.broadcast %broadcast_in_dim3A_64 : vector<512x1xi32> to vector<512x16xi32>
    %select_n3A_66 = arith.select %eq3A_63, %broadcast_in_dim3A_65, %select_n3A_44 : vector<512x16xi1>, vector<512x16xi32>
    %eq3A_67 = vector.broadcast %broadcast_in_dim3A_60 : vector<512x1xi32> to vector<512x2048xi32>
    %eq3A_68 = arith.cmpi eq, %get3A_8, %eq3A_67 : vector<512x2048xi32>
    %jit3A_69 = arith.constant 0x7F800000 : f32
    %broadcast_in_dim3A_70 = vector.broadcast %jit3A_69 : f32 to vector<512x2048xf32>
    %select_n3A_71 = arith.select %eq3A_68, %broadcast_in_dim3A_70, %select_n3A_49 : vector<512x2048xi1>, vector<512x2048xf32>
    %reduce_min3A_72 = arith.constant dense<0x7F800000> : vector<512xf32>
    %reduce_min3A_73 = vector.multi_reduction <minimumf>, %select_n3A_71, %reduce_min3A_72 [1] : vector<512x2048xf32> to vector<512xf32>
    %broadcast_in_dim3A_74 = vector.shape_cast %reduce_min3A_73 : vector<512xf32> to vector<512x1xf32>
    %eq3A_75 = vector.broadcast %broadcast_in_dim3A_74 : vector<512x1xf32> to vector<512x2048xf32>
    %eq3A_76 = arith.cmpf oeq, %select_n3A_71, %eq3A_75 : vector<512x2048xf32>
    %jit3A_77 = arith.constant 16384 : i32
    %broadcast_in_dim3A_78 = vector.broadcast %jit3A_77 : i32 to vector<512x2048xi32>
    %select_n3A_79 = arith.select %eq3A_76, %get3A_8, %broadcast_in_dim3A_78 : vector<512x2048xi1>, vector<512x2048xi32>
    %reduce_min3A_80 = arith.constant dense<2147483647> : vector<512xi32>
    %reduce_min3A_81 = vector.multi_reduction <minsi>, %select_n3A_79, %reduce_min3A_80 [1] : vector<512x2048xi32> to vector<512xi32>
    %broadcast_in_dim3A_82 = vector.shape_cast %reduce_min3A_81 : vector<512xi32> to vector<512x1xi32>
    %eq3A_83 = arith.constant 3 : i32
    %eq3A_84 = vector.broadcast %eq3A_83 : i32 to vector<512x16xi32>
    %eq3A_85 = arith.cmpi eq, %iota3A, %eq3A_84 : vector<512x16xi32>
    %broadcast_in_dim3A_86 = vector.shape_cast %broadcast_in_dim3A_82 : vector<512x1xi32> to vector<512x1xi32>
    %broadcast_in_dim3A_87 = vector.broadcast %broadcast_in_dim3A_86 : vector<512x1xi32> to vector<512x16xi32>
    %select_n3A_88 = arith.select %eq3A_85, %broadcast_in_dim3A_87, %select_n3A_66 : vector<512x16xi1>, vector<512x16xi32>
    %eq3A_89 = vector.broadcast %broadcast_in_dim3A_82 : vector<512x1xi32> to vector<512x2048xi32>
    %eq3A_90 = arith.cmpi eq, %get3A_8, %eq3A_89 : vector<512x2048xi32>
    %jit3A_91 = arith.constant 0x7F800000 : f32
    %broadcast_in_dim3A_92 = vector.broadcast %jit3A_91 : f32 to vector<512x2048xf32>
    %select_n3A_93 = arith.select %eq3A_90, %broadcast_in_dim3A_92, %select_n3A_71 : vector<512x2048xi1>, vector<512x2048xf32>
    %reduce_min3A_94 = arith.constant dense<0x7F800000> : vector<512xf32>
    %reduce_min3A_95 = vector.multi_reduction <minimumf>, %select_n3A_93, %reduce_min3A_94 [1] : vector<512x2048xf32> to vector<512xf32>
    %broadcast_in_dim3A_96 = vector.shape_cast %reduce_min3A_95 : vector<512xf32> to vector<512x1xf32>
    %eq3A_97 = vector.broadcast %broadcast_in_dim3A_96 : vector<512x1xf32> to vector<512x2048xf32>
    %eq3A_98 = arith.cmpf oeq, %select_n3A_93, %eq3A_97 : vector<512x2048xf32>
    %jit3A_99 = arith.constant 16384 : i32
    %broadcast_in_dim3A_100 = vector.broadcast %jit3A_99 : i32 to vector<512x2048xi32>
    %select_n3A_101 = arith.select %eq3A_98, %get3A_8, %broadcast_in_dim3A_100 : vector<512x2048xi1>, vector<512x2048xi32>
    %reduce_min3A_102 = arith.constant dense<2147483647> : vector<512xi32>
    %reduce_min3A_103 = vector.multi_reduction <minsi>, %select_n3A_101, %reduce_min3A_102 [1] : vector<512x2048xi32> to vector<512xi32>
    %broadcast_in_dim3A_104 = vector.shape_cast %reduce_min3A_103 : vector<512xi32> to vector<512x1xi32>
    %eq3A_105 = arith.constant 4 : i32
    %eq3A_106 = vector.broadcast %eq3A_105 : i32 to vector<512x16xi32>
    %eq3A_107 = arith.cmpi eq, %iota3A, %eq3A_106 : vector<512x16xi32>
    %broadcast_in_dim3A_108 = vector.shape_cast %broadcast_in_dim3A_104 : vector<512x1xi32> to vector<512x1xi32>
    %broadcast_in_dim3A_109 = vector.broadcast %broadcast_in_dim3A_108 : vector<512x1xi32> to vector<512x16xi32>
    %select_n3A_110 = arith.select %eq3A_107, %broadcast_in_dim3A_109, %select_n3A_88 : vector<512x16xi1>, vector<512x16xi32>
    %eq3A_111 = vector.broadcast %broadcast_in_dim3A_104 : vector<512x1xi32> to vector<512x2048xi32>
    %eq3A_112 = arith.cmpi eq, %get3A_8, %eq3A_111 : vector<512x2048xi32>
    %jit3A_113 = arith.constant 0x7F800000 : f32
    %broadcast_in_dim3A_114 = vector.broadcast %jit3A_113 : f32 to vector<512x2048xf32>
    %select_n3A_115 = arith.select %eq3A_112, %broadcast_in_dim3A_114, %select_n3A_93 : vector<512x2048xi1>, vector<512x2048xf32>
    %reduce_min3A_116 = arith.constant dense<0x7F800000> : vector<512xf32>
    %reduce_min3A_117 = vector.multi_reduction <minimumf>, %select_n3A_115, %reduce_min3A_116 [1] : vector<512x2048xf32> to vector<512xf32>
    %broadcast_in_dim3A_118 = vector.shape_cast %reduce_min3A_117 : vector<512xf32> to vector<512x1xf32>
    %eq3A_119 = vector.broadcast %broadcast_in_dim3A_118 : vector<512x1xf32> to vector<512x2048xf32>
    %eq3A_120 = arith.cmpf oeq, %select_n3A_115, %eq3A_119 : vector<512x2048xf32>
    %jit3A_121 = arith.constant 16384 : i32
    %broadcast_in_dim3A_122 = vector.broadcast %jit3A_121 : i32 to vector<512x2048xi32>
    %select_n3A_123 = arith.select %eq3A_120, %get3A_8, %broadcast_in_dim3A_122 : vector<512x2048xi1>, vector<512x2048xi32>
    %reduce_min3A_124 = arith.constant dense<2147483647> : vector<512xi32>
    %reduce_min3A_125 = vector.multi_reduction <minsi>, %select_n3A_123, %reduce_min3A_124 [1] : vector<512x2048xi32> to vector<512xi32>
    %broadcast_in_dim3A_126 = vector.shape_cast %reduce_min3A_125 : vector<512xi32> to vector<512x1xi32>
    %eq3A_127 = arith.constant 5 : i32
    %eq3A_128 = vector.broadcast %eq3A_127 : i32 to vector<512x16xi32>
    %eq3A_129 = arith.cmpi eq, %iota3A, %eq3A_128 : vector<512x16xi32>
    %broadcast_in_dim3A_130 = vector.shape_cast %broadcast_in_dim3A_126 : vector<512x1xi32> to vector<512x1xi32>
    %broadcast_in_dim3A_131 = vector.broadcast %broadcast_in_dim3A_130 : vector<512x1xi32> to vector<512x16xi32>
    %select_n3A_132 = arith.select %eq3A_129, %broadcast_in_dim3A_131, %select_n3A_110 : vector<512x16xi1>, vector<512x16xi32>
    %eq3A_133 = vector.broadcast %broadcast_in_dim3A_126 : vector<512x1xi32> to vector<512x2048xi32>
    %eq3A_134 = arith.cmpi eq, %get3A_8, %eq3A_133 : vector<512x2048xi32>
    %jit3A_135 = arith.constant 0x7F800000 : f32
    %broadcast_in_dim3A_136 = vector.broadcast %jit3A_135 : f32 to vector<512x2048xf32>
    %select_n3A_137 = arith.select %eq3A_134, %broadcast_in_dim3A_136, %select_n3A_115 : vector<512x2048xi1>, vector<512x2048xf32>
    %reduce_min3A_138 = arith.constant dense<0x7F800000> : vector<512xf32>
    %reduce_min3A_139 = vector.multi_reduction <minimumf>, %select_n3A_137, %reduce_min3A_138 [1] : vector<512x2048xf32> to vector<512xf32>
    %broadcast_in_dim3A_140 = vector.shape_cast %reduce_min3A_139 : vector<512xf32> to vector<512x1xf32>
    %eq3A_141 = vector.broadcast %broadcast_in_dim3A_140 : vector<512x1xf32> to vector<512x2048xf32>
    %eq3A_142 = arith.cmpf oeq, %select_n3A_137, %eq3A_141 : vector<512x2048xf32>
    %jit3A_143 = arith.constant 16384 : i32
    %broadcast_in_dim3A_144 = vector.broadcast %jit3A_143 : i32 to vector<512x2048xi32>
    %select_n3A_145 = arith.select %eq3A_142, %get3A_8, %broadcast_in_dim3A_144 : vector<512x2048xi1>, vector<512x2048xi32>
    %reduce_min3A_146 = arith.constant dense<2147483647> : vector<512xi32>
    %reduce_min3A_147 = vector.multi_reduction <minsi>, %select_n3A_145, %reduce_min3A_146 [1] : vector<512x2048xi32> to vector<512xi32>
    %broadcast_in_dim3A_148 = vector.shape_cast %reduce_min3A_147 : vector<512xi32> to vector<512x1xi32>
    %eq3A_149 = arith.constant 6 : i32
    %eq3A_150 = vector.broadcast %eq3A_149 : i32 to vector<512x16xi32>
    %eq3A_151 = arith.cmpi eq, %iota3A, %eq3A_150 : vector<512x16xi32>
    %broadcast_in_dim3A_152 = vector.shape_cast %broadcast_in_dim3A_148 : vector<512x1xi32> to vector<512x1xi32>
    %broadcast_in_dim3A_153 = vector.broadcast %broadcast_in_dim3A_152 : vector<512x1xi32> to vector<512x16xi32>
    %select_n3A_154 = arith.select %eq3A_151, %broadcast_in_dim3A_153, %select_n3A_132 : vector<512x16xi1>, vector<512x16xi32>
    %eq3A_155 = vector.broadcast %broadcast_in_dim3A_148 : vector<512x1xi32> to vector<512x2048xi32>
    %eq3A_156 = arith.cmpi eq, %get3A_8, %eq3A_155 : vector<512x2048xi32>
    %jit3A_157 = arith.constant 0x7F800000 : f32
    %broadcast_in_dim3A_158 = vector.broadcast %jit3A_157 : f32 to vector<512x2048xf32>
    %select_n3A_159 = arith.select %eq3A_156, %broadcast_in_dim3A_158, %select_n3A_137 : vector<512x2048xi1>, vector<512x2048xf32>
    %reduce_min3A_160 = arith.constant dense<0x7F800000> : vector<512xf32>
    %reduce_min3A_161 = vector.multi_reduction <minimumf>, %select_n3A_159, %reduce_min3A_160 [1] : vector<512x2048xf32> to vector<512xf32>
    %broadcast_in_dim3A_162 = vector.shape_cast %reduce_min3A_161 : vector<512xf32> to vector<512x1xf32>
    %eq3A_163 = vector.broadcast %broadcast_in_dim3A_162 : vector<512x1xf32> to vector<512x2048xf32>
    %eq3A_164 = arith.cmpf oeq, %select_n3A_159, %eq3A_163 : vector<512x2048xf32>
    %jit3A_165 = arith.constant 16384 : i32
    %broadcast_in_dim3A_166 = vector.broadcast %jit3A_165 : i32 to vector<512x2048xi32>
    %select_n3A_167 = arith.select %eq3A_164, %get3A_8, %broadcast_in_dim3A_166 : vector<512x2048xi1>, vector<512x2048xi32>
    %reduce_min3A_168 = arith.constant dense<2147483647> : vector<512xi32>
    %reduce_min3A_169 = vector.multi_reduction <minsi>, %select_n3A_167, %reduce_min3A_168 [1] : vector<512x2048xi32> to vector<512xi32>
    %broadcast_in_dim3A_170 = vector.shape_cast %reduce_min3A_169 : vector<512xi32> to vector<512x1xi32>
    %eq3A_171 = arith.constant 7 : i32
    %eq3A_172 = vector.broadcast %eq3A_171 : i32 to vector<512x16xi32>
    %eq3A_173 = arith.cmpi eq, %iota3A, %eq3A_172 : vector<512x16xi32>
    %broadcast_in_dim3A_174 = vector.shape_cast %broadcast_in_dim3A_170 : vector<512x1xi32> to vector<512x1xi32>
    %broadcast_in_dim3A_175 = vector.broadcast %broadcast_in_dim3A_174 : vector<512x1xi32> to vector<512x16xi32>
    %select_n3A_176 = arith.select %eq3A_173, %broadcast_in_dim3A_175, %select_n3A_154 : vector<512x16xi1>, vector<512x16xi32>
    %eq3A_177 = vector.broadcast %broadcast_in_dim3A_170 : vector<512x1xi32> to vector<512x2048xi32>
    %eq3A_178 = arith.cmpi eq, %get3A_8, %eq3A_177 : vector<512x2048xi32>
    %jit3A_179 = arith.constant 0x7F800000 : f32
    %broadcast_in_dim3A_180 = vector.broadcast %jit3A_179 : f32 to vector<512x2048xf32>
    %select_n3A_181 = arith.select %eq3A_178, %broadcast_in_dim3A_180, %select_n3A_159 : vector<512x2048xi1>, vector<512x2048xf32>
    %reduce_min3A_182 = arith.constant dense<0x7F800000> : vector<512xf32>
    %reduce_min3A_183 = vector.multi_reduction <minimumf>, %select_n3A_181, %reduce_min3A_182 [1] : vector<512x2048xf32> to vector<512xf32>
    %broadcast_in_dim3A_184 = vector.shape_cast %reduce_min3A_183 : vector<512xf32> to vector<512x1xf32>
    %eq3A_185 = vector.broadcast %broadcast_in_dim3A_184 : vector<512x1xf32> to vector<512x2048xf32>
    %eq3A_186 = arith.cmpf oeq, %select_n3A_181, %eq3A_185 : vector<512x2048xf32>
    %jit3A_187 = arith.constant 16384 : i32
    %broadcast_in_dim3A_188 = vector.broadcast %jit3A_187 : i32 to vector<512x2048xi32>
    %select_n3A_189 = arith.select %eq3A_186, %get3A_8, %broadcast_in_dim3A_188 : vector<512x2048xi1>, vector<512x2048xi32>
    %reduce_min3A_190 = arith.constant dense<2147483647> : vector<512xi32>
    %reduce_min3A_191 = vector.multi_reduction <minsi>, %select_n3A_189, %reduce_min3A_190 [1] : vector<512x2048xi32> to vector<512xi32>
    %broadcast_in_dim3A_192 = vector.shape_cast %reduce_min3A_191 : vector<512xi32> to vector<512x1xi32>
    %eq3A_193 = arith.constant 8 : i32
    %eq3A_194 = vector.broadcast %eq3A_193 : i32 to vector<512x16xi32>
    %eq3A_195 = arith.cmpi eq, %iota3A, %eq3A_194 : vector<512x16xi32>
    %broadcast_in_dim3A_196 = vector.shape_cast %broadcast_in_dim3A_192 : vector<512x1xi32> to vector<512x1xi32>
    %broadcast_in_dim3A_197 = vector.broadcast %broadcast_in_dim3A_196 : vector<512x1xi32> to vector<512x16xi32>
    %select_n3A_198 = arith.select %eq3A_195, %broadcast_in_dim3A_197, %select_n3A_176 : vector<512x16xi1>, vector<512x16xi32>
    %eq3A_199 = vector.broadcast %broadcast_in_dim3A_192 : vector<512x1xi32> to vector<512x2048xi32>
    %eq3A_200 = arith.cmpi eq, %get3A_8, %eq3A_199 : vector<512x2048xi32>
    %jit3A_201 = arith.constant 0x7F800000 : f32
    %broadcast_in_dim3A_202 = vector.broadcast %jit3A_201 : f32 to vector<512x2048xf32>
    %select_n3A_203 = arith.select %eq3A_200, %broadcast_in_dim3A_202, %select_n3A_181 : vector<512x2048xi1>, vector<512x2048xf32>
    %reduce_min3A_204 = arith.constant dense<0x7F800000> : vector<512xf32>
    %reduce_min3A_205 = vector.multi_reduction <minimumf>, %select_n3A_203, %reduce_min3A_204 [1] : vector<512x2048xf32> to vector<512xf32>
    %broadcast_in_dim3A_206 = vector.shape_cast %reduce_min3A_205 : vector<512xf32> to vector<512x1xf32>
    %eq3A_207 = vector.broadcast %broadcast_in_dim3A_206 : vector<512x1xf32> to vector<512x2048xf32>
    %eq3A_208 = arith.cmpf oeq, %select_n3A_203, %eq3A_207 : vector<512x2048xf32>
    %jit3A_209 = arith.constant 16384 : i32
    %broadcast_in_dim3A_210 = vector.broadcast %jit3A_209 : i32 to vector<512x2048xi32>
    %select_n3A_211 = arith.select %eq3A_208, %get3A_8, %broadcast_in_dim3A_210 : vector<512x2048xi1>, vector<512x2048xi32>
    %reduce_min3A_212 = arith.constant dense<2147483647> : vector<512xi32>
    %reduce_min3A_213 = vector.multi_reduction <minsi>, %select_n3A_211, %reduce_min3A_212 [1] : vector<512x2048xi32> to vector<512xi32>
    %broadcast_in_dim3A_214 = vector.shape_cast %reduce_min3A_213 : vector<512xi32> to vector<512x1xi32>
    %eq3A_215 = arith.constant 9 : i32
    %eq3A_216 = vector.broadcast %eq3A_215 : i32 to vector<512x16xi32>
    %eq3A_217 = arith.cmpi eq, %iota3A, %eq3A_216 : vector<512x16xi32>
    %broadcast_in_dim3A_218 = vector.shape_cast %broadcast_in_dim3A_214 : vector<512x1xi32> to vector<512x1xi32>
    %broadcast_in_dim3A_219 = vector.broadcast %broadcast_in_dim3A_218 : vector<512x1xi32> to vector<512x16xi32>
    %select_n3A_220 = arith.select %eq3A_217, %broadcast_in_dim3A_219, %select_n3A_198 : vector<512x16xi1>, vector<512x16xi32>
    %eq3A_221 = vector.broadcast %broadcast_in_dim3A_214 : vector<512x1xi32> to vector<512x2048xi32>
    %eq3A_222 = arith.cmpi eq, %get3A_8, %eq3A_221 : vector<512x2048xi32>
    %jit3A_223 = arith.constant 0x7F800000 : f32
    %broadcast_in_dim3A_224 = vector.broadcast %jit3A_223 : f32 to vector<512x2048xf32>
    %select_n3A_225 = arith.select %eq3A_222, %broadcast_in_dim3A_224, %select_n3A_203 : vector<512x2048xi1>, vector<512x2048xf32>
    %reduce_min3A_226 = arith.constant dense<0x7F800000> : vector<512xf32>
    %reduce_min3A_227 = vector.multi_reduction <minimumf>, %select_n3A_225, %reduce_min3A_226 [1] : vector<512x2048xf32> to vector<512xf32>
    %broadcast_in_dim3A_228 = vector.shape_cast %reduce_min3A_227 : vector<512xf32> to vector<512x1xf32>
    %eq3A_229 = vector.broadcast %broadcast_in_dim3A_228 : vector<512x1xf32> to vector<512x2048xf32>
    %eq3A_230 = arith.cmpf oeq, %select_n3A_225, %eq3A_229 : vector<512x2048xf32>
    %jit3A_231 = arith.constant 16384 : i32
    %broadcast_in_dim3A_232 = vector.broadcast %jit3A_231 : i32 to vector<512x2048xi32>
    %select_n3A_233 = arith.select %eq3A_230, %get3A_8, %broadcast_in_dim3A_232 : vector<512x2048xi1>, vector<512x2048xi32>
    %reduce_min3A_234 = arith.constant dense<2147483647> : vector<512xi32>
    %reduce_min3A_235 = vector.multi_reduction <minsi>, %select_n3A_233, %reduce_min3A_234 [1] : vector<512x2048xi32> to vector<512xi32>
    %broadcast_in_dim3A_236 = vector.shape_cast %reduce_min3A_235 : vector<512xi32> to vector<512x1xi32>
    %eq3A_237 = arith.constant 10 : i32
    %eq3A_238 = vector.broadcast %eq3A_237 : i32 to vector<512x16xi32>
    %eq3A_239 = arith.cmpi eq, %iota3A, %eq3A_238 : vector<512x16xi32>
    %broadcast_in_dim3A_240 = vector.shape_cast %broadcast_in_dim3A_236 : vector<512x1xi32> to vector<512x1xi32>
    %broadcast_in_dim3A_241 = vector.broadcast %broadcast_in_dim3A_240 : vector<512x1xi32> to vector<512x16xi32>
    %select_n3A_242 = arith.select %eq3A_239, %broadcast_in_dim3A_241, %select_n3A_220 : vector<512x16xi1>, vector<512x16xi32>
    %eq3A_243 = vector.broadcast %broadcast_in_dim3A_236 : vector<512x1xi32> to vector<512x2048xi32>
    %eq3A_244 = arith.cmpi eq, %get3A_8, %eq3A_243 : vector<512x2048xi32>
    %jit3A_245 = arith.constant 0x7F800000 : f32
    %broadcast_in_dim3A_246 = vector.broadcast %jit3A_245 : f32 to vector<512x2048xf32>
    %select_n3A_247 = arith.select %eq3A_244, %broadcast_in_dim3A_246, %select_n3A_225 : vector<512x2048xi1>, vector<512x2048xf32>
    %reduce_min3A_248 = arith.constant dense<0x7F800000> : vector<512xf32>
    %reduce_min3A_249 = vector.multi_reduction <minimumf>, %select_n3A_247, %reduce_min3A_248 [1] : vector<512x2048xf32> to vector<512xf32>
    %broadcast_in_dim3A_250 = vector.shape_cast %reduce_min3A_249 : vector<512xf32> to vector<512x1xf32>
    %eq3A_251 = vector.broadcast %broadcast_in_dim3A_250 : vector<512x1xf32> to vector<512x2048xf32>
    %eq3A_252 = arith.cmpf oeq, %select_n3A_247, %eq3A_251 : vector<512x2048xf32>
    %jit3A_253 = arith.constant 16384 : i32
    %broadcast_in_dim3A_254 = vector.broadcast %jit3A_253 : i32 to vector<512x2048xi32>
    %select_n3A_255 = arith.select %eq3A_252, %get3A_8, %broadcast_in_dim3A_254 : vector<512x2048xi1>, vector<512x2048xi32>
    %reduce_min3A_256 = arith.constant dense<2147483647> : vector<512xi32>
    %reduce_min3A_257 = vector.multi_reduction <minsi>, %select_n3A_255, %reduce_min3A_256 [1] : vector<512x2048xi32> to vector<512xi32>
    %broadcast_in_dim3A_258 = vector.shape_cast %reduce_min3A_257 : vector<512xi32> to vector<512x1xi32>
    %eq3A_259 = arith.constant 11 : i32
    %eq3A_260 = vector.broadcast %eq3A_259 : i32 to vector<512x16xi32>
    %eq3A_261 = arith.cmpi eq, %iota3A, %eq3A_260 : vector<512x16xi32>
    %broadcast_in_dim3A_262 = vector.shape_cast %broadcast_in_dim3A_258 : vector<512x1xi32> to vector<512x1xi32>
    %broadcast_in_dim3A_263 = vector.broadcast %broadcast_in_dim3A_262 : vector<512x1xi32> to vector<512x16xi32>
    %select_n3A_264 = arith.select %eq3A_261, %broadcast_in_dim3A_263, %select_n3A_242 : vector<512x16xi1>, vector<512x16xi32>
    %eq3A_265 = vector.broadcast %broadcast_in_dim3A_258 : vector<512x1xi32> to vector<512x2048xi32>
    %eq3A_266 = arith.cmpi eq, %get3A_8, %eq3A_265 : vector<512x2048xi32>
    %jit3A_267 = arith.constant 0x7F800000 : f32
    %broadcast_in_dim3A_268 = vector.broadcast %jit3A_267 : f32 to vector<512x2048xf32>
    %select_n3A_269 = arith.select %eq3A_266, %broadcast_in_dim3A_268, %select_n3A_247 : vector<512x2048xi1>, vector<512x2048xf32>
    %reduce_min3A_270 = arith.constant dense<0x7F800000> : vector<512xf32>
    %reduce_min3A_271 = vector.multi_reduction <minimumf>, %select_n3A_269, %reduce_min3A_270 [1] : vector<512x2048xf32> to vector<512xf32>
    %broadcast_in_dim3A_272 = vector.shape_cast %reduce_min3A_271 : vector<512xf32> to vector<512x1xf32>
    %eq3A_273 = vector.broadcast %broadcast_in_dim3A_272 : vector<512x1xf32> to vector<512x2048xf32>
    %eq3A_274 = arith.cmpf oeq, %select_n3A_269, %eq3A_273 : vector<512x2048xf32>
    %jit3A_275 = arith.constant 16384 : i32
    %broadcast_in_dim3A_276 = vector.broadcast %jit3A_275 : i32 to vector<512x2048xi32>
    %select_n3A_277 = arith.select %eq3A_274, %get3A_8, %broadcast_in_dim3A_276 : vector<512x2048xi1>, vector<512x2048xi32>
    %reduce_min3A_278 = arith.constant dense<2147483647> : vector<512xi32>
    %reduce_min3A_279 = vector.multi_reduction <minsi>, %select_n3A_277, %reduce_min3A_278 [1] : vector<512x2048xi32> to vector<512xi32>
    %broadcast_in_dim3A_280 = vector.shape_cast %reduce_min3A_279 : vector<512xi32> to vector<512x1xi32>
    %eq3A_281 = arith.constant 12 : i32
    %eq3A_282 = vector.broadcast %eq3A_281 : i32 to vector<512x16xi32>
    %eq3A_283 = arith.cmpi eq, %iota3A, %eq3A_282 : vector<512x16xi32>
    %broadcast_in_dim3A_284 = vector.shape_cast %broadcast_in_dim3A_280 : vector<512x1xi32> to vector<512x1xi32>
    %broadcast_in_dim3A_285 = vector.broadcast %broadcast_in_dim3A_284 : vector<512x1xi32> to vector<512x16xi32>
    %select_n3A_286 = arith.select %eq3A_283, %broadcast_in_dim3A_285, %select_n3A_264 : vector<512x16xi1>, vector<512x16xi32>
    %eq3A_287 = vector.broadcast %broadcast_in_dim3A_280 : vector<512x1xi32> to vector<512x2048xi32>
    %eq3A_288 = arith.cmpi eq, %get3A_8, %eq3A_287 : vector<512x2048xi32>
    %jit3A_289 = arith.constant 0x7F800000 : f32
    %broadcast_in_dim3A_290 = vector.broadcast %jit3A_289 : f32 to vector<512x2048xf32>
    %select_n3A_291 = arith.select %eq3A_288, %broadcast_in_dim3A_290, %select_n3A_269 : vector<512x2048xi1>, vector<512x2048xf32>
    %reduce_min3A_292 = arith.constant dense<0x7F800000> : vector<512xf32>
    %reduce_min3A_293 = vector.multi_reduction <minimumf>, %select_n3A_291, %reduce_min3A_292 [1] : vector<512x2048xf32> to vector<512xf32>
    %broadcast_in_dim3A_294 = vector.shape_cast %reduce_min3A_293 : vector<512xf32> to vector<512x1xf32>
    %eq3A_295 = vector.broadcast %broadcast_in_dim3A_294 : vector<512x1xf32> to vector<512x2048xf32>
    %eq3A_296 = arith.cmpf oeq, %select_n3A_291, %eq3A_295 : vector<512x2048xf32>
    %jit3A_297 = arith.constant 16384 : i32
    %broadcast_in_dim3A_298 = vector.broadcast %jit3A_297 : i32 to vector<512x2048xi32>
    %select_n3A_299 = arith.select %eq3A_296, %get3A_8, %broadcast_in_dim3A_298 : vector<512x2048xi1>, vector<512x2048xi32>
    %reduce_min3A_300 = arith.constant dense<2147483647> : vector<512xi32>
    %reduce_min3A_301 = vector.multi_reduction <minsi>, %select_n3A_299, %reduce_min3A_300 [1] : vector<512x2048xi32> to vector<512xi32>
    %broadcast_in_dim3A_302 = vector.shape_cast %reduce_min3A_301 : vector<512xi32> to vector<512x1xi32>
    %eq3A_303 = arith.constant 13 : i32
    %eq3A_304 = vector.broadcast %eq3A_303 : i32 to vector<512x16xi32>
    %eq3A_305 = arith.cmpi eq, %iota3A, %eq3A_304 : vector<512x16xi32>
    %broadcast_in_dim3A_306 = vector.shape_cast %broadcast_in_dim3A_302 : vector<512x1xi32> to vector<512x1xi32>
    %broadcast_in_dim3A_307 = vector.broadcast %broadcast_in_dim3A_306 : vector<512x1xi32> to vector<512x16xi32>
    %select_n3A_308 = arith.select %eq3A_305, %broadcast_in_dim3A_307, %select_n3A_286 : vector<512x16xi1>, vector<512x16xi32>
    %eq3A_309 = vector.broadcast %broadcast_in_dim3A_302 : vector<512x1xi32> to vector<512x2048xi32>
    %eq3A_310 = arith.cmpi eq, %get3A_8, %eq3A_309 : vector<512x2048xi32>
    %jit3A_311 = arith.constant 0x7F800000 : f32
    %broadcast_in_dim3A_312 = vector.broadcast %jit3A_311 : f32 to vector<512x2048xf32>
    %select_n3A_313 = arith.select %eq3A_310, %broadcast_in_dim3A_312, %select_n3A_291 : vector<512x2048xi1>, vector<512x2048xf32>
    %reduce_min3A_314 = arith.constant dense<0x7F800000> : vector<512xf32>
    %reduce_min3A_315 = vector.multi_reduction <minimumf>, %select_n3A_313, %reduce_min3A_314 [1] : vector<512x2048xf32> to vector<512xf32>
    %broadcast_in_dim3A_316 = vector.shape_cast %reduce_min3A_315 : vector<512xf32> to vector<512x1xf32>
    %eq3A_317 = vector.broadcast %broadcast_in_dim3A_316 : vector<512x1xf32> to vector<512x2048xf32>
    %eq3A_318 = arith.cmpf oeq, %select_n3A_313, %eq3A_317 : vector<512x2048xf32>
    %jit3A_319 = arith.constant 16384 : i32
    %broadcast_in_dim3A_320 = vector.broadcast %jit3A_319 : i32 to vector<512x2048xi32>
    %select_n3A_321 = arith.select %eq3A_318, %get3A_8, %broadcast_in_dim3A_320 : vector<512x2048xi1>, vector<512x2048xi32>
    %reduce_min3A_322 = arith.constant dense<2147483647> : vector<512xi32>
    %reduce_min3A_323 = vector.multi_reduction <minsi>, %select_n3A_321, %reduce_min3A_322 [1] : vector<512x2048xi32> to vector<512xi32>
    %broadcast_in_dim3A_324 = vector.shape_cast %reduce_min3A_323 : vector<512xi32> to vector<512x1xi32>
    %eq3A_325 = arith.constant 14 : i32
    %eq3A_326 = vector.broadcast %eq3A_325 : i32 to vector<512x16xi32>
    %eq3A_327 = arith.cmpi eq, %iota3A, %eq3A_326 : vector<512x16xi32>
    %broadcast_in_dim3A_328 = vector.shape_cast %broadcast_in_dim3A_324 : vector<512x1xi32> to vector<512x1xi32>
    %broadcast_in_dim3A_329 = vector.broadcast %broadcast_in_dim3A_328 : vector<512x1xi32> to vector<512x16xi32>
    %select_n3A_330 = arith.select %eq3A_327, %broadcast_in_dim3A_329, %select_n3A_308 : vector<512x16xi1>, vector<512x16xi32>
    %eq3A_331 = vector.broadcast %broadcast_in_dim3A_324 : vector<512x1xi32> to vector<512x2048xi32>
    %eq3A_332 = arith.cmpi eq, %get3A_8, %eq3A_331 : vector<512x2048xi32>
    %jit3A_333 = arith.constant 0x7F800000 : f32
    %broadcast_in_dim3A_334 = vector.broadcast %jit3A_333 : f32 to vector<512x2048xf32>
    %select_n3A_335 = arith.select %eq3A_332, %broadcast_in_dim3A_334, %select_n3A_313 : vector<512x2048xi1>, vector<512x2048xf32>
    %reduce_min3A_336 = arith.constant dense<0x7F800000> : vector<512xf32>
    %reduce_min3A_337 = vector.multi_reduction <minimumf>, %select_n3A_335, %reduce_min3A_336 [1] : vector<512x2048xf32> to vector<512xf32>
    %broadcast_in_dim3A_338 = vector.shape_cast %reduce_min3A_337 : vector<512xf32> to vector<512x1xf32>
    %eq3A_339 = vector.broadcast %broadcast_in_dim3A_338 : vector<512x1xf32> to vector<512x2048xf32>
    %eq3A_340 = arith.cmpf oeq, %select_n3A_335, %eq3A_339 : vector<512x2048xf32>
    %jit3A_341 = arith.constant 16384 : i32
    %broadcast_in_dim3A_342 = vector.broadcast %jit3A_341 : i32 to vector<512x2048xi32>
    %select_n3A_343 = arith.select %eq3A_340, %get3A_8, %broadcast_in_dim3A_342 : vector<512x2048xi1>, vector<512x2048xi32>
    %reduce_min3A_344 = arith.constant dense<2147483647> : vector<512xi32>
    %reduce_min3A_345 = vector.multi_reduction <minsi>, %select_n3A_343, %reduce_min3A_344 [1] : vector<512x2048xi32> to vector<512xi32>
    %broadcast_in_dim3A_346 = vector.shape_cast %reduce_min3A_345 : vector<512xi32> to vector<512x1xi32>
    %eq3A_347 = arith.constant 15 : i32
    %eq3A_348 = vector.broadcast %eq3A_347 : i32 to vector<512x16xi32>
    %eq3A_349 = arith.cmpi eq, %iota3A, %eq3A_348 : vector<512x16xi32>
    %broadcast_in_dim3A_350 = vector.shape_cast %broadcast_in_dim3A_346 : vector<512x1xi32> to vector<512x1xi32>
    %broadcast_in_dim3A_351 = vector.broadcast %broadcast_in_dim3A_350 : vector<512x1xi32> to vector<512x16xi32>
    %select_n3A_352 = arith.select %eq3A_349, %broadcast_in_dim3A_351, %select_n3A_330 : vector<512x16xi1>, vector<512x16xi32>
    %swap3A = arith.constant 0 : index
    %swap3A_353 = arith.constant 0 : index
    %swap3A_354 = arith.constant 0 : index
    %swap3A_355 = vector.load %arg4[%swap3A, %swap3A_353, %swap3A_354] : memref<1x512x16xi32, #tpu.memory_space<vmem>>, vector<1x512x16xi32>
    %swap3A_356 = vector.shape_cast %swap3A_355 : vector<1x512x16xi32> to vector<512x16xi32>
    %swap3A_357 = vector.shape_cast %select_n3A_352 : vector<512x16xi32> to vector<1x512x16xi32>
    tpu.vector_store %arg4[%swap3A, %swap3A_353, %swap3A_354], %swap3A_357 {strides = array<i32>} : memref<1x512x16xi32, #tpu.memory_space<vmem>>, vector<1x512x16xi32>,
    return
  }
  func.func @transform_0(%arg0: i32, %arg1: i32) -> (i32, i32, i32) {
    %c0_i32 = arith.constant 0 : i32
    %c0_i32_0 = arith.constant 0 : i32
    return %arg0, %arg1, %c0_i32 : i32, i32, i32
  }
  func.func @transform_1(%arg0: i32, %arg1: i32) -> (i32, i32, i32) {
    %c0_i32 = arith.constant 0 : i32
    %c0_i32_0 = arith.constant 0 : i32
    return %arg0, %arg1, %c0_i32 : i32, i32, i32
  }
  func.func @transform_2(%arg0: i32, %arg1: i32) -> (i32, i32, i32) {
    %c0_i32 = arith.constant 0 : i32
    %c0_i32_0 = arith.constant 0 : i32
    return %arg0, %arg1, %c0_i32 : i32, i32, i32
  }
}

module attributes {stable_mosaic.version = 14 : i64} {
  func.func @_vn_body(%arg0: i32, %arg1: i32, %arg2: memref<1x8192x128xf32, #tpu.memory_space<vmem>>, %arg3: memref<1x512x3xf32, #tpu.memory_space<vmem>>, %arg4: memref<3x16x128xf32, #tpu.memory_space<vmem>>, %arg5: memref<3x16x128xf32, #tpu.memory_space<vmem>>, %arg6: memref<16x16xf32, #tpu.memory_space<vmem>>, %arg7: memref<1x48x512xf32, #tpu.memory_space<vmem>>) attributes {dimension_semantics = [#tpu.dimension_semantics<arbitrary>, #tpu.dimension_semantics<arbitrary>], iteration_bounds = array<i64: 2, 4>, scalar_prefetch = 0 : i64, scratch_operands = 0 : i64, tpu.core_type = #tpu.core_type<tc>, window_params = [{transform_indices = @transform_0, window_bounds = array<i64: 1, 8192, 128>}, {transform_indices = @transform_1, window_bounds = array<i64: 1, 512, 3>}, {pipeline_mode = #tpu.pipeline_mode<synchronous>, transform_indices = @transform_2, window_bounds = array<i64: 3, 16, 128>}, {pipeline_mode = #tpu.pipeline_mode<synchronous>, transform_indices = @transform_3, window_bounds = array<i64: 3, 16, 128>}, {pipeline_mode = #tpu.pipeline_mode<synchronous>, transform_indices = @transform_4, window_bounds = array<i64: 16, 16>}, {transform_indices = @transform_5, window_bounds = array<i64: 1, 48, 512>}]} {
    %get3A = arith.constant 0 : index
    %get3A_0 = arith.constant 0 : index
    %get3A_1 = vector.load %arg6[%get3A, %get3A_0] : memref<16x16xf32, #tpu.memory_space<vmem>>, vector<16x16xf32>
    %get3A_2 = arith.constant 0 : index
    %get3A_3 = arith.constant 0 : index
    %get3A_4 = arith.constant 0 : index
    %get3A_5 = vector.load %arg2[%get3A_2, %get3A_3, %get3A_4] : memref<1x8192x128xf32, #tpu.memory_space<vmem>>, vector<1x8192x128xf32>
    %get3A_6 = vector.shape_cast %get3A_5 : vector<1x8192x128xf32> to vector<8192x128xf32>
    %get3A_7 = arith.constant 0 : index
    %get3A_8 = arith.constant 0 : index
    %get3A_9 = arith.constant 0 : index
    %get3A_10 = vector.load %arg3[%get3A_7, %get3A_8, %get3A_9] : memref<1x512x3xf32, #tpu.memory_space<vmem>>, vector<1x512x3xf32>
    %get3A_11 = vector.shape_cast %get3A_10 : vector<1x512x3xf32> to vector<512x3xf32>
    %broadcast_in_dim3A = vector.shape_cast %get3A_11 : vector<512x3xf32> to vector<512x1x3xf32>
    %broadcast_in_dim3A_12 = vector.shape_cast %broadcast_in_dim3A : vector<512x1x3xf32> to vector<512x1x3xf32>
    %broadcast_in_dim3A_13 = vector.broadcast %broadcast_in_dim3A_12 : vector<512x1x3xf32> to vector<512x16x3xf32>
    %reshape3A = vector.shape_cast %broadcast_in_dim3A_13 : vector<512x16x3xf32> to vector<8192x3xf32>
    %broadcast_in_dim3A_14 = arith.constant 0.000000e+00 : f32
    %broadcast_in_dim3A_15 = vector.broadcast %broadcast_in_dim3A_14 : f32 to vector<8192x125xf32>
    %concatenate3A = tpu.concatenate %reshape3A, %broadcast_in_dim3A_15 in 1 : vector<8192x3xf32>, vector<8192x125xf32> -> vector<8192x128xf32>
    %sub3A = arith.subf %get3A_6, %concatenate3A : vector<8192x128xf32>
    %get3A_16 = arith.constant 0 : index
    %get3A_17 = arith.constant 0 : index
    %get3A_18 = arith.constant 0 : index
    %get3A_19 = vector.load %arg4[%get3A_16, %get3A_17, %get3A_18] : memref<3x16x128xf32, #tpu.memory_space<vmem>>, vector<1x16x128xf32>
    %get3A_20 = vector.shape_cast %get3A_19 : vector<1x16x128xf32> to vector<16x128xf32>
    %dot_general3A = arith.constant dense<0.000000e+00> : vector<16x8192xf32>
    %dot_general3A_21 = tpu.matmul %get3A_20, %sub3A, %dot_general3A {dimension_numbers = #tpu.dot_dimension_numbers<[1], [1], [0], [0], [0, 0, 1, 0], [], []>, transpose_lhs_hint = false} : vector<16x128xf32>, vector<8192x128xf32>, vector<16x8192xf32> -> vector<16x8192xf32>
    %get3A_22 = arith.constant 1 : index
    %get3A_23 = arith.constant 0 : index
    %get3A_24 = arith.constant 0 : index
    %get3A_25 = vector.load %arg4[%get3A_22, %get3A_23, %get3A_24] : memref<3x16x128xf32, #tpu.memory_space<vmem>>, vector<1x16x128xf32>
    %get3A_26 = vector.shape_cast %get3A_25 : vector<1x16x128xf32> to vector<16x128xf32>
    %dot_general3A_27 = arith.constant dense<0.000000e+00> : vector<16x8192xf32>
    %dot_general3A_28 = tpu.matmul %get3A_26, %sub3A, %dot_general3A_27 {dimension_numbers = #tpu.dot_dimension_numbers<[1], [1], [0], [0], [0, 0, 1, 0], [], []>, transpose_lhs_hint = false} : vector<16x128xf32>, vector<8192x128xf32>, vector<16x8192xf32> -> vector<16x8192xf32>
    %get3A_29 = arith.constant 2 : index
    %get3A_30 = arith.constant 0 : index
    %get3A_31 = arith.constant 0 : index
    %get3A_32 = vector.load %arg4[%get3A_29, %get3A_30, %get3A_31] : memref<3x16x128xf32, #tpu.memory_space<vmem>>, vector<1x16x128xf32>
    %get3A_33 = vector.shape_cast %get3A_32 : vector<1x16x128xf32> to vector<16x128xf32>
    %dot_general3A_34 = arith.constant dense<0.000000e+00> : vector<16x8192xf32>
    %dot_general3A_35 = tpu.matmul %get3A_33, %sub3A, %dot_general3A_34 {dimension_numbers = #tpu.dot_dimension_numbers<[1], [1], [0], [0], [0, 0, 1, 0], [], []>, transpose_lhs_hint = false} : vector<16x128xf32>, vector<8192x128xf32>, vector<16x8192xf32> -> vector<16x8192xf32>
    %get3A_36 = arith.constant 0 : index
    %get3A_37 = arith.constant 0 : index
    %get3A_38 = arith.constant 0 : index
    %get3A_39 = vector.load %arg5[%get3A_36, %get3A_37, %get3A_38] : memref<3x16x128xf32, #tpu.memory_space<vmem>>, vector<1x16x128xf32>
    %get3A_40 = vector.shape_cast %get3A_39 : vector<1x16x128xf32> to vector<16x128xf32>
    %dot_general3A_41 = arith.constant dense<0.000000e+00> : vector<16x8192xf32>
    %dot_general3A_42 = tpu.matmul %get3A_40, %sub3A, %dot_general3A_41 {dimension_numbers = #tpu.dot_dimension_numbers<[1], [1], [0], [0], [0, 0, 1, 0], [], []>, transpose_lhs_hint = false} : vector<16x128xf32>, vector<8192x128xf32>, vector<16x8192xf32> -> vector<16x8192xf32>
    %get3A_43 = arith.constant 1 : index
    %get3A_44 = arith.constant 0 : index
    %get3A_45 = arith.constant 0 : index
    %get3A_46 = vector.load %arg5[%get3A_43, %get3A_44, %get3A_45] : memref<3x16x128xf32, #tpu.memory_space<vmem>>, vector<1x16x128xf32>
    %get3A_47 = vector.shape_cast %get3A_46 : vector<1x16x128xf32> to vector<16x128xf32>
    %dot_general3A_48 = arith.constant dense<0.000000e+00> : vector<16x8192xf32>
    %dot_general3A_49 = tpu.matmul %get3A_47, %sub3A, %dot_general3A_48 {dimension_numbers = #tpu.dot_dimension_numbers<[1], [1], [0], [0], [0, 0, 1, 0], [], []>, transpose_lhs_hint = false} : vector<16x128xf32>, vector<8192x128xf32>, vector<16x8192xf32> -> vector<16x8192xf32>
    %get3A_50 = arith.constant 2 : index
    %get3A_51 = arith.constant 0 : index
    %get3A_52 = arith.constant 0 : index
    %get3A_53 = vector.load %arg5[%get3A_50, %get3A_51, %get3A_52] : memref<3x16x128xf32, #tpu.memory_space<vmem>>, vector<1x16x128xf32>
    %get3A_54 = vector.shape_cast %get3A_53 : vector<1x16x128xf32> to vector<16x128xf32>
    %dot_general3A_55 = arith.constant dense<0.000000e+00> : vector<16x8192xf32>
    %dot_general3A_56 = tpu.matmul %get3A_54, %sub3A, %dot_general3A_55 {dimension_numbers = #tpu.dot_dimension_numbers<[1], [1], [0], [0], [0, 0, 1, 0], [], []>, transpose_lhs_hint = false} : vector<16x128xf32>, vector<8192x128xf32>, vector<16x8192xf32> -> vector<16x8192xf32>
    %mul3A = arith.mulf %dot_general3A_21, %dot_general3A_42 : vector<16x8192xf32>
    %mul3A_57 = arith.mulf %dot_general3A_28, %dot_general3A_49 : vector<16x8192xf32>
    %add3A = arith.addf %mul3A, %mul3A_57 : vector<16x8192xf32>
    %mul3A_58 = arith.mulf %dot_general3A_35, %dot_general3A_56 : vector<16x8192xf32>
    %add3A_59 = arith.addf %add3A, %mul3A_58 : vector<16x8192xf32>
    %mul3A_60 = arith.mulf %dot_general3A_42, %dot_general3A_42 : vector<16x8192xf32>
    %mul3A_61 = arith.mulf %dot_general3A_49, %dot_general3A_49 : vector<16x8192xf32>
    %add3A_62 = arith.addf %mul3A_60, %mul3A_61 : vector<16x8192xf32>
    %mul3A_63 = arith.mulf %dot_general3A_56, %dot_general3A_56 : vector<16x8192xf32>
    %add3A_64 = arith.addf %add3A_62, %mul3A_63 : vector<16x8192xf32>
    %ge3A = arith.constant 0.000000e+00 : f32
    %ge3A_65 = vector.broadcast %ge3A : f32 to vector<16x8192xf32>
    %ge3A_66 = arith.cmpf oge, %add3A_59, %ge3A_65 : vector<16x8192xf32>
    %add3A_67 = arith.constant 9.99999997E-7 : f32
    %add3A_68 = vector.broadcast %add3A_67 : f32 to vector<16x8192xf32>
    %add3A_69 = arith.addf %add3A_64, %add3A_68 : vector<16x8192xf32>
    %div3A = arith.divf %add3A_59, %add3A_69 : vector<16x8192xf32>
    %mul3A_70 = arith.constant 2.000000e-01 : f32
    %mul3A_71 = vector.broadcast %mul3A_70 : f32 to vector<16x8192xf32>
    %mul3A_72 = arith.mulf %mul3A_71, %dot_general3A_21 : vector<16x8192xf32>
    %mul3A_73 = arith.mulf %div3A, %dot_general3A_42 : vector<16x8192xf32>
    %sub3A_74 = arith.subf %dot_general3A_21, %mul3A_73 : vector<16x8192xf32>
    %select_n3A = arith.select %ge3A_66, %dot_general3A_21, %sub3A_74 : vector<16x8192xi1>, vector<16x8192xf32>
    %mul3A_75 = arith.constant 8.000000e-01 : f32
    %mul3A_76 = vector.broadcast %mul3A_75 : f32 to vector<16x8192xf32>
    %mul3A_77 = arith.mulf %mul3A_76, %select_n3A : vector<16x8192xf32>
    %add3A_78 = arith.addf %mul3A_72, %mul3A_77 : vector<16x8192xf32>
    %mul3A_79 = arith.constant 2.000000e-01 : f32
    %mul3A_80 = vector.broadcast %mul3A_79 : f32 to vector<16x8192xf32>
    %mul3A_81 = arith.mulf %mul3A_80, %dot_general3A_28 : vector<16x8192xf32>
    %mul3A_82 = arith.mulf %div3A, %dot_general3A_49 : vector<16x8192xf32>
    %sub3A_83 = arith.subf %dot_general3A_28, %mul3A_82 : vector<16x8192xf32>
    %select_n3A_84 = arith.select %ge3A_66, %dot_general3A_28, %sub3A_83 : vector<16x8192xi1>, vector<16x8192xf32>
    %mul3A_85 = arith.constant 8.000000e-01 : f32
    %mul3A_86 = vector.broadcast %mul3A_85 : f32 to vector<16x8192xf32>
    %mul3A_87 = arith.mulf %mul3A_86, %select_n3A_84 : vector<16x8192xf32>
    %add3A_88 = arith.addf %mul3A_81, %mul3A_87 : vector<16x8192xf32>
    %mul3A_89 = arith.constant 2.000000e-01 : f32
    %mul3A_90 = vector.broadcast %mul3A_89 : f32 to vector<16x8192xf32>
    %mul3A_91 = arith.mulf %mul3A_90, %dot_general3A_35 : vector<16x8192xf32>
    %mul3A_92 = arith.mulf %div3A, %dot_general3A_56 : vector<16x8192xf32>
    %sub3A_93 = arith.subf %dot_general3A_35, %mul3A_92 : vector<16x8192xf32>
    %select_n3A_94 = arith.select %ge3A_66, %dot_general3A_35, %sub3A_93 : vector<16x8192xi1>, vector<16x8192xf32>
    %mul3A_95 = arith.constant 8.000000e-01 : f32
    %mul3A_96 = vector.broadcast %mul3A_95 : f32 to vector<16x8192xf32>
    %mul3A_97 = arith.mulf %mul3A_96, %select_n3A_94 : vector<16x8192xf32>
    %add3A_98 = arith.addf %mul3A_91, %mul3A_97 : vector<16x8192xf32>
    %dot_general3A_99 = arith.constant dense<0.000000e+00> : vector<16x8192xf32>
    %dot_general3A_100 = tpu.matmul %get3A_1, %add3A_78, %dot_general3A_99 {dimension_numbers = #tpu.dot_dimension_numbers<[1], [0], [0], [1], [0, 0, 1, 1], [], []>, transpose_lhs_hint = false} : vector<16x16xf32>, vector<16x8192xf32>, vector<16x8192xf32> -> vector<16x8192xf32>
    %dot_general3A_101 = arith.constant dense<0.000000e+00> : vector<16x8192xf32>
    %dot_general3A_102 = tpu.matmul %get3A_1, %add3A_88, %dot_general3A_101 {dimension_numbers = #tpu.dot_dimension_numbers<[1], [0], [0], [1], [0, 0, 1, 1], [], []>, transpose_lhs_hint = false} : vector<16x16xf32>, vector<16x8192xf32>, vector<16x8192xf32> -> vector<16x8192xf32>
    %dot_general3A_103 = arith.constant dense<0.000000e+00> : vector<16x8192xf32>
    %dot_general3A_104 = tpu.matmul %get3A_1, %add3A_98, %dot_general3A_103 {dimension_numbers = #tpu.dot_dimension_numbers<[1], [0], [0], [1], [0, 0, 1, 1], [], []>, transpose_lhs_hint = false} : vector<16x16xf32>, vector<16x8192xf32>, vector<16x8192xf32> -> vector<16x8192xf32>
    %mul3A_105 = arith.mulf %add3A_78, %dot_general3A_100 : vector<16x8192xf32>
    %mul3A_106 = arith.mulf %add3A_88, %dot_general3A_102 : vector<16x8192xf32>
    %add3A_107 = arith.addf %mul3A_105, %mul3A_106 : vector<16x8192xf32>
    %mul3A_108 = arith.mulf %add3A_98, %dot_general3A_104 : vector<16x8192xf32>
    %add3A_109 = arith.addf %add3A_107, %mul3A_108 : vector<16x8192xf32>
    %reshape3A_110 = vector.shape_cast %add3A_109 : vector<16x8192xf32> to vector<16x512x16xf32>
    %reduce_max3A = arith.constant dense<0xFF800000> : vector<16x512xf32>
    %reduce_max3A_111 = vector.multi_reduction <maximumf>, %reshape3A_110, %reduce_max3A [2] : vector<16x512x16xf32> to vector<16x512xf32>
    %broadcast_in_dim3A_112 = vector.shape_cast %reduce_max3A_111 : vector<16x512xf32> to vector<16x512x1xf32>
    %iota3A = tpu.iota {dimensions = array<i32: 2>} : vector<16x512x16xi32>
    %eq3A = vector.broadcast %broadcast_in_dim3A_112 : vector<16x512x1xf32> to vector<16x512x16xf32>
    %eq3A_113 = arith.cmpf oeq, %reshape3A_110, %eq3A : vector<16x512x16xf32>
    %jit3A = arith.constant 16 : i32
    %broadcast_in_dim3A_114 = vector.broadcast %jit3A : i32 to vector<16x512x16xi32>
    %select_n3A_115 = arith.select %eq3A_113, %iota3A, %broadcast_in_dim3A_114 : vector<16x512x16xi1>, vector<16x512x16xi32>
    %reduce_min3A = arith.constant dense<2147483647> : vector<16x512xi32>
    %reduce_min3A_116 = vector.multi_reduction <minsi>, %select_n3A_115, %reduce_min3A [2] : vector<16x512x16xi32> to vector<16x512xi32>
    %broadcast_in_dim3A_117 = vector.shape_cast %reduce_min3A_116 : vector<16x512xi32> to vector<16x512x1xi32>
    %eq3A_118 = vector.broadcast %broadcast_in_dim3A_117 : vector<16x512x1xi32> to vector<16x512x16xi32>
    %eq3A_119 = arith.cmpi eq, %iota3A, %eq3A_118 : vector<16x512x16xi32>
    %reshape3A_120 = vector.shape_cast %add3A_78 : vector<16x8192xf32> to vector<16x512x16xf32>
    %jit3A_121 = arith.constant 0.000000e+00 : f32
    %broadcast_in_dim3A_122 = vector.broadcast %jit3A_121 : f32 to vector<16x512x16xf32>
    %select_n3A_123 = arith.select %eq3A_119, %reshape3A_120, %broadcast_in_dim3A_122 : vector<16x512x16xi1>, vector<16x512x16xf32>
    %reduce_sum3A = arith.constant dense<0.000000e+00> : vector<16x512xf32>
    %reduce_sum3A_124 = vector.multi_reduction <add>, %select_n3A_123, %reduce_sum3A [2] : vector<16x512x16xf32> to vector<16x512xf32>
    %reshape3A_125 = vector.shape_cast %add3A_88 : vector<16x8192xf32> to vector<16x512x16xf32>
    %jit3A_126 = arith.constant 0.000000e+00 : f32
    %broadcast_in_dim3A_127 = vector.broadcast %jit3A_126 : f32 to vector<16x512x16xf32>
    %select_n3A_128 = arith.select %eq3A_119, %reshape3A_125, %broadcast_in_dim3A_127 : vector<16x512x16xi1>, vector<16x512x16xf32>
    %reduce_sum3A_129 = arith.constant dense<0.000000e+00> : vector<16x512xf32>
    %reduce_sum3A_130 = vector.multi_reduction <add>, %select_n3A_128, %reduce_sum3A_129 [2] : vector<16x512x16xf32> to vector<16x512xf32>
    %reshape3A_131 = vector.shape_cast %add3A_98 : vector<16x8192xf32> to vector<16x512x16xf32>
    %jit3A_132 = arith.constant 0.000000e+00 : f32
    %broadcast_in_dim3A_133 = vector.broadcast %jit3A_132 : f32 to vector<16x512x16xf32>
    %select_n3A_134 = arith.select %eq3A_119, %reshape3A_131, %broadcast_in_dim3A_133 : vector<16x512x16xi1>, vector<16x512x16xf32>
    %reduce_sum3A_135 = arith.constant dense<0.000000e+00> : vector<16x512xf32>
    %reduce_sum3A_136 = vector.multi_reduction <add>, %select_n3A_134, %reduce_sum3A_135 [2] : vector<16x512x16xf32> to vector<16x512xf32>
    %broadcast_in_dim3A_137 = vector.shape_cast %reduce_sum3A_124 : vector<16x512xf32> to vector<16x1x512xf32>
    %broadcast_in_dim3A_138 = vector.shape_cast %reduce_sum3A_130 : vector<16x512xf32> to vector<16x1x512xf32>
    %broadcast_in_dim3A_139 = vector.shape_cast %reduce_sum3A_136 : vector<16x512xf32> to vector<16x1x512xf32>
    %concatenate3A_140 = tpu.concatenate %broadcast_in_dim3A_137, %broadcast_in_dim3A_138, %broadcast_in_dim3A_139 in 1 : vector<16x1x512xf32>, vector<16x1x512xf32>, vector<16x1x512xf32> -> vector<16x3x512xf32>
    %reshape3A_141 = vector.shape_cast %concatenate3A_140 : vector<16x3x512xf32> to vector<48x512xf32>
    %swap3A = arith.constant 0 : index
    %swap3A_142 = arith.constant 0 : index
    %swap3A_143 = arith.constant 0 : index
    %swap3A_144 = vector.load %arg7[%swap3A, %swap3A_142, %swap3A_143] : memref<1x48x512xf32, #tpu.memory_space<vmem>>, vector<1x48x512xf32>
    %swap3A_145 = vector.shape_cast %swap3A_144 : vector<1x48x512xf32> to vector<48x512xf32>
    %swap3A_146 = vector.shape_cast %reshape3A_141 : vector<48x512xf32> to vector<1x48x512xf32>
    tpu.vector_store %arg7[%swap3A, %swap3A_142, %swap3A_143], %swap3A_146 {strides = array<i32>} : memref<1x48x512xf32, #tpu.memory_space<vmem>>, vector<1x48x512xf32>,
    return
  }
  func.func @transform_0(%arg0: i32, %arg1: i32) -> (i32, i32, i32) {
    %c0_i32 = arith.constant 0 : i32
    %c0_i32_0 = arith.constant 0 : i32
    return %arg0, %arg1, %c0_i32 : i32, i32, i32
  }
  func.func @transform_1(%arg0: i32, %arg1: i32) -> (i32, i32, i32) {
    %c0_i32 = arith.constant 0 : i32
    %c0_i32_0 = arith.constant 0 : i32
    return %arg0, %arg1, %c0_i32 : i32, i32, i32
  }
  func.func @transform_2(%arg0: i32, %arg1: i32) -> (i32, i32, i32) {
    %c0_i32 = arith.constant 0 : i32
    %c0_i32_0 = arith.constant 0 : i32
    %c0_i32_1 = arith.constant 0 : i32
    %c0_i32_2 = arith.constant 0 : i32
    return %c0_i32, %c0_i32_0, %c0_i32_1 : i32, i32, i32
  }
  func.func @transform_3(%arg0: i32, %arg1: i32) -> (i32, i32, i32) {
    %c0_i32 = arith.constant 0 : i32
    %c0_i32_0 = arith.constant 0 : i32
    %c0_i32_1 = arith.constant 0 : i32
    %c0_i32_2 = arith.constant 0 : i32
    return %c0_i32, %c0_i32_0, %c0_i32_1 : i32, i32, i32
  }
  func.func @transform_4(%arg0: i32, %arg1: i32) -> (i32, i32) {
    %c0_i32 = arith.constant 0 : i32
    %c0_i32_0 = arith.constant 0 : i32
    %c0_i32_1 = arith.constant 0 : i32
    return %c0_i32, %c0_i32_0 : i32, i32
  }
  func.func @transform_5(%arg0: i32, %arg1: i32) -> (i32, i32, i32) {
    %c0_i32 = arith.constant 0 : i32
    %c0_i32_0 = arith.constant 0 : i32
    return %arg0, %c0_i32, %arg1 : i32, i32, i32
  }
}

</mosaic_0001>

<sc_bundles>
// kernel: gather_offload_async_start.1
scs
__scs_entry_jumppad:
0x0: {  	(pc) =	sbr.rel $0x88, $3  }
0x1: {  	(tag) =	ssettag $0x0;
	lr =	simm.s32 $0x1  }
0x2: {  	[smem:$0x3F9C] =	sst lr;
	_ =	strace $0xD0000000  }
0x3: {  	_ = 	snop  }
0x4: {  	_ = 	snop  }
0x5: {  	_ = 	snop  }
0x6: {  	_ = 	snop  }
0x7: {  	_ = 	snop  }
__scs_overlays_trampoline_lowered:
0x8: {  	[smem:$0x3FAB] =	sst s0  }
0x9: {  	[smem:$0x3FAC] =	sst s1  }
0xa: {  	[smem:$0x3FAD] =	sst s2  }
0xb: {  	[smem:$0x3FAE] =	sst s3  }
0xc: {  	[smem:$0x3FAF] =	sst s4  }
0xd: {  	[smem:$0x3FB0] =	sst s5  }
0xe: {  	[smem:$0x3FB1] =	sst s6  }
0xf: {  	[smem:$0x3FB2] =	sst s7  }
0x10: {  	[smem:$0x3FB3] =	sst s8  }
0x11: {  	[smem:$0x3FB4] =	sst s9;
	s0 =	simm.s32 @!p0 $0x0  }
0x12: {  	s1 =	sld [smem:$0x3F9A];
	s0 =	simm.s32 @p0 $0x1  }
0x13: {  	[smem:$0x3FB5] =	sst s0;
	s0 =	simm.s32 @!p1 $0x0  }
0x14: {  	s2 =	sld [smem:$0x3F99];
	s0 =	simm.s32 @p1 $0x1  }
0x15: {  	[smem:$0x3FB6] =	sst s0;
	s0 =	simm.s32 @!p2 $0x0  }
0x16: {  	s3 =	sld [smem:$0x3FDB];
	s0 =	simm.s32 @p2 $0x1  }
0x17: {  	s4 =	simm.s32 $0x1BF5;
	[smem:$0x3FB8] =	sst s0  }
0x18: {  	s0 =	sld [smem:$0x3F9B];
	_ =	swait.ge [sflag:s4], $0x0  }
0x19: {  	s7 =	sld [smem:$0x3F9C]  }
0x1a: {  	s8 =	sadd.s32 $0xFFFFE003, lr  }
0x1b: {  	s9 =	sadd.s32 $0xFFFFFEF7, lr;
	s5 =	simm.s32 $0xFFFFFFFF;
	p2 =	slt.u32 s8, $0xFFFFF086  }
0x1c: {  	p1 =	slt.u32 s9, $0xF7A;
	s5 =	simm.s32 @!p2 $0x0  }
0x1d: {  	s5 =	simm.s32 @p1 $0x1;
	p0 =	seq.s32 s7, s2  }
0x1e: {  	s7 =	smul.u32 @!p0 $0xF7A, s2;
	p2 =	seq.s32 @!p0 s5, $0x0  }
0x1f: {  	s9 =	smul.u32 $0xF7A, s1;
	s8 =	simm.s32 @!p0 $0x1BF5;
	p2 =	por !p2, p0  }
0x20: {  	[sflag:s8] =	ssyncset.s32 @!p0 $0xFFFFF086;
	s6 =	sadd.s32 @!p0 s3, s7;
	s7 =	simm.s32 @!p0 $0x108  }
0x21: {  	s3 =	sadd.s32 s3, s9;
	s6 =	sadd.s32 @!p0 $0x88, s6;
	s7 =	simm.s32 @p2 $0x1082  }
0x22: {  	[simem:s7], [sflag:s8] =	dma.local @!p0 [hbm:s6], $0xF7A  }
0x23: {  	s9 =	sor.u32 $0xD0000000, s2;
	s6 =	simm.s32 $0x108;
	_ =	swait.ge @!p0 [sflag:s8], $0x0  }
0x24: {  	s3 =	sadd.s32 $0x88, s3;
	s6 =	simm.s32 @!p1 $0x1082;
	[sflag:s4] =	ssyncset.s32 $0xFFFFF086  }
0x25: {  	[simem:s6], [sflag:s4] =	dma.local [hbm:s3], $0xF7A  }
0x26: {  	[smem:$0x3F9C] =	sst s1;
	(tag) =	ssettag s2;
	_ =	strace s9  }
0x27: {  	s1 =	sld [smem:$0x3FAC]  }
0x28: {  	s2 =	sld [smem:$0x3FAD]  }
0x29: {  	s4 =	sld [smem:$0x3FAF]  }
0x2a: {  	p0 =	seq.s32 s5, $0x0;
	s5 =	sld [smem:$0x3FB0]  }
0x2b: {  	s6 =	sld [smem:$0x3FB1]  }
0x2c: {  	s7 =	sld [smem:$0x3FB2]  }
0x2d: {  	s3 =	simm.s32 $0x108;
	s8 =	sld [smem:$0x3FB3]  }
0x2e: {  	s3 =	simm.s32 @!p0 $0x1082;
	s9 =	sld [smem:$0x3FB4]  }
0x2f: {  	lr =	sadd.s32 s0, s3;
	s0 =	sld [smem:$0x3FAB]  }
0x30: {  	s3 =	sld [smem:$0x3FAE]  }
0x31: {  	[smem:$0x3FB7] =	sst s10  }
0x32: {  	s10 =	sld [smem:$0x3FB5];
	_ =	sdelay $0x3  }
0x33: {  	p0 =	seq.s32 s10, $0x1;
	s10 =	sld [smem:$0x3FB7];
	_ =	sdelay $0x3  }
0x34: {  	[smem:$0x3FB7] =	sst s10  }
0x35: {  	s10 =	sld [smem:$0x3FB6];
	_ =	sdelay $0x3  }
0x36: {  	p1 =	seq.s32 s10, $0x1;
	s10 =	sld [smem:$0x3FB7];
	_ =	sdelay $0x3  }
0x37: {  	[smem:$0x3FB7] =	sst s10  }
0x38: {  	s10 =	sld [smem:$0x3FB8]  }
0x39: {  	_ = 	snop;
	(pc) =	sbr.ind lr, $3  }
0x3a: {  	_ = 	snop  }
0x3b: {  	_ = 	snop  }
0x3c: {  	p2 =	seq.s32 s10, $0x1;
	s10 =	sld [smem:$0x3FB7]  }
0x3d: {  	_ =	shalt  }
0x3e: {  	_ =	shalt  }
0x3f: {  	_ =	shalt  }
0x40: {  	_ =	shalt  }
0x41: {  	_ =	shalt  }
0x42: {  	_ =	shalt  }
0x43: {  	_ =	shalt  }
0x44: {  	_ =	shalt  }
0x45: {  	_ =	shalt  }
0x46: {  	_ =	shalt  }
0x47: {  	_ =	shalt  }
0x48: {  	_ =	shalt  }
0x49: {  	_ =	shalt  }
0x4a: {  	_ =	shalt  }
0x4b: {  	_ =	shalt  }
0x4c: {  	_ =	shalt  }
0x4d: {  	_ =	shalt  }
0x4e: {  	_ =	shalt  }
0x4f: {  	_ =	shalt  }
0x50: {  	_ =	shalt  }
0x51: {  	_ =	shalt  }
0x52: {  	_ =	shalt  }
0x53: {  	_ =	shalt  }
0x54: {  	_ =	shalt  }
0x55: {  	_ =	shalt  }
0x56: {  	_ =	shalt  }
0x57: {  	_ =	shalt  }
0x58: {  	_ =	shalt  }
0x59: {  	_ =	shalt  }
0x5a: {  	_ =	shalt  }
0x5b: {  	_ =	shalt  }
0x5c: {  	_ =	shalt  }
0x5d: {  	_ =	shalt  }
0x5e: {  	_ =	shalt  }
0x5f: {  	_ =	shalt  }
0x60: {  	_ =	shalt  }
0x61: {  	_ =	shalt  }
0x62: {  	_ =	shalt  }
0x63: {  	_ =	shalt  }
0x64: {  	_ =	shalt  }
0x65: {  	_ =	shalt  }
0x66: {  	_ =	shalt  }
0x67: {  	_ =	shalt  }
0x68: {  	_ =	shalt  }
0x69: {  	_ =	shalt  }
0x6a: {  	_ =	shalt  }
0x6b: {  	_ =	shalt  }
0x6c: {  	_ =	shalt  }
0x6d: {  	_ =	shalt  }
0x6e: {  	_ =	shalt  }
0x6f: {  	_ =	shalt  }
0x70: {  	_ =	shalt  }
0x71: {  	_ =	shalt  }
0x72: {  	_ =	shalt  }
0x73: {  	_ =	shalt  }
0x74: {  	_ =	shalt  }
0x75: {  	_ =	shalt  }
0x76: {  	_ =	shalt  }
0x77: {  	_ =	shalt  }
0x78: {  	_ =	shalt  }
0x79: {  	_ =	shalt  }
0x7a: {  	_ =	shalt  }
0x7b: {  	_ =	shalt  }
0x7c: {  	_ =	shalt  }
0x7d: {  	_ =	shalt  }
0x7e: {  	_ =	shalt  }
0x7f: {  	_ =	shalt  }
0x80: {  	_ =	shalt  }
0x81: {  	_ =	shalt  }
0x82: {  	_ =	shalt  }
0x83: {  	_ =	shalt  }
0x84: {  	_ =	shalt  }
0x85: {  	_ =	shalt  }
0x86: {  	_ =	shalt  }
0x87: {  	_ =	shalt  }
.Lfunc_end0:
.L_simem_size_0:
called_computation.2_lowered:
.L_overlay_start_0:
0x88: {  	s2 =	sld [smem:$0x3FD9]  }
0x89: {  	s3 =	sld [smem:$0x3FFE];
	_ =	sdelay $0x1  }
0x8a: {  	s1 =	srdreg.scid  }
0x8b: {  	s0 =	sand.u32 $0x1, s1  }
0x8c: {  	s14 =	sshll.u32 s0, $0xA;
	s2 =	sadd.s32 s3, s2  }
0x8d: {  	s2 =	sadd.s32 s2, s14  }
0x8e: {  	[smem:$0x3FC3] =	sst s2  }
0x8f: {  	_ = 	snop  }
0x90: {  	s2 =	sld [smem:$0x3FD0];
	_ =	sdelay $0x2  }
0x91: {  	s15 =	simm.s32 $0xA;
	s4 =	simm.s32 $0x10  }
0x92: {  	[smem:s4], [sflag:s15] =	dma.local [hbm:s2], $0x1  }
0x93: {  	_ =	swait.eq [sflag:s15], $0x1  }
0x94: {  	[sflag:s15] =	ssyncset.done $0x0  }
0x95: {  	[sflag:s15] =	ssyncadd.s32 $0xFFFFFFFF  }
0x96: {  	s16 =	sld [smem:$0x11];
	(tm) =	ssettm $0x1  }
0x97: {  	s17 =	sld [smem:$0x3FFB];
	_ =	sdelay $0x3  }
0x98: {  	_ =	strace s17  }
0x99: {  	s3 =	sld [smem:$0x3FFC];
	_ =	sdelay $0x3  }
0x9a: {  	_ =	strace s3  }
0x9b: {  	s3 =	sld [smem:$0x3FFD];
	_ =	sdelay $0x3  }
0x9c: {  	_ =	strace s3  }
0x9d: {  	_ =	strace $0x8FFFFFFF  }
0x9e: {  	s18 =	sld [smem:$0x3FDB];
	_ =	sdelay $0x1  }
0x9f: {  	s19 =	simm.s32 $_scs_section_size  }
0xa0: {  	s5 =	simm.s32 $_size__tile_overlayer_lowered;
	s6 =	simm.s32 $_tile_overlayer_lowered  }
0xa1: {  	s22 =	simm.s32 $0x1BFF;
	s21 =	sshll.u32 s6, $0x1;
	s3 =	sadd.s32 s19, s18  }
0xa2: {  	s7 =	simm.s32 $0x0;
	s20 =	sshll.u32 s5, $0x1;
	s5 =	sadd.s32 s21, s3  }
0xa3: {  	[timem:s7], [sflag:s22] =	dma.local [hbm:s5], s20  }
0xa4: {  	_ =	swait.ge [sflag:s22], s20  }
0xa5: {  	s4 =	ssub.s32 $0x0, s20;
	[sflag:s22] =	ssyncset.done $0x0  }
0xa6: {  	[sflag:s22] =	ssyncadd.s32 s4;
	_ =	sdelay $0x1  }
0xa7: {  	s23 =	simm.s32 $0x1B8B  }
0xa8: {  	_ =	swait.ge [sflag:s23], $0x1  }
0xa9: {  	[sflag:s23] =	ssyncset.done $0x0  }
0xaa: {  	s25 =	simm.s32 $0x1B8E;
	s24 =	sld [smem:$0x3FFE];
	[sflag:s23] =	ssyncadd.s32 $0xFFFFFFFF  }
0xab: {  	s26 =	simm.s32 $execute0_lowered;
	[smem:$0x3FD2] =	sst s25  }
0xac: {  	s5 =	sshll.u32 s26, $0x1;
	_ =	strace $0x8000004C;
	[dreg:$0x1] =	wrdreg $0xFFFFFFFF  }
0xad: {  	s28 =	simm.s32 $_size_execute0_lowered;
	s3 =	sadd.s32 s3, s5;
	[dreg:$0x0] =	wrdreg $0x0  }
0xae: {  	s5 =	sshll.u32 s28, $0x1;
	[dreg:$0x2] =	wrdreg s3  }
0xaf: {  	[dreg:$0x3] =	wrdreg s5  }
0xb0: {  	[dreg:$0x4] =	wrdreg $0xC0  }
0xb1: {  	_ =	task [dreg:s7], $0x5FFFF  }
0xb2: {  	[dreg:$0x1] =	wrdreg $0xFFFFFFFF  }
0xb3: {  	[dreg:$0x0] =	wrdreg $0x60  }
0xb4: {  	[dreg:$0x2] =	wrdreg s24  }
0xb5: {  	[dreg:$0x3] =	wrdreg s16  }
0xb6: {  	[dreg:$0x4] =	wrdreg $0x9  }
0xb7: {  	_ =	task.clear_ibuf [dreg:s7], $0x5FFFF;
	_ =	strace $0x9000004C  }
0xb8: {  	s29 =	simm.s32 $0x9;
	_ =	strace $0x8000004E  }
0xb9: {  	_ =	swait.ge [sflag:s29], $0x1  }
0xba: {  	[sflag:s29] =	ssyncadd.s32 $0xFFFFFFFF  }
0xbb: {  	_ =	strace $0x9000004E  }
0xbc: {  	_ =	sfence  }
0xbd: {  	s30 =	sld [smem:$0x0];
	_ =	sdelay $0x2  }
0xbe: {  	s31 =	sshll.u32 s1, $0xD;
	s1 =	sshrl.u32 s1, $0x2  }
0xbf: {  	s3 =	sand.u32 $0x4000, s31;
	s1 =	sadd.s32 s1, s30  }
0xc0: {  	s0 =	sor.u32 s3, s0;
	s1 =	sshll.u32 s1, $0x11  }
0xc1: {  	s0 =	sor.u32 s1, s0  }
0xc2: {  	s0 =	sadd.s32 $0x8F2B, s0  }
0xc3: {  	[sflag:s0] =	ssyncadd.remote.s32 $0x1  }
0xc4: {  	_ =	sfence.sel $0xFFFF  }
0xc5: {  	[dreg:$0x0] =	wrdreg $0xFFFFFFFF;
	(pc) =	sbr.abs _section_cstart, $3  }
0xc6: {  	[dreg:$0x1] =	wrdreg $0xFFFFFFFF  }
0xc7: {  	_ =	task.clear_ibuf [dreg:s7], $0x2FFFF;
	_ =	strace $0x9FFFFFFF  }
0xc8: {  	(tm) =	ssettm $0x7FFFFFFF  }
0xc9: {  	_ =	shalt  }
tec
execute0_lowered:
.L_overlay_start_1:
0x0: {  	(tag) =	ssettag $0x1  }
0x1: {  	s7 =	rddreg [dreg:$0x0]  }
0x2: {  	s2 =	rddreg [dreg:$0x1]  }
0x3: {  	s0 =	rddreg [dreg:$0x2]  }
0x4: {  	s1 =	srdreg.scid;
	_ =	strace $0x8000004D;
	s4 =	simm.s32 $0x1  }
0x5: {  	s9 =	simm.s32 $0x3;
	s11 =	simm.s32 $0x0;
	s5 =	sshll.u32 s1, $0x4  }
.Ltmp0:
0x6: {  	s1 =	stileid.u32;
	s5 =	sand.u32 $0x10, s5;
	(pc) =	sbr.rel .LBB2_1-.Ltmp0, $4  }
0x7: {  	p0 =	por $0x0, $0x0;
	s3 =	sadd.s32 $0x8A3000, s7;
	s6 =	sor.u32 s1, s5  }
0x8: {  	[sflag:s4] =	ssyncpa.u1 $0x0;
	s5 =	simm.s32 $0x2;
	s6 =	sshll.u32 s6, $0xB  }
0x9: {  	s7 =	sadd.s32 $0x93000, s7;
	[sflag:s5] =	ssyncpa.u1 $0x0;
	s8 =	sadd.s32 $0x800, s6  }
0xa: {  	vm0 =	vmmov $0xff;
	vm1 =	vcmask $0x3F20;
	[sflag:s9] =	ssyncpa.u1 $0x0;
	s10 =	smov.u32 s6;
	s9 =	simm.s32 $0x0  }
.LBB2_7:
0xb: {  	p1 =	slt.u32 s9, $0x2;
	s11 =	sadd.s32 $0x100, s10  }
0xc: {  	s13 =	smov.u32 s6;
	s9 =	sadd.s32 $0x1, s9;
	p2 =	slt.s32 s11, s8  }
0xd: {  	s13 =	smov.u32 @p2 s11;
	p2 =	sne.s32 s9, $0xA  }
.Ltmp1:
0xe: {  	_ = 	snop;
	(pc) =	sbr.rel @!p2 .LBB2_8-.Ltmp1, $4  }
0xf: {  	s12 =	simm.s32 @!p1 $0x3  }
0x10: {  	_ =	swait.ge @!p1 [sflag:s12], $0x8000  }
0x11: {  	p0 =	por !p0, !p0;
	[sflag:s12] =	ssyncset.done @!p1 $0x0  }
0x12: {  	s11 =	smov.u32 s10;
	s10 =	smov.u32 s13;
	[sflag:s12] =	ssyncadd.s32 @!p1 $0xFFFF8000  }
.LBB2_1:
0x13: {  	p1 =	sgt.u32 s9, $0x7  }
0x14: {  	s12 =	sxor.u32 @!p1 $0xFFFFFFFF, s9  }
0x15: {  	s13 =	sshrl.u32 @!p1 s10, $0x3;
	s12 =	sshll.u32 @!p1 s12, $0x8  }
0x16: {  	s14 =	sand.u32 @!p1 $0x7, s10;
	s13 =	sadd.s32 @!p1 s2, s13;
	s12 =	sand.u32 @!p1 $0x100, s12  }
0x17: {  	[tilespmem:s12], [sflag:$0x2] =	stream.linear.gather @!p1 [hbm4b:s13+s14], $0x100, $0x38;
	[tilespmem:$0x10200] =	vst v63  }
0x18: {  	p1 =	seq.s32 s9, $0x0  }
0x19: {  	p2 =	seq.s32 @!p1 s9, $0x9  }
0x1a: {  	p1 =	por p1, p2  }
.Ltmp2:
0x1b: {  	_ = 	snop;
	(pc) =	sbr.rel @p1 .LBB2_7-.Ltmp2, $1  }
0x1c: {  	_ =	sdelay $0x3  }
0x1d: {  	s12 =	simm.s32 $0x1  }
0x1e: {  	_ =	swait.ge [sflag:s5], $0x100;
	s12 =	simm.s32 @!p0 $0x0  }
0x1f: {  	[sflag:s5] =	ssyncset.done $0x0;
	s14 =	sshll.u32 s12, $0x8  }
0x20: {  	[sflag:s5] =	ssyncadd.s32 $0xFFFFFF00;
	s13 =	sadd.s32 $0x0, s14  }
0x21: {  	v0 =	vld.msk [tilespmem:s13+$0x0 ss:$0x1], $0xffff;
	_ =	sdelay $0x4  }
0x22: {  	vm2 =	veq.s32 v0, $0x80000000  }
0x23: {  	v1 =	vshll.u32 v0, $0x19;
	v2 =	vshll.u32 v0, $0xD;
	v0 =	vshrl.u32 v0, $0x5  }
0x24: {  	v1 =	vand.u32 $0x2000000, v1;
	v2 =	vand.u32 $0x1FFC000, v2;
	v0 =	vand.u32 $0x3F80, v0  }
0x25: {  	v1 =	vor.u32 v2, v1;
	v0 =	vsel vm2, $0xFFFFFF80, v0  }
0x26: {  	v1 =	vsel vm2, $0xFDFFC000, v1;
	v2 =	vand.u32 $0xFFFFFC00, v0  }
0x27: {  	v0 =	vand.u32 $0x380, v0;
	v1 =	vadd.s32 v2, v1  }
0x28: {  	v0 =	vor.u32 v0, v1  }
0x29: {  	v0 =	vshrl.u32 v0, $0x3;
	_ =	sdelay $0x2  }
0x2a: {  	s12 =	sshll.u32 s12, $0xF  }
0x2b: {  	s12 =	sor.u32 $0x200, s12  }
0x2c: {  	[tilespmem:s12], [sflag:$0x1] =	stream.indirect_vreg.gather [hbm:s3], $0x80, v0, vm0, $0x38;
	[tilespmem:$0x10200] =	vst v63  }
0x2d: {  	s15 =	sadd.s32 $0x10, s14;
	s13 =	sadd.s32 $0x400, s12  }
0x2e: {  	[tilespmem:s13], [sflag:$0x1] =	stream.indirect_vreg.gather [hbm:s3], $0x80, v0, vm1, $0x38;
	[tilespmem:$0x10200] =	vst v63  }
0x2f: {  	s16 =	simm.s32 $0x80;
	v0 =	vld.msk [tilespmem:s15+$0x0 ss:$0x1], $0xffff;
	s15 =	smov.u32 s12  }
.LBB2_3:
0x30: {  	p1 =	sne.s32 s16, $0x3C0;
	_ =	sdelay $0x4  }
0x31: {  	vm2 =	veq.s32 v0, $0x80000000  }
0x32: {  	v1 =	vshll.u32 v0, $0x19;
	v2 =	vshll.u32 v0, $0xD;
	v0 =	vshrl.u32 v0, $0x5  }
0x33: {  	v1 =	vand.u32 $0x2000000, v1;
	v2 =	vand.u32 $0x1FFC000, v2;
	v0 =	vand.u32 $0x3F80, v0  }
0x34: {  	v1 =	vor.u32 v2, v1;
	v0 =	vsel vm2, $0xFFFFFF80, v0  }
0x35: {  	v1 =	vsel vm2, $0xFDFFC000, v1;
	v2 =	vand.u32 $0xFFFFFC00, v0  }
0x36: {  	v0 =	vand.u32 $0x380, v0;
	v1 =	vadd.s32 v2, v1  }
0x37: {  	v0 =	vor.u32 v0, v1  }
0x38: {  	v0 =	vshrl.u32 v0, $0x3;
	_ =	sdelay $0x3  }
.Ltmp3:
0x39: {  	s17 =	sshra.s32 s16, $0x2;
	s15 =	sadd.s32 $0x800, s15;
	(pc) =	sbr.rel @p1 .LBB2_3-.Ltmp3, $4  }
0x3a: {  	[tilespmem:s15], [sflag:$0x1] =	stream.indirect_vreg.gather [hbm:s3], $0x80, v0, vm0, $0x38;
	[tilespmem:$0x10200] =	vst v63  }
0x3b: {  	s17 =	sadd.s32 s17, s14;
	s18 =	sadd.s32 $0x400, s15  }
0x3c: {  	[tilespmem:s18], [sflag:$0x1] =	stream.indirect_vreg.gather [hbm:s3], $0x80, v0, vm1, $0x38;
	[tilespmem:$0x10200] =	vst v63  }
0x3d: {  	s16 =	sadd.s32 $0x40, s16;
	v0 =	vld.msk [tilespmem:s17+$0x0 ss:$0x1], $0xffff  }
0x3e: {  	_ =	sdelay $0x3  }
0x3f: {  	vm2 =	veq.s32 v0, $0x80000000  }
0x40: {  	v1 =	vshll.u32 v0, $0x19;
	v2 =	vshll.u32 v0, $0xD;
	v62 =	vshrl.u32 v0, $0x5  }
0x41: {  	v1 =	vand.u32 $0x2000000, v1;
	v2 =	vand.u32 $0x1FFC000, v2;
	v0 =	vand.u32 $0x3F80, v62  }
0x42: {  	v1 =	vor.u32 v2, v1;
	v0 =	vsel vm2, $0xFFFFFF80, v0  }
0x43: {  	v1 =	vsel vm2, $0xFDFFC000, v1;
	v63 =	vand.u32 $0xFFFFFC00, v0  }
0x44: {  	v0 =	vand.u32 $0x380, v0;
	v1 =	vadd.s32 v63, v1  }
0x45: {  	v0 =	vor.u32 v0, v1  }
0x46: {  	v0 =	vshrl.u32 v0, $0x3;
	_ =	sdelay $0x3  }
0x47: {  	s14 =	sadd.s32 $0x800, s15  }
0x48: {  	[tilespmem:s14], [sflag:$0x1] =	stream.indirect_vreg.gather [hbm:s3], $0x80, v0, vm0, $0x38;
	[tilespmem:$0x10200] =	vst v63  }
0x49: {  	s14 =	sadd.s32 $0x400, s14  }
0x4a: {  	[tilespmem:s14], [sflag:$0x1] =	stream.indirect_vreg.gather [hbm:s3], $0x80, v0, vm1, $0x38;
	[tilespmem:$0x10200] =	vst v63  }
0x4b: {  	s11 =	sshll.u32 s11, $0x4;
	_ =	swait.ge [sflag:s4], $0x8000  }
0x4c: {  	s11 =	sadd.s32 s11, s7;
	[sflag:s4] =	ssyncset.done $0x0  }
0x4d: {  	s15 =	sadd.s32 $0x0, s11;
	s14 =	simm.s32 $0x80;
	[sflag:s4] =	ssyncadd.s32 $0xFFFF8000  }
.LBB2_5:
0x4e: {  	[hbm:s15] =	stream.linear.scatter [tilespmem:s12], [sflag:$0x3], $0x400, $0x38;
	[tilespmem:$0x10200] =	vst v63  }
0x4f: {  	s15 =	smov.u32 s14;
	s12 =	smov.u32 s13;
	p1 =	sne.s32 s14, $0xF80  }
.Ltmp4:
0x50: {  	s14 =	sadd.s32 $0x80, s14;
	(pc) =	sbr.rel @p1 .LBB2_5-.Ltmp4, $2  }
0x51: {  	_ =	sdelay $0x2  }
0x52: {  	s13 =	sadd.s32 $0x400, s13;
	s15 =	sadd.s32 s15, s11  }
.Ltmp5:
0x53: {  	(pc) =	sbr.rel .LBB2_7-.Ltmp5, $2  }
0x54: {  	_ =	sdelay $0x2  }
0x55: {  	[hbm:s15] =	stream.linear.scatter [tilespmem:s12], [sflag:$0x3], $0x400, $0x38;
	[tilespmem:$0x10200] =	vst v63  }
.LBB2_8:
0x56: {  	_ =	sfence.sel $0x180000  }
0x57: {  	s2 =	simm.s32 $0x2;
	[bflag:$0x0] =	sbarrier.arrive $0xFFFF  }
0x58: {  	s30 =	simm.s32 $0x3;
	[sflag:s2] =	ssyncpa.u1 $0x1  }
0x59: {  	s31 =	simm.s32 $0x1;
	[sflag:s30] =	ssyncpa.u1 $0x1  }
0x5a: {  	[sflag:s31] =	ssyncpa.u1 $0x1  }
0x5b: {  	p0 =	sne.s32 s1, $0x0;
	_ =	strace $0x9000004D  }
0x5c: {  	s0 =	sadd.s32 @!p0 $0x100000, s0;
	[bflag:$0x2] =	sbarrier.arrive $0xFFFF  }
0x5d: {  	[sflag:s0] =	ssyncadd.tile.s32 @!p0 $0x1;
	_ =	shalt  }
.Lfunc_end2:
_tile_overlayer_lowered:
.L_overlay_start_2:
0x5e: {  	(tag) =	ssettag $0x2  }
0x5f: {  	s0 =	rddreg [dreg:$0x0];
	s2 =	stileid.u32  }
0x60: {  	s1 =	rddreg [dreg:$0x1];
	p0 =	sne.s32 s2, $0x0  }
0x61: {  	s3 =	rddreg [dreg:$0x2];
	[bflag:$0x3] =	sbarrier.arrive $0xFFFF;
	s2 =	simm.s32 @!p0 $0x1C01  }
0x62: {  	[timem:s3], [sflag:s2] =	dma.local @!p0 [hbm:s0], s1  }
0x63: {  	s0 =	simm.s32 @!p0 $0x1  }
0x64: {  	_ =	swait.ge @!p0 [sflag:s0], s1  }
0x65: {  	s1 =	ssub.s32 @!p0 $0x0, s1;
	[sflag:s0] =	ssyncset.done @!p0 $0x0  }
0x66: {  	[sflag:s0] =	ssyncadd.s32 @!p0 s1  }
0x67: {  	[bflag:$0x3] =	sbarrier.arrive $0xFFFF  }
0x68: {  	_ =	shalt  }

// kernel: gather_offload_async_start
scs
__scs_entry_jumppad:
0x0: {  	(pc) =	sbr.rel $0x88, $3  }
0x1: {  	(tag) =	ssettag $0x0;
	lr =	simm.s32 $0x1  }
0x2: {  	[smem:$0x3F9C] =	sst lr;
	_ =	strace $0xD0000000  }
0x3: {  	_ = 	snop  }
0x4: {  	_ = 	snop  }
0x5: {  	_ = 	snop  }
0x6: {  	_ = 	snop  }
0x7: {  	_ = 	snop  }
__scs_overlays_trampoline_lowered:
0x8: {  	[smem:$0x3FAB] =	sst s0  }
0x9: {  	[smem:$0x3FAC] =	sst s1  }
0xa: {  	[smem:$0x3FAD] =	sst s2  }
0xb: {  	[smem:$0x3FAE] =	sst s3  }
0xc: {  	[smem:$0x3FAF] =	sst s4  }
0xd: {  	[smem:$0x3FB0] =	sst s5  }
0xe: {  	[smem:$0x3FB1] =	sst s6  }
0xf: {  	[smem:$0x3FB2] =	sst s7  }
0x10: {  	[smem:$0x3FB3] =	sst s8  }
0x11: {  	[smem:$0x3FB4] =	sst s9;
	s0 =	simm.s32 @!p0 $0x0  }
0x12: {  	s1 =	sld [smem:$0x3F9A];
	s0 =	simm.s32 @p0 $0x1  }
0x13: {  	[smem:$0x3FB5] =	sst s0;
	s0 =	simm.s32 @!p1 $0x0  }
0x14: {  	s2 =	sld [smem:$0x3F99];
	s0 =	simm.s32 @p1 $0x1  }
0x15: {  	[smem:$0x3FB6] =	sst s0;
	s0 =	simm.s32 @!p2 $0x0  }
0x16: {  	s3 =	sld [smem:$0x3FDB];
	s0 =	simm.s32 @p2 $0x1  }
0x17: {  	s4 =	simm.s32 $0x1BF5;
	[smem:$0x3FB8] =	sst s0  }
0x18: {  	s0 =	sld [smem:$0x3F9B];
	_ =	swait.ge [sflag:s4], $0x0  }
0x19: {  	s7 =	sld [smem:$0x3F9C]  }
0x1a: {  	s8 =	sadd.s32 $0xFFFFE003, lr  }
0x1b: {  	s9 =	sadd.s32 $0xFFFFFEF7, lr;
	s5 =	simm.s32 $0xFFFFFFFF;
	p2 =	slt.u32 s8, $0xFFFFF086  }
0x1c: {  	p1 =	slt.u32 s9, $0xF7A;
	s5 =	simm.s32 @!p2 $0x0  }
0x1d: {  	s5 =	simm.s32 @p1 $0x1;
	p0 =	seq.s32 s7, s2  }
0x1e: {  	s7 =	smul.u32 @!p0 $0xF7A, s2;
	p2 =	seq.s32 @!p0 s5, $0x0  }
0x1f: {  	s9 =	smul.u32 $0xF7A, s1;
	s8 =	simm.s32 @!p0 $0x1BF5;
	p2 =	por !p2, p0  }
0x20: {  	[sflag:s8] =	ssyncset.s32 @!p0 $0xFFFFF086;
	s6 =	sadd.s32 @!p0 s3, s7;
	s7 =	simm.s32 @!p0 $0x108  }
0x21: {  	s3 =	sadd.s32 s3, s9;
	s6 =	sadd.s32 @!p0 $0x88, s6;
	s7 =	simm.s32 @p2 $0x1082  }
0x22: {  	[simem:s7], [sflag:s8] =	dma.local @!p0 [hbm:s6], $0xF7A  }
0x23: {  	s9 =	sor.u32 $0xD0000000, s2;
	s6 =	simm.s32 $0x108;
	_ =	swait.ge @!p0 [sflag:s8], $0x0  }
0x24: {  	s3 =	sadd.s32 $0x88, s3;
	s6 =	simm.s32 @!p1 $0x1082;
	[sflag:s4] =	ssyncset.s32 $0xFFFFF086  }
0x25: {  	[simem:s6], [sflag:s4] =	dma.local [hbm:s3], $0xF7A  }
0x26: {  	[smem:$0x3F9C] =	sst s1;
	(tag) =	ssettag s2;
	_ =	strace s9  }
0x27: {  	s1 =	sld [smem:$0x3FAC]  }
0x28: {  	s2 =	sld [smem:$0x3FAD]  }
0x29: {  	s4 =	sld [smem:$0x3FAF]  }
0x2a: {  	p0 =	seq.s32 s5, $0x0;
	s5 =	sld [smem:$0x3FB0]  }
0x2b: {  	s6 =	sld [smem:$0x3FB1]  }
0x2c: {  	s7 =	sld [smem:$0x3FB2]  }
0x2d: {  	s3 =	simm.s32 $0x108;
	s8 =	sld [smem:$0x3FB3]  }
0x2e: {  	s3 =	simm.s32 @!p0 $0x1082;
	s9 =	sld [smem:$0x3FB4]  }
0x2f: {  	lr =	sadd.s32 s0, s3;
	s0 =	sld [smem:$0x3FAB]  }
0x30: {  	s3 =	sld [smem:$0x3FAE]  }
0x31: {  	[smem:$0x3FB7] =	sst s10  }
0x32: {  	s10 =	sld [smem:$0x3FB5];
	_ =	sdelay $0x3  }
0x33: {  	p0 =	seq.s32 s10, $0x1;
	s10 =	sld [smem:$0x3FB7];
	_ =	sdelay $0x3  }
0x34: {  	[smem:$0x3FB7] =	sst s10  }
0x35: {  	s10 =	sld [smem:$0x3FB6];
	_ =	sdelay $0x3  }
0x36: {  	p1 =	seq.s32 s10, $0x1;
	s10 =	sld [smem:$0x3FB7];
	_ =	sdelay $0x3  }
0x37: {  	[smem:$0x3FB7] =	sst s10  }
0x38: {  	s10 =	sld [smem:$0x3FB8]  }
0x39: {  	_ = 	snop;
	(pc) =	sbr.ind lr, $3  }
0x3a: {  	_ = 	snop  }
0x3b: {  	_ = 	snop  }
0x3c: {  	p2 =	seq.s32 s10, $0x1;
	s10 =	sld [smem:$0x3FB7]  }
0x3d: {  	_ =	shalt  }
0x3e: {  	_ =	shalt  }
0x3f: {  	_ =	shalt  }
0x40: {  	_ =	shalt  }
0x41: {  	_ =	shalt  }
0x42: {  	_ =	shalt  }
0x43: {  	_ =	shalt  }
0x44: {  	_ =	shalt  }
0x45: {  	_ =	shalt  }
0x46: {  	_ =	shalt  }
0x47: {  	_ =	shalt  }
0x48: {  	_ =	shalt  }
0x49: {  	_ =	shalt  }
0x4a: {  	_ =	shalt  }
0x4b: {  	_ =	shalt  }
0x4c: {  	_ =	shalt  }
0x4d: {  	_ =	shalt  }
0x4e: {  	_ =	shalt  }
0x4f: {  	_ =	shalt  }
0x50: {  	_ =	shalt  }
0x51: {  	_ =	shalt  }
0x52: {  	_ =	shalt  }
0x53: {  	_ =	shalt  }
0x54: {  	_ =	shalt  }
0x55: {  	_ =	shalt  }
0x56: {  	_ =	shalt  }
0x57: {  	_ =	shalt  }
0x58: {  	_ =	shalt  }
0x59: {  	_ =	shalt  }
0x5a: {  	_ =	shalt  }
0x5b: {  	_ =	shalt  }
0x5c: {  	_ =	shalt  }
0x5d: {  	_ =	shalt  }
0x5e: {  	_ =	shalt  }
0x5f: {  	_ =	shalt  }
0x60: {  	_ =	shalt  }
0x61: {  	_ =	shalt  }
0x62: {  	_ =	shalt  }
0x63: {  	_ =	shalt  }
0x64: {  	_ =	shalt  }
0x65: {  	_ =	shalt  }
0x66: {  	_ =	shalt  }
0x67: {  	_ =	shalt  }
0x68: {  	_ =	shalt  }
0x69: {  	_ =	shalt  }
0x6a: {  	_ =	shalt  }
0x6b: {  	_ =	shalt  }
0x6c: {  	_ =	shalt  }
0x6d: {  	_ =	shalt  }
0x6e: {  	_ =	shalt  }
0x6f: {  	_ =	shalt  }
0x70: {  	_ =	shalt  }
0x71: {  	_ =	shalt  }
0x72: {  	_ =	shalt  }
0x73: {  	_ =	shalt  }
0x74: {  	_ =	shalt  }
0x75: {  	_ =	shalt  }
0x76: {  	_ =	shalt  }
0x77: {  	_ =	shalt  }
0x78: {  	_ =	shalt  }
0x79: {  	_ =	shalt  }
0x7a: {  	_ =	shalt  }
0x7b: {  	_ =	shalt  }
0x7c: {  	_ =	shalt  }
0x7d: {  	_ =	shalt  }
0x7e: {  	_ =	shalt  }
0x7f: {  	_ =	shalt  }
0x80: {  	_ =	shalt  }
0x81: {  	_ =	shalt  }
0x82: {  	_ =	shalt  }
0x83: {  	_ =	shalt  }
0x84: {  	_ =	shalt  }
0x85: {  	_ =	shalt  }
0x86: {  	_ =	shalt  }
0x87: {  	_ =	shalt  }
.Lfunc_end0:
.L_simem_size_0:
called_computation.1_lowered:
.L_overlay_start_0:
0x88: {  	s2 =	sld [smem:$0x3FD9]  }
0x89: {  	s3 =	sld [smem:$0x3FFE];
	_ =	sdelay $0x1  }
0x8a: {  	s1 =	srdreg.scid  }
0x8b: {  	s0 =	sand.u32 $0x1, s1  }
0x8c: {  	s14 =	sshll.u32 s0, $0xA;
	s2 =	sadd.s32 s3, s2  }
0x8d: {  	s2 =	sadd.s32 s2, s14  }
0x8e: {  	[smem:$0x3FC3] =	sst s2  }
0x8f: {  	_ = 	snop  }
0x90: {  	s2 =	sld [smem:$0x3FD0];
	_ =	sdelay $0x2  }
0x91: {  	s15 =	simm.s32 $0xA;
	s4 =	simm.s32 $0x10  }
0x92: {  	[smem:s4], [sflag:s15] =	dma.local [hbm:s2], $0x1  }
0x93: {  	_ =	swait.eq [sflag:s15], $0x1  }
0x94: {  	[sflag:s15] =	ssyncset.done $0x0  }
0x95: {  	[sflag:s15] =	ssyncadd.s32 $0xFFFFFFFF  }
0x96: {  	s16 =	sld [smem:$0x12];
	(tm) =	ssettm $0x1  }
0x97: {  	s17 =	sld [smem:$0x3FFB];
	_ =	sdelay $0x3  }
0x98: {  	_ =	strace s17  }
0x99: {  	s3 =	sld [smem:$0x3FFC];
	_ =	sdelay $0x3  }
0x9a: {  	_ =	strace s3  }
0x9b: {  	s3 =	sld [smem:$0x3FFD];
	_ =	sdelay $0x3  }
0x9c: {  	_ =	strace s3  }
0x9d: {  	_ =	strace $0x8FFFFFFF  }
0x9e: {  	s18 =	sld [smem:$0x3FDB];
	_ =	sdelay $0x1  }
0x9f: {  	s19 =	simm.s32 $_scs_section_size  }
0xa0: {  	s5 =	simm.s32 $_size__tile_overlayer_lowered;
	s6 =	simm.s32 $_tile_overlayer_lowered  }
0xa1: {  	s22 =	simm.s32 $0x1BFF;
	s21 =	sshll.u32 s6, $0x1;
	s3 =	sadd.s32 s19, s18  }
0xa2: {  	s7 =	simm.s32 $0x0;
	s20 =	sshll.u32 s5, $0x1;
	s5 =	sadd.s32 s21, s3  }
0xa3: {  	[timem:s7], [sflag:s22] =	dma.local [hbm:s5], s20  }
0xa4: {  	_ =	swait.ge [sflag:s22], s20  }
0xa5: {  	s4 =	ssub.s32 $0x0, s20;
	[sflag:s22] =	ssyncset.done $0x0  }
0xa6: {  	[sflag:s22] =	ssyncadd.s32 s4;
	_ =	sdelay $0x1  }
0xa7: {  	s23 =	simm.s32 $0x1B8B  }
0xa8: {  	_ =	swait.ge [sflag:s23], $0x1  }
0xa9: {  	[sflag:s23] =	ssyncset.done $0x0  }
0xaa: {  	s25 =	simm.s32 $0x1B8E;
	s24 =	sld [smem:$0x3FFE];
	[sflag:s23] =	ssyncadd.s32 $0xFFFFFFFF  }
0xab: {  	s26 =	simm.s32 $execute0_lowered;
	[smem:$0x3FD2] =	sst s25  }
0xac: {  	s5 =	sshll.u32 s26, $0x1;
	_ =	strace $0x80000046;
	[dreg:$0x1] =	wrdreg $0xFFFFFFFF  }
0xad: {  	s28 =	simm.s32 $_size_execute0_lowered;
	s3 =	sadd.s32 s3, s5;
	[dreg:$0x0] =	wrdreg $0x0  }
0xae: {  	s5 =	sshll.u32 s28, $0x1;
	[dreg:$0x2] =	wrdreg s3  }
0xaf: {  	[dreg:$0x3] =	wrdreg s5  }
0xb0: {  	[dreg:$0x4] =	wrdreg $0xC0  }
0xb1: {  	_ =	task [dreg:s7], $0x5FFFF  }
0xb2: {  	[dreg:$0x1] =	wrdreg $0xFFFFFFFF  }
0xb3: {  	[dreg:$0x0] =	wrdreg $0x60  }
0xb4: {  	[dreg:$0x2] =	wrdreg s24  }
0xb5: {  	[dreg:$0x3] =	wrdreg s16  }
0xb6: {  	[dreg:$0x4] =	wrdreg $0x9  }
0xb7: {  	_ =	task.clear_ibuf [dreg:s7], $0x5FFFF;
	_ =	strace $0x90000046  }
0xb8: {  	s29 =	simm.s32 $0x9;
	_ =	strace $0x80000048  }
0xb9: {  	_ =	swait.ge [sflag:s29], $0x1  }
0xba: {  	[sflag:s29] =	ssyncadd.s32 $0xFFFFFFFF  }
0xbb: {  	_ =	strace $0x90000048  }
0xbc: {  	_ =	sfence  }
0xbd: {  	s30 =	sld [smem:$0x0];
	_ =	sdelay $0x2  }
0xbe: {  	s31 =	sshll.u32 s1, $0xD;
	s1 =	sshrl.u32 s1, $0x2  }
0xbf: {  	s3 =	sand.u32 $0x4000, s31;
	s1 =	sadd.s32 s1, s30  }
0xc0: {  	s0 =	sor.u32 s3, s0;
	s1 =	sshll.u32 s1, $0x11  }
0xc1: {  	s0 =	sor.u32 s1, s0  }
0xc2: {  	s0 =	sadd.s32 $0x8F2B, s0  }
0xc3: {  	[sflag:s0] =	ssyncadd.remote.s32 $0x1  }
0xc4: {  	_ =	sfence.sel $0xFFFF  }
0xc5: {  	[dreg:$0x0] =	wrdreg $0xFFFFFFFF;
	(pc) =	sbr.abs _section_cstart, $3  }
0xc6: {  	[dreg:$0x1] =	wrdreg $0xFFFFFFFF  }
0xc7: {  	_ =	task.clear_ibuf [dreg:s7], $0x2FFFF;
	_ =	strace $0x9FFFFFFF  }
0xc8: {  	(tm) =	ssettm $0x7FFFFFFF  }
0xc9: {  	_ =	shalt  }
tec
execute0_lowered:
.L_overlay_start_1:
0x0: {  	(tag) =	ssettag $0x1  }
0x1: {  	s7 =	rddreg [dreg:$0x0]  }
0x2: {  	s2 =	rddreg [dreg:$0x1]  }
0x3: {  	s0 =	rddreg [dreg:$0x2]  }
0x4: {  	s1 =	srdreg.scid;
	_ =	strace $0x80000047;
	s4 =	simm.s32 $0x1  }
0x5: {  	s9 =	simm.s32 $0x3;
	s12 =	simm.s32 $0x0;
	s5 =	sshll.u32 s1, $0x4  }
.Ltmp0:
0x6: {  	s1 =	stileid.u32;
	s5 =	sand.u32 $0x10, s5;
	(pc) =	sbr.rel .LBB2_1-.Ltmp0, $4  }
0x7: {  	s10 =	simm.s32 $0x0;
	s3 =	sadd.s32 $0x3000, s7;
	s6 =	sor.u32 s1, s5  }
0x8: {  	[sflag:s4] =	ssyncpa.u1 $0x0;
	s5 =	simm.s32 $0x2;
	s6 =	sshll.u32 s6, $0x7  }
0x9: {  	s7 =	sadd.s32 $0x83000, s7;
	[sflag:s5] =	ssyncpa.u1 $0x0;
	s8 =	sadd.s32 $0x80, s6  }
0xa: {  	vm0 =	vmmov $0xff;
	vm1 =	vcmask $0x3F20;
	[sflag:s9] =	ssyncpa.u1 $0x0;
	s9 =	simm.s32 $0x80;
	s11 =	smov.u32 s6  }
.LBB2_9:
0xb: {  	p0 =	seq.s32 s10, $0x2  }
.Ltmp1:
0xc: {  	_ = 	snop;
	(pc) =	sbr.rel @p0 .LBB2_11-.Ltmp1, $1  }
0xd: {  	_ =	sdelay $0x3  }
.LBB2_10:
0xe: {  	s12 =	sadd.s32 $0x80, s11  }
0xf: {  	s13 =	smov.u32 s6;
	p0 =	slt.s32 s12, s8  }
0x10: {  	s13 =	smov.u32 @p0 s12  }
0x11: {  	s10 =	sadd.s32 $0x1, s10;
	s12 =	smov.u32 s11;
	s11 =	smov.u32 s13  }
.LBB2_1:
0x12: {  	p0 =	sne.s32 s10, $0x0  }
.Ltmp2:
0x13: {  	_ = 	snop;
	(pc) =	sbr.rel @!p0 .LBB2_2-.Ltmp2, $1  }
0x14: {  	_ =	sdelay $0x3  }
0x15: {  	s13 =	sand.u32 $0x1, s10  }
0x16: {  	p0 =	seq.s32 s13, $0x0  }
.Ltmp3:
0x17: {  	_ = 	snop;
	(pc) =	sbr.rel @p0 .LBB2_9-.Ltmp3, $1  }
0x18: {  	_ =	sdelay $0x3  }
0x19: {  	_ =	swait.ge [sflag:s5], $0x80  }
0x1a: {  	[sflag:s5] =	ssyncset.done $0x0  }
0x1b: {  	s13 =	simm.s32 $0x0;
	[sflag:s5] =	ssyncadd.s32 $0xFFFFFF80  }
0x1c: {  	v0 =	vld.msk [tilespmem:s13+$0x80 ss:$0x1], $0xffff;
	_ =	sdelay $0x4  }
0x1d: {  	v1 =	vshll.u32 v0, $0x6  }
0x1e: {  	vm2 =	veq.s32 v0, $0x80000000;
	v0 =	vshll.u32 v0, $0x15;
	v1 =	vand.u32 $0x1FFF80, v1  }
0x1f: {  	v0 =	vand.u32 $0x200000, v0;
	v1 =	vsel vm2, $0xFFFFFF80, v1  }
0x20: {  	v0 =	vsel vm2, $0xFFE00000, v0;
	v2 =	vand.u32 $0xFFFFFC00, v1  }
0x21: {  	v1 =	vand.u32 $0x380, v1;
	v0 =	vadd.s32 v0, v2  }
0x22: {  	v0 =	vor.u32 v1, v0  }
0x23: {  	v0 =	vshrl.u32 v0, $0x3;
	_ =	sdelay $0x3  }
0x24: {  	s13 =	simm.s32 $0x4100  }
0x25: {  	[tilespmem:s13], [sflag:$0x1] =	stream.indirect_vreg.gather [hbm:s3], $0x80, v0, vm0, $0x38;
	[tilespmem:$0x8100] =	vst v63  }
0x26: {  	s14 =	simm.s32 $0x4500;
	s31 =	simm.s32 $0x10  }
0x27: {  	[tilespmem:s14], [sflag:$0x1] =	stream.indirect_vreg.gather [hbm:s3], $0x80, v0, vm1, $0x38;
	[tilespmem:$0x8100] =	vst v63  }
0x28: {  	s14 =	simm.s32 $0x80;
	v0 =	vld.msk [tilespmem:s31+$0x80 ss:$0x1], $0xffff  }
.LBB2_5:
0x29: {  	p0 =	sne.s32 s14, $0x1C0;
	_ =	sdelay $0x4  }
0x2a: {  	v1 =	vshll.u32 v0, $0x6  }
0x2b: {  	vm2 =	veq.s32 v0, $0x80000000;
	v0 =	vshll.u32 v0, $0x15;
	v1 =	vand.u32 $0x1FFF80, v1  }
0x2c: {  	v0 =	vand.u32 $0x200000, v0;
	v1 =	vsel vm2, $0xFFFFFF80, v1  }
0x2d: {  	v0 =	vsel vm2, $0xFFE00000, v0;
	v2 =	vand.u32 $0xFFFFFC00, v1  }
0x2e: {  	v1 =	vand.u32 $0x380, v1;
	v0 =	vadd.s32 v0, v2  }
0x2f: {  	v0 =	vor.u32 v1, v0  }
0x30: {  	v0 =	vshrl.u32 v0, $0x3;
	_ =	sdelay $0x3  }
.Ltmp4:
0x31: {  	s13 =	sadd.s32 $0x800, s13;
	(pc) =	sbr.rel @p0 .LBB2_5-.Ltmp4, $4  }
0x32: {  	[tilespmem:s13], [sflag:$0x1] =	stream.indirect_vreg.gather [hbm:s3], $0x80, v0, vm0, $0x38;
	[tilespmem:$0x8100] =	vst v63  }
0x33: {  	s15 =	sshra.s32 s14, $0x2;
	s16 =	sadd.s32 $0x400, s13  }
0x34: {  	[tilespmem:s16], [sflag:$0x1] =	stream.indirect_vreg.gather [hbm:s3], $0x80, v0, vm1, $0x38;
	[tilespmem:$0x8100] =	vst v63  }
0x35: {  	s14 =	sadd.s32 $0x40, s14;
	v0 =	vld.msk [tilespmem:s15+$0x80 ss:$0x1], $0xffff  }
0x36: {  	_ =	sdelay $0x3  }
0x37: {  	v1 =	vshll.u32 v0, $0x6  }
0x38: {  	vm2 =	veq.s32 v0, $0x80000000;
	v63 =	vshll.u32 v0, $0x15;
	v1 =	vand.u32 $0x1FFF80, v1  }
0x39: {  	v0 =	vand.u32 $0x200000, v63;
	v1 =	vsel vm2, $0xFFFFFF80, v1  }
0x3a: {  	v0 =	vsel vm2, $0xFFE00000, v0;
	v2 =	vand.u32 $0xFFFFFC00, v1  }
0x3b: {  	v1 =	vand.u32 $0x380, v1;
	v0 =	vadd.s32 v0, v2  }
0x3c: {  	v0 =	vor.u32 v1, v0  }
0x3d: {  	v0 =	vshrl.u32 v0, $0x3;
	_ =	sdelay $0x3  }
0x3e: {  	s13 =	sadd.s32 $0x800, s13  }
0x3f: {  	[tilespmem:s13], [sflag:$0x1] =	stream.indirect_vreg.gather [hbm:s3], $0x80, v0, vm0, $0x38;
	[tilespmem:$0x8100] =	vst v63  }
0x40: {  	s13 =	sadd.s32 $0x400, s13  }
0x41: {  	[tilespmem:s13], [sflag:$0x1] =	stream.indirect_vreg.gather [hbm:s3], $0x80, v0, vm1, $0x38;
	[tilespmem:$0x8100] =	vst v63  }
0x42: {  	s12 =	sshll.u32 s12, $0x4;
	s14 =	simm.s32 $0x80;
	_ =	swait.ge [sflag:s4], $0x4000  }
0x43: {  	s15 =	simm.s32 $0x4500;
	s12 =	sadd.s32 s12, s7;
	[sflag:s4] =	ssyncset.done $0x0  }
0x44: {  	s16 =	sadd.s32 $0x0, s12;
	s13 =	simm.s32 $0x4100;
	[sflag:s4] =	ssyncadd.s32 $0xFFFFC000  }
.LBB2_7:
0x45: {  	[hbm:s16] =	stream.linear.scatter [tilespmem:s13], [sflag:$0x3], $0x400, $0x38;
	[tilespmem:$0x8100] =	vst v63  }
0x46: {  	s16 =	smov.u32 s14;
	s13 =	smov.u32 s15;
	p0 =	sne.s32 s14, $0x780  }
.Ltmp5:
0x47: {  	s14 =	sadd.s32 $0x80, s14;
	(pc) =	sbr.rel @p0 .LBB2_7-.Ltmp5, $2  }
0x48: {  	_ =	sdelay $0x2  }
0x49: {  	s15 =	sadd.s32 $0x400, s15;
	s16 =	sadd.s32 s16, s12  }
.Ltmp6:
0x4a: {  	(pc) =	sbr.rel .LBB2_9-.Ltmp6, $2  }
0x4b: {  	_ =	sdelay $0x2  }
0x4c: {  	[hbm:s16] =	stream.linear.scatter [tilespmem:s13], [sflag:$0x3], $0x400, $0x38;
	[tilespmem:$0x8100] =	vst v63  }
.LBB2_2:
.Ltmp7:
0x4d: {  	(pc) =	sbr.rel .LBB2_10-.Ltmp7, $4  }
0x4e: {  	_ = 	snop  }
0x4f: {  	s12 =	sshrl.u32 s11, $0x3  }
0x50: {  	s13 =	sand.u32 $0x7, s11;
	s12 =	sadd.s32 s2, s12  }
0x51: {  	[tilespmem:s9], [sflag:$0x2] =	stream.linear.gather [hbm4b:s12+s13], $0x80, $0x38;
	[tilespmem:$0x8100] =	vst v63  }
.LBB2_11:
0x52: {  	s2 =	simm.s32 $0x3  }
0x53: {  	_ =	swait.ge [sflag:s2], $0x4000  }
0x54: {  	[sflag:s2] =	ssyncset.done $0x0  }
0x55: {  	[sflag:s2] =	ssyncadd.s32 $0xFFFFC000  }
0x56: {  	_ =	sfence.sel $0x180000  }
0x57: {  	s3 =	simm.s32 $0x2;
	[bflag:$0x0] =	sbarrier.arrive $0xFFFF  }
0x58: {  	[sflag:s3] =	ssyncpa.u1 $0x1  }
0x59: {  	s31 =	simm.s32 $0x1;
	[sflag:s2] =	ssyncpa.u1 $0x1  }
0x5a: {  	[sflag:s31] =	ssyncpa.u1 $0x1  }
0x5b: {  	p0 =	sne.s32 s1, $0x0;
	_ =	strace $0x90000047  }
0x5c: {  	s0 =	sadd.s32 @!p0 $0x100000, s0;
	[bflag:$0x2] =	sbarrier.arrive $0xFFFF  }
0x5d: {  	[sflag:s0] =	ssyncadd.tile.s32 @!p0 $0x1;
	_ =	shalt  }
.Lfunc_end2:
_tile_overlayer_lowered:
.L_overlay_start_2:
0x5e: {  	(tag) =	ssettag $0x2  }
0x5f: {  	s0 =	rddreg [dreg:$0x0];
	s2 =	stileid.u32  }
0x60: {  	s1 =	rddreg [dreg:$0x1];
	p0 =	sne.s32 s2, $0x0  }
0x61: {  	s3 =	rddreg [dreg:$0x2];
	[bflag:$0x3] =	sbarrier.arrive $0xFFFF;
	s2 =	simm.s32 @!p0 $0x1C01  }
0x62: {  	[timem:s3], [sflag:s2] =	dma.local @!p0 [hbm:s0], s1  }
0x63: {  	s0 =	simm.s32 @!p0 $0x1  }
0x64: {  	_ =	swait.ge @!p0 [sflag:s0], s1  }
0x65: {  	s1 =	ssub.s32 @!p0 $0x0, s1;
	[sflag:s0] =	ssyncset.done @!p0 $0x0  }
0x66: {  	[sflag:s0] =	ssyncadd.s32 @!p0 s1  }
0x67: {  	[bflag:$0x3] =	sbarrier.arrive $0xFFFF  }
0x68: {  	_ =	shalt  }

// kernel: kernel.7.cloned.1.call-start
scs
__scs_entry_jumppad:
0x0: {  	(pc) =	sbr.rel $0x88, $3  }
0x1: {  	(tag) =	ssettag $0x0;
	lr =	simm.s32 $0x1  }
0x2: {  	[smem:$0x3F9C] =	sst lr;
	_ =	strace $0xD0000000  }
0x3: {  	_ = 	snop  }
0x4: {  	_ = 	snop  }
0x5: {  	_ = 	snop  }
0x6: {  	_ = 	snop  }
0x7: {  	_ = 	snop  }
__scs_overlays_trampoline_lowered:
0x8: {  	[smem:$0x3FAB] =	sst s0  }
0x9: {  	[smem:$0x3FAC] =	sst s1  }
0xa: {  	[smem:$0x3FAD] =	sst s2  }
0xb: {  	[smem:$0x3FAE] =	sst s3  }
0xc: {  	[smem:$0x3FAF] =	sst s4  }
0xd: {  	[smem:$0x3FB0] =	sst s5  }
0xe: {  	[smem:$0x3FB1] =	sst s6  }
0xf: {  	[smem:$0x3FB2] =	sst s7  }
0x10: {  	[smem:$0x3FB3] =	sst s8  }
0x11: {  	[smem:$0x3FB4] =	sst s9;
	s0 =	simm.s32 @!p0 $0x0  }
0x12: {  	s1 =	sld [smem:$0x3F9A];
	s0 =	simm.s32 @p0 $0x1  }
0x13: {  	[smem:$0x3FB5] =	sst s0;
	s0 =	simm.s32 @!p1 $0x0  }
0x14: {  	s2 =	sld [smem:$0x3F99];
	s0 =	simm.s32 @p1 $0x1  }
0x15: {  	[smem:$0x3FB6] =	sst s0;
	s0 =	simm.s32 @!p2 $0x0  }
0x16: {  	s3 =	sld [smem:$0x3FDB];
	s0 =	simm.s32 @p2 $0x1  }
0x17: {  	s4 =	simm.s32 $0x1BF5;
	[smem:$0x3FB8] =	sst s0  }
0x18: {  	s0 =	sld [smem:$0x3F9B];
	_ =	swait.ge [sflag:s4], $0x0  }
0x19: {  	s7 =	sld [smem:$0x3F9C]  }
0x1a: {  	s8 =	sadd.s32 $0xFFFFE003, lr  }
0x1b: {  	s9 =	sadd.s32 $0xFFFFFEF7, lr;
	s5 =	simm.s32 $0xFFFFFFFF;
	p2 =	slt.u32 s8, $0xFFFFF086  }
0x1c: {  	p1 =	slt.u32 s9, $0xF7A;
	s5 =	simm.s32 @!p2 $0x0  }
0x1d: {  	s5 =	simm.s32 @p1 $0x1;
	p0 =	seq.s32 s7, s2  }
0x1e: {  	s7 =	smul.u32 @!p0 $0xF7A, s2;
	p2 =	seq.s32 @!p0 s5, $0x0  }
0x1f: {  	s9 =	smul.u32 $0xF7A, s1;
	s8 =	simm.s32 @!p0 $0x1BF5;
	p2 =	por !p2, p0  }
0x20: {  	[sflag:s8] =	ssyncset.s32 @!p0 $0xFFFFF086;
	s6 =	sadd.s32 @!p0 s3, s7;
	s7 =	simm.s32 @!p0 $0x108  }
0x21: {  	s3 =	sadd.s32 s3, s9;
	s6 =	sadd.s32 @!p0 $0x88, s6;
	s7 =	simm.s32 @p2 $0x1082  }
0x22: {  	[simem:s7], [sflag:s8] =	dma.local @!p0 [hbm:s6], $0xF7A  }
0x23: {  	s9 =	sor.u32 $0xD0000000, s2;
	s6 =	simm.s32 $0x108;
	_ =	swait.ge @!p0 [sflag:s8], $0x0  }
0x24: {  	s3 =	sadd.s32 $0x88, s3;
	s6 =	simm.s32 @!p1 $0x1082;
	[sflag:s4] =	ssyncset.s32 $0xFFFFF086  }
0x25: {  	[simem:s6], [sflag:s4] =	dma.local [hbm:s3], $0xF7A  }
0x26: {  	[smem:$0x3F9C] =	sst s1;
	(tag) =	ssettag s2;
	_ =	strace s9  }
0x27: {  	s1 =	sld [smem:$0x3FAC]  }
0x28: {  	s2 =	sld [smem:$0x3FAD]  }
0x29: {  	s4 =	sld [smem:$0x3FAF]  }
0x2a: {  	p0 =	seq.s32 s5, $0x0;
	s5 =	sld [smem:$0x3FB0]  }
0x2b: {  	s6 =	sld [smem:$0x3FB1]  }
0x2c: {  	s7 =	sld [smem:$0x3FB2]  }
0x2d: {  	s3 =	simm.s32 $0x108;
	s8 =	sld [smem:$0x3FB3]  }
0x2e: {  	s3 =	simm.s32 @!p0 $0x1082;
	s9 =	sld [smem:$0x3FB4]  }
0x2f: {  	lr =	sadd.s32 s0, s3;
	s0 =	sld [smem:$0x3FAB]  }
0x30: {  	s3 =	sld [smem:$0x3FAE]  }
0x31: {  	[smem:$0x3FB7] =	sst s10  }
0x32: {  	s10 =	sld [smem:$0x3FB5];
	_ =	sdelay $0x3  }
0x33: {  	p0 =	seq.s32 s10, $0x1;
	s10 =	sld [smem:$0x3FB7];
	_ =	sdelay $0x3  }
0x34: {  	[smem:$0x3FB7] =	sst s10  }
0x35: {  	s10 =	sld [smem:$0x3FB6];
	_ =	sdelay $0x3  }
0x36: {  	p1 =	seq.s32 s10, $0x1;
	s10 =	sld [smem:$0x3FB7];
	_ =	sdelay $0x3  }
0x37: {  	[smem:$0x3FB7] =	sst s10  }
0x38: {  	s10 =	sld [smem:$0x3FB8]  }
0x39: {  	_ = 	snop;
	(pc) =	sbr.ind lr, $3  }
0x3a: {  	_ = 	snop  }
0x3b: {  	_ = 	snop  }
0x3c: {  	p2 =	seq.s32 s10, $0x1;
	s10 =	sld [smem:$0x3FB7]  }
0x3d: {  	_ =	shalt  }
0x3e: {  	_ =	shalt  }
0x3f: {  	_ =	shalt  }
0x40: {  	_ =	shalt  }
0x41: {  	_ =	shalt  }
0x42: {  	_ =	shalt  }
0x43: {  	_ =	shalt  }
0x44: {  	_ =	shalt  }
0x45: {  	_ =	shalt  }
0x46: {  	_ =	shalt  }
0x47: {  	_ =	shalt  }
0x48: {  	_ =	shalt  }
0x49: {  	_ =	shalt  }
0x4a: {  	_ =	shalt  }
0x4b: {  	_ =	shalt  }
0x4c: {  	_ =	shalt  }
0x4d: {  	_ =	shalt  }
0x4e: {  	_ =	shalt  }
0x4f: {  	_ =	shalt  }
0x50: {  	_ =	shalt  }
0x51: {  	_ =	shalt  }
0x52: {  	_ =	shalt  }
0x53: {  	_ =	shalt  }
0x54: {  	_ =	shalt  }
0x55: {  	_ =	shalt  }
0x56: {  	_ =	shalt  }
0x57: {  	_ =	shalt  }
0x58: {  	_ =	shalt  }
0x59: {  	_ =	shalt  }
0x5a: {  	_ =	shalt  }
0x5b: {  	_ =	shalt  }
0x5c: {  	_ =	shalt  }
0x5d: {  	_ =	shalt  }
0x5e: {  	_ =	shalt  }
0x5f: {  	_ =	shalt  }
0x60: {  	_ =	shalt  }
0x61: {  	_ =	shalt  }
0x62: {  	_ =	shalt  }
0x63: {  	_ =	shalt  }
0x64: {  	_ =	shalt  }
0x65: {  	_ =	shalt  }
0x66: {  	_ =	shalt  }
0x67: {  	_ =	shalt  }
0x68: {  	_ =	shalt  }
0x69: {  	_ =	shalt  }
0x6a: {  	_ =	shalt  }
0x6b: {  	_ =	shalt  }
0x6c: {  	_ =	shalt  }
0x6d: {  	_ =	shalt  }
0x6e: {  	_ =	shalt  }
0x6f: {  	_ =	shalt  }
0x70: {  	_ =	shalt  }
0x71: {  	_ =	shalt  }
0x72: {  	_ =	shalt  }
0x73: {  	_ =	shalt  }
0x74: {  	_ =	shalt  }
0x75: {  	_ =	shalt  }
0x76: {  	_ =	shalt  }
0x77: {  	_ =	shalt  }
0x78: {  	_ =	shalt  }
0x79: {  	_ =	shalt  }
0x7a: {  	_ =	shalt  }
0x7b: {  	_ =	shalt  }
0x7c: {  	_ =	shalt  }
0x7d: {  	_ =	shalt  }
0x7e: {  	_ =	shalt  }
0x7f: {  	_ =	shalt  }
0x80: {  	_ =	shalt  }
0x81: {  	_ =	shalt  }
0x82: {  	_ =	shalt  }
0x83: {  	_ =	shalt  }
0x84: {  	_ =	shalt  }
0x85: {  	_ =	shalt  }
0x86: {  	_ =	shalt  }
0x87: {  	_ =	shalt  }
.Lfunc_end0:
.L_simem_size_0:
called_computation.3_lowered:
.L_overlay_start_0:
0x88: {  	s2 =	sld [smem:$0x3FD9]  }
0x89: {  	s3 =	sld [smem:$0x3FFE];
	_ =	sdelay $0x1  }
0x8a: {  	s1 =	srdreg.scid  }
0x8b: {  	s0 =	sand.u32 $0x1, s1  }
0x8c: {  	s14 =	sshll.u32 s0, $0xA;
	s2 =	sadd.s32 s3, s2  }
0x8d: {  	s2 =	sadd.s32 s2, s14  }
0x8e: {  	[smem:$0x3FC3] =	sst s2  }
0x8f: {  	_ = 	snop  }
0x90: {  	s2 =	sld [smem:$0x3FD0];
	_ =	sdelay $0x2  }
0x91: {  	s15 =	simm.s32 $0xA;
	s4 =	simm.s32 $0x10  }
0x92: {  	[smem:s4], [sflag:s15] =	dma.local [hbm:s2], $0x1  }
0x93: {  	_ =	swait.eq [sflag:s15], $0x1  }
0x94: {  	[sflag:s15] =	ssyncset.done $0x0  }
0x95: {  	[sflag:s15] =	ssyncadd.s32 $0xFFFFFFFF  }
0x96: {  	s16 =	sld [smem:$0x11];
	(tm) =	ssettm $0x1  }
0x97: {  	s17 =	sld [smem:$0x3FFB];
	_ =	sdelay $0x3  }
0x98: {  	_ =	strace s17  }
0x99: {  	s3 =	sld [smem:$0x3FFC];
	_ =	sdelay $0x3  }
0x9a: {  	_ =	strace s3  }
0x9b: {  	s3 =	sld [smem:$0x3FFD];
	_ =	sdelay $0x3  }
0x9c: {  	_ =	strace s3  }
0x9d: {  	_ =	strace $0x8FFFFFFF  }
0x9e: {  	s18 =	sld [smem:$0x3FDB];
	_ =	sdelay $0x1  }
0x9f: {  	s19 =	simm.s32 $_scs_section_size  }
0xa0: {  	s5 =	simm.s32 $_size__tile_overlayer_lowered;
	s6 =	simm.s32 $_tile_overlayer_lowered  }
0xa1: {  	s22 =	simm.s32 $0x1BFF;
	s21 =	sshll.u32 s6, $0x1;
	s3 =	sadd.s32 s19, s18  }
0xa2: {  	s7 =	simm.s32 $0x0;
	s20 =	sshll.u32 s5, $0x1;
	s5 =	sadd.s32 s21, s3  }
0xa3: {  	[timem:s7], [sflag:s22] =	dma.local [hbm:s5], s20  }
0xa4: {  	_ =	swait.ge [sflag:s22], s20  }
0xa5: {  	s4 =	ssub.s32 $0x0, s20;
	[sflag:s22] =	ssyncset.done $0x0  }
0xa6: {  	[sflag:s22] =	ssyncadd.s32 s4;
	_ =	sdelay $0x1  }
0xa7: {  	s23 =	simm.s32 $0x1B8B  }
0xa8: {  	_ =	swait.ge [sflag:s23], $0x1  }
0xa9: {  	[sflag:s23] =	ssyncset.done $0x0  }
0xaa: {  	s25 =	simm.s32 $0x1B8E;
	s24 =	sld [smem:$0x3FFE];
	[sflag:s23] =	ssyncadd.s32 $0xFFFFFFFF  }
0xab: {  	s26 =	simm.s32 $execute0_lowered;
	[smem:$0x3FD2] =	sst s25  }
0xac: {  	s5 =	sshll.u32 s26, $0x1;
	_ =	strace $0x8000004F;
	[dreg:$0x1] =	wrdreg $0xFFFFFFFF  }
0xad: {  	s28 =	simm.s32 $_size_execute0_lowered;
	s3 =	sadd.s32 s3, s5;
	[dreg:$0x0] =	wrdreg $0x0  }
0xae: {  	s5 =	sshll.u32 s28, $0x1;
	[dreg:$0x2] =	wrdreg s3  }
0xaf: {  	[dreg:$0x3] =	wrdreg s5  }
0xb0: {  	[dreg:$0x4] =	wrdreg $0xC0  }
0xb1: {  	_ =	task [dreg:s7], $0x5FFFF  }
0xb2: {  	[dreg:$0x1] =	wrdreg $0xFFFFFFFF  }
0xb3: {  	[dreg:$0x0] =	wrdreg $0x60  }
0xb4: {  	[dreg:$0x2] =	wrdreg s24  }
0xb5: {  	[dreg:$0x3] =	wrdreg s16  }
0xb6: {  	[dreg:$0x4] =	wrdreg $0x9  }
0xb7: {  	_ =	task.clear_ibuf [dreg:s7], $0x5FFFF;
	_ =	strace $0x9000004F  }
0xb8: {  	s29 =	simm.s32 $0x9;
	_ =	strace $0x80000051  }
0xb9: {  	_ =	swait.ge [sflag:s29], $0x1  }
0xba: {  	[sflag:s29] =	ssyncadd.s32 $0xFFFFFFFF  }
0xbb: {  	_ =	strace $0x90000051  }
0xbc: {  	_ =	sfence  }
0xbd: {  	s30 =	sld [smem:$0x0];
	_ =	sdelay $0x2  }
0xbe: {  	s31 =	sshll.u32 s1, $0xD;
	s1 =	sshrl.u32 s1, $0x2  }
0xbf: {  	s3 =	sand.u32 $0x4000, s31;
	s1 =	sadd.s32 s1, s30  }
0xc0: {  	s0 =	sor.u32 s3, s0;
	s1 =	sshll.u32 s1, $0x11  }
0xc1: {  	s0 =	sor.u32 s1, s0  }
0xc2: {  	s0 =	sadd.s32 $0x8F2B, s0  }
0xc3: {  	[sflag:s0] =	ssyncadd.remote.s32 $0x1  }
0xc4: {  	_ =	sfence.sel $0xFFFF  }
0xc5: {  	[dreg:$0x0] =	wrdreg $0xFFFFFFFF;
	(pc) =	sbr.abs _section_cstart, $3  }
0xc6: {  	[dreg:$0x1] =	wrdreg $0xFFFFFFFF  }
0xc7: {  	_ =	task.clear_ibuf [dreg:s7], $0x2FFFF;
	_ =	strace $0x9FFFFFFF  }
0xc8: {  	(tm) =	ssettm $0x7FFFFFFF  }
0xc9: {  	_ =	shalt  }
tec
execute0_lowered:
.L_overlay_start_1:
0x0: {  	(tag) =	ssettag $0x1  }
0x1: {  	s1 =	srdreg.scid;
	s0 =	stileid.u32  }
0x2: {  	s4 =	rddreg [dreg:$0x0];
	s1 =	sand.u32 $0x1, s1;
	s5 =	sshll.u32 s0, $0x1  }
0x3: {  	s3 =	rddreg [dreg:$0x1];
	s5 =	sor.u32 s1, s5  }
0x4: {  	s2 =	simm.s32 $0x0;
	s6 =	sshll.u32 s5, $0xF;
	s5 =	sshll.u32 s5, $0x8  }
0x5: {  	[smem:$0x7FF] =	sst s2;
	s31 =	sadd.s32 s6, s4;
	s3 =	sadd.s32 s3, s5  }
0x6: {  	_ =	strace $0x80000050;
	[dreg:$0x3] =	wrdreg s3;
	s16 =	sadd.s32 $0x93000, s31  }
0x7: {  	s17 =	sadd.s32 $0x93800, s31;
	[dreg:$0x4] =	wrdreg s16  }
0x8: {  	s18 =	sadd.s32 $0x94000, s31;
	[dreg:$0x5] =	wrdreg s17  }
0x9: {  	s19 =	sadd.s32 $0x94800, s31;
	[dreg:$0x6] =	wrdreg s18  }
0xa: {  	s20 =	sadd.s32 $0x95000, s31;
	[dreg:$0x7] =	wrdreg s19  }
0xb: {  	s21 =	sadd.s32 $0x95800, s31;
	[dreg:$0x8] =	wrdreg s20  }
0xc: {  	s22 =	sadd.s32 $0x96000, s31;
	[dreg:$0x9] =	wrdreg s21  }
0xd: {  	s23 =	sadd.s32 $0x96800, s31;
	[dreg:$0xa] =	wrdreg s22  }
0xe: {  	[dreg:$0xb] =	wrdreg s23  }
0xf: {  	s24 =	sadd.s32 $0x97000, s31;
	s25 =	rddreg [dreg:$0x3]  }
0x10: {  	s26 =	sadd.s32 $0x97800, s31;
	[dreg:$0xc] =	wrdreg s24  }
0x11: {  	s3 =	simm.s32 $0x2;
	[dreg:$0xd] =	wrdreg s26  }
0x12: {  	[tilespmem:s2], [sflag:$0x2] =	stream.linear.gather [hbm4b:s25+s2], $0x800, $0x38;
	[tilespmem:$0x10800] =	vst v63  }
0x13: {  	_ =	swait.ge [sflag:s3], $0x800  }
0x14: {  	s4 =	sadd.s32 $0x193000, s4;
	[sflag:s3] =	ssyncset.done $0x0  }
0x15: {  	s5 =	simm.s32 $0x80;
	s6 =	simm.s32 $0x800;
	[sflag:s3] =	ssyncadd.s32 $0xFFFFF800  }
0x16: {  	[tilespmem:s6], [sflag:$0x1] =	stream.indirect.gather [hbm4b:s4+s5], $0x80, s2, s5, $0xb8;
	[tilespmem:$0x10800] =	vst v63  }
0x17: {  	s7 =	simm.s32 $0x4800  }
0x18: {  	[tilespmem:s7], [sflag:$0x1] =	stream.indirect.gather [hbm4b:s4+s5], $0x80, s5, s5, $0xb8;
	[tilespmem:$0x10800] =	vst v63  }
0x19: {  	s8 =	simm.s32 $0x100;
	s9 =	simm.s32 $0x8800  }
0x1a: {  	[tilespmem:s9], [sflag:$0x1] =	stream.indirect.gather [hbm4b:s4+s5], $0x80, s8, s5, $0xb8;
	[tilespmem:$0x10800] =	vst v63  }
0x1b: {  	s10 =	simm.s32 $0x180;
	s11 =	simm.s32 $0xC800;
	s12 =	simm.s32 $0x1  }
0x1c: {  	[tilespmem:s11], [sflag:$0x1] =	stream.indirect.gather [hbm4b:s4+s5], $0x80, s10, s5, $0xb8;
	[tilespmem:$0x10800] =	vst v63  }
0x1d: {  	_ =	swait.ge [sflag:s12], $0x4000  }
0x1e: {  	[sflag:s12] =	ssyncset.done $0x0  }
0x1f: {  	s13 =	rddreg [dreg:$0x4];
	[sflag:s12] =	ssyncadd.s32 $0xFFFFC000  }
0x20: {  	[hbm4b:s13+s2] =	stream.linear.scatter [tilespmem:s6], [sflag:$0x2], $0x4000, $0x38;
	[tilespmem:$0x10800] =	vst v63  }
0x21: {  	_ =	swait.ge [sflag:s3], $0x4000  }
0x22: {  	[sflag:s3] =	ssyncset.done $0x0  }
0x23: {  	s13 =	simm.s32 $0x200;
	[sflag:s3] =	ssyncadd.s32 $0xFFFFC000  }
0x24: {  	[tilespmem:s6], [sflag:$0x1] =	stream.indirect.gather [hbm4b:s4+s5], $0x80, s13, s5, $0xb8;
	[tilespmem:$0x10800] =	vst v63  }
0x25: {  	_ =	swait.ge [sflag:s12], $0x4000  }
0x26: {  	[sflag:s12] =	ssyncset.done $0x0  }
0x27: {  	s14 =	rddreg [dreg:$0x5];
	[sflag:s12] =	ssyncadd.s32 $0xFFFFC000  }
0x28: {  	[hbm4b:s14+s2] =	stream.linear.scatter [tilespmem:s7], [sflag:$0x2], $0x4000, $0x38;
	[tilespmem:$0x10800] =	vst v63  }
0x29: {  	_ =	swait.ge [sflag:s3], $0x4000  }
0x2a: {  	[sflag:s3] =	ssyncset.done $0x0  }
0x2b: {  	s14 =	simm.s32 $0x280;
	[sflag:s3] =	ssyncadd.s32 $0xFFFFC000  }
0x2c: {  	[tilespmem:s7], [sflag:$0x1] =	stream.indirect.gather [hbm4b:s4+s5], $0x80, s14, s5, $0xb8;
	[tilespmem:$0x10800] =	vst v63  }
0x2d: {  	_ =	swait.ge [sflag:s12], $0x4000  }
0x2e: {  	[sflag:s12] =	ssyncset.done $0x0  }
0x2f: {  	s15 =	rddreg [dreg:$0x6];
	[sflag:s12] =	ssyncadd.s32 $0xFFFFC000  }
0x30: {  	[hbm4b:s15+s2] =	stream.linear.scatter [tilespmem:s9], [sflag:$0x2], $0x4000, $0x38;
	[tilespmem:$0x10800] =	vst v63  }
0x31: {  	_ =	swait.ge [sflag:s3], $0x4000  }
0x32: {  	[sflag:s3] =	ssyncset.done $0x0  }
0x33: {  	s15 =	simm.s32 $0x300;
	[sflag:s3] =	ssyncadd.s32 $0xFFFFC000  }
0x34: {  	[tilespmem:s9], [sflag:$0x1] =	stream.indirect.gather [hbm4b:s4+s5], $0x80, s15, s5, $0xb8;
	[tilespmem:$0x10800] =	vst v63  }
0x35: {  	_ =	swait.ge [sflag:s12], $0x4000  }
0x36: {  	[sflag:s12] =	ssyncset.done $0x0  }
0x37: {  	s16 =	rddreg [dreg:$0x7];
	[sflag:s12] =	ssyncadd.s32 $0xFFFFC000  }
0x38: {  	[hbm4b:s16+s2] =	stream.linear.scatter [tilespmem:s11], [sflag:$0x2], $0x4000, $0x38;
	[tilespmem:$0x10800] =	vst v63  }
0x39: {  	_ =	swait.ge [sflag:s3], $0x4000  }
0x3a: {  	[sflag:s3] =	ssyncset.done $0x0  }
0x3b: {  	s16 =	simm.s32 $0x380;
	[sflag:s3] =	ssyncadd.s32 $0xFFFFC000  }
0x3c: {  	[tilespmem:s11], [sflag:$0x1] =	stream.indirect.gather [hbm4b:s4+s5], $0x80, s16, s5, $0xb8;
	[tilespmem:$0x10800] =	vst v63  }
0x3d: {  	_ =	swait.ge [sflag:s12], $0x4000  }
0x3e: {  	[sflag:s12] =	ssyncset.done $0x0  }
0x3f: {  	s17 =	rddreg [dreg:$0x8];
	[sflag:s12] =	ssyncadd.s32 $0xFFFFC000  }
0x40: {  	[hbm4b:s17+s2] =	stream.linear.scatter [tilespmem:s6], [sflag:$0x2], $0x4000, $0x38;
	[tilespmem:$0x10800] =	vst v63  }
0x41: {  	_ =	swait.ge [sflag:s3], $0x4000  }
0x42: {  	[sflag:s3] =	ssyncset.done $0x0  }
0x43: {  	s17 =	simm.s32 $0x400;
	[sflag:s3] =	ssyncadd.s32 $0xFFFFC000  }
0x44: {  	[tilespmem:s6], [sflag:$0x1] =	stream.indirect.gather [hbm4b:s4+s5], $0x80, s17, s5, $0xb8;
	[tilespmem:$0x10800] =	vst v63  }
0x45: {  	_ =	swait.ge [sflag:s12], $0x4000  }
0x46: {  	[sflag:s12] =	ssyncset.done $0x0  }
0x47: {  	s18 =	rddreg [dreg:$0x9];
	[sflag:s12] =	ssyncadd.s32 $0xFFFFC000  }
0x48: {  	[hbm4b:s18+s2] =	stream.linear.scatter [tilespmem:s7], [sflag:$0x2], $0x4000, $0x38;
	[tilespmem:$0x10800] =	vst v63  }
0x49: {  	_ =	swait.ge [sflag:s3], $0x4000  }
0x4a: {  	[sflag:s3] =	ssyncset.done $0x0  }
0x4b: {  	s18 =	simm.s32 $0x480;
	[sflag:s3] =	ssyncadd.s32 $0xFFFFC000  }
0x4c: {  	[tilespmem:s7], [sflag:$0x1] =	stream.indirect.gather [hbm4b:s4+s5], $0x80, s18, s5, $0xb8;
	[tilespmem:$0x10800] =	vst v63  }
0x4d: {  	_ =	swait.ge [sflag:s12], $0x4000  }
0x4e: {  	[sflag:s12] =	ssyncset.done $0x0  }
0x4f: {  	s19 =	rddreg [dreg:$0xa];
	[sflag:s12] =	ssyncadd.s32 $0xFFFFC000  }
0x50: {  	[hbm4b:s19+s2] =	stream.linear.scatter [tilespmem:s9], [sflag:$0x2], $0x4000, $0x38;
	[tilespmem:$0x10800] =	vst v63  }
0x51: {  	_ =	swait.ge [sflag:s3], $0x4000  }
0x52: {  	[sflag:s3] =	ssyncset.done $0x0  }
0x53: {  	s19 =	simm.s32 $0x500;
	[sflag:s3] =	ssyncadd.s32 $0xFFFFC000  }
0x54: {  	[tilespmem:s9], [sflag:$0x1] =	stream.indirect.gather [hbm4b:s4+s5], $0x80, s19, s5, $0xb8;
	[tilespmem:$0x10800] =	vst v63  }
0x55: {  	_ =	swait.ge [sflag:s12], $0x4000  }
0x56: {  	[sflag:s12] =	ssyncset.done $0x0  }
0x57: {  	s20 =	rddreg [dreg:$0xb];
	[sflag:s12] =	ssyncadd.s32 $0xFFFFC000  }
0x58: {  	[hbm4b:s20+s2] =	stream.linear.scatter [tilespmem:s11], [sflag:$0x2], $0x4000, $0x38;
	[tilespmem:$0x10800] =	vst v63  }
0x59: {  	_ =	swait.ge [sflag:s3], $0x4000  }
0x5a: {  	[sflag:s3] =	ssyncset.done $0x0  }
0x5b: {  	s20 =	simm.s32 $0x580;
	[sflag:s3] =	ssyncadd.s32 $0xFFFFC000  }
0x5c: {  	[tilespmem:s11], [sflag:$0x1] =	stream.indirect.gather [hbm4b:s4+s5], $0x80, s20, s5, $0xb8;
	[tilespmem:$0x10800] =	vst v63  }
0x5d: {  	_ =	swait.ge [sflag:s12], $0x4000  }
0x5e: {  	[sflag:s12] =	ssyncset.done $0x0  }
0x5f: {  	s21 =	rddreg [dreg:$0xc];
	[sflag:s12] =	ssyncadd.s32 $0xFFFFC000  }
0x60: {  	[hbm4b:s21+s2] =	stream.linear.scatter [tilespmem:s6], [sflag:$0x2], $0x4000, $0x38;
	[tilespmem:$0x10800] =	vst v63  }
0x61: {  	_ =	swait.ge [sflag:s3], $0x4000  }
0x62: {  	[sflag:s3] =	ssyncset.done $0x0  }
0x63: {  	s21 =	simm.s32 $0x600;
	[sflag:s3] =	ssyncadd.s32 $0xFFFFC000  }
0x64: {  	[tilespmem:s6], [sflag:$0x1] =	stream.indirect.gather [hbm4b:s4+s5], $0x80, s21, s5, $0xb8;
	[tilespmem:$0x10800] =	vst v63  }
0x65: {  	_ =	swait.ge [sflag:s12], $0x4000  }
0x66: {  	[sflag:s12] =	ssyncset.done $0x0  }
0x67: {  	s22 =	rddreg [dreg:$0xd];
	[sflag:s12] =	ssyncadd.s32 $0xFFFFC000  }
0x68: {  	[hbm4b:s22+s2] =	stream.linear.scatter [tilespmem:s7], [sflag:$0x2], $0x4000, $0x38;
	[tilespmem:$0x10800] =	vst v63  }
0x69: {  	_ =	swait.ge [sflag:s3], $0x4000  }
0x6a: {  	[sflag:s3] =	ssyncset.done $0x0  }
0x6b: {  	s22 =	simm.s32 $0x680;
	[sflag:s3] =	ssyncadd.s32 $0xFFFFC000  }
0x6c: {  	[tilespmem:s7], [sflag:$0x1] =	stream.indirect.gather [hbm4b:s4+s5], $0x80, s22, s5, $0xb8;
	[tilespmem:$0x10800] =	vst v63  }
0x6d: {  	_ =	swait.ge [sflag:s12], $0x4000  }
0x6e: {  	[sflag:s12] =	ssyncset.done $0x0  }
0x6f: {  	s23 =	sadd.s32 $0x98000, s31;
	[sflag:s12] =	ssyncadd.s32 $0xFFFFC000  }
0x70: {  	[hbm4b:s23+s2] =	stream.linear.scatter [tilespmem:s9], [sflag:$0x2], $0x4000, $0x38;
	[tilespmem:$0x10800] =	vst v63  }
0x71: {  	_ =	swait.ge [sflag:s3], $0x4000  }
0x72: {  	[sflag:s3] =	ssyncset.done $0x0  }
0x73: {  	s24 =	simm.s32 $0x700;
	[sflag:s3] =	ssyncadd.s32 $0xFFFFC000  }
0x74: {  	[tilespmem:s9], [sflag:$0x1] =	stream.indirect.gather [hbm4b:s4+s5], $0x80, s24, s5, $0xb8;
	[tilespmem:$0x10800] =	vst v63  }
0x75: {  	_ =	swait.ge [sflag:s12], $0x4000  }
0x76: {  	[sflag:s12] =	ssyncset.done $0x0  }
0x77: {  	s25 =	sadd.s32 $0x98800, s31;
	[sflag:s12] =	ssyncadd.s32 $0xFFFFC000  }
0x78: {  	[hbm4b:s25+s2] =	stream.linear.scatter [tilespmem:s11], [sflag:$0x2], $0x4000, $0x38;
	[tilespmem:$0x10800] =	vst v63  }
0x79: {  	_ =	swait.ge [sflag:s3], $0x4000  }
0x7a: {  	[sflag:s3] =	ssyncset.done $0x0  }
0x7b: {  	s26 =	simm.s32 $0x780;
	[sflag:s3] =	ssyncadd.s32 $0xFFFFC000  }
0x7c: {  	[tilespmem:s11], [sflag:$0x1] =	stream.indirect.gather [hbm4b:s4+s5], $0x80, s26, s5, $0xb8;
	[tilespmem:$0x10800] =	vst v63  }
0x7d: {  	_ =	swait.ge [sflag:s12], $0x4000  }
0x7e: {  	[sflag:s12] =	ssyncset.done $0x0  }
0x7f: {  	s28 =	sadd.s32 $0x99000, s31;
	[sflag:s12] =	ssyncadd.s32 $0xFFFFC000  }
0x80: {  	[hbm4b:s28+s2] =	stream.linear.scatter [tilespmem:s6], [sflag:$0x2], $0x4000, $0x38;
	[tilespmem:$0x10800] =	vst v63  }
0x81: {  	_ =	swait.ge [sflag:s3], $0x4000  }
0x82: {  	[sflag:s3] =	ssyncset.done $0x0  }
0x83: {  	[sflag:s3] =	ssyncadd.s32 $0xFFFFC000  }
0x84: {  	_ =	swait.ge [sflag:s12], $0x4000  }
0x85: {  	[sflag:s12] =	ssyncset.done $0x0  }
0x86: {  	s29 =	sadd.s32 $0x99800, s31;
	[sflag:s12] =	ssyncadd.s32 $0xFFFFC000  }
0x87: {  	[hbm4b:s29+s2] =	stream.linear.scatter [tilespmem:s7], [sflag:$0x2], $0x4000, $0x38;
	[tilespmem:$0x10800] =	vst v63  }
0x88: {  	_ =	swait.ge [sflag:s3], $0x4000  }
0x89: {  	[sflag:s3] =	ssyncset.done $0x0  }
0x8a: {  	[sflag:s3] =	ssyncadd.s32 $0xFFFFC000  }
0x8b: {  	_ =	swait.ge [sflag:s12], $0x4000  }
0x8c: {  	s1 =	ssub.s32 $0x2, s1;
	[sflag:s12] =	ssyncset.done $0x0  }
0x8d: {  	s0 =	sshrl.u32 s1, $0x1;
	s30 =	sadd.s32 $0x9A000, s31;
	[sflag:s12] =	ssyncadd.s32 $0xFFFFC000  }
0x8e: {  	[hbm4b:s30+s2] =	stream.linear.scatter [tilespmem:s9], [sflag:$0x2], $0x4000, $0x38;
	[tilespmem:$0x10800] =	vst v63  }
0x8f: {  	s0 =	ssub.s32 s1, s0;
	_ =	swait.ge [sflag:s3], $0x4000  }
0x90: {  	s0 =	smax.u32 s0, $0x1;
	[sflag:s3] =	ssyncset.done $0x0  }
0x91: {  	p0 =	sne.s32 s0, $0x1;
	[sflag:s3] =	ssyncadd.s32 $0xFFFFC000  }
.Ltmp0:
0x92: {  	_ =	swait.ge [sflag:s12], $0x4000;
	(pc) =	sbr.rel @!p0 .LBB2_2-.Ltmp0, $4  }
0x93: {  	[sflag:s12] =	ssyncset.done $0x0  }
0x94: {  	s31 =	sadd.s32 $0x9A800, s31;
	[sflag:s12] =	ssyncadd.s32 $0xFFFFC000  }
0x95: {  	[hbm4b:s31+s2] =	stream.linear.scatter [tilespmem:s11], [sflag:$0x2], $0x4000, $0x38;
	[tilespmem:$0x10800] =	vst v63  }
0x96: {  	s1 =	sadd.s32 $0xFFFFFFFF, s0;
	_ =	swait.ge [sflag:s3], $0x4000  }
.LBB2_1:
0x97: {  	[sflag:s3] =	ssyncset.done $0x0  }
0x98: {  	s0 =	rddreg [dreg:$0x3];
	[sflag:s3] =	ssyncadd.s32 $0xFFFFC000  }
0x99: {  	[tilespmem:s2], [sflag:$0x2] =	stream.linear.gather [hbm4b:s0+s2], $0x800, $0x38;
	[tilespmem:$0x10800] =	vst v63  }
0x9a: {  	_ =	swait.ge [sflag:s3], $0x800  }
0x9b: {  	[sflag:s3] =	ssyncset.done $0x0  }
0x9c: {  	[sflag:s3] =	ssyncadd.s32 $0xFFFFF800  }
0x9d: {  	[tilespmem:s6], [sflag:$0x1] =	stream.indirect.gather [hbm4b:s4+s5], $0x80, s2, s5, $0xb8;
	[tilespmem:$0x10800] =	vst v63  }
0x9e: {  	_ = 	snop  }
0x9f: {  	[tilespmem:s7], [sflag:$0x1] =	stream.indirect.gather [hbm4b:s4+s5], $0x80, s5, s5, $0xb8;
	[tilespmem:$0x10800] =	vst v63  }
0xa0: {  	_ = 	snop  }
0xa1: {  	[tilespmem:s9], [sflag:$0x1] =	stream.indirect.gather [hbm4b:s4+s5], $0x80, s8, s5, $0xb8;
	[tilespmem:$0x10800] =	vst v63  }
0xa2: {  	_ = 	snop  }
0xa3: {  	[tilespmem:s11], [sflag:$0x1] =	stream.indirect.gather [hbm4b:s4+s5], $0x80, s10, s5, $0xb8;
	[tilespmem:$0x10800] =	vst v63  }
0xa4: {  	_ =	swait.ge [sflag:s12], $0x4000  }
0xa5: {  	[sflag:s12] =	ssyncset.done $0x0  }
0xa6: {  	s0 =	rddreg [dreg:$0x4];
	[sflag:s12] =	ssyncadd.s32 $0xFFFFC000  }
0xa7: {  	[hbm4b:s0+s2] =	stream.linear.scatter [tilespmem:s6], [sflag:$0x2], $0x4000, $0x38;
	[tilespmem:$0x10800] =	vst v63  }
0xa8: {  	_ =	swait.ge [sflag:s3], $0x4000  }
0xa9: {  	[sflag:s3] =	ssyncset.done $0x0  }
0xaa: {  	[sflag:s3] =	ssyncadd.s32 $0xFFFFC000  }
0xab: {  	[tilespmem:s6], [sflag:$0x1] =	stream.indirect.gather [hbm4b:s4+s5], $0x80, s13, s5, $0xb8;
	[tilespmem:$0x10800] =	vst v63  }
0xac: {  	_ =	swait.ge [sflag:s12], $0x4000  }
0xad: {  	[sflag:s12] =	ssyncset.done $0x0  }
0xae: {  	s0 =	rddreg [dreg:$0x5];
	[sflag:s12] =	ssyncadd.s32 $0xFFFFC000  }
0xaf: {  	[hbm4b:s0+s2] =	stream.linear.scatter [tilespmem:s7], [sflag:$0x2], $0x4000, $0x38;
	[tilespmem:$0x10800] =	vst v63  }
0xb0: {  	_ =	swait.ge [sflag:s3], $0x4000  }
0xb1: {  	[sflag:s3] =	ssyncset.done $0x0  }
0xb2: {  	[sflag:s3] =	ssyncadd.s32 $0xFFFFC000  }
0xb3: {  	[tilespmem:s7], [sflag:$0x1] =	stream.indirect.gather [hbm4b:s4+s5], $0x80, s14, s5, $0xb8;
	[tilespmem:$0x10800] =	vst v63  }
0xb4: {  	_ =	swait.ge [sflag:s12], $0x4000  }
0xb5: {  	[sflag:s12] =	ssyncset.done $0x0  }
0xb6: {  	s0 =	rddreg [dreg:$0x6];
	[sflag:s12] =	ssyncadd.s32 $0xFFFFC000  }
0xb7: {  	[hbm4b:s0+s2] =	stream.linear.scatter [tilespmem:s9], [sflag:$0x2], $0x4000, $0x38;
	[tilespmem:$0x10800] =	vst v63  }
0xb8: {  	_ =	swait.ge [sflag:s3], $0x4000  }
0xb9: {  	[sflag:s3] =	ssyncset.done $0x0  }
0xba: {  	[sflag:s3] =	ssyncadd.s32 $0xFFFFC000  }
0xbb: {  	[tilespmem:s9], [sflag:$0x1] =	stream.indirect.gather [hbm4b:s4+s5], $0x80, s15, s5, $0xb8;
	[tilespmem:$0x10800] =	vst v63  }
0xbc: {  	_ =	swait.ge [sflag:s12], $0x4000  }
0xbd: {  	[sflag:s12] =	ssyncset.done $0x0  }
0xbe: {  	s0 =	rddreg [dreg:$0x7];
	[sflag:s12] =	ssyncadd.s32 $0xFFFFC000  }
0xbf: {  	[hbm4b:s0+s2] =	stream.linear.scatter [tilespmem:s11], [sflag:$0x2], $0x4000, $0x38;
	[tilespmem:$0x10800] =	vst v63  }
0xc0: {  	_ =	swait.ge [sflag:s3], $0x4000  }
0xc1: {  	[sflag:s3] =	ssyncset.done $0x0  }
0xc2: {  	[sflag:s3] =	ssyncadd.s32 $0xFFFFC000  }
0xc3: {  	[tilespmem:s11], [sflag:$0x1] =	stream.indirect.gather [hbm4b:s4+s5], $0x80, s16, s5, $0xb8;
	[tilespmem:$0x10800] =	vst v63  }
0xc4: {  	_ =	swait.ge [sflag:s12], $0x4000  }
0xc5: {  	[sflag:s12] =	ssyncset.done $0x0  }
0xc6: {  	s0 =	rddreg [dreg:$0x8];
	[sflag:s12] =	ssyncadd.s32 $0xFFFFC000  }
0xc7: {  	[hbm4b:s0+s2] =	stream.linear.scatter [tilespmem:s6], [sflag:$0x2], $0x4000, $0x38;
	[tilespmem:$0x10800] =	vst v63  }
0xc8: {  	_ =	swait.ge [sflag:s3], $0x4000  }
0xc9: {  	[sflag:s3] =	ssyncset.done $0x0  }
0xca: {  	[sflag:s3] =	ssyncadd.s32 $0xFFFFC000  }
0xcb: {  	[tilespmem:s6], [sflag:$0x1] =	stream.indirect.gather [hbm4b:s4+s5], $0x80, s17, s5, $0xb8;
	[tilespmem:$0x10800] =	vst v63  }
0xcc: {  	_ =	swait.ge [sflag:s12], $0x4000  }
0xcd: {  	[sflag:s12] =	ssyncset.done $0x0  }
0xce: {  	s0 =	rddreg [dreg:$0x9];
	[sflag:s12] =	ssyncadd.s32 $0xFFFFC000  }
0xcf: {  	[hbm4b:s0+s2] =	stream.linear.scatter [tilespmem:s7], [sflag:$0x2], $0x4000, $0x38;
	[tilespmem:$0x10800] =	vst v63  }
0xd0: {  	_ =	swait.ge [sflag:s3], $0x4000  }
0xd1: {  	[sflag:s3] =	ssyncset.done $0x0  }
0xd2: {  	[sflag:s3] =	ssyncadd.s32 $0xFFFFC000  }
0xd3: {  	[tilespmem:s7], [sflag:$0x1] =	stream.indirect.gather [hbm4b:s4+s5], $0x80, s18, s5, $0xb8;
	[tilespmem:$0x10800] =	vst v63  }
0xd4: {  	_ =	swait.ge [sflag:s12], $0x4000  }
0xd5: {  	[sflag:s12] =	ssyncset.done $0x0  }
0xd6: {  	s0 =	rddreg [dreg:$0xa];
	[sflag:s12] =	ssyncadd.s32 $0xFFFFC000  }
0xd7: {  	[hbm4b:s0+s2] =	stream.linear.scatter [tilespmem:s9], [sflag:$0x2], $0x4000, $0x38;
	[tilespmem:$0x10800] =	vst v63  }
0xd8: {  	_ =	swait.ge [sflag:s3], $0x4000  }
0xd9: {  	[sflag:s3] =	ssyncset.done $0x0  }
0xda: {  	[sflag:s3] =	ssyncadd.s32 $0xFFFFC000  }
0xdb: {  	[tilespmem:s9], [sflag:$0x1] =	stream.indirect.gather [hbm4b:s4+s5], $0x80, s19, s5, $0xb8;
	[tilespmem:$0x10800] =	vst v63  }
0xdc: {  	_ =	swait.ge [sflag:s12], $0x4000  }
0xdd: {  	[sflag:s12] =	ssyncset.done $0x0  }
0xde: {  	s0 =	rddreg [dreg:$0xb];
	[sflag:s12] =	ssyncadd.s32 $0xFFFFC000  }
0xdf: {  	[hbm4b:s0+s2] =	stream.linear.scatter [tilespmem:s11], [sflag:$0x2], $0x4000, $0x38;
	[tilespmem:$0x10800] =	vst v63  }
0xe0: {  	_ =	swait.ge [sflag:s3], $0x4000  }
0xe1: {  	[sflag:s3] =	ssyncset.done $0x0  }
0xe2: {  	[sflag:s3] =	ssyncadd.s32 $0xFFFFC000  }
0xe3: {  	[tilespmem:s11], [sflag:$0x1] =	stream.indirect.gather [hbm4b:s4+s5], $0x80, s20, s5, $0xb8;
	[tilespmem:$0x10800] =	vst v63  }
0xe4: {  	_ =	swait.ge [sflag:s12], $0x4000  }
0xe5: {  	[sflag:s12] =	ssyncset.done $0x0  }
0xe6: {  	s0 =	rddreg [dreg:$0xc];
	[sflag:s12] =	ssyncadd.s32 $0xFFFFC000  }
0xe7: {  	[hbm4b:s0+s2] =	stream.linear.scatter [tilespmem:s6], [sflag:$0x2], $0x4000, $0x38;
	[tilespmem:$0x10800] =	vst v63  }
0xe8: {  	_ =	swait.ge [sflag:s3], $0x4000  }
0xe9: {  	[sflag:s3] =	ssyncset.done $0x0  }
0xea: {  	[sflag:s3] =	ssyncadd.s32 $0xFFFFC000  }
0xeb: {  	[tilespmem:s6], [sflag:$0x1] =	stream.indirect.gather [hbm4b:s4+s5], $0x80, s21, s5, $0xb8;
	[tilespmem:$0x10800] =	vst v63  }
0xec: {  	_ =	swait.ge [sflag:s12], $0x4000  }
0xed: {  	[sflag:s12] =	ssyncset.done $0x0  }
0xee: {  	s0 =	rddreg [dreg:$0xd];
	[sflag:s12] =	ssyncadd.s32 $0xFFFFC000  }
0xef: {  	[hbm4b:s0+s2] =	stream.linear.scatter [tilespmem:s7], [sflag:$0x2], $0x4000, $0x38;
	[tilespmem:$0x10800] =	vst v63  }
0xf0: {  	_ =	swait.ge [sflag:s3], $0x4000  }
0xf1: {  	[sflag:s3] =	ssyncset.done $0x0  }
0xf2: {  	[sflag:s3] =	ssyncadd.s32 $0xFFFFC000  }
0xf3: {  	[tilespmem:s7], [sflag:$0x1] =	stream.indirect.gather [hbm4b:s4+s5], $0x80, s22, s5, $0xb8;
	[tilespmem:$0x10800] =	vst v63  }
0xf4: {  	_ =	swait.ge [sflag:s12], $0x4000  }
0xf5: {  	[sflag:s12] =	ssyncset.done $0x0  }
0xf6: {  	[sflag:s12] =	ssyncadd.s32 $0xFFFFC000  }
0xf7: {  	[hbm4b:s23+s2] =	stream.linear.scatter [tilespmem:s9], [sflag:$0x2], $0x4000, $0x38;
	[tilespmem:$0x10800] =	vst v63  }
0xf8: {  	_ =	swait.ge [sflag:s3], $0x4000  }
0xf9: {  	[sflag:s3] =	ssyncset.done $0x0  }
0xfa: {  	[sflag:s3] =	ssyncadd.s32 $0xFFFFC000  }
0xfb: {  	[tilespmem:s9], [sflag:$0x1] =	stream.indirect.gather [hbm4b:s4+s5], $0x80, s24, s5, $0xb8;
	[tilespmem:$0x10800] =	vst v63  }
0xfc: {  	_ =	swait.ge [sflag:s12], $0x4000  }
0xfd: {  	[sflag:s12] =	ssyncset.done $0x0  }
0xfe: {  	[sflag:s12] =	ssyncadd.s32 $0xFFFFC000  }
0xff: {  	[hbm4b:s25+s2] =	stream.linear.scatter [tilespmem:s11], [sflag:$0x2], $0x4000, $0x38;
	[tilespmem:$0x10800] =	vst v63  }
0x100: {  	_ =	swait.ge [sflag:s3], $0x4000  }
0x101: {  	[sflag:s3] =	ssyncset.done $0x0  }
0x102: {  	[sflag:s3] =	ssyncadd.s32 $0xFFFFC000  }
0x103: {  	[tilespmem:s11], [sflag:$0x1] =	stream.indirect.gather [hbm4b:s4+s5], $0x80, s26, s5, $0xb8;
	[tilespmem:$0x10800] =	vst v63  }
0x104: {  	_ =	swait.ge [sflag:s12], $0x4000  }
0x105: {  	[sflag:s12] =	ssyncset.done $0x0  }
0x106: {  	[sflag:s12] =	ssyncadd.s32 $0xFFFFC000  }
0x107: {  	[hbm4b:s28+s2] =	stream.linear.scatter [tilespmem:s6], [sflag:$0x2], $0x4000, $0x38;
	[tilespmem:$0x10800] =	vst v63  }
0x108: {  	_ =	swait.ge [sflag:s3], $0x4000  }
0x109: {  	[sflag:s3] =	ssyncset.done $0x0  }
0x10a: {  	[sflag:s3] =	ssyncadd.s32 $0xFFFFC000  }
0x10b: {  	_ =	swait.ge [sflag:s12], $0x4000  }
0x10c: {  	[sflag:s12] =	ssyncset.done $0x0  }
0x10d: {  	[sflag:s12] =	ssyncadd.s32 $0xFFFFC000  }
0x10e: {  	[hbm4b:s29+s2] =	stream.linear.scatter [tilespmem:s7], [sflag:$0x2], $0x4000, $0x38;
	[tilespmem:$0x10800] =	vst v63  }
0x10f: {  	_ =	swait.ge [sflag:s3], $0x4000  }
0x110: {  	[sflag:s3] =	ssyncset.done $0x0  }
0x111: {  	[sflag:s3] =	ssyncadd.s32 $0xFFFFC000  }
0x112: {  	_ =	swait.ge [sflag:s12], $0x4000  }
0x113: {  	[sflag:s12] =	ssyncset.done $0x0  }
0x114: {  	[sflag:s12] =	ssyncadd.s32 $0xFFFFC000  }
0x115: {  	[hbm4b:s30+s2] =	stream.linear.scatter [tilespmem:s9], [sflag:$0x2], $0x4000, $0x38;
	[tilespmem:$0x10800] =	vst v63  }
0x116: {  	_ =	swait.ge [sflag:s3], $0x4000  }
0x117: {  	[sflag:s3] =	ssyncset.done $0x0  }
0x118: {  	p0 =	sne.s32 s1, $0x1;
	[sflag:s3] =	ssyncadd.s32 $0xFFFFC000  }
.Ltmp1:
0x119: {  	_ =	swait.ge [sflag:s12], $0x4000;
	(pc) =	sbr.rel @p0 .LBB2_1-.Ltmp1, $4  }
0x11a: {  	[sflag:s12] =	ssyncset.done $0x0  }
0x11b: {  	[sflag:s12] =	ssyncadd.s32 $0xFFFFC000  }
0x11c: {  	[hbm4b:s31+s2] =	stream.linear.scatter [tilespmem:s11], [sflag:$0x2], $0x4000, $0x38;
	[tilespmem:$0x10800] =	vst v63  }
0x11d: {  	s1 =	sadd.s32 $0xFFFFFFFF, s1;
	_ =	swait.ge [sflag:s3], $0x4000  }
.LBB2_2:
0x11e: {  	[sflag:s3] =	ssyncset.done $0x0  }
0x11f: {  	[sflag:s3] =	ssyncadd.s32 $0xFFFFC000  }
0x120: {  	_ =	sfence.sel $0x180000  }
0x121: {  	[bflag:$0x0] =	sbarrier.arrive $0xFFFF  }
0x122: {  	_ =	strace $0x90000050  }
0x123: {  	s0 =	stileid.u32;
	[bflag:$0x2] =	sbarrier.arrive $0xFFFF  }
0x124: {  	p0 =	sne.s32 s0, $0x0;
	s0 =	rddreg [dreg:$0x2]  }
0x125: {  	s0 =	sadd.s32 @!p0 $0x100000, s0  }
0x126: {  	[sflag:s0] =	ssyncadd.tile.s32 @!p0 $0x1;
	_ =	shalt  }
.Lfunc_end2:
_tile_overlayer_lowered:
.L_overlay_start_2:
0x127: {  	(tag) =	ssettag $0x2  }
0x128: {  	s0 =	rddreg [dreg:$0x0];
	s2 =	stileid.u32  }
0x129: {  	s1 =	rddreg [dreg:$0x1];
	p0 =	sne.s32 s2, $0x0  }
0x12a: {  	s3 =	rddreg [dreg:$0x2];
	[bflag:$0x3] =	sbarrier.arrive $0xFFFF;
	s2 =	simm.s32 @!p0 $0x1C02  }
0x12b: {  	[timem:s3], [sflag:s2] =	dma.local @!p0 [hbm:s0], s1  }
0x12c: {  	s0 =	simm.s32 @!p0 $0x2  }
0x12d: {  	_ =	swait.ge @!p0 [sflag:s0], s1  }
0x12e: {  	s1 =	ssub.s32 @!p0 $0x0, s1;
	[sflag:s0] =	ssyncset.done @!p0 $0x0  }
0x12f: {  	[sflag:s0] =	ssyncadd.s32 @!p0 s1  }
0x130: {  	[bflag:$0x3] =	sbarrier.arrive $0xFFFF  }
0x131: {  	_ =	shalt  }

// kernel: sparse-core-data-format-call.cloned.1.call-start
scs
called_computation_lowered:
.L_overlay_start_0:
0x0: {  	s1 =	sld [smem:$0x3FD9]  }
0x1: {  	s2 =	sld [smem:$0x3FFE];
	_ =	sdelay $0x1  }
0x2: {  	s3 =	srdreg.scid  }
0x3: {  	s0 =	sand.u32 $0x1, s3  }
0x4: {  	s17 =	sshll.u32 s0, $0xA;
	s1 =	sadd.s32 s2, s1  }
0x5: {  	s1 =	sadd.s32 s1, s17  }
0x6: {  	[smem:$0x3FC3] =	sst s1  }
0x7: {  	_ = 	snop  }
0x8: {  	(tm) =	ssettm $0x1  }
0x9: {  	s18 =	sld [smem:$0x3FFB];
	_ =	sdelay $0x3  }
0xa: {  	_ =	strace s18  }
0xb: {  	s1 =	sld [smem:$0x3FFC];
	_ =	sdelay $0x3  }
0xc: {  	_ =	strace s1  }
0xd: {  	s1 =	sld [smem:$0x3FFD];
	_ =	sdelay $0x3  }
0xe: {  	_ =	strace s1  }
0xf: {  	_ =	strace $0x8FFFFFFF  }
0x10: {  	s19 =	sld [smem:$0x3FDB];
	_ =	sdelay $0x1  }
0x11: {  	s20 =	simm.s32 $_scs_section_size  }
0x12: {  	s4 =	simm.s32 $_size__tile_overlayer_lowered;
	s5 =	simm.s32 $_tile_overlayer_lowered  }
0x13: {  	s23 =	simm.s32 $0x1BFF;
	s22 =	sshll.u32 s5, $0x1;
	s1 =	sadd.s32 s20, s19  }
0x14: {  	s6 =	simm.s32 $0x0;
	s21 =	sshll.u32 s4, $0x1;
	s4 =	sadd.s32 s22, s1  }
0x15: {  	[timem:s6], [sflag:s23] =	dma.local [hbm:s4], s21  }
0x16: {  	_ =	swait.ge [sflag:s23], s21  }
0x17: {  	s2 =	ssub.s32 $0x0, s21;
	[sflag:s23] =	ssyncset.done $0x0  }
0x18: {  	[sflag:s23] =	ssyncadd.s32 s2;
	_ =	sdelay $0x1  }
0x19: {  	s24 =	simm.s32 $0x1B8B  }
0x1a: {  	_ =	swait.ge [sflag:s24], $0x1  }
0x1b: {  	[sflag:s24] =	ssyncset.done $0x0  }
0x1c: {  	s26 =	simm.s32 $0x1B8E;
	s25 =	sld [smem:$0x3FFE];
	[sflag:s24] =	ssyncadd.s32 $0xFFFFFFFF  }
0x1d: {  	s27 =	simm.s32 $execute0_lowered;
	[smem:$0x3FD2] =	sst s26  }
0x1e: {  	s4 =	sshll.u32 s27, $0x1;
	_ =	strace $0x80000049;
	[dreg:$0x1] =	wrdreg $0xFFFFFFFF  }
0x1f: {  	s28 =	simm.s32 $_size_execute0_lowered;
	s1 =	sadd.s32 s1, s4;
	[dreg:$0x0] =	wrdreg $0x0  }
0x20: {  	s4 =	sshll.u32 s28, $0x1;
	[dreg:$0x2] =	wrdreg s1  }
0x21: {  	[dreg:$0x3] =	wrdreg s4  }
0x22: {  	[dreg:$0x4] =	wrdreg $0xC0  }
0x23: {  	_ =	task [dreg:s6], $0x5FFFF  }
0x24: {  	[dreg:$0x1] =	wrdreg $0xFFFFFFFF  }
0x25: {  	[dreg:$0x0] =	wrdreg $0x60  }
0x26: {  	[dreg:$0x2] =	wrdreg s25  }
0x27: {  	[dreg:$0x3] =	wrdreg $0x9  }
0x28: {  	_ =	task.clear_ibuf [dreg:s6], $0x4FFFF;
	_ =	strace $0x90000049  }
0x29: {  	s29 =	simm.s32 $0x9;
	_ =	strace $0x8000004B  }
0x2a: {  	_ =	swait.ge [sflag:s29], $0x1  }
0x2b: {  	[sflag:s29] =	ssyncadd.s32 $0xFFFFFFFF  }
0x2c: {  	_ =	strace $0x9000004B  }
0x2d: {  	_ =	sfence  }
0x2e: {  	s30 =	sld [smem:$0x0];
	_ =	sdelay $0x2  }
0x2f: {  	s31 =	sshll.u32 s3, $0xD;
	s3 =	sshrl.u32 s3, $0x2  }
0x30: {  	s2 =	sand.u32 $0x4000, s31;
	s1 =	sadd.s32 s3, s30  }
0x31: {  	s0 =	sor.u32 s2, s0;
	s1 =	sshll.u32 s1, $0x11  }
0x32: {  	s0 =	sor.u32 s1, s0  }
0x33: {  	s0 =	sadd.s32 $0x8F2B, s0  }
0x34: {  	[sflag:s0] =	ssyncadd.remote.s32 $0x1  }
0x35: {  	_ =	sfence.sel $0xFFFF  }
0x36: {  	[dreg:$0x0] =	wrdreg $0xFFFFFFFF;
	(pc) =	sbr.abs _section_cstart, $3  }
0x37: {  	[dreg:$0x1] =	wrdreg $0xFFFFFFFF  }
0x38: {  	_ =	task.clear_ibuf [dreg:s6], $0x2FFFF;
	_ =	strace $0x9FFFFFFF  }
0x39: {  	(tm) =	ssettm $0x7FFFFFFF  }
tec
execute0_lowered:
.L_overlay_start_1:
0x0: {  	(tag) =	ssettag $0x1  }
0x1: {  	s1 =	rddreg [dreg:$0x0]  }
0x2: {  	s0 =	rddreg [dreg:$0x1]  }
0x3: {  	_ =	strace $0x8000004A;
	s4 =	srdreg.scid;
	s6 =	simm.s32 $0x2  }
0x4: {  	s11 =	simm.s32 $0x0;
	p0 =	por $0x0, $0x0;
	s7 =	simm.s32 $0x4000  }
.Ltmp0:
0x5: {  	s12 =	simm.s32 $0x0;
	s9 =	simm.s32 $0x0;
	(pc) =	sbr.rel .LBB1_1-.Ltmp0, $4  }
0x6: {  	s2 =	sadd.s32 $0x93000, s1;
	s3 =	sadd.s32 $0x8A3000, s1;
	s5 =	sshll.u32 s4, $0x4  }
0x7: {  	s1 =	stileid.u32;
	s4 =	simm.s32 $0x1;
	s5 =	sand.u32 $0x10, s5  }
0x8: {  	s8 =	simm.s32 $0x0;
	[sflag:s4] =	ssyncpa.u1 $0x0;
	s5 =	sor.u32 s1, s5  }
0x9: {  	[sflag:s6] =	ssyncpa.u1 $0x0;
	s6 =	simm.s32 $0x800;
	s10 =	smov.u32 s5  }
.LBB1_7:
0xa: {  	s13 =	sadd.s32 $0x10, s9  }
0xb: {  	s11 =	sadd.s32 $0x20, s10;
	s15 =	smov.u32 s10;
	p2 =	sgt.s32 s13, $0x7F  }
0xc: {  	p1 =	slt.u32 s8, $0x2;
	s15 =	smov.u32 @p2 s11  }
0xd: {  	s8 =	sadd.s32 $0x1, s8;
	s13 =	simm.s32 @p2 $0x0;
	p2 =	sgt.s32 s15, $0x1FF  }
0xe: {  	s15 =	smov.u32 @p2 s5;
	p2 =	sne.s32 s8, $0x82  }
.Ltmp1:
0xf: {  	_ = 	snop;
	(pc) =	sbr.rel @!p2 .LBB1_8-.Ltmp1, $4  }
0x10: {  	s14 =	simm.s32 @!p1 $0x2  }
0x11: {  	s12 =	smov.u32 s10;
	_ =	swait.ge @!p1 [sflag:s14], $0x4000  }
0x12: {  	p0 =	por !p0, !p0;
	s11 =	smov.u32 s9;
	[sflag:s14] =	ssyncset.done @!p1 $0x0  }
0x13: {  	s9 =	smov.u32 s13;
	[sflag:s14] =	ssyncadd.s32 @!p1 $0xFFFFC000;
	s10 =	smov.u32 s15  }
.LBB1_1:
0x14: {  	p1 =	sgt.u32 s8, $0x7F  }
0x15: {  	s13 =	sxor.u32 @!p1 $0xFFFFFFFF, s8;
	s14 =	sshll.u32 @!p1 s10, $0xE  }
0x16: {  	s15 =	sshll.u32 @!p1 s9, $0x7;
	s13 =	sshll.u32 @!p1 s13, $0xE;
	s14 =	sadd.s32 @!p1 s2, s14  }
0x17: {  	s13 =	sand.u32 @!p1 $0x4000, s13;
	s14 =	sadd.s32 @!p1 s15, s14;
	s15 =	simm.s32 @!p1 $0x0  }
0x18: {  	[tilespmem:s13], [sflag:$0x1] =	stream.linear.gather @!p1 [hbm4b:s14+s15], $0x4000, $0x38;
	[tilespmem:$0x10000] =	vst v63  }
0x19: {  	p1 =	seq.s32 s8, $0x0  }
0x1a: {  	p2 =	seq.s32 @!p1 s8, $0x81  }
0x1b: {  	p1 =	por p1, p2  }
.Ltmp2:
0x1c: {  	_ = 	snop;
	(pc) =	sbr.rel @p1 .LBB1_7-.Ltmp2, $1  }
0x1d: {  	_ =	sdelay $0x3  }
0x1e: {  	s13 =	simm.s32 $0x1;
	_ =	swait.ge [sflag:s4], $0x4000;
	s16 =	sshll.u32 s8, $0xE  }
0x1f: {  	s13 =	simm.s32 @!p0 $0x0;
	[sflag:s4] =	ssyncset.done $0x0;
	s31 =	sand.u32 $0x4000, s16  }
0x20: {  	s16 =	simm.s32 $0x0;
	s14 =	sshll.u32 s13, $0xE;
	[sflag:s4] =	ssyncadd.s32 $0xFFFFC000  }
0x21: {  	s13 =	sor.u32 $0x8040, s14;
	s15 =	sor.u32 $0x40, s14;
	s14 =	sor.u32 $0x8000, s31  }
.LBB1_3:
0x22: {  	v0 =	vmov s15;
	_ =	sdelay $0x3  }
0x23: {  	s18 =	simm.s32 $0x0  }
0x24: {  	v6 =	vld.idx.msk [tilespmem:v0+s18+$0x30 ss:$0x1], $0xffff  }
0x25: {  	v7 =	vld.idx.msk [tilespmem:v0+s18+$0xFFFFFFC0 ss:$0x1], $0xffff  }
0x26: {  	v5 =	vld.idx.msk [tilespmem:v0+s18+$0xFFFFFFD0 ss:$0x1], $0xffff  }
0x27: {  	v4 =	vld.idx.msk [tilespmem:v0+s18+$0xFFFFFFE0 ss:$0x1], $0xffff  }
0x28: {  	v3 =	vld.idx.msk [tilespmem:v0+s18+$0xFFFFFFF0 ss:$0x1], $0xffff  }
0x29: {  	v1 =	vld.idx.msk [tilespmem:v0+s18+$0x0 ss:$0x1], $0xffff  }
0x2a: {  	v2 =	vld.idx.msk [tilespmem:v0+s18+$0x10 ss:$0x1], $0xffff;
	[tilespmem:s13+$0x30] =	vst v6  }
0x2b: {  	s17 =	simm.s32 $0x80;
	s19 =	simm.s32 $0x400;
	[tilespmem:s13+$0xFFFFFFC0] =	vst v7;
	v6 =	vld.idx.msk [tilespmem:v0+s18+$0x20 ss:$0x1], $0xffff;
	s18 =	smov.u32 s13  }
.LBB1_4:
0x2c: {  	p1 =	sne.s32 s19, $0xE00;
	v7 =	vld.idx.msk [tilespmem:v0+s17+$0x30 ss:$0x1], $0xffff;
	[tilespmem:s18+$0xFFFFFFD0] =	vst v5  }
0x2d: {  	v8 =	vld.idx.msk [tilespmem:v0+s17+$0xFFFFFFC0 ss:$0x1], $0xffff;
	[tilespmem:s18+$0xFFFFFFE0] =	vst v4  }
0x2e: {  	v5 =	vld.idx.msk [tilespmem:v0+s17+$0xFFFFFFD0 ss:$0x1], $0xffff;
	[tilespmem:s18+$0xFFFFFFF0] =	vst v3  }
.Ltmp3:
0x2f: {  	v4 =	vld.idx.msk [tilespmem:v0+s17+$0xFFFFFFE0 ss:$0x1], $0xffff;
	[tilespmem:s18+$0x0] =	vst v1;
	(pc) =	sbr.rel @p1 .LBB1_4-.Ltmp3, $4  }
0x30: {  	v3 =	vld.idx.msk [tilespmem:v0+s17+$0xFFFFFFF0 ss:$0x1], $0xffff;
	[tilespmem:s18+$0x10] =	vst v2  }
0x31: {  	v1 =	vld.idx.msk [tilespmem:v0+s17+$0x0 ss:$0x1], $0xffff;
	[tilespmem:s18+$0x20] =	vst v6;
	s18 =	sadd.s32 $0x800, s18  }
0x32: {  	v2 =	vld.idx.msk [tilespmem:v0+s17+$0x10 ss:$0x1], $0xffff;
	[tilespmem:s18+$0x30] =	vst v7  }
0x33: {  	[tilespmem:s18+$0xFFFFFFC0] =	vst v8;
	v6 =	vld.idx.msk [tilespmem:v0+s17+$0x20 ss:$0x1], $0xffff;
	s17 =	sshra.s32 s19, $0x2;
	s19 =	sadd.s32 $0x200, s19  }
0x34: {  	_ =	sdelay $0x2  }
0x35: {  	[tilespmem:s18+$0xFFFFFFD0] =	vst v5  }
0x36: {  	v56 =	vld.idx.msk [tilespmem:v0+s17+$0x30 ss:$0x1], $0xffff;
	[tilespmem:s18+$0xFFFFFFE0] =	vst v4  }
0x37: {  	v57 =	vld.idx.msk [tilespmem:v0+s17+$0xFFFFFFC0 ss:$0x1], $0xffff;
	[tilespmem:s18+$0xFFFFFFF0] =	vst v3  }
0x38: {  	v58 =	vld.idx.msk [tilespmem:v0+s17+$0xFFFFFFD0 ss:$0x1], $0xffff;
	[tilespmem:s18+$0x0] =	vst v1  }
0x39: {  	v59 =	vld.idx.msk [tilespmem:v0+s17+$0xFFFFFFE0 ss:$0x1], $0xffff;
	[tilespmem:s18+$0x10] =	vst v2  }
0x3a: {  	v60 =	vld.idx.msk [tilespmem:v0+s17+$0xFFFFFFF0 ss:$0x1], $0xffff;
	s31 =	sadd.s32 $0x800, s18;
	[tilespmem:s18+$0x20] =	vst v6  }
0x3b: {  	v61 =	vld.idx.msk [tilespmem:v0+s17+$0x0 ss:$0x1], $0xffff;
	[tilespmem:s31+$0x30] =	vst v56  }
0x3c: {  	v62 =	vld.idx.msk [tilespmem:v0+s17+$0x10 ss:$0x1], $0xffff;
	s16 =	sadd.s32 $0x1, s16;
	[tilespmem:s31+$0xFFFFFFC0] =	vst v57  }
0x3d: {  	v63 =	vld.idx.msk [tilespmem:v0+s17+$0x20 ss:$0x1], $0xffff;
	p1 =	sne.s32 s16, $0x10;
	[tilespmem:s31+$0xFFFFFFD0] =	vst v58  }
.Ltmp4:
0x3e: {  	[tilespmem:s31+$0xFFFFFFE0] =	vst v59;
	(pc) =	sbr.rel @p1 .LBB1_3-.Ltmp4, $4  }
0x3f: {  	[tilespmem:s31+$0xFFFFFFF0] =	vst v60  }
0x40: {  	[tilespmem:s31+$0x0] =	vst v61  }
0x41: {  	[tilespmem:s31+$0x10] =	vst v62  }
0x42: {  	s13 =	sadd.s32 $0x80, s13;
	s15 =	sadd.s32 $0x400, s15;
	[tilespmem:s31+$0x20] =	vst v63  }
.Ltmp5:
0x43: {  	(pc) =	sbr.rel .LBB1_7-.Ltmp5, $4  }
0x44: {  	s12 =	sshll.u32 s12, $0xE;
	s11 =	sshll.u32 s11, $0x4  }
0x45: {  	s11 =	sand.u32 $0x7F0, s11;
	s12 =	sadd.s32 s3, s12  }
0x46: {  	s11 =	sadd.s32 s11, s12  }
0x47: {  	[hbm4b:s11+s6] =	stream.strided.scatter [tilespmem:s14], [sflag:$0x2], $0x4000, s7, s6, $0x38;
	[tilespmem:$0x10000] =	vst v63  }
.LBB1_8:
0x48: {  	_ =	sfence.sel $0x180000  }
0x49: {  	s2 =	simm.s32 $0x1;
	[bflag:$0x0] =	sbarrier.arrive $0xFFFF  }
0x4a: {  	s31 =	simm.s32 $0x2;
	[sflag:s2] =	ssyncpa.u1 $0x1  }
0x4b: {  	[sflag:s31] =	ssyncpa.u1 $0x1  }
0x4c: {  	p0 =	sne.s32 s1, $0x0;
	_ =	strace $0x9000004A  }
0x4d: {  	s0 =	sadd.s32 @!p0 $0x100000, s0;
	[bflag:$0x2] =	sbarrier.arrive $0xFFFF  }
0x4e: {  	[sflag:s0] =	ssyncadd.tile.s32 @!p0 $0x1;
	_ =	shalt  }
.Lfunc_end1:
_tile_overlayer_lowered:
.L_overlay_start_2:
0x4f: {  	(tag) =	ssettag $0x2  }
0x50: {  	s0 =	rddreg [dreg:$0x0];
	s2 =	stileid.u32  }
0x51: {  	s1 =	rddreg [dreg:$0x1];
	p0 =	sne.s32 s2, $0x0  }
0x52: {  	s3 =	rddreg [dreg:$0x2];
	[bflag:$0x3] =	sbarrier.arrive $0xFFFF;
	s2 =	simm.s32 @!p0 $0x1C01  }
0x53: {  	[timem:s3], [sflag:s2] =	dma.local @!p0 [hbm:s0], s1  }
0x54: {  	s0 =	simm.s32 @!p0 $0x1  }
0x55: {  	_ =	swait.ge @!p0 [sflag:s0], s1  }
0x56: {  	s1 =	ssub.s32 @!p0 $0x0, s1;
	[sflag:s0] =	ssyncset.done @!p0 $0x0  }
0x57: {  	[sflag:s0] =	ssyncadd.s32 @!p0 s1  }
0x58: {  	[bflag:$0x3] =	sbarrier.arrive $0xFFFF  }
0x59: {  	_ =	shalt  }

</sc_bundles>
